<compile_context>
chip_gen: v7x
topology: tpu7x:2x2x1
jax: 0.10.2.dev20260603
libtpu: 0.0.44.dev20260713+nightly
codegen_flags: <defaults>
</compile_context>

<pallas_src>
import functools

import jax
import jax.numpy as jnp
import numpy as np
from jax import lax
from jax.experimental import pallas as pl
from jax.experimental.pallas import tpu as pltpu
from jax.experimental.pallas import tpu_sc as plsc

N = 10000
E = 320000
D = 128
L = 3
K = 32

NC = 2
NS = 16
NW = NC * NS

CH = 128
CPW = 8 * -(-E // (CH * NW * 8))
E_PAD = CPW * CH * NW
N_PAD = 10112
RPS = N_PAD // NS

BR = 512
GRID = -(-N // BR)

_SC_MESH = dict(
    mesh=plsc.VectorSubcoreMesh(core_axis_name="c", subcore_axis_name="s"),
)

@functools.partial(
    pl.kernel,
    out_type=jax.ShapeDtypeStruct((NC * N_PAD, D), jnp.float32),
    scratch_types=[
        pltpu.VMEM((CPW, CH), jnp.int32),
        pltpu.VMEM((CH, D), jnp.float32),
        pltpu.VMEM_SHARED((N_PAD, D), jnp.float32),
    ],
    **_SC_MESH,
)
def _sc_deg(dst_hbm, zeros_hbm, ones_hbm, out_hbm, dst_v, ones_v, acc_sh):
    c = lax.axis_index("c")
    s = lax.axis_index("s")
    wid = c * NS + s
    r0 = s * RPS
    pltpu.sync_copy(zeros_hbm.at[pl.ds(r0, RPS)], acc_sh.at[pl.ds(r0, RPS)])
    pltpu.sync_copy(dst_hbm.at[pl.ds(wid * CPW, CPW)], dst_v)
    pltpu.sync_copy(ones_hbm, ones_v)
    plsc.subcore_barrier()

    def body(j, carry):
        pltpu.sync_copy(ones_v, acc_sh.at[dst_v.at[j]], add=True)
        return carry

    lax.fori_loop(0, CPW, body, 0)
    plsc.subcore_barrier()
    pltpu.sync_copy(acc_sh.at[pl.ds(r0, RPS)],
                    out_hbm.at[pl.ds(c * N_PAD + r0, RPS)])


@functools.partial(
    pl.kernel,
    out_type=jax.ShapeDtypeStruct((NC * N_PAD, D), jnp.float32),
    scratch_types=[
        pltpu.VMEM((CPW // 2, CH), jnp.int32),
        pltpu.VMEM((CPW // 2, CH), jnp.int32),
        pltpu.VMEM((CH, D), jnp.float32),
        pltpu.VMEM((CH, D), jnp.float32),
        pltpu.VMEM_SHARED((N_PAD, D), jnp.float32),
        pltpu.SemaphoreType.DMA,
        pltpu.SemaphoreType.DMA,
        pltpu.SemaphoreType.DMA,
        pltpu.SemaphoreType.DMA,
    ],
    **_SC_MESH,
)
def _sc_spmm(hp_hbm, src_hbm, dst_hbm, zeros_hbm, out_hbm,
             src_v, dst_v, rows0, rows1, acc_sh, gs0, gs1, ss0, ss1):
    c = lax.axis_index("c")
    s = lax.axis_index("s")
    wid = c * NS + s
    r0 = s * RPS
    HP = CPW // 2
    pltpu.sync_copy(zeros_hbm.at[pl.ds(r0, RPS)], acc_sh.at[pl.ds(r0, RPS)])
    plsc.subcore_barrier()

    bufs = (rows0, rows1)
    gsems = (gs0, gs1)
    ssems = (ss0, ss1)

    for p in range(2):
        pltpu.sync_copy(src_hbm.at[pl.ds(wid * CPW + p * HP, HP)], src_v)
        pltpu.sync_copy(dst_hbm.at[pl.ds(wid * CPW + p * HP, HP)], dst_v)
        pltpu.async_copy(hp_hbm.at[src_v.at[0]], rows0, gs0)
        pltpu.async_copy(hp_hbm.at[src_v.at[1]], rows1, gs1)

        def body(jj, carry):
            for b in range(2):
                j = jj * 2 + b
                pltpu.make_async_copy(hp_hbm.at[src_v.at[j]], bufs[b],
                                      gsems[b]).wait()
                pltpu.async_copy(bufs[b], acc_sh.at[dst_v.at[j]], ssems[b],
                                 add=True)
                nxt = j + 2

                @pl.when(nxt < HP)
                def _():
                    pltpu.make_async_copy(bufs[b], acc_sh.at[dst_v.at[j]],
                                          ssems[b]).wait()
                    pltpu.async_copy(hp_hbm.at[src_v.at[nxt]], bufs[b],
                                     gsems[b])

            return carry

        lax.fori_loop(0, HP // 2, body, 0)
        for b in range(2):
            pltpu.make_async_copy(bufs[b], acc_sh.at[dst_v.at[HP - 2 + b]],
                                  ssems[b]).wait()
    plsc.subcore_barrier()
    pltpu.sync_copy(acc_sh.at[pl.ds(r0, RPS)],
                    out_hbm.at[pl.ds(c * N_PAD + r0, RPS)])



def _dotT(x, w):
    return lax.dot_general(x, w, (((1,), (1,)), ((), ())),
                           preferred_element_type=jnp.float32)


_BITS = [int(np.uint32(1 << b).astype(np.int64)) - (1 << 32 if b == 31 else 0)
         for b in range(32)]


def _maxk(y):
    i = lax.bitcast_convert_type(y, jnp.int32)
    ikey = jnp.where(i < 0, i ^ jnp.int32(0x7FFFFFFF), i)
    minint = jnp.int32(-(1 << 31))
    tu = jnp.zeros(y.shape[:-1] + (1,), jnp.int32)
    for b in range(31, -1, -1):
        cand = tu | jnp.int32(_BITS[b])
        cnt = jnp.sum(jnp.where(ikey >= (cand ^ minint), 1.0, 0.0),
                      axis=-1, keepdims=True)
        tu = jnp.where(cnt >= float(K), cand, tu)
    thr = tu ^ minint
    return jnp.where(ikey >= thr, y, jnp.zeros_like(y))


def _scale_from_deg(d0, d1):
    deg = jnp.maximum(d0[:, :1] + d1[:, :1], 1.0)
    return lax.rsqrt(deg)


def _tc_in_body(x_ref, win_ref, bin_ref, w0_ref, b0_ref, d0_ref, d1_ref, o_ref):
    h = jnp.maximum(_dotT(x_ref[...], win_ref[...]) + bin_ref[...], 0.0)
    y = _dotT(h, w0_ref[...]) + b0_ref[...]
    o_ref[...] = _maxk(y) * _scale_from_deg(d0_ref[...], d1_ref[...])


def _tc_mid_body(s0_ref, s1_ref, d0_ref, d1_ref, cw_ref, cb_ref,
                 lw_ref, lb_ref, o_ref):
    a = _scale_from_deg(d0_ref[...], d1_ref[...])
    h = _dotT((s0_ref[...] + s1_ref[...]) * a, cw_ref[...]) + cb_ref[...]
    y = _dotT(h, lw_ref[...]) + lb_ref[...]
    o_ref[...] = _maxk(y) * a


def _tc_out_body(s0_ref, s1_ref, d0_ref, d1_ref, cw_ref, cb_ref,
                 wo_ref, bo_ref, o_ref):
    a = _scale_from_deg(d0_ref[...], d1_ref[...])
    h = _dotT((s0_ref[...] + s1_ref[...]) * a, cw_ref[...]) + cb_ref[...]
    o_ref[...] = _dotT(h, wo_ref[...]) + bo_ref[...]


def _row_spec(cols):
    return pl.BlockSpec((BR, cols), lambda i: (i, 0))


def _full_spec(rows, cols):
    return pl.BlockSpec((rows, cols), lambda i: (0, 0))


def _tc_call(body, in_specs, out_rows):
    return pl.pallas_call(
        body,
        grid=(GRID,),
        in_specs=in_specs,
        out_specs=_row_spec(D),
        out_shape=jax.ShapeDtypeStruct((out_rows, D), jnp.float32),
    )



def kernel(x, edge_index, W_in, b_in, lin_W, lin_b, conv_W, conv_b,
           W_out, b_out):
    src = edge_index[0].astype(jnp.int32)
    dst = edge_index[1].astype(jnp.int32)
    pad = E_PAD - E
    src_p = jnp.concatenate([src, jnp.zeros((pad,), jnp.int32)])
    dst_p = jnp.concatenate([dst, jnp.full((pad,), N_PAD - 1, jnp.int32)])
    src2d = src_p.reshape(NW * CPW, CH)
    dst2d = dst_p.reshape(NW * CPW, CH)

    onesD = jnp.ones((CH, D), jnp.float32)
    zerosD = jnp.zeros((N_PAD, D), jnp.float32)

    degp = _sc_deg(dst2d, zerosD, onesD)
    d0 = degp[:N_PAD]
    d1 = degp[N_PAD:]

    deg_specs = [_row_spec(D), _row_spec(D)]
    w_spec = _full_spec(D, D)
    b_spec = _full_spec(1, D)

    hp = _tc_call(
        _tc_in_body,
        [_row_spec(D), w_spec, b_spec, w_spec, b_spec] + deg_specs,
        N,
    )(x, W_in, b_in.reshape(1, D), lin_W[0], lin_b[0].reshape(1, D), d0, d1)

    for i in range(L):
        sp = _sc_spmm(hp, src2d, dst2d, zerosD)
        s0 = sp[:N_PAD]
        s1 = sp[N_PAD:]
        if i < L - 1:
            hp = _tc_call(
                _tc_mid_body,
                [_row_spec(D), _row_spec(D)] + deg_specs
                + [w_spec, b_spec, w_spec, b_spec],
                N,
            )(s0, s1, d0, d1, conv_W[i], conv_b[i].reshape(1, D),
              lin_W[i + 1], lin_b[i + 1].reshape(1, D))
        else:
            out = _tc_call(
                _tc_out_body,
                [_row_spec(D), _row_spec(D)] + deg_specs
                + [w_spec, b_spec, w_spec, b_spec],
                N,
            )(s0, s1, d0, d1, conv_W[i], conv_b[i].reshape(1, D),
              W_out, b_out.reshape(1, D))
    return out

# --- scband reference (transcript-rebuilt; emitter-appended) ---
"""Pipeline reference for scband-max-kgcn-11768210391438 (READ-ONLY COPY).

The authoritative reference and input builder live on the scoring server;
editing this copy changes nothing except your own understanding.
"""

import jax, jax.numpy as jnp
import numpy as np

N = 10000
E = 320000
D = 128
OUT = 128
L = 3
K = 32


def maxk(x, k):
    # keep top-k entries per row, zero the rest (MaxK nonlinearity)
    thresh = jax.lax.top_k(x, k)[0][:, -1:]
    return jnp.where(x >= thresh, x, jnp.zeros_like(x))


def setup_inputs(seed: int = 0) -> dict:
    key = jax.random.key(seed)
    ks = jax.random.split(key, 16)
    x = jax.random.normal(ks[0], (N, D), dtype=jnp.float32)
    edge_index = jax.random.randint(ks[1], (2, E), 0, N, dtype=jnp.int32)
    s = 1.0 / np.sqrt(D)
    W_in = jax.random.normal(ks[2], (D, D), dtype=jnp.float32) * s
    b_in = jnp.zeros((D,), dtype=jnp.float32)
    lin_W = jax.random.normal(ks[3], (L, D, D), dtype=jnp.float32) * s
    lin_b = jnp.zeros((L, D), dtype=jnp.float32)
    conv_W = jax.random.normal(ks[4], (L, D, D), dtype=jnp.float32) * s
    conv_b = jnp.zeros((L, D), dtype=jnp.float32)
    W_out = jax.random.normal(ks[5], (OUT, D), dtype=jnp.float32) * s
    b_out = jnp.zeros((OUT,), dtype=jnp.float32)
    return {"x": x, "edge_index": edge_index, "W_in": W_in, "b_in": b_in,
            "lin_W": lin_W, "lin_b": lin_b, "conv_W": conv_W, "conv_b": conv_b,
            "W_out": W_out, "b_out": b_out}


def reference(x, edge_index, W_in, b_in, lin_W, lin_b, conv_W, conv_b, W_out, b_out):
    src = edge_index[0]
    dst = edge_index[1]
    deg = jax.ops.segment_sum(jnp.ones((E,), dtype=jnp.float32), dst, num_segments=N)
    deg = jnp.clip(deg, 1.0, None)
    inv_sqrt_deg = 1.0 / jnp.sqrt(deg)
    norm = inv_sqrt_deg[src] * inv_sqrt_deg[dst]
    # lin_in + relu
    h = jax.nn.relu(x @ W_in.T + b_in)
    for i in range(L):
        # per-layer linear (nonlinear == 'maxk' -> no relu here; dropout p=0 -> identity)
        h = h @ lin_W[i].T + lin_b[i]
        # MaxKGCNConv: MaxK nonlinearity, GCN-normalized SpMM aggregation, then linear
        h = maxk(h, K)
        msg = h[src] * norm[:, None]
        h = jax.ops.segment_sum(msg, dst, num_segments=N)
        h = h @ conv_W[i].T + conv_b[i]
    return h @ W_out.T + b_out

if __name__ == "__main__":
    import jax
    _d = setup_inputs()
    print(jax.jit(kernel)(*tuple(_d.values())))

</pallas_src>

<mosaic_0001>
#map = affine_map<(d0, d1) -> (0, 0)>
module attributes {stable_mosaic.version = 14 : i64} {
  func.func @_sc_spmm(%arg0: i32, %arg1: i32, %arg2: memref<10000x128xf32, #tpu.memory_space<hbm>>, %arg3: memref<2560x128xi32, #tpu.memory_space<hbm>>, %arg4: memref<2560x128xi32, #tpu.memory_space<hbm>>, %arg5: memref<10112x128xf32, #tpu.memory_space<hbm>>, %arg6: memref<20224x128xf32, #tpu.memory_space<hbm>>, %arg7: memref<40x128xi32, #tpu.memory_space<vmem>>, %arg8: memref<40x128xi32, #tpu.memory_space<vmem>>, %arg9: memref<128x128xf32, #tpu.memory_space<vmem>>, %arg10: memref<128x128xf32, #tpu.memory_space<vmem>>, %arg11: memref<10112x128xf32, #tpu.memory_space<vmem_shared>>, %arg12: memref<!tpu.dma_semaphore, #tpu.memory_space<semaphore_mem>>, %arg13: memref<!tpu.dma_semaphore, #tpu.memory_space<semaphore_mem>>, %arg14: memref<!tpu.dma_semaphore, #tpu.memory_space<semaphore_mem>>, %arg15: memref<!tpu.dma_semaphore, #tpu.memory_space<semaphore_mem>>) attributes {dimension_semantics = [#tpu.dimension_semantics<core_parallel>, #tpu.dimension_semantics<subcore_parallel>], iteration_bounds = array<i64: 2, 16>, scalar_prefetch = 0 : i64, scratch_operands = 9 : i64, tpu.core_type = #tpu.core_type<sc_vector_subcore>, window_params = [{transform_indices = #map}, {transform_indices = #map}, {transform_indices = #map}, {transform_indices = #map}, {transform_indices = #map}]} {
    %mul3A = arith.constant 16 : i32
    %mul3A_0 = arith.muli %arg0, %mul3A : i32
    %add3A = arith.addi %mul3A_0, %arg1 : i32
    %mul3A_1 = arith.constant 632 : i32
    %mul3A_2 = arith.muli %arg1, %mul3A_1 : i32
    "tpu.region"() ({
      %run_scoped3A = tpu.sem_alloc : memref<!tpu.dma_semaphore, #tpu.memory_space<semaphore_mem>>
      %dma_start3A_88 = arith.constant 0 : i32
      %dma_start3A_89 = tpu.memref_slice %arg11[%mul3A_2, %dma_start3A_88] : memref<10112x128xf32, #tpu.memory_space<vmem_shared>> -> memref<632x128xf32, #tpu.memory_space<vmem_shared>>
      %dma_start3A_90 = arith.constant 0 : i32
      %dma_start3A_91 = tpu.memref_slice %arg5[%mul3A_2, %dma_start3A_90] : memref<10112x128xf32, #tpu.memory_space<hbm>> -> memref<632x128xf32, #tpu.memory_space<hbm>>
      tpu.enqueue_dma source(%dma_start3A_91 : memref<632x128xf32, #tpu.memory_space<hbm>>) target(%dma_start3A_89 : memref<632x128xf32, #tpu.memory_space<vmem_shared>>) target_semaphore(%run_scoped3A : memref<!tpu.dma_semaphore, #tpu.memory_space<semaphore_mem>>)
      %dma_wait3A_92 = arith.constant 0 : i32
      %dma_wait3A_93 = tpu.memref_slice %arg11[%mul3A_2, %dma_wait3A_92] : memref<10112x128xf32, #tpu.memory_space<vmem_shared>> -> memref<632x128xf32, #tpu.memory_space<vmem_shared>>
      %dma_wait3A_94 = arith.constant 0 : i32
      %dma_wait3A_95 = tpu.memref_slice %arg5[%mul3A_2, %dma_wait3A_94] : memref<10112x128xf32, #tpu.memory_space<hbm>> -> memref<632x128xf32, #tpu.memory_space<hbm>>
      tpu.wait_dma2 semaphore(%run_scoped3A : memref<!tpu.dma_semaphore, #tpu.memory_space<semaphore_mem>>) src(%dma_wait3A_95 : memref<632x128xf32, #tpu.memory_space<hbm>>) dst(%dma_wait3A_93 : memref<632x128xf32, #tpu.memory_space<vmem_shared>>)
      tpu.yield
    }) : () -> ()
    %barrier3A = arith.constant 0 : index
    tpu.barrier barrier_id(%barrier3A)
    %mul3A_3 = arith.constant 80 : i32
    %mul3A_4 = arith.muli %add3A, %mul3A_3 : i32
    %add3A_5 = arith.constant 0 : i32
    %add3A_6 = arith.addi %mul3A_4, %add3A_5 : i32
    "tpu.region"() ({
      %run_scoped3A = tpu.sem_alloc : memref<!tpu.dma_semaphore, #tpu.memory_space<semaphore_mem>>
      %dma_start3A_88 = arith.constant 0 : i32
      %dma_start3A_89 = tpu.memref_slice %arg3[%add3A_6, %dma_start3A_88] : memref<2560x128xi32, #tpu.memory_space<hbm>> -> memref<40x128xi32, #tpu.memory_space<hbm>>
      %dma_start3A_90 = arith.constant 0 : i32
      %dma_start3A_91 = tpu.memref_slice %arg3[%add3A_6, %dma_start3A_90] : memref<2560x128xi32, #tpu.memory_space<hbm>> -> memref<40x128xi32, #tpu.memory_space<hbm>>
      tpu.enqueue_dma source(%dma_start3A_91 : memref<40x128xi32, #tpu.memory_space<hbm>>) target(%arg7 : memref<40x128xi32, #tpu.memory_space<vmem>>) target_semaphore(%run_scoped3A : memref<!tpu.dma_semaphore, #tpu.memory_space<semaphore_mem>>)
      %dma_wait3A_92 = arith.constant 0 : i32
      %dma_wait3A_93 = tpu.memref_slice %arg3[%add3A_6, %dma_wait3A_92] : memref<2560x128xi32, #tpu.memory_space<hbm>> -> memref<40x128xi32, #tpu.memory_space<hbm>>
      %dma_wait3A_94 = arith.constant 0 : i32
      %dma_wait3A_95 = tpu.memref_slice %arg3[%add3A_6, %dma_wait3A_94] : memref<2560x128xi32, #tpu.memory_space<hbm>> -> memref<40x128xi32, #tpu.memory_space<hbm>>
      tpu.wait_dma2 semaphore(%run_scoped3A : memref<!tpu.dma_semaphore, #tpu.memory_space<semaphore_mem>>) src(%dma_wait3A_95 : memref<40x128xi32, #tpu.memory_space<hbm>>) dst(%arg7 : memref<40x128xi32, #tpu.memory_space<vmem>>)
      tpu.yield
    }) : () -> ()
    %mul3A_7 = arith.constant 80 : i32
    %mul3A_8 = arith.muli %add3A, %mul3A_7 : i32
    %add3A_9 = arith.constant 0 : i32
    %add3A_10 = arith.addi %mul3A_8, %add3A_9 : i32
    "tpu.region"() ({
      %run_scoped3A = tpu.sem_alloc : memref<!tpu.dma_semaphore, #tpu.memory_space<semaphore_mem>>
      %dma_start3A_88 = arith.constant 0 : i32
      %dma_start3A_89 = tpu.memref_slice %arg4[%add3A_10, %dma_start3A_88] : memref<2560x128xi32, #tpu.memory_space<hbm>> -> memref<40x128xi32, #tpu.memory_space<hbm>>
      %dma_start3A_90 = arith.constant 0 : i32
      %dma_start3A_91 = tpu.memref_slice %arg4[%add3A_10, %dma_start3A_90] : memref<2560x128xi32, #tpu.memory_space<hbm>> -> memref<40x128xi32, #tpu.memory_space<hbm>>
      tpu.enqueue_dma source(%dma_start3A_91 : memref<40x128xi32, #tpu.memory_space<hbm>>) target(%arg8 : memref<40x128xi32, #tpu.memory_space<vmem>>) target_semaphore(%run_scoped3A : memref<!tpu.dma_semaphore, #tpu.memory_space<semaphore_mem>>)
      %dma_wait3A_92 = arith.constant 0 : i32
      %dma_wait3A_93 = tpu.memref_slice %arg4[%add3A_10, %dma_wait3A_92] : memref<2560x128xi32, #tpu.memory_space<hbm>> -> memref<40x128xi32, #tpu.memory_space<hbm>>
      %dma_wait3A_94 = arith.constant 0 : i32
      %dma_wait3A_95 = tpu.memref_slice %arg4[%add3A_10, %dma_wait3A_94] : memref<2560x128xi32, #tpu.memory_space<hbm>> -> memref<40x128xi32, #tpu.memory_space<hbm>>
      tpu.wait_dma2 semaphore(%run_scoped3A : memref<!tpu.dma_semaphore, #tpu.memory_space<semaphore_mem>>) src(%dma_wait3A_95 : memref<40x128xi32, #tpu.memory_space<hbm>>) dst(%arg8 : memref<40x128xi32, #tpu.memory_space<vmem>>)
      tpu.yield
    }) : () -> ()
    %dma_start3A = arith.constant 0 : i32
    %dma_start3A_11 = arith.constant 0 : i32
    %dma_start3A_12 = tpu.memref_slice %arg7[%dma_start3A, %dma_start3A_11] : memref<40x128xi32, #tpu.memory_space<vmem>> -> memref<1x128xi32, #tpu.memory_space<vmem>>
    %dma_start3A_13 = tpu.memref_squeeze %dma_start3A_12 : memref<1x128xi32, #tpu.memory_space<vmem>> -> memref<128xi32, #tpu.memory_space<vmem>>
    %dma_start3A_14 = arith.constant 0 : i32
    %dma_start3A_15 = arith.constant 0 : i32
    %dma_start3A_16 = tpu.memref_slice %arg2[%dma_start3A_14, %dma_start3A_15] : memref<10000x128xf32, #tpu.memory_space<hbm>> -> memref<10000x128xf32, #tpu.memory_space<hbm>>
    tpu.enqueue_indirect_dma source(%dma_start3A_16 : memref<10000x128xf32, #tpu.memory_space<hbm>>) target(%arg9 : memref<128x128xf32, #tpu.memory_space<vmem>>) offsets(%dma_start3A_13 : memref<128xi32, #tpu.memory_space<vmem>>) semaphore(%arg12 : memref<!tpu.dma_semaphore, #tpu.memory_space<semaphore_mem>>)
    %dma_start3A_17 = arith.constant 1 : i32
    %dma_start3A_18 = arith.constant 0 : i32
    %dma_start3A_19 = tpu.memref_slice %arg7[%dma_start3A_17, %dma_start3A_18] : memref<40x128xi32, #tpu.memory_space<vmem>> -> memref<1x128xi32, #tpu.memory_space<vmem>>
    %dma_start3A_20 = tpu.memref_squeeze %dma_start3A_19 : memref<1x128xi32, #tpu.memory_space<vmem>> -> memref<128xi32, #tpu.memory_space<vmem>>
    %dma_start3A_21 = arith.constant 0 : i32
    %dma_start3A_22 = arith.constant 0 : i32
    %dma_start3A_23 = tpu.memref_slice %arg2[%dma_start3A_21, %dma_start3A_22] : memref<10000x128xf32, #tpu.memory_space<hbm>> -> memref<10000x128xf32, #tpu.memory_space<hbm>>
    tpu.enqueue_indirect_dma source(%dma_start3A_23 : memref<10000x128xf32, #tpu.memory_space<hbm>>) target(%arg10 : memref<128x128xf32, #tpu.memory_space<vmem>>) offsets(%dma_start3A_20 : memref<128xi32, #tpu.memory_space<vmem>>) semaphore(%arg13 : memref<!tpu.dma_semaphore, #tpu.memory_space<semaphore_mem>>)
    %scan3A = arith.constant 0 : i32
    %scan3A_24 = arith.constant 0 : i32
    %scan3A_25 = arith.constant 20 : i32
    %scan3A_26 = arith.addi %scan3A_24, %scan3A_25 : i32
    %scan3A_27 = arith.constant 1 : i32
    scf.for %scan3A_88 = %scan3A_24 to %scan3A_26 step %scan3A_27  : i32 {
      %mul3A_89 = arith.constant 2 : i32
      %mul3A_90 = arith.muli %scan3A_88, %mul3A_89 : i32
      %add3A_91 = arith.constant 0 : i32
      %add3A_92 = arith.addi %mul3A_90, %add3A_91 : i32
      %dma_wait3A_93 = arith.constant 0 : i32
      %dma_wait3A_94 = tpu.memref_slice %arg7[%add3A_92, %dma_wait3A_93] : memref<40x128xi32, #tpu.memory_space<vmem>> -> memref<1x128xi32, #tpu.memory_space<vmem>>
      %dma_wait3A_95 = tpu.memref_squeeze %dma_wait3A_94 : memref<1x128xi32, #tpu.memory_space<vmem>> -> memref<128xi32, #tpu.memory_space<vmem>>
      %dma_wait3A_96 = arith.constant 0 : i32
      %dma_wait3A_97 = arith.constant 0 : i32
      %dma_wait3A_98 = tpu.memref_slice %arg2[%dma_wait3A_96, %dma_wait3A_97] : memref<10000x128xf32, #tpu.memory_space<hbm>> -> memref<10000x128xf32, #tpu.memory_space<hbm>>
      tpu.wait_indirect_dma semaphore(%arg12 : memref<!tpu.dma_semaphore, #tpu.memory_space<semaphore_mem>>) src(%dma_wait3A_98 : memref<10000x128xf32, #tpu.memory_space<hbm>>) dst(%arg9 : memref<128x128xf32, #tpu.memory_space<vmem>>)
      %dma_start3A_99 = arith.constant 0 : i32
      %dma_start3A_100 = tpu.memref_slice %arg8[%add3A_92, %dma_start3A_99] : memref<40x128xi32, #tpu.memory_space<vmem>> -> memref<1x128xi32, #tpu.memory_space<vmem>>
      %dma_start3A_101 = tpu.memref_squeeze %dma_start3A_100 : memref<1x128xi32, #tpu.memory_space<vmem>> -> memref<128xi32, #tpu.memory_space<vmem>>
      %dma_start3A_102 = arith.constant 0 : i32
      %dma_start3A_103 = arith.constant 0 : i32
      %dma_start3A_104 = tpu.memref_slice %arg11[%dma_start3A_102, %dma_start3A_103] : memref<10112x128xf32, #tpu.memory_space<vmem_shared>> -> memref<10112x128xf32, #tpu.memory_space<vmem_shared>>
      tpu.enqueue_indirect_dma source(%arg9 : memref<128x128xf32, #tpu.memory_space<vmem>>) target(%dma_start3A_104 : memref<10112x128xf32, #tpu.memory_space<vmem_shared>>) offsets(%dma_start3A_101 : memref<128xi32, #tpu.memory_space<vmem>>) semaphore(%arg14 : memref<!tpu.dma_semaphore, #tpu.memory_space<semaphore_mem>>) {add = true}
      %add3A_105 = arith.constant 2 : i32
      %add3A_106 = arith.addi %add3A_92, %add3A_105 : i32
      %lt3A = arith.constant 40 : i32
      %lt3A_107 = arith.cmpi slt, %add3A_106, %lt3A : i32
      %convert_element_type3A = arith.extui %lt3A_107 : i1 to i32
      %cond3A = arith.constant 0 : i32
      %cond3A_108 = arith.cmpi ne, %convert_element_type3A, %cond3A : i32
      scf.if %cond3A_108 {
        %dma_wait3A_132 = arith.constant 0 : i32
        %dma_wait3A_133 = tpu.memref_slice %arg8[%add3A_92, %dma_wait3A_132] : memref<40x128xi32, #tpu.memory_space<vmem>> -> memref<1x128xi32, #tpu.memory_space<vmem>>
        %dma_wait3A_134 = tpu.memref_squeeze %dma_wait3A_133 : memref<1x128xi32, #tpu.memory_space<vmem>> -> memref<128xi32, #tpu.memory_space<vmem>>
        %dma_wait3A_135 = arith.constant 0 : i32
        %dma_wait3A_136 = arith.constant 0 : i32
        %dma_wait3A_137 = tpu.memref_slice %arg11[%dma_wait3A_135, %dma_wait3A_136] : memref<10112x128xf32, #tpu.memory_space<vmem_shared>> -> memref<10112x128xf32, #tpu.memory_space<vmem_shared>>
        tpu.wait_indirect_dma semaphore(%arg14 : memref<!tpu.dma_semaphore, #tpu.memory_space<semaphore_mem>>) src(%arg9 : memref<128x128xf32, #tpu.memory_space<vmem>>) dst(%dma_wait3A_137 : memref<10112x128xf32, #tpu.memory_space<vmem_shared>>)
        %dma_start3A_138 = arith.constant 0 : i32
        %dma_start3A_139 = tpu.memref_slice %arg7[%add3A_106, %dma_start3A_138] : memref<40x128xi32, #tpu.memory_space<vmem>> -> memref<1x128xi32, #tpu.memory_space<vmem>>
        %dma_start3A_140 = tpu.memref_squeeze %dma_start3A_139 : memref<1x128xi32, #tpu.memory_space<vmem>> -> memref<128xi32, #tpu.memory_space<vmem>>
        %dma_start3A_141 = arith.constant 0 : i32
        %dma_start3A_142 = arith.constant 0 : i32
        %dma_start3A_143 = tpu.memref_slice %arg2[%dma_start3A_141, %dma_start3A_142] : memref<10000x128xf32, #tpu.memory_space<hbm>> -> memref<10000x128xf32, #tpu.memory_space<hbm>>
        tpu.enqueue_indirect_dma source(%dma_start3A_143 : memref<10000x128xf32, #tpu.memory_space<hbm>>) target(%arg9 : memref<128x128xf32, #tpu.memory_space<vmem>>) offsets(%dma_start3A_140 : memref<128xi32, #tpu.memory_space<vmem>>) semaphore(%arg12 : memref<!tpu.dma_semaphore, #tpu.memory_space<semaphore_mem>>)
      } else {
      }
      %mul3A_109 = arith.constant 2 : i32
      %mul3A_110 = arith.muli %scan3A_88, %mul3A_109 : i32
      %add3A_111 = arith.constant 1 : i32
      %add3A_112 = arith.addi %mul3A_110, %add3A_111 : i32
      %dma_wait3A_113 = arith.constant 0 : i32
      %dma_wait3A_114 = tpu.memref_slice %arg7[%add3A_112, %dma_wait3A_113] : memref<40x128xi32, #tpu.memory_space<vmem>> -> memref<1x128xi32, #tpu.memory_space<vmem>>
      %dma_wait3A_115 = tpu.memref_squeeze %dma_wait3A_114 : memref<1x128xi32, #tpu.memory_space<vmem>> -> memref<128xi32, #tpu.memory_space<vmem>>
      %dma_wait3A_116 = arith.constant 0 : i32
      %dma_wait3A_117 = arith.constant 0 : i32
      %dma_wait3A_118 = tpu.memref_slice %arg2[%dma_wait3A_116, %dma_wait3A_117] : memref<10000x128xf32, #tpu.memory_space<hbm>> -> memref<10000x128xf32, #tpu.memory_space<hbm>>
      tpu.wait_indirect_dma semaphore(%arg13 : memref<!tpu.dma_semaphore, #tpu.memory_space<semaphore_mem>>) src(%dma_wait3A_118 : memref<10000x128xf32, #tpu.memory_space<hbm>>) dst(%arg10 : memref<128x128xf32, #tpu.memory_space<vmem>>)
      %dma_start3A_119 = arith.constant 0 : i32
      %dma_start3A_120 = tpu.memref_slice %arg8[%add3A_112, %dma_start3A_119] : memref<40x128xi32, #tpu.memory_space<vmem>> -> memref<1x128xi32, #tpu.memory_space<vmem>>
      %dma_start3A_121 = tpu.memref_squeeze %dma_start3A_120 : memref<1x128xi32, #tpu.memory_space<vmem>> -> memref<128xi32, #tpu.memory_space<vmem>>
      %dma_start3A_122 = arith.constant 0 : i32
      %dma_start3A_123 = arith.constant 0 : i32
      %dma_start3A_124 = tpu.memref_slice %arg11[%dma_start3A_122, %dma_start3A_123] : memref<10112x128xf32, #tpu.memory_space<vmem_shared>> -> memref<10112x128xf32, #tpu.memory_space<vmem_shared>>
      tpu.enqueue_indirect_dma source(%arg10 : memref<128x128xf32, #tpu.memory_space<vmem>>) target(%dma_start3A_124 : memref<10112x128xf32, #tpu.memory_space<vmem_shared>>) offsets(%dma_start3A_121 : memref<128xi32, #tpu.memory_space<vmem>>) semaphore(%arg15 : memref<!tpu.dma_semaphore, #tpu.memory_space<semaphore_mem>>) {add = true}
      %add3A_125 = arith.constant 2 : i32
      %add3A_126 = arith.addi %add3A_112, %add3A_125 : i32
      %lt3A_127 = arith.constant 40 : i32
      %lt3A_128 = arith.cmpi slt, %add3A_126, %lt3A_127 : i32
      %convert_element_type3A_129 = arith.extui %lt3A_128 : i1 to i32
      %cond3A_130 = arith.constant 0 : i32
      %cond3A_131 = arith.cmpi ne, %convert_element_type3A_129, %cond3A_130 : i32
      scf.if %cond3A_131 {
        %dma_wait3A_132 = arith.constant 0 : i32
        %dma_wait3A_133 = tpu.memref_slice %arg8[%add3A_112, %dma_wait3A_132] : memref<40x128xi32, #tpu.memory_space<vmem>> -> memref<1x128xi32, #tpu.memory_space<vmem>>
        %dma_wait3A_134 = tpu.memref_squeeze %dma_wait3A_133 : memref<1x128xi32, #tpu.memory_space<vmem>> -> memref<128xi32, #tpu.memory_space<vmem>>
        %dma_wait3A_135 = arith.constant 0 : i32
        %dma_wait3A_136 = arith.constant 0 : i32
        %dma_wait3A_137 = tpu.memref_slice %arg11[%dma_wait3A_135, %dma_wait3A_136] : memref<10112x128xf32, #tpu.memory_space<vmem_shared>> -> memref<10112x128xf32, #tpu.memory_space<vmem_shared>>
        tpu.wait_indirect_dma semaphore(%arg15 : memref<!tpu.dma_semaphore, #tpu.memory_space<semaphore_mem>>) src(%arg10 : memref<128x128xf32, #tpu.memory_space<vmem>>) dst(%dma_wait3A_137 : memref<10112x128xf32, #tpu.memory_space<vmem_shared>>)
        %dma_start3A_138 = arith.constant 0 : i32
        %dma_start3A_139 = tpu.memref_slice %arg7[%add3A_126, %dma_start3A_138] : memref<40x128xi32, #tpu.memory_space<vmem>> -> memref<1x128xi32, #tpu.memory_space<vmem>>
        %dma_start3A_140 = tpu.memref_squeeze %dma_start3A_139 : memref<1x128xi32, #tpu.memory_space<vmem>> -> memref<128xi32, #tpu.memory_space<vmem>>
        %dma_start3A_141 = arith.constant 0 : i32
        %dma_start3A_142 = arith.constant 0 : i32
        %dma_start3A_143 = tpu.memref_slice %arg2[%dma_start3A_141, %dma_start3A_142] : memref<10000x128xf32, #tpu.memory_space<hbm>> -> memref<10000x128xf32, #tpu.memory_space<hbm>>
        tpu.enqueue_indirect_dma source(%dma_start3A_143 : memref<10000x128xf32, #tpu.memory_space<hbm>>) target(%arg10 : memref<128x128xf32, #tpu.memory_space<vmem>>) offsets(%dma_start3A_140 : memref<128xi32, #tpu.memory_space<vmem>>) semaphore(%arg13 : memref<!tpu.dma_semaphore, #tpu.memory_space<semaphore_mem>>)
      } else {
      }
    }
    %scan3A_28 = arith.constant 20 : i32
    %dma_wait3A = arith.constant 38 : i32
    %dma_wait3A_29 = arith.constant 0 : i32
    %dma_wait3A_30 = tpu.memref_slice %arg8[%dma_wait3A, %dma_wait3A_29] : memref<40x128xi32, #tpu.memory_space<vmem>> -> memref<1x128xi32, #tpu.memory_space<vmem>>
    %dma_wait3A_31 = tpu.memref_squeeze %dma_wait3A_30 : memref<1x128xi32, #tpu.memory_space<vmem>> -> memref<128xi32, #tpu.memory_space<vmem>>
    %dma_wait3A_32 = arith.constant 0 : i32
    %dma_wait3A_33 = arith.constant 0 : i32
    %dma_wait3A_34 = tpu.memref_slice %arg11[%dma_wait3A_32, %dma_wait3A_33] : memref<10112x128xf32, #tpu.memory_space<vmem_shared>> -> memref<10112x128xf32, #tpu.memory_space<vmem_shared>>
    tpu.wait_indirect_dma semaphore(%arg14 : memref<!tpu.dma_semaphore, #tpu.memory_space<semaphore_mem>>) src(%arg9 : memref<128x128xf32, #tpu.memory_space<vmem>>) dst(%dma_wait3A_34 : memref<10112x128xf32, #tpu.memory_space<vmem_shared>>)
    %dma_wait3A_35 = arith.constant 39 : i32
    %dma_wait3A_36 = arith.constant 0 : i32
    %dma_wait3A_37 = tpu.memref_slice %arg8[%dma_wait3A_35, %dma_wait3A_36] : memref<40x128xi32, #tpu.memory_space<vmem>> -> memref<1x128xi32, #tpu.memory_space<vmem>>
    %dma_wait3A_38 = tpu.memref_squeeze %dma_wait3A_37 : memref<1x128xi32, #tpu.memory_space<vmem>> -> memref<128xi32, #tpu.memory_space<vmem>>
    %dma_wait3A_39 = arith.constant 0 : i32
    %dma_wait3A_40 = arith.constant 0 : i32
    %dma_wait3A_41 = tpu.memref_slice %arg11[%dma_wait3A_39, %dma_wait3A_40] : memref<10112x128xf32, #tpu.memory_space<vmem_shared>> -> memref<10112x128xf32, #tpu.memory_space<vmem_shared>>
    tpu.wait_indirect_dma semaphore(%arg15 : memref<!tpu.dma_semaphore, #tpu.memory_space<semaphore_mem>>) src(%arg10 : memref<128x128xf32, #tpu.memory_space<vmem>>) dst(%dma_wait3A_41 : memref<10112x128xf32, #tpu.memory_space<vmem_shared>>)
    %mul3A_42 = arith.constant 80 : i32
    %mul3A_43 = arith.muli %add3A, %mul3A_42 : i32
    %add3A_44 = arith.constant 40 : i32
    %add3A_45 = arith.addi %mul3A_43, %add3A_44 : i32
    "tpu.region"() ({
      %run_scoped3A = tpu.sem_alloc : memref<!tpu.dma_semaphore, #tpu.memory_space<semaphore_mem>>
      %dma_start3A_88 = arith.constant 0 : i32
      %dma_start3A_89 = tpu.memref_slice %arg3[%add3A_45, %dma_start3A_88] : memref<2560x128xi32, #tpu.memory_space<hbm>> -> memref<40x128xi32, #tpu.memory_space<hbm>>
      %dma_start3A_90 = arith.constant 0 : i32
      %dma_start3A_91 = tpu.memref_slice %arg3[%add3A_45, %dma_start3A_90] : memref<2560x128xi32, #tpu.memory_space<hbm>> -> memref<40x128xi32, #tpu.memory_space<hbm>>
      tpu.enqueue_dma source(%dma_start3A_91 : memref<40x128xi32, #tpu.memory_space<hbm>>) target(%arg7 : memref<40x128xi32, #tpu.memory_space<vmem>>) target_semaphore(%run_scoped3A : memref<!tpu.dma_semaphore, #tpu.memory_space<semaphore_mem>>)
      %dma_wait3A_92 = arith.constant 0 : i32
      %dma_wait3A_93 = tpu.memref_slice %arg3[%add3A_45, %dma_wait3A_92] : memref<2560x128xi32, #tpu.memory_space<hbm>> -> memref<40x128xi32, #tpu.memory_space<hbm>>
      %dma_wait3A_94 = arith.constant 0 : i32
      %dma_wait3A_95 = tpu.memref_slice %arg3[%add3A_45, %dma_wait3A_94] : memref<2560x128xi32, #tpu.memory_space<hbm>> -> memref<40x128xi32, #tpu.memory_space<hbm>>
      tpu.wait_dma2 semaphore(%run_scoped3A : memref<!tpu.dma_semaphore, #tpu.memory_space<semaphore_mem>>) src(%dma_wait3A_95 : memref<40x128xi32, #tpu.memory_space<hbm>>) dst(%arg7 : memref<40x128xi32, #tpu.memory_space<vmem>>)
      tpu.yield
    }) : () -> ()
    %mul3A_46 = arith.constant 80 : i32
    %mul3A_47 = arith.muli %add3A, %mul3A_46 : i32
    %add3A_48 = arith.constant 40 : i32
    %add3A_49 = arith.addi %mul3A_47, %add3A_48 : i32
    "tpu.region"() ({
      %run_scoped3A = tpu.sem_alloc : memref<!tpu.dma_semaphore, #tpu.memory_space<semaphore_mem>>
      %dma_start3A_88 = arith.constant 0 : i32
      %dma_start3A_89 = tpu.memref_slice %arg4[%add3A_49, %dma_start3A_88] : memref<2560x128xi32, #tpu.memory_space<hbm>> -> memref<40x128xi32, #tpu.memory_space<hbm>>
      %dma_start3A_90 = arith.constant 0 : i32
      %dma_start3A_91 = tpu.memref_slice %arg4[%add3A_49, %dma_start3A_90] : memref<2560x128xi32, #tpu.memory_space<hbm>> -> memref<40x128xi32, #tpu.memory_space<hbm>>
      tpu.enqueue_dma source(%dma_start3A_91 : memref<40x128xi32, #tpu.memory_space<hbm>>) target(%arg8 : memref<40x128xi32, #tpu.memory_space<vmem>>) target_semaphore(%run_scoped3A : memref<!tpu.dma_semaphore, #tpu.memory_space<semaphore_mem>>)
      %dma_wait3A_92 = arith.constant 0 : i32
      %dma_wait3A_93 = tpu.memref_slice %arg4[%add3A_49, %dma_wait3A_92] : memref<2560x128xi32, #tpu.memory_space<hbm>> -> memref<40x128xi32, #tpu.memory_space<hbm>>
      %dma_wait3A_94 = arith.constant 0 : i32
      %dma_wait3A_95 = tpu.memref_slice %arg4[%add3A_49, %dma_wait3A_94] : memref<2560x128xi32, #tpu.memory_space<hbm>> -> memref<40x128xi32, #tpu.memory_space<hbm>>
      tpu.wait_dma2 semaphore(%run_scoped3A : memref<!tpu.dma_semaphore, #tpu.memory_space<semaphore_mem>>) src(%dma_wait3A_95 : memref<40x128xi32, #tpu.memory_space<hbm>>) dst(%arg8 : memref<40x128xi32, #tpu.memory_space<vmem>>)
      tpu.yield
    }) : () -> ()
    %dma_start3A_50 = arith.constant 0 : i32
    %dma_start3A_51 = arith.constant 0 : i32
    %dma_start3A_52 = tpu.memref_slice %arg7[%dma_start3A_50, %dma_start3A_51] : memref<40x128xi32, #tpu.memory_space<vmem>> -> memref<1x128xi32, #tpu.memory_space<vmem>>
    %dma_start3A_53 = tpu.memref_squeeze %dma_start3A_52 : memref<1x128xi32, #tpu.memory_space<vmem>> -> memref<128xi32, #tpu.memory_space<vmem>>
    %dma_start3A_54 = arith.constant 0 : i32
    %dma_start3A_55 = arith.constant 0 : i32
    %dma_start3A_56 = tpu.memref_slice %arg2[%dma_start3A_54, %dma_start3A_55] : memref<10000x128xf32, #tpu.memory_space<hbm>> -> memref<10000x128xf32, #tpu.memory_space<hbm>>
    tpu.enqueue_indirect_dma source(%dma_start3A_56 : memref<10000x128xf32, #tpu.memory_space<hbm>>) target(%arg9 : memref<128x128xf32, #tpu.memory_space<vmem>>) offsets(%dma_start3A_53 : memref<128xi32, #tpu.memory_space<vmem>>) semaphore(%arg12 : memref<!tpu.dma_semaphore, #tpu.memory_space<semaphore_mem>>)
    %dma_start3A_57 = arith.constant 1 : i32
    %dma_start3A_58 = arith.constant 0 : i32
    %dma_start3A_59 = tpu.memref_slice %arg7[%dma_start3A_57, %dma_start3A_58] : memref<40x128xi32, #tpu.memory_space<vmem>> -> memref<1x128xi32, #tpu.memory_space<vmem>>
    %dma_start3A_60 = tpu.memref_squeeze %dma_start3A_59 : memref<1x128xi32, #tpu.memory_space<vmem>> -> memref<128xi32, #tpu.memory_space<vmem>>
    %dma_start3A_61 = arith.constant 0 : i32
    %dma_start3A_62 = arith.constant 0 : i32
    %dma_start3A_63 = tpu.memref_slice %arg2[%dma_start3A_61, %dma_start3A_62] : memref<10000x128xf32, #tpu.memory_space<hbm>> -> memref<10000x128xf32, #tpu.memory_space<hbm>>
    tpu.enqueue_indirect_dma source(%dma_start3A_63 : memref<10000x128xf32, #tpu.memory_space<hbm>>) target(%arg10 : memref<128x128xf32, #tpu.memory_space<vmem>>) offsets(%dma_start3A_60 : memref<128xi32, #tpu.memory_space<vmem>>) semaphore(%arg13 : memref<!tpu.dma_semaphore, #tpu.memory_space<semaphore_mem>>)
    %scan3A_64 = arith.constant 0 : i32
    %scan3A_65 = arith.constant 0 : i32
    %scan3A_66 = arith.constant 20 : i32
    %scan3A_67 = arith.addi %scan3A_65, %scan3A_66 : i32
    %scan3A_68 = arith.constant 1 : i32
    scf.for %scan3A_88 = %scan3A_65 to %scan3A_67 step %scan3A_68  : i32 {
      %mul3A_89 = arith.constant 2 : i32
      %mul3A_90 = arith.muli %scan3A_88, %mul3A_89 : i32
      %add3A_91 = arith.constant 0 : i32
      %add3A_92 = arith.addi %mul3A_90, %add3A_91 : i32
      %dma_wait3A_93 = arith.constant 0 : i32
      %dma_wait3A_94 = tpu.memref_slice %arg7[%add3A_92, %dma_wait3A_93] : memref<40x128xi32, #tpu.memory_space<vmem>> -> memref<1x128xi32, #tpu.memory_space<vmem>>
      %dma_wait3A_95 = tpu.memref_squeeze %dma_wait3A_94 : memref<1x128xi32, #tpu.memory_space<vmem>> -> memref<128xi32, #tpu.memory_space<vmem>>
      %dma_wait3A_96 = arith.constant 0 : i32
      %dma_wait3A_97 = arith.constant 0 : i32
      %dma_wait3A_98 = tpu.memref_slice %arg2[%dma_wait3A_96, %dma_wait3A_97] : memref<10000x128xf32, #tpu.memory_space<hbm>> -> memref<10000x128xf32, #tpu.memory_space<hbm>>
      tpu.wait_indirect_dma semaphore(%arg12 : memref<!tpu.dma_semaphore, #tpu.memory_space<semaphore_mem>>) src(%dma_wait3A_98 : memref<10000x128xf32, #tpu.memory_space<hbm>>) dst(%arg9 : memref<128x128xf32, #tpu.memory_space<vmem>>)
      %dma_start3A_99 = arith.constant 0 : i32
      %dma_start3A_100 = tpu.memref_slice %arg8[%add3A_92, %dma_start3A_99] : memref<40x128xi32, #tpu.memory_space<vmem>> -> memref<1x128xi32, #tpu.memory_space<vmem>>
      %dma_start3A_101 = tpu.memref_squeeze %dma_start3A_100 : memref<1x128xi32, #tpu.memory_space<vmem>> -> memref<128xi32, #tpu.memory_space<vmem>>
      %dma_start3A_102 = arith.constant 0 : i32
      %dma_start3A_103 = arith.constant 0 : i32
      %dma_start3A_104 = tpu.memref_slice %arg11[%dma_start3A_102, %dma_start3A_103] : memref<10112x128xf32, #tpu.memory_space<vmem_shared>> -> memref<10112x128xf32, #tpu.memory_space<vmem_shared>>
      tpu.enqueue_indirect_dma source(%arg9 : memref<128x128xf32, #tpu.memory_space<vmem>>) target(%dma_start3A_104 : memref<10112x128xf32, #tpu.memory_space<vmem_shared>>) offsets(%dma_start3A_101 : memref<128xi32, #tpu.memory_space<vmem>>) semaphore(%arg14 : memref<!tpu.dma_semaphore, #tpu.memory_space<semaphore_mem>>) {add = true}
      %add3A_105 = arith.constant 2 : i32
      %add3A_106 = arith.addi %add3A_92, %add3A_105 : i32
      %lt3A = arith.constant 40 : i32
      %lt3A_107 = arith.cmpi slt, %add3A_106, %lt3A : i32
      %convert_element_type3A = arith.extui %lt3A_107 : i1 to i32
      %cond3A = arith.constant 0 : i32
      %cond3A_108 = arith.cmpi ne, %convert_element_type3A, %cond3A : i32
      scf.if %cond3A_108 {
        %dma_wait3A_132 = arith.constant 0 : i32
        %dma_wait3A_133 = tpu.memref_slice %arg8[%add3A_92, %dma_wait3A_132] : memref<40x128xi32, #tpu.memory_space<vmem>> -> memref<1x128xi32, #tpu.memory_space<vmem>>
        %dma_wait3A_134 = tpu.memref_squeeze %dma_wait3A_133 : memref<1x128xi32, #tpu.memory_space<vmem>> -> memref<128xi32, #tpu.memory_space<vmem>>
        %dma_wait3A_135 = arith.constant 0 : i32
        %dma_wait3A_136 = arith.constant 0 : i32
        %dma_wait3A_137 = tpu.memref_slice %arg11[%dma_wait3A_135, %dma_wait3A_136] : memref<10112x128xf32, #tpu.memory_space<vmem_shared>> -> memref<10112x128xf32, #tpu.memory_space<vmem_shared>>
        tpu.wait_indirect_dma semaphore(%arg14 : memref<!tpu.dma_semaphore, #tpu.memory_space<semaphore_mem>>) src(%arg9 : memref<128x128xf32, #tpu.memory_space<vmem>>) dst(%dma_wait3A_137 : memref<10112x128xf32, #tpu.memory_space<vmem_shared>>)
        %dma_start3A_138 = arith.constant 0 : i32
        %dma_start3A_139 = tpu.memref_slice %arg7[%add3A_106, %dma_start3A_138] : memref<40x128xi32, #tpu.memory_space<vmem>> -> memref<1x128xi32, #tpu.memory_space<vmem>>
        %dma_start3A_140 = tpu.memref_squeeze %dma_start3A_139 : memref<1x128xi32, #tpu.memory_space<vmem>> -> memref<128xi32, #tpu.memory_space<vmem>>
        %dma_start3A_141 = arith.constant 0 : i32
        %dma_start3A_142 = arith.constant 0 : i32
        %dma_start3A_143 = tpu.memref_slice %arg2[%dma_start3A_141, %dma_start3A_142] : memref<10000x128xf32, #tpu.memory_space<hbm>> -> memref<10000x128xf32, #tpu.memory_space<hbm>>
        tpu.enqueue_indirect_dma source(%dma_start3A_143 : memref<10000x128xf32, #tpu.memory_space<hbm>>) target(%arg9 : memref<128x128xf32, #tpu.memory_space<vmem>>) offsets(%dma_start3A_140 : memref<128xi32, #tpu.memory_space<vmem>>) semaphore(%arg12 : memref<!tpu.dma_semaphore, #tpu.memory_space<semaphore_mem>>)
      } else {
      }
      %mul3A_109 = arith.constant 2 : i32
      %mul3A_110 = arith.muli %scan3A_88, %mul3A_109 : i32
      %add3A_111 = arith.constant 1 : i32
      %add3A_112 = arith.addi %mul3A_110, %add3A_111 : i32
      %dma_wait3A_113 = arith.constant 0 : i32
      %dma_wait3A_114 = tpu.memref_slice %arg7[%add3A_112, %dma_wait3A_113] : memref<40x128xi32, #tpu.memory_space<vmem>> -> memref<1x128xi32, #tpu.memory_space<vmem>>
      %dma_wait3A_115 = tpu.memref_squeeze %dma_wait3A_114 : memref<1x128xi32, #tpu.memory_space<vmem>> -> memref<128xi32, #tpu.memory_space<vmem>>
      %dma_wait3A_116 = arith.constant 0 : i32
      %dma_wait3A_117 = arith.constant 0 : i32
      %dma_wait3A_118 = tpu.memref_slice %arg2[%dma_wait3A_116, %dma_wait3A_117] : memref<10000x128xf32, #tpu.memory_space<hbm>> -> memref<10000x128xf32, #tpu.memory_space<hbm>>
      tpu.wait_indirect_dma semaphore(%arg13 : memref<!tpu.dma_semaphore, #tpu.memory_space<semaphore_mem>>) src(%dma_wait3A_118 : memref<10000x128xf32, #tpu.memory_space<hbm>>) dst(%arg10 : memref<128x128xf32, #tpu.memory_space<vmem>>)
      %dma_start3A_119 = arith.constant 0 : i32
      %dma_start3A_120 = tpu.memref_slice %arg8[%add3A_112, %dma_start3A_119] : memref<40x128xi32, #tpu.memory_space<vmem>> -> memref<1x128xi32, #tpu.memory_space<vmem>>
      %dma_start3A_121 = tpu.memref_squeeze %dma_start3A_120 : memref<1x128xi32, #tpu.memory_space<vmem>> -> memref<128xi32, #tpu.memory_space<vmem>>
      %dma_start3A_122 = arith.constant 0 : i32
      %dma_start3A_123 = arith.constant 0 : i32
      %dma_start3A_124 = tpu.memref_slice %arg11[%dma_start3A_122, %dma_start3A_123] : memref<10112x128xf32, #tpu.memory_space<vmem_shared>> -> memref<10112x128xf32, #tpu.memory_space<vmem_shared>>
      tpu.enqueue_indirect_dma source(%arg10 : memref<128x128xf32, #tpu.memory_space<vmem>>) target(%dma_start3A_124 : memref<10112x128xf32, #tpu.memory_space<vmem_shared>>) offsets(%dma_start3A_121 : memref<128xi32, #tpu.memory_space<vmem>>) semaphore(%arg15 : memref<!tpu.dma_semaphore, #tpu.memory_space<semaphore_mem>>) {add = true}
      %add3A_125 = arith.constant 2 : i32
      %add3A_126 = arith.addi %add3A_112, %add3A_125 : i32
      %lt3A_127 = arith.constant 40 : i32
      %lt3A_128 = arith.cmpi slt, %add3A_126, %lt3A_127 : i32
      %convert_element_type3A_129 = arith.extui %lt3A_128 : i1 to i32
      %cond3A_130 = arith.constant 0 : i32
      %cond3A_131 = arith.cmpi ne, %convert_element_type3A_129, %cond3A_130 : i32
      scf.if %cond3A_131 {
        %dma_wait3A_132 = arith.constant 0 : i32
        %dma_wait3A_133 = tpu.memref_slice %arg8[%add3A_112, %dma_wait3A_132] : memref<40x128xi32, #tpu.memory_space<vmem>> -> memref<1x128xi32, #tpu.memory_space<vmem>>
        %dma_wait3A_134 = tpu.memref_squeeze %dma_wait3A_133 : memref<1x128xi32, #tpu.memory_space<vmem>> -> memref<128xi32, #tpu.memory_space<vmem>>
        %dma_wait3A_135 = arith.constant 0 : i32
        %dma_wait3A_136 = arith.constant 0 : i32
        %dma_wait3A_137 = tpu.memref_slice %arg11[%dma_wait3A_135, %dma_wait3A_136] : memref<10112x128xf32, #tpu.memory_space<vmem_shared>> -> memref<10112x128xf32, #tpu.memory_space<vmem_shared>>
        tpu.wait_indirect_dma semaphore(%arg15 : memref<!tpu.dma_semaphore, #tpu.memory_space<semaphore_mem>>) src(%arg10 : memref<128x128xf32, #tpu.memory_space<vmem>>) dst(%dma_wait3A_137 : memref<10112x128xf32, #tpu.memory_space<vmem_shared>>)
        %dma_start3A_138 = arith.constant 0 : i32
        %dma_start3A_139 = tpu.memref_slice %arg7[%add3A_126, %dma_start3A_138] : memref<40x128xi32, #tpu.memory_space<vmem>> -> memref<1x128xi32, #tpu.memory_space<vmem>>
        %dma_start3A_140 = tpu.memref_squeeze %dma_start3A_139 : memref<1x128xi32, #tpu.memory_space<vmem>> -> memref<128xi32, #tpu.memory_space<vmem>>
        %dma_start3A_141 = arith.constant 0 : i32
        %dma_start3A_142 = arith.constant 0 : i32
        %dma_start3A_143 = tpu.memref_slice %arg2[%dma_start3A_141, %dma_start3A_142] : memref<10000x128xf32, #tpu.memory_space<hbm>> -> memref<10000x128xf32, #tpu.memory_space<hbm>>
        tpu.enqueue_indirect_dma source(%dma_start3A_143 : memref<10000x128xf32, #tpu.memory_space<hbm>>) target(%arg10 : memref<128x128xf32, #tpu.memory_space<vmem>>) offsets(%dma_start3A_140 : memref<128xi32, #tpu.memory_space<vmem>>) semaphore(%arg13 : memref<!tpu.dma_semaphore, #tpu.memory_space<semaphore_mem>>)
      } else {
      }
    }
    %scan3A_69 = arith.constant 20 : i32
    %dma_wait3A_70 = arith.constant 38 : i32
    %dma_wait3A_71 = arith.constant 0 : i32
    %dma_wait3A_72 = tpu.memref_slice %arg8[%dma_wait3A_70, %dma_wait3A_71] : memref<40x128xi32, #tpu.memory_space<vmem>> -> memref<1x128xi32, #tpu.memory_space<vmem>>
    %dma_wait3A_73 = tpu.memref_squeeze %dma_wait3A_72 : memref<1x128xi32, #tpu.memory_space<vmem>> -> memref<128xi32, #tpu.memory_space<vmem>>
    %dma_wait3A_74 = arith.constant 0 : i32
    %dma_wait3A_75 = arith.constant 0 : i32
    %dma_wait3A_76 = tpu.memref_slice %arg11[%dma_wait3A_74, %dma_wait3A_75] : memref<10112x128xf32, #tpu.memory_space<vmem_shared>> -> memref<10112x128xf32, #tpu.memory_space<vmem_shared>>
    tpu.wait_indirect_dma semaphore(%arg14 : memref<!tpu.dma_semaphore, #tpu.memory_space<semaphore_mem>>) src(%arg9 : memref<128x128xf32, #tpu.memory_space<vmem>>) dst(%dma_wait3A_76 : memref<10112x128xf32, #tpu.memory_space<vmem_shared>>)
    %dma_wait3A_77 = arith.constant 39 : i32
    %dma_wait3A_78 = arith.constant 0 : i32
    %dma_wait3A_79 = tpu.memref_slice %arg8[%dma_wait3A_77, %dma_wait3A_78] : memref<40x128xi32, #tpu.memory_space<vmem>> -> memref<1x128xi32, #tpu.memory_space<vmem>>
    %dma_wait3A_80 = tpu.memref_squeeze %dma_wait3A_79 : memref<1x128xi32, #tpu.memory_space<vmem>> -> memref<128xi32, #tpu.memory_space<vmem>>
    %dma_wait3A_81 = arith.constant 0 : i32
    %dma_wait3A_82 = arith.constant 0 : i32
    %dma_wait3A_83 = tpu.memref_slice %arg11[%dma_wait3A_81, %dma_wait3A_82] : memref<10112x128xf32, #tpu.memory_space<vmem_shared>> -> memref<10112x128xf32, #tpu.memory_space<vmem_shared>>
    tpu.wait_indirect_dma semaphore(%arg15 : memref<!tpu.dma_semaphore, #tpu.memory_space<semaphore_mem>>) src(%arg10 : memref<128x128xf32, #tpu.memory_space<vmem>>) dst(%dma_wait3A_83 : memref<10112x128xf32, #tpu.memory_space<vmem_shared>>)
    %barrier3A_84 = arith.constant 0 : index
    tpu.barrier barrier_id(%barrier3A_84)
    %mul3A_85 = arith.constant 10112 : i32
    %mul3A_86 = arith.muli %arg0, %mul3A_85 : i32
    %add3A_87 = arith.addi %mul3A_86, %mul3A_2 : i32
    "tpu.region"() ({
      %run_scoped3A = tpu.sem_alloc : memref<!tpu.dma_semaphore, #tpu.memory_space<semaphore_mem>>
      %dma_start3A_88 = arith.constant 0 : i32
      %dma_start3A_89 = tpu.memref_slice %arg6[%add3A_87, %dma_start3A_88] : memref<20224x128xf32, #tpu.memory_space<hbm>> -> memref<632x128xf32, #tpu.memory_space<hbm>>
      %dma_start3A_90 = arith.constant 0 : i32
      %dma_start3A_91 = tpu.memref_slice %arg11[%mul3A_2, %dma_start3A_90] : memref<10112x128xf32, #tpu.memory_space<vmem_shared>> -> memref<632x128xf32, #tpu.memory_space<vmem_shared>>
      tpu.enqueue_dma source(%dma_start3A_91 : memref<632x128xf32, #tpu.memory_space<vmem_shared>>) target(%dma_start3A_89 : memref<632x128xf32, #tpu.memory_space<hbm>>) target_semaphore(%run_scoped3A : memref<!tpu.dma_semaphore, #tpu.memory_space<semaphore_mem>>)
      %dma_wait3A_92 = arith.constant 0 : i32
      %dma_wait3A_93 = tpu.memref_slice %arg6[%add3A_87, %dma_wait3A_92] : memref<20224x128xf32, #tpu.memory_space<hbm>> -> memref<632x128xf32, #tpu.memory_space<hbm>>
      %dma_wait3A_94 = arith.constant 0 : i32
      %dma_wait3A_95 = tpu.memref_slice %arg11[%mul3A_2, %dma_wait3A_94] : memref<10112x128xf32, #tpu.memory_space<vmem_shared>> -> memref<632x128xf32, #tpu.memory_space<vmem_shared>>
      tpu.wait_dma2 semaphore(%run_scoped3A : memref<!tpu.dma_semaphore, #tpu.memory_space<semaphore_mem>>) src(%dma_wait3A_95 : memref<632x128xf32, #tpu.memory_space<vmem_shared>>) dst(%dma_wait3A_93 : memref<632x128xf32, #tpu.memory_space<hbm>>)
      tpu.yield
    }) : () -> ()
    return
  }
}

#map = affine_map<(d0, d1) -> (0, 0)>
module attributes {stable_mosaic.version = 14 : i64} {
  func.func @_sc_deg(%arg0: i32, %arg1: i32, %arg2: memref<2560x128xi32, #tpu.memory_space<hbm>>, %arg3: memref<10112x128xf32, #tpu.memory_space<hbm>>, %arg4: memref<128x128xf32, #tpu.memory_space<hbm>>, %arg5: memref<20224x128xf32, #tpu.memory_space<hbm>>, %arg6: memref<80x128xi32, #tpu.memory_space<vmem>>, %arg7: memref<128x128xf32, #tpu.memory_space<vmem>>, %arg8: memref<10112x128xf32, #tpu.memory_space<vmem_shared>>) attributes {dimension_semantics = [#tpu.dimension_semantics<core_parallel>, #tpu.dimension_semantics<subcore_parallel>], iteration_bounds = array<i64: 2, 16>, scalar_prefetch = 0 : i64, scratch_operands = 3 : i64, tpu.core_type = #tpu.core_type<sc_vector_subcore>, window_params = [{transform_indices = #map}, {transform_indices = #map}, {transform_indices = #map}, {transform_indices = #map}]} {
    %mul3A = arith.constant 16 : i32
    %mul3A_0 = arith.muli %arg0, %mul3A : i32
    %add3A = arith.addi %mul3A_0, %arg1 : i32
    %mul3A_1 = arith.constant 632 : i32
    %mul3A_2 = arith.muli %arg1, %mul3A_1 : i32
    "tpu.region"() ({
      %run_scoped3A = tpu.sem_alloc : memref<!tpu.dma_semaphore, #tpu.memory_space<semaphore_mem>>
      %dma_start3A = arith.constant 0 : i32
      %dma_start3A_14 = tpu.memref_slice %arg8[%mul3A_2, %dma_start3A] : memref<10112x128xf32, #tpu.memory_space<vmem_shared>> -> memref<632x128xf32, #tpu.memory_space<vmem_shared>>
      %dma_start3A_15 = arith.constant 0 : i32
      %dma_start3A_16 = tpu.memref_slice %arg3[%mul3A_2, %dma_start3A_15] : memref<10112x128xf32, #tpu.memory_space<hbm>> -> memref<632x128xf32, #tpu.memory_space<hbm>>
      tpu.enqueue_dma source(%dma_start3A_16 : memref<632x128xf32, #tpu.memory_space<hbm>>) target(%dma_start3A_14 : memref<632x128xf32, #tpu.memory_space<vmem_shared>>) target_semaphore(%run_scoped3A : memref<!tpu.dma_semaphore, #tpu.memory_space<semaphore_mem>>)
      %dma_wait3A = arith.constant 0 : i32
      %dma_wait3A_17 = tpu.memref_slice %arg8[%mul3A_2, %dma_wait3A] : memref<10112x128xf32, #tpu.memory_space<vmem_shared>> -> memref<632x128xf32, #tpu.memory_space<vmem_shared>>
      %dma_wait3A_18 = arith.constant 0 : i32
      %dma_wait3A_19 = tpu.memref_slice %arg3[%mul3A_2, %dma_wait3A_18] : memref<10112x128xf32, #tpu.memory_space<hbm>> -> memref<632x128xf32, #tpu.memory_space<hbm>>
      tpu.wait_dma2 semaphore(%run_scoped3A : memref<!tpu.dma_semaphore, #tpu.memory_space<semaphore_mem>>) src(%dma_wait3A_19 : memref<632x128xf32, #tpu.memory_space<hbm>>) dst(%dma_wait3A_17 : memref<632x128xf32, #tpu.memory_space<vmem_shared>>)
      tpu.yield
    }) : () -> ()
    %mul3A_3 = arith.constant 80 : i32
    %mul3A_4 = arith.muli %add3A, %mul3A_3 : i32
    "tpu.region"() ({
      %run_scoped3A = tpu.sem_alloc : memref<!tpu.dma_semaphore, #tpu.memory_space<semaphore_mem>>
      %dma_start3A = arith.constant 0 : i32
      %dma_start3A_14 = tpu.memref_slice %arg2[%mul3A_4, %dma_start3A] : memref<2560x128xi32, #tpu.memory_space<hbm>> -> memref<80x128xi32, #tpu.memory_space<hbm>>
      %dma_start3A_15 = arith.constant 0 : i32
      %dma_start3A_16 = tpu.memref_slice %arg2[%mul3A_4, %dma_start3A_15] : memref<2560x128xi32, #tpu.memory_space<hbm>> -> memref<80x128xi32, #tpu.memory_space<hbm>>
      tpu.enqueue_dma source(%dma_start3A_16 : memref<80x128xi32, #tpu.memory_space<hbm>>) target(%arg6 : memref<80x128xi32, #tpu.memory_space<vmem>>) target_semaphore(%run_scoped3A : memref<!tpu.dma_semaphore, #tpu.memory_space<semaphore_mem>>)
      %dma_wait3A = arith.constant 0 : i32
      %dma_wait3A_17 = tpu.memref_slice %arg2[%mul3A_4, %dma_wait3A] : memref<2560x128xi32, #tpu.memory_space<hbm>> -> memref<80x128xi32, #tpu.memory_space<hbm>>
      %dma_wait3A_18 = arith.constant 0 : i32
      %dma_wait3A_19 = tpu.memref_slice %arg2[%mul3A_4, %dma_wait3A_18] : memref<2560x128xi32, #tpu.memory_space<hbm>> -> memref<80x128xi32, #tpu.memory_space<hbm>>
      tpu.wait_dma2 semaphore(%run_scoped3A : memref<!tpu.dma_semaphore, #tpu.memory_space<semaphore_mem>>) src(%dma_wait3A_19 : memref<80x128xi32, #tpu.memory_space<hbm>>) dst(%arg6 : memref<80x128xi32, #tpu.memory_space<vmem>>)
      tpu.yield
    }) : () -> ()
    "tpu.region"() ({
      %run_scoped3A = tpu.sem_alloc : memref<!tpu.dma_semaphore, #tpu.memory_space<semaphore_mem>>
      tpu.enqueue_dma source(%arg4 : memref<128x128xf32, #tpu.memory_space<hbm>>) target(%arg7 : memref<128x128xf32, #tpu.memory_space<vmem>>) target_semaphore(%run_scoped3A : memref<!tpu.dma_semaphore, #tpu.memory_space<semaphore_mem>>)
      tpu.wait_dma2 semaphore(%run_scoped3A : memref<!tpu.dma_semaphore, #tpu.memory_space<semaphore_mem>>) src(%arg4 : memref<128x128xf32, #tpu.memory_space<hbm>>) dst(%arg7 : memref<128x128xf32, #tpu.memory_space<vmem>>)
      tpu.yield
    }) : () -> ()
    %barrier3A = arith.constant 0 : index
    tpu.barrier barrier_id(%barrier3A)
    %scan3A = arith.constant 0 : i32
    %scan3A_5 = arith.constant 0 : i32
    %scan3A_6 = arith.constant 80 : i32
    %scan3A_7 = arith.addi %scan3A_5, %scan3A_6 : i32
    %scan3A_8 = arith.constant 1 : i32
    scf.for %scan3A_14 = %scan3A_5 to %scan3A_7 step %scan3A_8  : i32 {
      "tpu.region"() ({
        %run_scoped3A = tpu.sem_alloc : memref<!tpu.dma_semaphore, #tpu.memory_space<semaphore_mem>>
        %dma_start3A = arith.constant 0 : i32
        %dma_start3A_15 = tpu.memref_slice %arg6[%scan3A_14, %dma_start3A] : memref<80x128xi32, #tpu.memory_space<vmem>> -> memref<1x128xi32, #tpu.memory_space<vmem>>
        %dma_start3A_16 = tpu.memref_squeeze %dma_start3A_15 : memref<1x128xi32, #tpu.memory_space<vmem>> -> memref<128xi32, #tpu.memory_space<vmem>>
        %dma_start3A_17 = arith.constant 0 : i32
        %dma_start3A_18 = arith.constant 0 : i32
        %dma_start3A_19 = tpu.memref_slice %arg8[%dma_start3A_17, %dma_start3A_18] : memref<10112x128xf32, #tpu.memory_space<vmem_shared>> -> memref<10112x128xf32, #tpu.memory_space<vmem_shared>>
        tpu.enqueue_indirect_dma source(%arg7 : memref<128x128xf32, #tpu.memory_space<vmem>>) target(%dma_start3A_19 : memref<10112x128xf32, #tpu.memory_space<vmem_shared>>) offsets(%dma_start3A_16 : memref<128xi32, #tpu.memory_space<vmem>>) semaphore(%run_scoped3A : memref<!tpu.dma_semaphore, #tpu.memory_space<semaphore_mem>>) {add = true}
        %dma_wait3A = arith.constant 0 : i32
        %dma_wait3A_20 = tpu.memref_slice %arg6[%scan3A_14, %dma_wait3A] : memref<80x128xi32, #tpu.memory_space<vmem>> -> memref<1x128xi32, #tpu.memory_space<vmem>>
        %dma_wait3A_21 = tpu.memref_squeeze %dma_wait3A_20 : memref<1x128xi32, #tpu.memory_space<vmem>> -> memref<128xi32, #tpu.memory_space<vmem>>
        %dma_wait3A_22 = arith.constant 0 : i32
        %dma_wait3A_23 = arith.constant 0 : i32
        %dma_wait3A_24 = tpu.memref_slice %arg8[%dma_wait3A_22, %dma_wait3A_23] : memref<10112x128xf32, #tpu.memory_space<vmem_shared>> -> memref<10112x128xf32, #tpu.memory_space<vmem_shared>>
        tpu.wait_indirect_dma semaphore(%run_scoped3A : memref<!tpu.dma_semaphore, #tpu.memory_space<semaphore_mem>>) src(%arg7 : memref<128x128xf32, #tpu.memory_space<vmem>>) dst(%dma_wait3A_24 : memref<10112x128xf32, #tpu.memory_space<vmem_shared>>)
        tpu.yield
      }) : () -> ()
    }
    %scan3A_9 = arith.constant 80 : i32
    %barrier3A_10 = arith.constant 0 : index
    tpu.barrier barrier_id(%barrier3A_10)
    %mul3A_11 = arith.constant 10112 : i32
    %mul3A_12 = arith.muli %arg0, %mul3A_11 : i32
    %add3A_13 = arith.addi %mul3A_12, %mul3A_2 : i32
    "tpu.region"() ({
      %run_scoped3A = tpu.sem_alloc : memref<!tpu.dma_semaphore, #tpu.memory_space<semaphore_mem>>
      %dma_start3A = arith.constant 0 : i32
      %dma_start3A_14 = tpu.memref_slice %arg5[%add3A_13, %dma_start3A] : memref<20224x128xf32, #tpu.memory_space<hbm>> -> memref<632x128xf32, #tpu.memory_space<hbm>>
      %dma_start3A_15 = arith.constant 0 : i32
      %dma_start3A_16 = tpu.memref_slice %arg8[%mul3A_2, %dma_start3A_15] : memref<10112x128xf32, #tpu.memory_space<vmem_shared>> -> memref<632x128xf32, #tpu.memory_space<vmem_shared>>
      tpu.enqueue_dma source(%dma_start3A_16 : memref<632x128xf32, #tpu.memory_space<vmem_shared>>) target(%dma_start3A_14 : memref<632x128xf32, #tpu.memory_space<hbm>>) target_semaphore(%run_scoped3A : memref<!tpu.dma_semaphore, #tpu.memory_space<semaphore_mem>>)
      %dma_wait3A = arith.constant 0 : i32
      %dma_wait3A_17 = tpu.memref_slice %arg5[%add3A_13, %dma_wait3A] : memref<20224x128xf32, #tpu.memory_space<hbm>> -> memref<632x128xf32, #tpu.memory_space<hbm>>
      %dma_wait3A_18 = arith.constant 0 : i32
      %dma_wait3A_19 = tpu.memref_slice %arg8[%mul3A_2, %dma_wait3A_18] : memref<10112x128xf32, #tpu.memory_space<vmem_shared>> -> memref<632x128xf32, #tpu.memory_space<vmem_shared>>
      tpu.wait_dma2 semaphore(%run_scoped3A : memref<!tpu.dma_semaphore, #tpu.memory_space<semaphore_mem>>) src(%dma_wait3A_19 : memref<632x128xf32, #tpu.memory_space<vmem_shared>>) dst(%dma_wait3A_17 : memref<632x128xf32, #tpu.memory_space<hbm>>)
      tpu.yield
    }) : () -> ()
    return
  }
}

#map = affine_map<(d0, d1) -> (0, 0)>
module attributes {stable_mosaic.version = 14 : i64} {
  func.func @_sc_spmm(%arg0: i32, %arg1: i32, %arg2: memref<10000x128xf32, #tpu.memory_space<hbm>>, %arg3: memref<2560x128xi32, #tpu.memory_space<hbm>>, %arg4: memref<2560x128xi32, #tpu.memory_space<hbm>>, %arg5: memref<10112x128xf32, #tpu.memory_space<hbm>>, %arg6: memref<20224x128xf32, #tpu.memory_space<hbm>>, %arg7: memref<40x128xi32, #tpu.memory_space<vmem>>, %arg8: memref<40x128xi32, #tpu.memory_space<vmem>>, %arg9: memref<128x128xf32, #tpu.memory_space<vmem>>, %arg10: memref<128x128xf32, #tpu.memory_space<vmem>>, %arg11: memref<10112x128xf32, #tpu.memory_space<vmem_shared>>, %arg12: memref<!tpu.dma_semaphore, #tpu.memory_space<semaphore_mem>>, %arg13: memref<!tpu.dma_semaphore, #tpu.memory_space<semaphore_mem>>, %arg14: memref<!tpu.dma_semaphore, #tpu.memory_space<semaphore_mem>>, %arg15: memref<!tpu.dma_semaphore, #tpu.memory_space<semaphore_mem>>) attributes {dimension_semantics = [#tpu.dimension_semantics<core_parallel>, #tpu.dimension_semantics<subcore_parallel>], iteration_bounds = array<i64: 2, 16>, scalar_prefetch = 0 : i64, scratch_operands = 9 : i64, tpu.core_type = #tpu.core_type<sc_vector_subcore>, window_params = [{transform_indices = #map}, {transform_indices = #map}, {transform_indices = #map}, {transform_indices = #map}, {transform_indices = #map}]} {
    %mul3A = arith.constant 16 : i32
    %mul3A_0 = arith.muli %arg0, %mul3A : i32
    %add3A = arith.addi %mul3A_0, %arg1 : i32
    %mul3A_1 = arith.constant 632 : i32
    %mul3A_2 = arith.muli %arg1, %mul3A_1 : i32
    "tpu.region"() ({
      %run_scoped3A = tpu.sem_alloc : memref<!tpu.dma_semaphore, #tpu.memory_space<semaphore_mem>>
      %dma_start3A_88 = arith.constant 0 : i32
      %dma_start3A_89 = tpu.memref_slice %arg11[%mul3A_2, %dma_start3A_88] : memref<10112x128xf32, #tpu.memory_space<vmem_shared>> -> memref<632x128xf32, #tpu.memory_space<vmem_shared>>
      %dma_start3A_90 = arith.constant 0 : i32
      %dma_start3A_91 = tpu.memref_slice %arg5[%mul3A_2, %dma_start3A_90] : memref<10112x128xf32, #tpu.memory_space<hbm>> -> memref<632x128xf32, #tpu.memory_space<hbm>>
      tpu.enqueue_dma source(%dma_start3A_91 : memref<632x128xf32, #tpu.memory_space<hbm>>) target(%dma_start3A_89 : memref<632x128xf32, #tpu.memory_space<vmem_shared>>) target_semaphore(%run_scoped3A : memref<!tpu.dma_semaphore, #tpu.memory_space<semaphore_mem>>)
      %dma_wait3A_92 = arith.constant 0 : i32
      %dma_wait3A_93 = tpu.memref_slice %arg11[%mul3A_2, %dma_wait3A_92] : memref<10112x128xf32, #tpu.memory_space<vmem_shared>> -> memref<632x128xf32, #tpu.memory_space<vmem_shared>>
      %dma_wait3A_94 = arith.constant 0 : i32
      %dma_wait3A_95 = tpu.memref_slice %arg5[%mul3A_2, %dma_wait3A_94] : memref<10112x128xf32, #tpu.memory_space<hbm>> -> memref<632x128xf32, #tpu.memory_space<hbm>>
      tpu.wait_dma2 semaphore(%run_scoped3A : memref<!tpu.dma_semaphore, #tpu.memory_space<semaphore_mem>>) src(%dma_wait3A_95 : memref<632x128xf32, #tpu.memory_space<hbm>>) dst(%dma_wait3A_93 : memref<632x128xf32, #tpu.memory_space<vmem_shared>>)
      tpu.yield
    }) : () -> ()
    %barrier3A = arith.constant 0 : index
    tpu.barrier barrier_id(%barrier3A)
    %mul3A_3 = arith.constant 80 : i32
    %mul3A_4 = arith.muli %add3A, %mul3A_3 : i32
    %add3A_5 = arith.constant 0 : i32
    %add3A_6 = arith.addi %mul3A_4, %add3A_5 : i32
    "tpu.region"() ({
      %run_scoped3A = tpu.sem_alloc : memref<!tpu.dma_semaphore, #tpu.memory_space<semaphore_mem>>
      %dma_start3A_88 = arith.constant 0 : i32
      %dma_start3A_89 = tpu.memref_slice %arg3[%add3A_6, %dma_start3A_88] : memref<2560x128xi32, #tpu.memory_space<hbm>> -> memref<40x128xi32, #tpu.memory_space<hbm>>
      %dma_start3A_90 = arith.constant 0 : i32
      %dma_start3A_91 = tpu.memref_slice %arg3[%add3A_6, %dma_start3A_90] : memref<2560x128xi32, #tpu.memory_space<hbm>> -> memref<40x128xi32, #tpu.memory_space<hbm>>
      tpu.enqueue_dma source(%dma_start3A_91 : memref<40x128xi32, #tpu.memory_space<hbm>>) target(%arg7 : memref<40x128xi32, #tpu.memory_space<vmem>>) target_semaphore(%run_scoped3A : memref<!tpu.dma_semaphore, #tpu.memory_space<semaphore_mem>>)
      %dma_wait3A_92 = arith.constant 0 : i32
      %dma_wait3A_93 = tpu.memref_slice %arg3[%add3A_6, %dma_wait3A_92] : memref<2560x128xi32, #tpu.memory_space<hbm>> -> memref<40x128xi32, #tpu.memory_space<hbm>>
      %dma_wait3A_94 = arith.constant 0 : i32
      %dma_wait3A_95 = tpu.memref_slice %arg3[%add3A_6, %dma_wait3A_94] : memref<2560x128xi32, #tpu.memory_space<hbm>> -> memref<40x128xi32, #tpu.memory_space<hbm>>
      tpu.wait_dma2 semaphore(%run_scoped3A : memref<!tpu.dma_semaphore, #tpu.memory_space<semaphore_mem>>) src(%dma_wait3A_95 : memref<40x128xi32, #tpu.memory_space<hbm>>) dst(%arg7 : memref<40x128xi32, #tpu.memory_space<vmem>>)
      tpu.yield
    }) : () -> ()
    %mul3A_7 = arith.constant 80 : i32
    %mul3A_8 = arith.muli %add3A, %mul3A_7 : i32
    %add3A_9 = arith.constant 0 : i32
    %add3A_10 = arith.addi %mul3A_8, %add3A_9 : i32
    "tpu.region"() ({
      %run_scoped3A = tpu.sem_alloc : memref<!tpu.dma_semaphore, #tpu.memory_space<semaphore_mem>>
      %dma_start3A_88 = arith.constant 0 : i32
      %dma_start3A_89 = tpu.memref_slice %arg4[%add3A_10, %dma_start3A_88] : memref<2560x128xi32, #tpu.memory_space<hbm>> -> memref<40x128xi32, #tpu.memory_space<hbm>>
      %dma_start3A_90 = arith.constant 0 : i32
      %dma_start3A_91 = tpu.memref_slice %arg4[%add3A_10, %dma_start3A_90] : memref<2560x128xi32, #tpu.memory_space<hbm>> -> memref<40x128xi32, #tpu.memory_space<hbm>>
      tpu.enqueue_dma source(%dma_start3A_91 : memref<40x128xi32, #tpu.memory_space<hbm>>) target(%arg8 : memref<40x128xi32, #tpu.memory_space<vmem>>) target_semaphore(%run_scoped3A : memref<!tpu.dma_semaphore, #tpu.memory_space<semaphore_mem>>)
      %dma_wait3A_92 = arith.constant 0 : i32
      %dma_wait3A_93 = tpu.memref_slice %arg4[%add3A_10, %dma_wait3A_92] : memref<2560x128xi32, #tpu.memory_space<hbm>> -> memref<40x128xi32, #tpu.memory_space<hbm>>
      %dma_wait3A_94 = arith.constant 0 : i32
      %dma_wait3A_95 = tpu.memref_slice %arg4[%add3A_10, %dma_wait3A_94] : memref<2560x128xi32, #tpu.memory_space<hbm>> -> memref<40x128xi32, #tpu.memory_space<hbm>>
      tpu.wait_dma2 semaphore(%run_scoped3A : memref<!tpu.dma_semaphore, #tpu.memory_space<semaphore_mem>>) src(%dma_wait3A_95 : memref<40x128xi32, #tpu.memory_space<hbm>>) dst(%arg8 : memref<40x128xi32, #tpu.memory_space<vmem>>)
      tpu.yield
    }) : () -> ()
    %dma_start3A = arith.constant 0 : i32
    %dma_start3A_11 = arith.constant 0 : i32
    %dma_start3A_12 = tpu.memref_slice %arg7[%dma_start3A, %dma_start3A_11] : memref<40x128xi32, #tpu.memory_space<vmem>> -> memref<1x128xi32, #tpu.memory_space<vmem>>
    %dma_start3A_13 = tpu.memref_squeeze %dma_start3A_12 : memref<1x128xi32, #tpu.memory_space<vmem>> -> memref<128xi32, #tpu.memory_space<vmem>>
    %dma_start3A_14 = arith.constant 0 : i32
    %dma_start3A_15 = arith.constant 0 : i32
    %dma_start3A_16 = tpu.memref_slice %arg2[%dma_start3A_14, %dma_start3A_15] : memref<10000x128xf32, #tpu.memory_space<hbm>> -> memref<10000x128xf32, #tpu.memory_space<hbm>>
    tpu.enqueue_indirect_dma source(%dma_start3A_16 : memref<10000x128xf32, #tpu.memory_space<hbm>>) target(%arg9 : memref<128x128xf32, #tpu.memory_space<vmem>>) offsets(%dma_start3A_13 : memref<128xi32, #tpu.memory_space<vmem>>) semaphore(%arg12 : memref<!tpu.dma_semaphore, #tpu.memory_space<semaphore_mem>>)
    %dma_start3A_17 = arith.constant 1 : i32
    %dma_start3A_18 = arith.constant 0 : i32
    %dma_start3A_19 = tpu.memref_slice %arg7[%dma_start3A_17, %dma_start3A_18] : memref<40x128xi32, #tpu.memory_space<vmem>> -> memref<1x128xi32, #tpu.memory_space<vmem>>
    %dma_start3A_20 = tpu.memref_squeeze %dma_start3A_19 : memref<1x128xi32, #tpu.memory_space<vmem>> -> memref<128xi32, #tpu.memory_space<vmem>>
    %dma_start3A_21 = arith.constant 0 : i32
    %dma_start3A_22 = arith.constant 0 : i32
    %dma_start3A_23 = tpu.memref_slice %arg2[%dma_start3A_21, %dma_start3A_22] : memref<10000x128xf32, #tpu.memory_space<hbm>> -> memref<10000x128xf32, #tpu.memory_space<hbm>>
    tpu.enqueue_indirect_dma source(%dma_start3A_23 : memref<10000x128xf32, #tpu.memory_space<hbm>>) target(%arg10 : memref<128x128xf32, #tpu.memory_space<vmem>>) offsets(%dma_start3A_20 : memref<128xi32, #tpu.memory_space<vmem>>) semaphore(%arg13 : memref<!tpu.dma_semaphore, #tpu.memory_space<semaphore_mem>>)
    %scan3A = arith.constant 0 : i32
    %scan3A_24 = arith.constant 0 : i32
    %scan3A_25 = arith.constant 20 : i32
    %scan3A_26 = arith.addi %scan3A_24, %scan3A_25 : i32
    %scan3A_27 = arith.constant 1 : i32
    scf.for %scan3A_88 = %scan3A_24 to %scan3A_26 step %scan3A_27  : i32 {
      %mul3A_89 = arith.constant 2 : i32
      %mul3A_90 = arith.muli %scan3A_88, %mul3A_89 : i32
      %add3A_91 = arith.constant 0 : i32
      %add3A_92 = arith.addi %mul3A_90, %add3A_91 : i32
      %dma_wait3A_93 = arith.constant 0 : i32
      %dma_wait3A_94 = tpu.memref_slice %arg7[%add3A_92, %dma_wait3A_93] : memref<40x128xi32, #tpu.memory_space<vmem>> -> memref<1x128xi32, #tpu.memory_space<vmem>>
      %dma_wait3A_95 = tpu.memref_squeeze %dma_wait3A_94 : memref<1x128xi32, #tpu.memory_space<vmem>> -> memref<128xi32, #tpu.memory_space<vmem>>
      %dma_wait3A_96 = arith.constant 0 : i32
      %dma_wait3A_97 = arith.constant 0 : i32
      %dma_wait3A_98 = tpu.memref_slice %arg2[%dma_wait3A_96, %dma_wait3A_97] : memref<10000x128xf32, #tpu.memory_space<hbm>> -> memref<10000x128xf32, #tpu.memory_space<hbm>>
      tpu.wait_indirect_dma semaphore(%arg12 : memref<!tpu.dma_semaphore, #tpu.memory_space<semaphore_mem>>) src(%dma_wait3A_98 : memref<10000x128xf32, #tpu.memory_space<hbm>>) dst(%arg9 : memref<128x128xf32, #tpu.memory_space<vmem>>)
      %dma_start3A_99 = arith.constant 0 : i32
      %dma_start3A_100 = tpu.memref_slice %arg8[%add3A_92, %dma_start3A_99] : memref<40x128xi32, #tpu.memory_space<vmem>> -> memref<1x128xi32, #tpu.memory_space<vmem>>
      %dma_start3A_101 = tpu.memref_squeeze %dma_start3A_100 : memref<1x128xi32, #tpu.memory_space<vmem>> -> memref<128xi32, #tpu.memory_space<vmem>>
      %dma_start3A_102 = arith.constant 0 : i32
      %dma_start3A_103 = arith.constant 0 : i32
      %dma_start3A_104 = tpu.memref_slice %arg11[%dma_start3A_102, %dma_start3A_103] : memref<10112x128xf32, #tpu.memory_space<vmem_shared>> -> memref<10112x128xf32, #tpu.memory_space<vmem_shared>>
      tpu.enqueue_indirect_dma source(%arg9 : memref<128x128xf32, #tpu.memory_space<vmem>>) target(%dma_start3A_104 : memref<10112x128xf32, #tpu.memory_space<vmem_shared>>) offsets(%dma_start3A_101 : memref<128xi32, #tpu.memory_space<vmem>>) semaphore(%arg14 : memref<!tpu.dma_semaphore, #tpu.memory_space<semaphore_mem>>) {add = true}
      %add3A_105 = arith.constant 2 : i32
      %add3A_106 = arith.addi %add3A_92, %add3A_105 : i32
      %lt3A = arith.constant 40 : i32
      %lt3A_107 = arith.cmpi slt, %add3A_106, %lt3A : i32
      %convert_element_type3A = arith.extui %lt3A_107 : i1 to i32
      %cond3A = arith.constant 0 : i32
      %cond3A_108 = arith.cmpi ne, %convert_element_type3A, %cond3A : i32
      scf.if %cond3A_108 {
        %dma_wait3A_132 = arith.constant 0 : i32
        %dma_wait3A_133 = tpu.memref_slice %arg8[%add3A_92, %dma_wait3A_132] : memref<40x128xi32, #tpu.memory_space<vmem>> -> memref<1x128xi32, #tpu.memory_space<vmem>>
        %dma_wait3A_134 = tpu.memref_squeeze %dma_wait3A_133 : memref<1x128xi32, #tpu.memory_space<vmem>> -> memref<128xi32, #tpu.memory_space<vmem>>
        %dma_wait3A_135 = arith.constant 0 : i32
        %dma_wait3A_136 = arith.constant 0 : i32
        %dma_wait3A_137 = tpu.memref_slice %arg11[%dma_wait3A_135, %dma_wait3A_136] : memref<10112x128xf32, #tpu.memory_space<vmem_shared>> -> memref<10112x128xf32, #tpu.memory_space<vmem_shared>>
        tpu.wait_indirect_dma semaphore(%arg14 : memref<!tpu.dma_semaphore, #tpu.memory_space<semaphore_mem>>) src(%arg9 : memref<128x128xf32, #tpu.memory_space<vmem>>) dst(%dma_wait3A_137 : memref<10112x128xf32, #tpu.memory_space<vmem_shared>>)
        %dma_start3A_138 = arith.constant 0 : i32
        %dma_start3A_139 = tpu.memref_slice %arg7[%add3A_106, %dma_start3A_138] : memref<40x128xi32, #tpu.memory_space<vmem>> -> memref<1x128xi32, #tpu.memory_space<vmem>>
        %dma_start3A_140 = tpu.memref_squeeze %dma_start3A_139 : memref<1x128xi32, #tpu.memory_space<vmem>> -> memref<128xi32, #tpu.memory_space<vmem>>
        %dma_start3A_141 = arith.constant 0 : i32
        %dma_start3A_142 = arith.constant 0 : i32
        %dma_start3A_143 = tpu.memref_slice %arg2[%dma_start3A_141, %dma_start3A_142] : memref<10000x128xf32, #tpu.memory_space<hbm>> -> memref<10000x128xf32, #tpu.memory_space<hbm>>
        tpu.enqueue_indirect_dma source(%dma_start3A_143 : memref<10000x128xf32, #tpu.memory_space<hbm>>) target(%arg9 : memref<128x128xf32, #tpu.memory_space<vmem>>) offsets(%dma_start3A_140 : memref<128xi32, #tpu.memory_space<vmem>>) semaphore(%arg12 : memref<!tpu.dma_semaphore, #tpu.memory_space<semaphore_mem>>)
      } else {
      }
      %mul3A_109 = arith.constant 2 : i32
      %mul3A_110 = arith.muli %scan3A_88, %mul3A_109 : i32
      %add3A_111 = arith.constant 1 : i32
      %add3A_112 = arith.addi %mul3A_110, %add3A_111 : i32
      %dma_wait3A_113 = arith.constant 0 : i32
      %dma_wait3A_114 = tpu.memref_slice %arg7[%add3A_112, %dma_wait3A_113] : memref<40x128xi32, #tpu.memory_space<vmem>> -> memref<1x128xi32, #tpu.memory_space<vmem>>
      %dma_wait3A_115 = tpu.memref_squeeze %dma_wait3A_114 : memref<1x128xi32, #tpu.memory_space<vmem>> -> memref<128xi32, #tpu.memory_space<vmem>>
      %dma_wait3A_116 = arith.constant 0 : i32
      %dma_wait3A_117 = arith.constant 0 : i32
      %dma_wait3A_118 = tpu.memref_slice %arg2[%dma_wait3A_116, %dma_wait3A_117] : memref<10000x128xf32, #tpu.memory_space<hbm>> -> memref<10000x128xf32, #tpu.memory_space<hbm>>
      tpu.wait_indirect_dma semaphore(%arg13 : memref<!tpu.dma_semaphore, #tpu.memory_space<semaphore_mem>>) src(%dma_wait3A_118 : memref<10000x128xf32, #tpu.memory_space<hbm>>) dst(%arg10 : memref<128x128xf32, #tpu.memory_space<vmem>>)
      %dma_start3A_119 = arith.constant 0 : i32
      %dma_start3A_120 = tpu.memref_slice %arg8[%add3A_112, %dma_start3A_119] : memref<40x128xi32, #tpu.memory_space<vmem>> -> memref<1x128xi32, #tpu.memory_space<vmem>>
      %dma_start3A_121 = tpu.memref_squeeze %dma_start3A_120 : memref<1x128xi32, #tpu.memory_space<vmem>> -> memref<128xi32, #tpu.memory_space<vmem>>
      %dma_start3A_122 = arith.constant 0 : i32
      %dma_start3A_123 = arith.constant 0 : i32
      %dma_start3A_124 = tpu.memref_slice %arg11[%dma_start3A_122, %dma_start3A_123] : memref<10112x128xf32, #tpu.memory_space<vmem_shared>> -> memref<10112x128xf32, #tpu.memory_space<vmem_shared>>
      tpu.enqueue_indirect_dma source(%arg10 : memref<128x128xf32, #tpu.memory_space<vmem>>) target(%dma_start3A_124 : memref<10112x128xf32, #tpu.memory_space<vmem_shared>>) offsets(%dma_start3A_121 : memref<128xi32, #tpu.memory_space<vmem>>) semaphore(%arg15 : memref<!tpu.dma_semaphore, #tpu.memory_space<semaphore_mem>>) {add = true}
      %add3A_125 = arith.constant 2 : i32
      %add3A_126 = arith.addi %add3A_112, %add3A_125 : i32
      %lt3A_127 = arith.constant 40 : i32
      %lt3A_128 = arith.cmpi slt, %add3A_126, %lt3A_127 : i32
      %convert_element_type3A_129 = arith.extui %lt3A_128 : i1 to i32
      %cond3A_130 = arith.constant 0 : i32
      %cond3A_131 = arith.cmpi ne, %convert_element_type3A_129, %cond3A_130 : i32
      scf.if %cond3A_131 {
        %dma_wait3A_132 = arith.constant 0 : i32
        %dma_wait3A_133 = tpu.memref_slice %arg8[%add3A_112, %dma_wait3A_132] : memref<40x128xi32, #tpu.memory_space<vmem>> -> memref<1x128xi32, #tpu.memory_space<vmem>>
        %dma_wait3A_134 = tpu.memref_squeeze %dma_wait3A_133 : memref<1x128xi32, #tpu.memory_space<vmem>> -> memref<128xi32, #tpu.memory_space<vmem>>
        %dma_wait3A_135 = arith.constant 0 : i32
        %dma_wait3A_136 = arith.constant 0 : i32
        %dma_wait3A_137 = tpu.memref_slice %arg11[%dma_wait3A_135, %dma_wait3A_136] : memref<10112x128xf32, #tpu.memory_space<vmem_shared>> -> memref<10112x128xf32, #tpu.memory_space<vmem_shared>>
        tpu.wait_indirect_dma semaphore(%arg15 : memref<!tpu.dma_semaphore, #tpu.memory_space<semaphore_mem>>) src(%arg10 : memref<128x128xf32, #tpu.memory_space<vmem>>) dst(%dma_wait3A_137 : memref<10112x128xf32, #tpu.memory_space<vmem_shared>>)
        %dma_start3A_138 = arith.constant 0 : i32
        %dma_start3A_139 = tpu.memref_slice %arg7[%add3A_126, %dma_start3A_138] : memref<40x128xi32, #tpu.memory_space<vmem>> -> memref<1x128xi32, #tpu.memory_space<vmem>>
        %dma_start3A_140 = tpu.memref_squeeze %dma_start3A_139 : memref<1x128xi32, #tpu.memory_space<vmem>> -> memref<128xi32, #tpu.memory_space<vmem>>
        %dma_start3A_141 = arith.constant 0 : i32
        %dma_start3A_142 = arith.constant 0 : i32
        %dma_start3A_143 = tpu.memref_slice %arg2[%dma_start3A_141, %dma_start3A_142] : memref<10000x128xf32, #tpu.memory_space<hbm>> -> memref<10000x128xf32, #tpu.memory_space<hbm>>
        tpu.enqueue_indirect_dma source(%dma_start3A_143 : memref<10000x128xf32, #tpu.memory_space<hbm>>) target(%arg10 : memref<128x128xf32, #tpu.memory_space<vmem>>) offsets(%dma_start3A_140 : memref<128xi32, #tpu.memory_space<vmem>>) semaphore(%arg13 : memref<!tpu.dma_semaphore, #tpu.memory_space<semaphore_mem>>)
      } else {
      }
    }
    %scan3A_28 = arith.constant 20 : i32
    %dma_wait3A = arith.constant 38 : i32
    %dma_wait3A_29 = arith.constant 0 : i32
    %dma_wait3A_30 = tpu.memref_slice %arg8[%dma_wait3A, %dma_wait3A_29] : memref<40x128xi32, #tpu.memory_space<vmem>> -> memref<1x128xi32, #tpu.memory_space<vmem>>
    %dma_wait3A_31 = tpu.memref_squeeze %dma_wait3A_30 : memref<1x128xi32, #tpu.memory_space<vmem>> -> memref<128xi32, #tpu.memory_space<vmem>>
    %dma_wait3A_32 = arith.constant 0 : i32
    %dma_wait3A_33 = arith.constant 0 : i32
    %dma_wait3A_34 = tpu.memref_slice %arg11[%dma_wait3A_32, %dma_wait3A_33] : memref<10112x128xf32, #tpu.memory_space<vmem_shared>> -> memref<10112x128xf32, #tpu.memory_space<vmem_shared>>
    tpu.wait_indirect_dma semaphore(%arg14 : memref<!tpu.dma_semaphore, #tpu.memory_space<semaphore_mem>>) src(%arg9 : memref<128x128xf32, #tpu.memory_space<vmem>>) dst(%dma_wait3A_34 : memref<10112x128xf32, #tpu.memory_space<vmem_shared>>)
    %dma_wait3A_35 = arith.constant 39 : i32
    %dma_wait3A_36 = arith.constant 0 : i32
    %dma_wait3A_37 = tpu.memref_slice %arg8[%dma_wait3A_35, %dma_wait3A_36] : memref<40x128xi32, #tpu.memory_space<vmem>> -> memref<1x128xi32, #tpu.memory_space<vmem>>
    %dma_wait3A_38 = tpu.memref_squeeze %dma_wait3A_37 : memref<1x128xi32, #tpu.memory_space<vmem>> -> memref<128xi32, #tpu.memory_space<vmem>>
    %dma_wait3A_39 = arith.constant 0 : i32
    %dma_wait3A_40 = arith.constant 0 : i32
    %dma_wait3A_41 = tpu.memref_slice %arg11[%dma_wait3A_39, %dma_wait3A_40] : memref<10112x128xf32, #tpu.memory_space<vmem_shared>> -> memref<10112x128xf32, #tpu.memory_space<vmem_shared>>
    tpu.wait_indirect_dma semaphore(%arg15 : memref<!tpu.dma_semaphore, #tpu.memory_space<semaphore_mem>>) src(%arg10 : memref<128x128xf32, #tpu.memory_space<vmem>>) dst(%dma_wait3A_41 : memref<10112x128xf32, #tpu.memory_space<vmem_shared>>)
    %mul3A_42 = arith.constant 80 : i32
    %mul3A_43 = arith.muli %add3A, %mul3A_42 : i32
    %add3A_44 = arith.constant 40 : i32
    %add3A_45 = arith.addi %mul3A_43, %add3A_44 : i32
    "tpu.region"() ({
      %run_scoped3A = tpu.sem_alloc : memref<!tpu.dma_semaphore, #tpu.memory_space<semaphore_mem>>
      %dma_start3A_88 = arith.constant 0 : i32
      %dma_start3A_89 = tpu.memref_slice %arg3[%add3A_45, %dma_start3A_88] : memref<2560x128xi32, #tpu.memory_space<hbm>> -> memref<40x128xi32, #tpu.memory_space<hbm>>
      %dma_start3A_90 = arith.constant 0 : i32
      %dma_start3A_91 = tpu.memref_slice %arg3[%add3A_45, %dma_start3A_90] : memref<2560x128xi32, #tpu.memory_space<hbm>> -> memref<40x128xi32, #tpu.memory_space<hbm>>
      tpu.enqueue_dma source(%dma_start3A_91 : memref<40x128xi32, #tpu.memory_space<hbm>>) target(%arg7 : memref<40x128xi32, #tpu.memory_space<vmem>>) target_semaphore(%run_scoped3A : memref<!tpu.dma_semaphore, #tpu.memory_space<semaphore_mem>>)
      %dma_wait3A_92 = arith.constant 0 : i32
      %dma_wait3A_93 = tpu.memref_slice %arg3[%add3A_45, %dma_wait3A_92] : memref<2560x128xi32, #tpu.memory_space<hbm>> -> memref<40x128xi32, #tpu.memory_space<hbm>>
      %dma_wait3A_94 = arith.constant 0 : i32
      %dma_wait3A_95 = tpu.memref_slice %arg3[%add3A_45, %dma_wait3A_94] : memref<2560x128xi32, #tpu.memory_space<hbm>> -> memref<40x128xi32, #tpu.memory_space<hbm>>
      tpu.wait_dma2 semaphore(%run_scoped3A : memref<!tpu.dma_semaphore, #tpu.memory_space<semaphore_mem>>) src(%dma_wait3A_95 : memref<40x128xi32, #tpu.memory_space<hbm>>) dst(%arg7 : memref<40x128xi32, #tpu.memory_space<vmem>>)
      tpu.yield
    }) : () -> ()
    %mul3A_46 = arith.constant 80 : i32
    %mul3A_47 = arith.muli %add3A, %mul3A_46 : i32
    %add3A_48 = arith.constant 40 : i32
    %add3A_49 = arith.addi %mul3A_47, %add3A_48 : i32
    "tpu.region"() ({
      %run_scoped3A = tpu.sem_alloc : memref<!tpu.dma_semaphore, #tpu.memory_space<semaphore_mem>>
      %dma_start3A_88 = arith.constant 0 : i32
      %dma_start3A_89 = tpu.memref_slice %arg4[%add3A_49, %dma_start3A_88] : memref<2560x128xi32, #tpu.memory_space<hbm>> -> memref<40x128xi32, #tpu.memory_space<hbm>>
      %dma_start3A_90 = arith.constant 0 : i32
      %dma_start3A_91 = tpu.memref_slice %arg4[%add3A_49, %dma_start3A_90] : memref<2560x128xi32, #tpu.memory_space<hbm>> -> memref<40x128xi32, #tpu.memory_space<hbm>>
      tpu.enqueue_dma source(%dma_start3A_91 : memref<40x128xi32, #tpu.memory_space<hbm>>) target(%arg8 : memref<40x128xi32, #tpu.memory_space<vmem>>) target_semaphore(%run_scoped3A : memref<!tpu.dma_semaphore, #tpu.memory_space<semaphore_mem>>)
      %dma_wait3A_92 = arith.constant 0 : i32
      %dma_wait3A_93 = tpu.memref_slice %arg4[%add3A_49, %dma_wait3A_92] : memref<2560x128xi32, #tpu.memory_space<hbm>> -> memref<40x128xi32, #tpu.memory_space<hbm>>
      %dma_wait3A_94 = arith.constant 0 : i32
      %dma_wait3A_95 = tpu.memref_slice %arg4[%add3A_49, %dma_wait3A_94] : memref<2560x128xi32, #tpu.memory_space<hbm>> -> memref<40x128xi32, #tpu.memory_space<hbm>>
      tpu.wait_dma2 semaphore(%run_scoped3A : memref<!tpu.dma_semaphore, #tpu.memory_space<semaphore_mem>>) src(%dma_wait3A_95 : memref<40x128xi32, #tpu.memory_space<hbm>>) dst(%arg8 : memref<40x128xi32, #tpu.memory_space<vmem>>)
      tpu.yield
    }) : () -> ()
    %dma_start3A_50 = arith.constant 0 : i32
    %dma_start3A_51 = arith.constant 0 : i32
    %dma_start3A_52 = tpu.memref_slice %arg7[%dma_start3A_50, %dma_start3A_51] : memref<40x128xi32, #tpu.memory_space<vmem>> -> memref<1x128xi32, #tpu.memory_space<vmem>>
    %dma_start3A_53 = tpu.memref_squeeze %dma_start3A_52 : memref<1x128xi32, #tpu.memory_space<vmem>> -> memref<128xi32, #tpu.memory_space<vmem>>
    %dma_start3A_54 = arith.constant 0 : i32
    %dma_start3A_55 = arith.constant 0 : i32
    %dma_start3A_56 = tpu.memref_slice %arg2[%dma_start3A_54, %dma_start3A_55] : memref<10000x128xf32, #tpu.memory_space<hbm>> -> memref<10000x128xf32, #tpu.memory_space<hbm>>
    tpu.enqueue_indirect_dma source(%dma_start3A_56 : memref<10000x128xf32, #tpu.memory_space<hbm>>) target(%arg9 : memref<128x128xf32, #tpu.memory_space<vmem>>) offsets(%dma_start3A_53 : memref<128xi32, #tpu.memory_space<vmem>>) semaphore(%arg12 : memref<!tpu.dma_semaphore, #tpu.memory_space<semaphore_mem>>)
    %dma_start3A_57 = arith.constant 1 : i32
    %dma_start3A_58 = arith.constant 0 : i32
    %dma_start3A_59 = tpu.memref_slice %arg7[%dma_start3A_57, %dma_start3A_58] : memref<40x128xi32, #tpu.memory_space<vmem>> -> memref<1x128xi32, #tpu.memory_space<vmem>>
    %dma_start3A_60 = tpu.memref_squeeze %dma_start3A_59 : memref<1x128xi32, #tpu.memory_space<vmem>> -> memref<128xi32, #tpu.memory_space<vmem>>
    %dma_start3A_61 = arith.constant 0 : i32
    %dma_start3A_62 = arith.constant 0 : i32
    %dma_start3A_63 = tpu.memref_slice %arg2[%dma_start3A_61, %dma_start3A_62] : memref<10000x128xf32, #tpu.memory_space<hbm>> -> memref<10000x128xf32, #tpu.memory_space<hbm>>
    tpu.enqueue_indirect_dma source(%dma_start3A_63 : memref<10000x128xf32, #tpu.memory_space<hbm>>) target(%arg10 : memref<128x128xf32, #tpu.memory_space<vmem>>) offsets(%dma_start3A_60 : memref<128xi32, #tpu.memory_space<vmem>>) semaphore(%arg13 : memref<!tpu.dma_semaphore, #tpu.memory_space<semaphore_mem>>)
    %scan3A_64 = arith.constant 0 : i32
    %scan3A_65 = arith.constant 0 : i32
    %scan3A_66 = arith.constant 20 : i32
    %scan3A_67 = arith.addi %scan3A_65, %scan3A_66 : i32
    %scan3A_68 = arith.constant 1 : i32
    scf.for %scan3A_88 = %scan3A_65 to %scan3A_67 step %scan3A_68  : i32 {
      %mul3A_89 = arith.constant 2 : i32
      %mul3A_90 = arith.muli %scan3A_88, %mul3A_89 : i32
      %add3A_91 = arith.constant 0 : i32
      %add3A_92 = arith.addi %mul3A_90, %add3A_91 : i32
      %dma_wait3A_93 = arith.constant 0 : i32
      %dma_wait3A_94 = tpu.memref_slice %arg7[%add3A_92, %dma_wait3A_93] : memref<40x128xi32, #tpu.memory_space<vmem>> -> memref<1x128xi32, #tpu.memory_space<vmem>>
      %dma_wait3A_95 = tpu.memref_squeeze %dma_wait3A_94 : memref<1x128xi32, #tpu.memory_space<vmem>> -> memref<128xi32, #tpu.memory_space<vmem>>
      %dma_wait3A_96 = arith.constant 0 : i32
      %dma_wait3A_97 = arith.constant 0 : i32
      %dma_wait3A_98 = tpu.memref_slice %arg2[%dma_wait3A_96, %dma_wait3A_97] : memref<10000x128xf32, #tpu.memory_space<hbm>> -> memref<10000x128xf32, #tpu.memory_space<hbm>>
      tpu.wait_indirect_dma semaphore(%arg12 : memref<!tpu.dma_semaphore, #tpu.memory_space<semaphore_mem>>) src(%dma_wait3A_98 : memref<10000x128xf32, #tpu.memory_space<hbm>>) dst(%arg9 : memref<128x128xf32, #tpu.memory_space<vmem>>)
      %dma_start3A_99 = arith.constant 0 : i32
      %dma_start3A_100 = tpu.memref_slice %arg8[%add3A_92, %dma_start3A_99] : memref<40x128xi32, #tpu.memory_space<vmem>> -> memref<1x128xi32, #tpu.memory_space<vmem>>
      %dma_start3A_101 = tpu.memref_squeeze %dma_start3A_100 : memref<1x128xi32, #tpu.memory_space<vmem>> -> memref<128xi32, #tpu.memory_space<vmem>>
      %dma_start3A_102 = arith.constant 0 : i32
      %dma_start3A_103 = arith.constant 0 : i32
      %dma_start3A_104 = tpu.memref_slice %arg11[%dma_start3A_102, %dma_start3A_103] : memref<10112x128xf32, #tpu.memory_space<vmem_shared>> -> memref<10112x128xf32, #tpu.memory_space<vmem_shared>>
      tpu.enqueue_indirect_dma source(%arg9 : memref<128x128xf32, #tpu.memory_space<vmem>>) target(%dma_start3A_104 : memref<10112x128xf32, #tpu.memory_space<vmem_shared>>) offsets(%dma_start3A_101 : memref<128xi32, #tpu.memory_space<vmem>>) semaphore(%arg14 : memref<!tpu.dma_semaphore, #tpu.memory_space<semaphore_mem>>) {add = true}
      %add3A_105 = arith.constant 2 : i32
      %add3A_106 = arith.addi %add3A_92, %add3A_105 : i32
      %lt3A = arith.constant 40 : i32
      %lt3A_107 = arith.cmpi slt, %add3A_106, %lt3A : i32
      %convert_element_type3A = arith.extui %lt3A_107 : i1 to i32
      %cond3A = arith.constant 0 : i32
      %cond3A_108 = arith.cmpi ne, %convert_element_type3A, %cond3A : i32
      scf.if %cond3A_108 {
        %dma_wait3A_132 = arith.constant 0 : i32
        %dma_wait3A_133 = tpu.memref_slice %arg8[%add3A_92, %dma_wait3A_132] : memref<40x128xi32, #tpu.memory_space<vmem>> -> memref<1x128xi32, #tpu.memory_space<vmem>>
        %dma_wait3A_134 = tpu.memref_squeeze %dma_wait3A_133 : memref<1x128xi32, #tpu.memory_space<vmem>> -> memref<128xi32, #tpu.memory_space<vmem>>
        %dma_wait3A_135 = arith.constant 0 : i32
        %dma_wait3A_136 = arith.constant 0 : i32
        %dma_wait3A_137 = tpu.memref_slice %arg11[%dma_wait3A_135, %dma_wait3A_136] : memref<10112x128xf32, #tpu.memory_space<vmem_shared>> -> memref<10112x128xf32, #tpu.memory_space<vmem_shared>>
        tpu.wait_indirect_dma semaphore(%arg14 : memref<!tpu.dma_semaphore, #tpu.memory_space<semaphore_mem>>) src(%arg9 : memref<128x128xf32, #tpu.memory_space<vmem>>) dst(%dma_wait3A_137 : memref<10112x128xf32, #tpu.memory_space<vmem_shared>>)
        %dma_start3A_138 = arith.constant 0 : i32
        %dma_start3A_139 = tpu.memref_slice %arg7[%add3A_106, %dma_start3A_138] : memref<40x128xi32, #tpu.memory_space<vmem>> -> memref<1x128xi32, #tpu.memory_space<vmem>>
        %dma_start3A_140 = tpu.memref_squeeze %dma_start3A_139 : memref<1x128xi32, #tpu.memory_space<vmem>> -> memref<128xi32, #tpu.memory_space<vmem>>
        %dma_start3A_141 = arith.constant 0 : i32
        %dma_start3A_142 = arith.constant 0 : i32
        %dma_start3A_143 = tpu.memref_slice %arg2[%dma_start3A_141, %dma_start3A_142] : memref<10000x128xf32, #tpu.memory_space<hbm>> -> memref<10000x128xf32, #tpu.memory_space<hbm>>
        tpu.enqueue_indirect_dma source(%dma_start3A_143 : memref<10000x128xf32, #tpu.memory_space<hbm>>) target(%arg9 : memref<128x128xf32, #tpu.memory_space<vmem>>) offsets(%dma_start3A_140 : memref<128xi32, #tpu.memory_space<vmem>>) semaphore(%arg12 : memref<!tpu.dma_semaphore, #tpu.memory_space<semaphore_mem>>)
      } else {
      }
      %mul3A_109 = arith.constant 2 : i32
      %mul3A_110 = arith.muli %scan3A_88, %mul3A_109 : i32
      %add3A_111 = arith.constant 1 : i32
      %add3A_112 = arith.addi %mul3A_110, %add3A_111 : i32
      %dma_wait3A_113 = arith.constant 0 : i32
      %dma_wait3A_114 = tpu.memref_slice %arg7[%add3A_112, %dma_wait3A_113] : memref<40x128xi32, #tpu.memory_space<vmem>> -> memref<1x128xi32, #tpu.memory_space<vmem>>
      %dma_wait3A_115 = tpu.memref_squeeze %dma_wait3A_114 : memref<1x128xi32, #tpu.memory_space<vmem>> -> memref<128xi32, #tpu.memory_space<vmem>>
      %dma_wait3A_116 = arith.constant 0 : i32
      %dma_wait3A_117 = arith.constant 0 : i32
      %dma_wait3A_118 = tpu.memref_slice %arg2[%dma_wait3A_116, %dma_wait3A_117] : memref<10000x128xf32, #tpu.memory_space<hbm>> -> memref<10000x128xf32, #tpu.memory_space<hbm>>
      tpu.wait_indirect_dma semaphore(%arg13 : memref<!tpu.dma_semaphore, #tpu.memory_space<semaphore_mem>>) src(%dma_wait3A_118 : memref<10000x128xf32, #tpu.memory_space<hbm>>) dst(%arg10 : memref<128x128xf32, #tpu.memory_space<vmem>>)
      %dma_start3A_119 = arith.constant 0 : i32
      %dma_start3A_120 = tpu.memref_slice %arg8[%add3A_112, %dma_start3A_119] : memref<40x128xi32, #tpu.memory_space<vmem>> -> memref<1x128xi32, #tpu.memory_space<vmem>>
      %dma_start3A_121 = tpu.memref_squeeze %dma_start3A_120 : memref<1x128xi32, #tpu.memory_space<vmem>> -> memref<128xi32, #tpu.memory_space<vmem>>
      %dma_start3A_122 = arith.constant 0 : i32
      %dma_start3A_123 = arith.constant 0 : i32
      %dma_start3A_124 = tpu.memref_slice %arg11[%dma_start3A_122, %dma_start3A_123] : memref<10112x128xf32, #tpu.memory_space<vmem_shared>> -> memref<10112x128xf32, #tpu.memory_space<vmem_shared>>
      tpu.enqueue_indirect_dma source(%arg10 : memref<128x128xf32, #tpu.memory_space<vmem>>) target(%dma_start3A_124 : memref<10112x128xf32, #tpu.memory_space<vmem_shared>>) offsets(%dma_start3A_121 : memref<128xi32, #tpu.memory_space<vmem>>) semaphore(%arg15 : memref<!tpu.dma_semaphore, #tpu.memory_space<semaphore_mem>>) {add = true}
      %add3A_125 = arith.constant 2 : i32
      %add3A_126 = arith.addi %add3A_112, %add3A_125 : i32
      %lt3A_127 = arith.constant 40 : i32
      %lt3A_128 = arith.cmpi slt, %add3A_126, %lt3A_127 : i32
      %convert_element_type3A_129 = arith.extui %lt3A_128 : i1 to i32
      %cond3A_130 = arith.constant 0 : i32
      %cond3A_131 = arith.cmpi ne, %convert_element_type3A_129, %cond3A_130 : i32
      scf.if %cond3A_131 {
        %dma_wait3A_132 = arith.constant 0 : i32
        %dma_wait3A_133 = tpu.memref_slice %arg8[%add3A_112, %dma_wait3A_132] : memref<40x128xi32, #tpu.memory_space<vmem>> -> memref<1x128xi32, #tpu.memory_space<vmem>>
        %dma_wait3A_134 = tpu.memref_squeeze %dma_wait3A_133 : memref<1x128xi32, #tpu.memory_space<vmem>> -> memref<128xi32, #tpu.memory_space<vmem>>
        %dma_wait3A_135 = arith.constant 0 : i32
        %dma_wait3A_136 = arith.constant 0 : i32
        %dma_wait3A_137 = tpu.memref_slice %arg11[%dma_wait3A_135, %dma_wait3A_136] : memref<10112x128xf32, #tpu.memory_space<vmem_shared>> -> memref<10112x128xf32, #tpu.memory_space<vmem_shared>>
        tpu.wait_indirect_dma semaphore(%arg15 : memref<!tpu.dma_semaphore, #tpu.memory_space<semaphore_mem>>) src(%arg10 : memref<128x128xf32, #tpu.memory_space<vmem>>) dst(%dma_wait3A_137 : memref<10112x128xf32, #tpu.memory_space<vmem_shared>>)
        %dma_start3A_138 = arith.constant 0 : i32
        %dma_start3A_139 = tpu.memref_slice %arg7[%add3A_126, %dma_start3A_138] : memref<40x128xi32, #tpu.memory_space<vmem>> -> memref<1x128xi32, #tpu.memory_space<vmem>>
        %dma_start3A_140 = tpu.memref_squeeze %dma_start3A_139 : memref<1x128xi32, #tpu.memory_space<vmem>> -> memref<128xi32, #tpu.memory_space<vmem>>
        %dma_start3A_141 = arith.constant 0 : i32
        %dma_start3A_142 = arith.constant 0 : i32
        %dma_start3A_143 = tpu.memref_slice %arg2[%dma_start3A_141, %dma_start3A_142] : memref<10000x128xf32, #tpu.memory_space<hbm>> -> memref<10000x128xf32, #tpu.memory_space<hbm>>
        tpu.enqueue_indirect_dma source(%dma_start3A_143 : memref<10000x128xf32, #tpu.memory_space<hbm>>) target(%arg10 : memref<128x128xf32, #tpu.memory_space<vmem>>) offsets(%dma_start3A_140 : memref<128xi32, #tpu.memory_space<vmem>>) semaphore(%arg13 : memref<!tpu.dma_semaphore, #tpu.memory_space<semaphore_mem>>)
      } else {
      }
    }
    %scan3A_69 = arith.constant 20 : i32
    %dma_wait3A_70 = arith.constant 38 : i32
    %dma_wait3A_71 = arith.constant 0 : i32
    %dma_wait3A_72 = tpu.memref_slice %arg8[%dma_wait3A_70, %dma_wait3A_71] : memref<40x128xi32, #tpu.memory_space<vmem>> -> memref<1x128xi32, #tpu.memory_space<vmem>>
    %dma_wait3A_73 = tpu.memref_squeeze %dma_wait3A_72 : memref<1x128xi32, #tpu.memory_space<vmem>> -> memref<128xi32, #tpu.memory_space<vmem>>
    %dma_wait3A_74 = arith.constant 0 : i32
    %dma_wait3A_75 = arith.constant 0 : i32
    %dma_wait3A_76 = tpu.memref_slice %arg11[%dma_wait3A_74, %dma_wait3A_75] : memref<10112x128xf32, #tpu.memory_space<vmem_shared>> -> memref<10112x128xf32, #tpu.memory_space<vmem_shared>>
    tpu.wait_indirect_dma semaphore(%arg14 : memref<!tpu.dma_semaphore, #tpu.memory_space<semaphore_mem>>) src(%arg9 : memref<128x128xf32, #tpu.memory_space<vmem>>) dst(%dma_wait3A_76 : memref<10112x128xf32, #tpu.memory_space<vmem_shared>>)
    %dma_wait3A_77 = arith.constant 39 : i32
    %dma_wait3A_78 = arith.constant 0 : i32
    %dma_wait3A_79 = tpu.memref_slice %arg8[%dma_wait3A_77, %dma_wait3A_78] : memref<40x128xi32, #tpu.memory_space<vmem>> -> memref<1x128xi32, #tpu.memory_space<vmem>>
    %dma_wait3A_80 = tpu.memref_squeeze %dma_wait3A_79 : memref<1x128xi32, #tpu.memory_space<vmem>> -> memref<128xi32, #tpu.memory_space<vmem>>
    %dma_wait3A_81 = arith.constant 0 : i32
    %dma_wait3A_82 = arith.constant 0 : i32
    %dma_wait3A_83 = tpu.memref_slice %arg11[%dma_wait3A_81, %dma_wait3A_82] : memref<10112x128xf32, #tpu.memory_space<vmem_shared>> -> memref<10112x128xf32, #tpu.memory_space<vmem_shared>>
    tpu.wait_indirect_dma semaphore(%arg15 : memref<!tpu.dma_semaphore, #tpu.memory_space<semaphore_mem>>) src(%arg10 : memref<128x128xf32, #tpu.memory_space<vmem>>) dst(%dma_wait3A_83 : memref<10112x128xf32, #tpu.memory_space<vmem_shared>>)
    %barrier3A_84 = arith.constant 0 : index
    tpu.barrier barrier_id(%barrier3A_84)
    %mul3A_85 = arith.constant 10112 : i32
    %mul3A_86 = arith.muli %arg0, %mul3A_85 : i32
    %add3A_87 = arith.addi %mul3A_86, %mul3A_2 : i32
    "tpu.region"() ({
      %run_scoped3A = tpu.sem_alloc : memref<!tpu.dma_semaphore, #tpu.memory_space<semaphore_mem>>
      %dma_start3A_88 = arith.constant 0 : i32
      %dma_start3A_89 = tpu.memref_slice %arg6[%add3A_87, %dma_start3A_88] : memref<20224x128xf32, #tpu.memory_space<hbm>> -> memref<632x128xf32, #tpu.memory_space<hbm>>
      %dma_start3A_90 = arith.constant 0 : i32
      %dma_start3A_91 = tpu.memref_slice %arg11[%mul3A_2, %dma_start3A_90] : memref<10112x128xf32, #tpu.memory_space<vmem_shared>> -> memref<632x128xf32, #tpu.memory_space<vmem_shared>>
      tpu.enqueue_dma source(%dma_start3A_91 : memref<632x128xf32, #tpu.memory_space<vmem_shared>>) target(%dma_start3A_89 : memref<632x128xf32, #tpu.memory_space<hbm>>) target_semaphore(%run_scoped3A : memref<!tpu.dma_semaphore, #tpu.memory_space<semaphore_mem>>)
      %dma_wait3A_92 = arith.constant 0 : i32
      %dma_wait3A_93 = tpu.memref_slice %arg6[%add3A_87, %dma_wait3A_92] : memref<20224x128xf32, #tpu.memory_space<hbm>> -> memref<632x128xf32, #tpu.memory_space<hbm>>
      %dma_wait3A_94 = arith.constant 0 : i32
      %dma_wait3A_95 = tpu.memref_slice %arg11[%mul3A_2, %dma_wait3A_94] : memref<10112x128xf32, #tpu.memory_space<vmem_shared>> -> memref<632x128xf32, #tpu.memory_space<vmem_shared>>
      tpu.wait_dma2 semaphore(%run_scoped3A : memref<!tpu.dma_semaphore, #tpu.memory_space<semaphore_mem>>) src(%dma_wait3A_95 : memref<632x128xf32, #tpu.memory_space<vmem_shared>>) dst(%dma_wait3A_93 : memref<632x128xf32, #tpu.memory_space<hbm>>)
      tpu.yield
    }) : () -> ()
    return
  }
}

#map = affine_map<(d0, d1) -> (0, 0)>
module attributes {stable_mosaic.version = 14 : i64} {
  func.func @_sc_spmm(%arg0: i32, %arg1: i32, %arg2: memref<10000x128xf32, #tpu.memory_space<hbm>>, %arg3: memref<2560x128xi32, #tpu.memory_space<hbm>>, %arg4: memref<2560x128xi32, #tpu.memory_space<hbm>>, %arg5: memref<10112x128xf32, #tpu.memory_space<hbm>>, %arg6: memref<20224x128xf32, #tpu.memory_space<hbm>>, %arg7: memref<40x128xi32, #tpu.memory_space<vmem>>, %arg8: memref<40x128xi32, #tpu.memory_space<vmem>>, %arg9: memref<128x128xf32, #tpu.memory_space<vmem>>, %arg10: memref<128x128xf32, #tpu.memory_space<vmem>>, %arg11: memref<10112x128xf32, #tpu.memory_space<vmem_shared>>, %arg12: memref<!tpu.dma_semaphore, #tpu.memory_space<semaphore_mem>>, %arg13: memref<!tpu.dma_semaphore, #tpu.memory_space<semaphore_mem>>, %arg14: memref<!tpu.dma_semaphore, #tpu.memory_space<semaphore_mem>>, %arg15: memref<!tpu.dma_semaphore, #tpu.memory_space<semaphore_mem>>) attributes {dimension_semantics = [#tpu.dimension_semantics<core_parallel>, #tpu.dimension_semantics<subcore_parallel>], iteration_bounds = array<i64: 2, 16>, scalar_prefetch = 0 : i64, scratch_operands = 9 : i64, tpu.core_type = #tpu.core_type<sc_vector_subcore>, window_params = [{transform_indices = #map}, {transform_indices = #map}, {transform_indices = #map}, {transform_indices = #map}, {transform_indices = #map}]} {
    %mul3A = arith.constant 16 : i32
    %mul3A_0 = arith.muli %arg0, %mul3A : i32
    %add3A = arith.addi %mul3A_0, %arg1 : i32
    %mul3A_1 = arith.constant 632 : i32
    %mul3A_2 = arith.muli %arg1, %mul3A_1 : i32
    "tpu.region"() ({
      %run_scoped3A = tpu.sem_alloc : memref<!tpu.dma_semaphore, #tpu.memory_space<semaphore_mem>>
      %dma_start3A_88 = arith.constant 0 : i32
      %dma_start3A_89 = tpu.memref_slice %arg11[%mul3A_2, %dma_start3A_88] : memref<10112x128xf32, #tpu.memory_space<vmem_shared>> -> memref<632x128xf32, #tpu.memory_space<vmem_shared>>
      %dma_start3A_90 = arith.constant 0 : i32
      %dma_start3A_91 = tpu.memref_slice %arg5[%mul3A_2, %dma_start3A_90] : memref<10112x128xf32, #tpu.memory_space<hbm>> -> memref<632x128xf32, #tpu.memory_space<hbm>>
      tpu.enqueue_dma source(%dma_start3A_91 : memref<632x128xf32, #tpu.memory_space<hbm>>) target(%dma_start3A_89 : memref<632x128xf32, #tpu.memory_space<vmem_shared>>) target_semaphore(%run_scoped3A : memref<!tpu.dma_semaphore, #tpu.memory_space<semaphore_mem>>)
      %dma_wait3A_92 = arith.constant 0 : i32
      %dma_wait3A_93 = tpu.memref_slice %arg11[%mul3A_2, %dma_wait3A_92] : memref<10112x128xf32, #tpu.memory_space<vmem_shared>> -> memref<632x128xf32, #tpu.memory_space<vmem_shared>>
      %dma_wait3A_94 = arith.constant 0 : i32
      %dma_wait3A_95 = tpu.memref_slice %arg5[%mul3A_2, %dma_wait3A_94] : memref<10112x128xf32, #tpu.memory_space<hbm>> -> memref<632x128xf32, #tpu.memory_space<hbm>>
      tpu.wait_dma2 semaphore(%run_scoped3A : memref<!tpu.dma_semaphore, #tpu.memory_space<semaphore_mem>>) src(%dma_wait3A_95 : memref<632x128xf32, #tpu.memory_space<hbm>>) dst(%dma_wait3A_93 : memref<632x128xf32, #tpu.memory_space<vmem_shared>>)
      tpu.yield
    }) : () -> ()
    %barrier3A = arith.constant 0 : index
    tpu.barrier barrier_id(%barrier3A)
    %mul3A_3 = arith.constant 80 : i32
    %mul3A_4 = arith.muli %add3A, %mul3A_3 : i32
    %add3A_5 = arith.constant 0 : i32
    %add3A_6 = arith.addi %mul3A_4, %add3A_5 : i32
    "tpu.region"() ({
      %run_scoped3A = tpu.sem_alloc : memref<!tpu.dma_semaphore, #tpu.memory_space<semaphore_mem>>
      %dma_start3A_88 = arith.constant 0 : i32
      %dma_start3A_89 = tpu.memref_slice %arg3[%add3A_6, %dma_start3A_88] : memref<2560x128xi32, #tpu.memory_space<hbm>> -> memref<40x128xi32, #tpu.memory_space<hbm>>
      %dma_start3A_90 = arith.constant 0 : i32
      %dma_start3A_91 = tpu.memref_slice %arg3[%add3A_6, %dma_start3A_90] : memref<2560x128xi32, #tpu.memory_space<hbm>> -> memref<40x128xi32, #tpu.memory_space<hbm>>
      tpu.enqueue_dma source(%dma_start3A_91 : memref<40x128xi32, #tpu.memory_space<hbm>>) target(%arg7 : memref<40x128xi32, #tpu.memory_space<vmem>>) target_semaphore(%run_scoped3A : memref<!tpu.dma_semaphore, #tpu.memory_space<semaphore_mem>>)
      %dma_wait3A_92 = arith.constant 0 : i32
      %dma_wait3A_93 = tpu.memref_slice %arg3[%add3A_6, %dma_wait3A_92] : memref<2560x128xi32, #tpu.memory_space<hbm>> -> memref<40x128xi32, #tpu.memory_space<hbm>>
      %dma_wait3A_94 = arith.constant 0 : i32
      %dma_wait3A_95 = tpu.memref_slice %arg3[%add3A_6, %dma_wait3A_94] : memref<2560x128xi32, #tpu.memory_space<hbm>> -> memref<40x128xi32, #tpu.memory_space<hbm>>
      tpu.wait_dma2 semaphore(%run_scoped3A : memref<!tpu.dma_semaphore, #tpu.memory_space<semaphore_mem>>) src(%dma_wait3A_95 : memref<40x128xi32, #tpu.memory_space<hbm>>) dst(%arg7 : memref<40x128xi32, #tpu.memory_space<vmem>>)
      tpu.yield
    }) : () -> ()
    %mul3A_7 = arith.constant 80 : i32
    %mul3A_8 = arith.muli %add3A, %mul3A_7 : i32
    %add3A_9 = arith.constant 0 : i32
    %add3A_10 = arith.addi %mul3A_8, %add3A_9 : i32
    "tpu.region"() ({
      %run_scoped3A = tpu.sem_alloc : memref<!tpu.dma_semaphore, #tpu.memory_space<semaphore_mem>>
      %dma_start3A_88 = arith.constant 0 : i32
      %dma_start3A_89 = tpu.memref_slice %arg4[%add3A_10, %dma_start3A_88] : memref<2560x128xi32, #tpu.memory_space<hbm>> -> memref<40x128xi32, #tpu.memory_space<hbm>>
      %dma_start3A_90 = arith.constant 0 : i32
      %dma_start3A_91 = tpu.memref_slice %arg4[%add3A_10, %dma_start3A_90] : memref<2560x128xi32, #tpu.memory_space<hbm>> -> memref<40x128xi32, #tpu.memory_space<hbm>>
      tpu.enqueue_dma source(%dma_start3A_91 : memref<40x128xi32, #tpu.memory_space<hbm>>) target(%arg8 : memref<40x128xi32, #tpu.memory_space<vmem>>) target_semaphore(%run_scoped3A : memref<!tpu.dma_semaphore, #tpu.memory_space<semaphore_mem>>)
      %dma_wait3A_92 = arith.constant 0 : i32
      %dma_wait3A_93 = tpu.memref_slice %arg4[%add3A_10, %dma_wait3A_92] : memref<2560x128xi32, #tpu.memory_space<hbm>> -> memref<40x128xi32, #tpu.memory_space<hbm>>
      %dma_wait3A_94 = arith.constant 0 : i32
      %dma_wait3A_95 = tpu.memref_slice %arg4[%add3A_10, %dma_wait3A_94] : memref<2560x128xi32, #tpu.memory_space<hbm>> -> memref<40x128xi32, #tpu.memory_space<hbm>>
      tpu.wait_dma2 semaphore(%run_scoped3A : memref<!tpu.dma_semaphore, #tpu.memory_space<semaphore_mem>>) src(%dma_wait3A_95 : memref<40x128xi32, #tpu.memory_space<hbm>>) dst(%arg8 : memref<40x128xi32, #tpu.memory_space<vmem>>)
      tpu.yield
    }) : () -> ()
    %dma_start3A = arith.constant 0 : i32
    %dma_start3A_11 = arith.constant 0 : i32
    %dma_start3A_12 = tpu.memref_slice %arg7[%dma_start3A, %dma_start3A_11] : memref<40x128xi32, #tpu.memory_space<vmem>> -> memref<1x128xi32, #tpu.memory_space<vmem>>
    %dma_start3A_13 = tpu.memref_squeeze %dma_start3A_12 : memref<1x128xi32, #tpu.memory_space<vmem>> -> memref<128xi32, #tpu.memory_space<vmem>>
    %dma_start3A_14 = arith.constant 0 : i32
    %dma_start3A_15 = arith.constant 0 : i32
    %dma_start3A_16 = tpu.memref_slice %arg2[%dma_start3A_14, %dma_start3A_15] : memref<10000x128xf32, #tpu.memory_space<hbm>> -> memref<10000x128xf32, #tpu.memory_space<hbm>>
    tpu.enqueue_indirect_dma source(%dma_start3A_16 : memref<10000x128xf32, #tpu.memory_space<hbm>>) target(%arg9 : memref<128x128xf32, #tpu.memory_space<vmem>>) offsets(%dma_start3A_13 : memref<128xi32, #tpu.memory_space<vmem>>) semaphore(%arg12 : memref<!tpu.dma_semaphore, #tpu.memory_space<semaphore_mem>>)
    %dma_start3A_17 = arith.constant 1 : i32
    %dma_start3A_18 = arith.constant 0 : i32
    %dma_start3A_19 = tpu.memref_slice %arg7[%dma_start3A_17, %dma_start3A_18] : memref<40x128xi32, #tpu.memory_space<vmem>> -> memref<1x128xi32, #tpu.memory_space<vmem>>
    %dma_start3A_20 = tpu.memref_squeeze %dma_start3A_19 : memref<1x128xi32, #tpu.memory_space<vmem>> -> memref<128xi32, #tpu.memory_space<vmem>>
    %dma_start3A_21 = arith.constant 0 : i32
    %dma_start3A_22 = arith.constant 0 : i32
    %dma_start3A_23 = tpu.memref_slice %arg2[%dma_start3A_21, %dma_start3A_22] : memref<10000x128xf32, #tpu.memory_space<hbm>> -> memref<10000x128xf32, #tpu.memory_space<hbm>>
    tpu.enqueue_indirect_dma source(%dma_start3A_23 : memref<10000x128xf32, #tpu.memory_space<hbm>>) target(%arg10 : memref<128x128xf32, #tpu.memory_space<vmem>>) offsets(%dma_start3A_20 : memref<128xi32, #tpu.memory_space<vmem>>) semaphore(%arg13 : memref<!tpu.dma_semaphore, #tpu.memory_space<semaphore_mem>>)
    %scan3A = arith.constant 0 : i32
    %scan3A_24 = arith.constant 0 : i32
    %scan3A_25 = arith.constant 20 : i32
    %scan3A_26 = arith.addi %scan3A_24, %scan3A_25 : i32
    %scan3A_27 = arith.constant 1 : i32
    scf.for %scan3A_88 = %scan3A_24 to %scan3A_26 step %scan3A_27  : i32 {
      %mul3A_89 = arith.constant 2 : i32
      %mul3A_90 = arith.muli %scan3A_88, %mul3A_89 : i32
      %add3A_91 = arith.constant 0 : i32
      %add3A_92 = arith.addi %mul3A_90, %add3A_91 : i32
      %dma_wait3A_93 = arith.constant 0 : i32
      %dma_wait3A_94 = tpu.memref_slice %arg7[%add3A_92, %dma_wait3A_93] : memref<40x128xi32, #tpu.memory_space<vmem>> -> memref<1x128xi32, #tpu.memory_space<vmem>>
      %dma_wait3A_95 = tpu.memref_squeeze %dma_wait3A_94 : memref<1x128xi32, #tpu.memory_space<vmem>> -> memref<128xi32, #tpu.memory_space<vmem>>
      %dma_wait3A_96 = arith.constant 0 : i32
      %dma_wait3A_97 = arith.constant 0 : i32
      %dma_wait3A_98 = tpu.memref_slice %arg2[%dma_wait3A_96, %dma_wait3A_97] : memref<10000x128xf32, #tpu.memory_space<hbm>> -> memref<10000x128xf32, #tpu.memory_space<hbm>>
      tpu.wait_indirect_dma semaphore(%arg12 : memref<!tpu.dma_semaphore, #tpu.memory_space<semaphore_mem>>) src(%dma_wait3A_98 : memref<10000x128xf32, #tpu.memory_space<hbm>>) dst(%arg9 : memref<128x128xf32, #tpu.memory_space<vmem>>)
      %dma_start3A_99 = arith.constant 0 : i32
      %dma_start3A_100 = tpu.memref_slice %arg8[%add3A_92, %dma_start3A_99] : memref<40x128xi32, #tpu.memory_space<vmem>> -> memref<1x128xi32, #tpu.memory_space<vmem>>
      %dma_start3A_101 = tpu.memref_squeeze %dma_start3A_100 : memref<1x128xi32, #tpu.memory_space<vmem>> -> memref<128xi32, #tpu.memory_space<vmem>>
      %dma_start3A_102 = arith.constant 0 : i32
      %dma_start3A_103 = arith.constant 0 : i32
      %dma_start3A_104 = tpu.memref_slice %arg11[%dma_start3A_102, %dma_start3A_103] : memref<10112x128xf32, #tpu.memory_space<vmem_shared>> -> memref<10112x128xf32, #tpu.memory_space<vmem_shared>>
      tpu.enqueue_indirect_dma source(%arg9 : memref<128x128xf32, #tpu.memory_space<vmem>>) target(%dma_start3A_104 : memref<10112x128xf32, #tpu.memory_space<vmem_shared>>) offsets(%dma_start3A_101 : memref<128xi32, #tpu.memory_space<vmem>>) semaphore(%arg14 : memref<!tpu.dma_semaphore, #tpu.memory_space<semaphore_mem>>) {add = true}
      %add3A_105 = arith.constant 2 : i32
      %add3A_106 = arith.addi %add3A_92, %add3A_105 : i32
      %lt3A = arith.constant 40 : i32
      %lt3A_107 = arith.cmpi slt, %add3A_106, %lt3A : i32
      %convert_element_type3A = arith.extui %lt3A_107 : i1 to i32
      %cond3A = arith.constant 0 : i32
      %cond3A_108 = arith.cmpi ne, %convert_element_type3A, %cond3A : i32
      scf.if %cond3A_108 {
        %dma_wait3A_132 = arith.constant 0 : i32
        %dma_wait3A_133 = tpu.memref_slice %arg8[%add3A_92, %dma_wait3A_132] : memref<40x128xi32, #tpu.memory_space<vmem>> -> memref<1x128xi32, #tpu.memory_space<vmem>>
        %dma_wait3A_134 = tpu.memref_squeeze %dma_wait3A_133 : memref<1x128xi32, #tpu.memory_space<vmem>> -> memref<128xi32, #tpu.memory_space<vmem>>
        %dma_wait3A_135 = arith.constant 0 : i32
        %dma_wait3A_136 = arith.constant 0 : i32
        %dma_wait3A_137 = tpu.memref_slice %arg11[%dma_wait3A_135, %dma_wait3A_136] : memref<10112x128xf32, #tpu.memory_space<vmem_shared>> -> memref<10112x128xf32, #tpu.memory_space<vmem_shared>>
        tpu.wait_indirect_dma semaphore(%arg14 : memref<!tpu.dma_semaphore, #tpu.memory_space<semaphore_mem>>) src(%arg9 : memref<128x128xf32, #tpu.memory_space<vmem>>) dst(%dma_wait3A_137 : memref<10112x128xf32, #tpu.memory_space<vmem_shared>>)
        %dma_start3A_138 = arith.constant 0 : i32
        %dma_start3A_139 = tpu.memref_slice %arg7[%add3A_106, %dma_start3A_138] : memref<40x128xi32, #tpu.memory_space<vmem>> -> memref<1x128xi32, #tpu.memory_space<vmem>>
        %dma_start3A_140 = tpu.memref_squeeze %dma_start3A_139 : memref<1x128xi32, #tpu.memory_space<vmem>> -> memref<128xi32, #tpu.memory_space<vmem>>
        %dma_start3A_141 = arith.constant 0 : i32
        %dma_start3A_142 = arith.constant 0 : i32
        %dma_start3A_143 = tpu.memref_slice %arg2[%dma_start3A_141, %dma_start3A_142] : memref<10000x128xf32, #tpu.memory_space<hbm>> -> memref<10000x128xf32, #tpu.memory_space<hbm>>
        tpu.enqueue_indirect_dma source(%dma_start3A_143 : memref<10000x128xf32, #tpu.memory_space<hbm>>) target(%arg9 : memref<128x128xf32, #tpu.memory_space<vmem>>) offsets(%dma_start3A_140 : memref<128xi32, #tpu.memory_space<vmem>>) semaphore(%arg12 : memref<!tpu.dma_semaphore, #tpu.memory_space<semaphore_mem>>)
      } else {
      }
      %mul3A_109 = arith.constant 2 : i32
      %mul3A_110 = arith.muli %scan3A_88, %mul3A_109 : i32
      %add3A_111 = arith.constant 1 : i32
      %add3A_112 = arith.addi %mul3A_110, %add3A_111 : i32
      %dma_wait3A_113 = arith.constant 0 : i32
      %dma_wait3A_114 = tpu.memref_slice %arg7[%add3A_112, %dma_wait3A_113] : memref<40x128xi32, #tpu.memory_space<vmem>> -> memref<1x128xi32, #tpu.memory_space<vmem>>
      %dma_wait3A_115 = tpu.memref_squeeze %dma_wait3A_114 : memref<1x128xi32, #tpu.memory_space<vmem>> -> memref<128xi32, #tpu.memory_space<vmem>>
      %dma_wait3A_116 = arith.constant 0 : i32
      %dma_wait3A_117 = arith.constant 0 : i32
      %dma_wait3A_118 = tpu.memref_slice %arg2[%dma_wait3A_116, %dma_wait3A_117] : memref<10000x128xf32, #tpu.memory_space<hbm>> -> memref<10000x128xf32, #tpu.memory_space<hbm>>
      tpu.wait_indirect_dma semaphore(%arg13 : memref<!tpu.dma_semaphore, #tpu.memory_space<semaphore_mem>>) src(%dma_wait3A_118 : memref<10000x128xf32, #tpu.memory_space<hbm>>) dst(%arg10 : memref<128x128xf32, #tpu.memory_space<vmem>>)
      %dma_start3A_119 = arith.constant 0 : i32
      %dma_start3A_120 = tpu.memref_slice %arg8[%add3A_112, %dma_start3A_119] : memref<40x128xi32, #tpu.memory_space<vmem>> -> memref<1x128xi32, #tpu.memory_space<vmem>>
      %dma_start3A_121 = tpu.memref_squeeze %dma_start3A_120 : memref<1x128xi32, #tpu.memory_space<vmem>> -> memref<128xi32, #tpu.memory_space<vmem>>
      %dma_start3A_122 = arith.constant 0 : i32
      %dma_start3A_123 = arith.constant 0 : i32
      %dma_start3A_124 = tpu.memref_slice %arg11[%dma_start3A_122, %dma_start3A_123] : memref<10112x128xf32, #tpu.memory_space<vmem_shared>> -> memref<10112x128xf32, #tpu.memory_space<vmem_shared>>
      tpu.enqueue_indirect_dma source(%arg10 : memref<128x128xf32, #tpu.memory_space<vmem>>) target(%dma_start3A_124 : memref<10112x128xf32, #tpu.memory_space<vmem_shared>>) offsets(%dma_start3A_121 : memref<128xi32, #tpu.memory_space<vmem>>) semaphore(%arg15 : memref<!tpu.dma_semaphore, #tpu.memory_space<semaphore_mem>>) {add = true}
      %add3A_125 = arith.constant 2 : i32
      %add3A_126 = arith.addi %add3A_112, %add3A_125 : i32
      %lt3A_127 = arith.constant 40 : i32
      %lt3A_128 = arith.cmpi slt, %add3A_126, %lt3A_127 : i32
      %convert_element_type3A_129 = arith.extui %lt3A_128 : i1 to i32
      %cond3A_130 = arith.constant 0 : i32
      %cond3A_131 = arith.cmpi ne, %convert_element_type3A_129, %cond3A_130 : i32
      scf.if %cond3A_131 {
        %dma_wait3A_132 = arith.constant 0 : i32
        %dma_wait3A_133 = tpu.memref_slice %arg8[%add3A_112, %dma_wait3A_132] : memref<40x128xi32, #tpu.memory_space<vmem>> -> memref<1x128xi32, #tpu.memory_space<vmem>>
        %dma_wait3A_134 = tpu.memref_squeeze %dma_wait3A_133 : memref<1x128xi32, #tpu.memory_space<vmem>> -> memref<128xi32, #tpu.memory_space<vmem>>
        %dma_wait3A_135 = arith.constant 0 : i32
        %dma_wait3A_136 = arith.constant 0 : i32
        %dma_wait3A_137 = tpu.memref_slice %arg11[%dma_wait3A_135, %dma_wait3A_136] : memref<10112x128xf32, #tpu.memory_space<vmem_shared>> -> memref<10112x128xf32, #tpu.memory_space<vmem_shared>>
        tpu.wait_indirect_dma semaphore(%arg15 : memref<!tpu.dma_semaphore, #tpu.memory_space<semaphore_mem>>) src(%arg10 : memref<128x128xf32, #tpu.memory_space<vmem>>) dst(%dma_wait3A_137 : memref<10112x128xf32, #tpu.memory_space<vmem_shared>>)
        %dma_start3A_138 = arith.constant 0 : i32
        %dma_start3A_139 = tpu.memref_slice %arg7[%add3A_126, %dma_start3A_138] : memref<40x128xi32, #tpu.memory_space<vmem>> -> memref<1x128xi32, #tpu.memory_space<vmem>>
        %dma_start3A_140 = tpu.memref_squeeze %dma_start3A_139 : memref<1x128xi32, #tpu.memory_space<vmem>> -> memref<128xi32, #tpu.memory_space<vmem>>
        %dma_start3A_141 = arith.constant 0 : i32
        %dma_start3A_142 = arith.constant 0 : i32
        %dma_start3A_143 = tpu.memref_slice %arg2[%dma_start3A_141, %dma_start3A_142] : memref<10000x128xf32, #tpu.memory_space<hbm>> -> memref<10000x128xf32, #tpu.memory_space<hbm>>
        tpu.enqueue_indirect_dma source(%dma_start3A_143 : memref<10000x128xf32, #tpu.memory_space<hbm>>) target(%arg10 : memref<128x128xf32, #tpu.memory_space<vmem>>) offsets(%dma_start3A_140 : memref<128xi32, #tpu.memory_space<vmem>>) semaphore(%arg13 : memref<!tpu.dma_semaphore, #tpu.memory_space<semaphore_mem>>)
      } else {
      }
    }
    %scan3A_28 = arith.constant 20 : i32
    %dma_wait3A = arith.constant 38 : i32
    %dma_wait3A_29 = arith.constant 0 : i32
    %dma_wait3A_30 = tpu.memref_slice %arg8[%dma_wait3A, %dma_wait3A_29] : memref<40x128xi32, #tpu.memory_space<vmem>> -> memref<1x128xi32, #tpu.memory_space<vmem>>
    %dma_wait3A_31 = tpu.memref_squeeze %dma_wait3A_30 : memref<1x128xi32, #tpu.memory_space<vmem>> -> memref<128xi32, #tpu.memory_space<vmem>>
    %dma_wait3A_32 = arith.constant 0 : i32
    %dma_wait3A_33 = arith.constant 0 : i32
    %dma_wait3A_34 = tpu.memref_slice %arg11[%dma_wait3A_32, %dma_wait3A_33] : memref<10112x128xf32, #tpu.memory_space<vmem_shared>> -> memref<10112x128xf32, #tpu.memory_space<vmem_shared>>
    tpu.wait_indirect_dma semaphore(%arg14 : memref<!tpu.dma_semaphore, #tpu.memory_space<semaphore_mem>>) src(%arg9 : memref<128x128xf32, #tpu.memory_space<vmem>>) dst(%dma_wait3A_34 : memref<10112x128xf32, #tpu.memory_space<vmem_shared>>)
    %dma_wait3A_35 = arith.constant 39 : i32
    %dma_wait3A_36 = arith.constant 0 : i32
    %dma_wait3A_37 = tpu.memref_slice %arg8[%dma_wait3A_35, %dma_wait3A_36] : memref<40x128xi32, #tpu.memory_space<vmem>> -> memref<1x128xi32, #tpu.memory_space<vmem>>
    %dma_wait3A_38 = tpu.memref_squeeze %dma_wait3A_37 : memref<1x128xi32, #tpu.memory_space<vmem>> -> memref<128xi32, #tpu.memory_space<vmem>>
    %dma_wait3A_39 = arith.constant 0 : i32
    %dma_wait3A_40 = arith.constant 0 : i32
    %dma_wait3A_41 = tpu.memref_slice %arg11[%dma_wait3A_39, %dma_wait3A_40] : memref<10112x128xf32, #tpu.memory_space<vmem_shared>> -> memref<10112x128xf32, #tpu.memory_space<vmem_shared>>
    tpu.wait_indirect_dma semaphore(%arg15 : memref<!tpu.dma_semaphore, #tpu.memory_space<semaphore_mem>>) src(%arg10 : memref<128x128xf32, #tpu.memory_space<vmem>>) dst(%dma_wait3A_41 : memref<10112x128xf32, #tpu.memory_space<vmem_shared>>)
    %mul3A_42 = arith.constant 80 : i32
    %mul3A_43 = arith.muli %add3A, %mul3A_42 : i32
    %add3A_44 = arith.constant 40 : i32
    %add3A_45 = arith.addi %mul3A_43, %add3A_44 : i32
    "tpu.region"() ({
      %run_scoped3A = tpu.sem_alloc : memref<!tpu.dma_semaphore, #tpu.memory_space<semaphore_mem>>
      %dma_start3A_88 = arith.constant 0 : i32
      %dma_start3A_89 = tpu.memref_slice %arg3[%add3A_45, %dma_start3A_88] : memref<2560x128xi32, #tpu.memory_space<hbm>> -> memref<40x128xi32, #tpu.memory_space<hbm>>
      %dma_start3A_90 = arith.constant 0 : i32
      %dma_start3A_91 = tpu.memref_slice %arg3[%add3A_45, %dma_start3A_90] : memref<2560x128xi32, #tpu.memory_space<hbm>> -> memref<40x128xi32, #tpu.memory_space<hbm>>
      tpu.enqueue_dma source(%dma_start3A_91 : memref<40x128xi32, #tpu.memory_space<hbm>>) target(%arg7 : memref<40x128xi32, #tpu.memory_space<vmem>>) target_semaphore(%run_scoped3A : memref<!tpu.dma_semaphore, #tpu.memory_space<semaphore_mem>>)
      %dma_wait3A_92 = arith.constant 0 : i32
      %dma_wait3A_93 = tpu.memref_slice %arg3[%add3A_45, %dma_wait3A_92] : memref<2560x128xi32, #tpu.memory_space<hbm>> -> memref<40x128xi32, #tpu.memory_space<hbm>>
      %dma_wait3A_94 = arith.constant 0 : i32
      %dma_wait3A_95 = tpu.memref_slice %arg3[%add3A_45, %dma_wait3A_94] : memref<2560x128xi32, #tpu.memory_space<hbm>> -> memref<40x128xi32, #tpu.memory_space<hbm>>
      tpu.wait_dma2 semaphore(%run_scoped3A : memref<!tpu.dma_semaphore, #tpu.memory_space<semaphore_mem>>) src(%dma_wait3A_95 : memref<40x128xi32, #tpu.memory_space<hbm>>) dst(%arg7 : memref<40x128xi32, #tpu.memory_space<vmem>>)
      tpu.yield
    }) : () -> ()
    %mul3A_46 = arith.constant 80 : i32
    %mul3A_47 = arith.muli %add3A, %mul3A_46 : i32
    %add3A_48 = arith.constant 40 : i32
    %add3A_49 = arith.addi %mul3A_47, %add3A_48 : i32
    "tpu.region"() ({
      %run_scoped3A = tpu.sem_alloc : memref<!tpu.dma_semaphore, #tpu.memory_space<semaphore_mem>>
      %dma_start3A_88 = arith.constant 0 : i32
      %dma_start3A_89 = tpu.memref_slice %arg4[%add3A_49, %dma_start3A_88] : memref<2560x128xi32, #tpu.memory_space<hbm>> -> memref<40x128xi32, #tpu.memory_space<hbm>>
      %dma_start3A_90 = arith.constant 0 : i32
      %dma_start3A_91 = tpu.memref_slice %arg4[%add3A_49, %dma_start3A_90] : memref<2560x128xi32, #tpu.memory_space<hbm>> -> memref<40x128xi32, #tpu.memory_space<hbm>>
      tpu.enqueue_dma source(%dma_start3A_91 : memref<40x128xi32, #tpu.memory_space<hbm>>) target(%arg8 : memref<40x128xi32, #tpu.memory_space<vmem>>) target_semaphore(%run_scoped3A : memref<!tpu.dma_semaphore, #tpu.memory_space<semaphore_mem>>)
      %dma_wait3A_92 = arith.constant 0 : i32
      %dma_wait3A_93 = tpu.memref_slice %arg4[%add3A_49, %dma_wait3A_92] : memref<2560x128xi32, #tpu.memory_space<hbm>> -> memref<40x128xi32, #tpu.memory_space<hbm>>
      %dma_wait3A_94 = arith.constant 0 : i32
      %dma_wait3A_95 = tpu.memref_slice %arg4[%add3A_49, %dma_wait3A_94] : memref<2560x128xi32, #tpu.memory_space<hbm>> -> memref<40x128xi32, #tpu.memory_space<hbm>>
      tpu.wait_dma2 semaphore(%run_scoped3A : memref<!tpu.dma_semaphore, #tpu.memory_space<semaphore_mem>>) src(%dma_wait3A_95 : memref<40x128xi32, #tpu.memory_space<hbm>>) dst(%arg8 : memref<40x128xi32, #tpu.memory_space<vmem>>)
      tpu.yield
    }) : () -> ()
    %dma_start3A_50 = arith.constant 0 : i32
    %dma_start3A_51 = arith.constant 0 : i32
    %dma_start3A_52 = tpu.memref_slice %arg7[%dma_start3A_50, %dma_start3A_51] : memref<40x128xi32, #tpu.memory_space<vmem>> -> memref<1x128xi32, #tpu.memory_space<vmem>>
    %dma_start3A_53 = tpu.memref_squeeze %dma_start3A_52 : memref<1x128xi32, #tpu.memory_space<vmem>> -> memref<128xi32, #tpu.memory_space<vmem>>
    %dma_start3A_54 = arith.constant 0 : i32
    %dma_start3A_55 = arith.constant 0 : i32
    %dma_start3A_56 = tpu.memref_slice %arg2[%dma_start3A_54, %dma_start3A_55] : memref<10000x128xf32, #tpu.memory_space<hbm>> -> memref<10000x128xf32, #tpu.memory_space<hbm>>
    tpu.enqueue_indirect_dma source(%dma_start3A_56 : memref<10000x128xf32, #tpu.memory_space<hbm>>) target(%arg9 : memref<128x128xf32, #tpu.memory_space<vmem>>) offsets(%dma_start3A_53 : memref<128xi32, #tpu.memory_space<vmem>>) semaphore(%arg12 : memref<!tpu.dma_semaphore, #tpu.memory_space<semaphore_mem>>)
    %dma_start3A_57 = arith.constant 1 : i32
    %dma_start3A_58 = arith.constant 0 : i32
    %dma_start3A_59 = tpu.memref_slice %arg7[%dma_start3A_57, %dma_start3A_58] : memref<40x128xi32, #tpu.memory_space<vmem>> -> memref<1x128xi32, #tpu.memory_space<vmem>>
    %dma_start3A_60 = tpu.memref_squeeze %dma_start3A_59 : memref<1x128xi32, #tpu.memory_space<vmem>> -> memref<128xi32, #tpu.memory_space<vmem>>
    %dma_start3A_61 = arith.constant 0 : i32
    %dma_start3A_62 = arith.constant 0 : i32
    %dma_start3A_63 = tpu.memref_slice %arg2[%dma_start3A_61, %dma_start3A_62] : memref<10000x128xf32, #tpu.memory_space<hbm>> -> memref<10000x128xf32, #tpu.memory_space<hbm>>
    tpu.enqueue_indirect_dma source(%dma_start3A_63 : memref<10000x128xf32, #tpu.memory_space<hbm>>) target(%arg10 : memref<128x128xf32, #tpu.memory_space<vmem>>) offsets(%dma_start3A_60 : memref<128xi32, #tpu.memory_space<vmem>>) semaphore(%arg13 : memref<!tpu.dma_semaphore, #tpu.memory_space<semaphore_mem>>)
    %scan3A_64 = arith.constant 0 : i32
    %scan3A_65 = arith.constant 0 : i32
    %scan3A_66 = arith.constant 20 : i32
    %scan3A_67 = arith.addi %scan3A_65, %scan3A_66 : i32
    %scan3A_68 = arith.constant 1 : i32
    scf.for %scan3A_88 = %scan3A_65 to %scan3A_67 step %scan3A_68  : i32 {
      %mul3A_89 = arith.constant 2 : i32
      %mul3A_90 = arith.muli %scan3A_88, %mul3A_89 : i32
      %add3A_91 = arith.constant 0 : i32
      %add3A_92 = arith.addi %mul3A_90, %add3A_91 : i32
      %dma_wait3A_93 = arith.constant 0 : i32
      %dma_wait3A_94 = tpu.memref_slice %arg7[%add3A_92, %dma_wait3A_93] : memref<40x128xi32, #tpu.memory_space<vmem>> -> memref<1x128xi32, #tpu.memory_space<vmem>>
      %dma_wait3A_95 = tpu.memref_squeeze %dma_wait3A_94 : memref<1x128xi32, #tpu.memory_space<vmem>> -> memref<128xi32, #tpu.memory_space<vmem>>
      %dma_wait3A_96 = arith.constant 0 : i32
      %dma_wait3A_97 = arith.constant 0 : i32
      %dma_wait3A_98 = tpu.memref_slice %arg2[%dma_wait3A_96, %dma_wait3A_97] : memref<10000x128xf32, #tpu.memory_space<hbm>> -> memref<10000x128xf32, #tpu.memory_space<hbm>>
      tpu.wait_indirect_dma semaphore(%arg12 : memref<!tpu.dma_semaphore, #tpu.memory_space<semaphore_mem>>) src(%dma_wait3A_98 : memref<10000x128xf32, #tpu.memory_space<hbm>>) dst(%arg9 : memref<128x128xf32, #tpu.memory_space<vmem>>)
      %dma_start3A_99 = arith.constant 0 : i32
      %dma_start3A_100 = tpu.memref_slice %arg8[%add3A_92, %dma_start3A_99] : memref<40x128xi32, #tpu.memory_space<vmem>> -> memref<1x128xi32, #tpu.memory_space<vmem>>
      %dma_start3A_101 = tpu.memref_squeeze %dma_start3A_100 : memref<1x128xi32, #tpu.memory_space<vmem>> -> memref<128xi32, #tpu.memory_space<vmem>>
      %dma_start3A_102 = arith.constant 0 : i32
      %dma_start3A_103 = arith.constant 0 : i32
      %dma_start3A_104 = tpu.memref_slice %arg11[%dma_start3A_102, %dma_start3A_103] : memref<10112x128xf32, #tpu.memory_space<vmem_shared>> -> memref<10112x128xf32, #tpu.memory_space<vmem_shared>>
      tpu.enqueue_indirect_dma source(%arg9 : memref<128x128xf32, #tpu.memory_space<vmem>>) target(%dma_start3A_104 : memref<10112x128xf32, #tpu.memory_space<vmem_shared>>) offsets(%dma_start3A_101 : memref<128xi32, #tpu.memory_space<vmem>>) semaphore(%arg14 : memref<!tpu.dma_semaphore, #tpu.memory_space<semaphore_mem>>) {add = true}
      %add3A_105 = arith.constant 2 : i32
      %add3A_106 = arith.addi %add3A_92, %add3A_105 : i32
      %lt3A = arith.constant 40 : i32
      %lt3A_107 = arith.cmpi slt, %add3A_106, %lt3A : i32
      %convert_element_type3A = arith.extui %lt3A_107 : i1 to i32
      %cond3A = arith.constant 0 : i32
      %cond3A_108 = arith.cmpi ne, %convert_element_type3A, %cond3A : i32
      scf.if %cond3A_108 {
        %dma_wait3A_132 = arith.constant 0 : i32
        %dma_wait3A_133 = tpu.memref_slice %arg8[%add3A_92, %dma_wait3A_132] : memref<40x128xi32, #tpu.memory_space<vmem>> -> memref<1x128xi32, #tpu.memory_space<vmem>>
        %dma_wait3A_134 = tpu.memref_squeeze %dma_wait3A_133 : memref<1x128xi32, #tpu.memory_space<vmem>> -> memref<128xi32, #tpu.memory_space<vmem>>
        %dma_wait3A_135 = arith.constant 0 : i32
        %dma_wait3A_136 = arith.constant 0 : i32
        %dma_wait3A_137 = tpu.memref_slice %arg11[%dma_wait3A_135, %dma_wait3A_136] : memref<10112x128xf32, #tpu.memory_space<vmem_shared>> -> memref<10112x128xf32, #tpu.memory_space<vmem_shared>>
        tpu.wait_indirect_dma semaphore(%arg14 : memref<!tpu.dma_semaphore, #tpu.memory_space<semaphore_mem>>) src(%arg9 : memref<128x128xf32, #tpu.memory_space<vmem>>) dst(%dma_wait3A_137 : memref<10112x128xf32, #tpu.memory_space<vmem_shared>>)
        %dma_start3A_138 = arith.constant 0 : i32
        %dma_start3A_139 = tpu.memref_slice %arg7[%add3A_106, %dma_start3A_138] : memref<40x128xi32, #tpu.memory_space<vmem>> -> memref<1x128xi32, #tpu.memory_space<vmem>>
        %dma_start3A_140 = tpu.memref_squeeze %dma_start3A_139 : memref<1x128xi32, #tpu.memory_space<vmem>> -> memref<128xi32, #tpu.memory_space<vmem>>
        %dma_start3A_141 = arith.constant 0 : i32
        %dma_start3A_142 = arith.constant 0 : i32
        %dma_start3A_143 = tpu.memref_slice %arg2[%dma_start3A_141, %dma_start3A_142] : memref<10000x128xf32, #tpu.memory_space<hbm>> -> memref<10000x128xf32, #tpu.memory_space<hbm>>
        tpu.enqueue_indirect_dma source(%dma_start3A_143 : memref<10000x128xf32, #tpu.memory_space<hbm>>) target(%arg9 : memref<128x128xf32, #tpu.memory_space<vmem>>) offsets(%dma_start3A_140 : memref<128xi32, #tpu.memory_space<vmem>>) semaphore(%arg12 : memref<!tpu.dma_semaphore, #tpu.memory_space<semaphore_mem>>)
      } else {
      }
      %mul3A_109 = arith.constant 2 : i32
      %mul3A_110 = arith.muli %scan3A_88, %mul3A_109 : i32
      %add3A_111 = arith.constant 1 : i32
      %add3A_112 = arith.addi %mul3A_110, %add3A_111 : i32
      %dma_wait3A_113 = arith.constant 0 : i32
      %dma_wait3A_114 = tpu.memref_slice %arg7[%add3A_112, %dma_wait3A_113] : memref<40x128xi32, #tpu.memory_space<vmem>> -> memref<1x128xi32, #tpu.memory_space<vmem>>
      %dma_wait3A_115 = tpu.memref_squeeze %dma_wait3A_114 : memref<1x128xi32, #tpu.memory_space<vmem>> -> memref<128xi32, #tpu.memory_space<vmem>>
      %dma_wait3A_116 = arith.constant 0 : i32
      %dma_wait3A_117 = arith.constant 0 : i32
      %dma_wait3A_118 = tpu.memref_slice %arg2[%dma_wait3A_116, %dma_wait3A_117] : memref<10000x128xf32, #tpu.memory_space<hbm>> -> memref<10000x128xf32, #tpu.memory_space<hbm>>
      tpu.wait_indirect_dma semaphore(%arg13 : memref<!tpu.dma_semaphore, #tpu.memory_space<semaphore_mem>>) src(%dma_wait3A_118 : memref<10000x128xf32, #tpu.memory_space<hbm>>) dst(%arg10 : memref<128x128xf32, #tpu.memory_space<vmem>>)
      %dma_start3A_119 = arith.constant 0 : i32
      %dma_start3A_120 = tpu.memref_slice %arg8[%add3A_112, %dma_start3A_119] : memref<40x128xi32, #tpu.memory_space<vmem>> -> memref<1x128xi32, #tpu.memory_space<vmem>>
      %dma_start3A_121 = tpu.memref_squeeze %dma_start3A_120 : memref<1x128xi32, #tpu.memory_space<vmem>> -> memref<128xi32, #tpu.memory_space<vmem>>
      %dma_start3A_122 = arith.constant 0 : i32
      %dma_start3A_123 = arith.constant 0 : i32
      %dma_start3A_124 = tpu.memref_slice %arg11[%dma_start3A_122, %dma_start3A_123] : memref<10112x128xf32, #tpu.memory_space<vmem_shared>> -> memref<10112x128xf32, #tpu.memory_space<vmem_shared>>
      tpu.enqueue_indirect_dma source(%arg10 : memref<128x128xf32, #tpu.memory_space<vmem>>) target(%dma_start3A_124 : memref<10112x128xf32, #tpu.memory_space<vmem_shared>>) offsets(%dma_start3A_121 : memref<128xi32, #tpu.memory_space<vmem>>) semaphore(%arg15 : memref<!tpu.dma_semaphore, #tpu.memory_space<semaphore_mem>>) {add = true}
      %add3A_125 = arith.constant 2 : i32
      %add3A_126 = arith.addi %add3A_112, %add3A_125 : i32
      %lt3A_127 = arith.constant 40 : i32
      %lt3A_128 = arith.cmpi slt, %add3A_126, %lt3A_127 : i32
      %convert_element_type3A_129 = arith.extui %lt3A_128 : i1 to i32
      %cond3A_130 = arith.constant 0 : i32
      %cond3A_131 = arith.cmpi ne, %convert_element_type3A_129, %cond3A_130 : i32
      scf.if %cond3A_131 {
        %dma_wait3A_132 = arith.constant 0 : i32
        %dma_wait3A_133 = tpu.memref_slice %arg8[%add3A_112, %dma_wait3A_132] : memref<40x128xi32, #tpu.memory_space<vmem>> -> memref<1x128xi32, #tpu.memory_space<vmem>>
        %dma_wait3A_134 = tpu.memref_squeeze %dma_wait3A_133 : memref<1x128xi32, #tpu.memory_space<vmem>> -> memref<128xi32, #tpu.memory_space<vmem>>
        %dma_wait3A_135 = arith.constant 0 : i32
        %dma_wait3A_136 = arith.constant 0 : i32
        %dma_wait3A_137 = tpu.memref_slice %arg11[%dma_wait3A_135, %dma_wait3A_136] : memref<10112x128xf32, #tpu.memory_space<vmem_shared>> -> memref<10112x128xf32, #tpu.memory_space<vmem_shared>>
        tpu.wait_indirect_dma semaphore(%arg15 : memref<!tpu.dma_semaphore, #tpu.memory_space<semaphore_mem>>) src(%arg10 : memref<128x128xf32, #tpu.memory_space<vmem>>) dst(%dma_wait3A_137 : memref<10112x128xf32, #tpu.memory_space<vmem_shared>>)
        %dma_start3A_138 = arith.constant 0 : i32
        %dma_start3A_139 = tpu.memref_slice %arg7[%add3A_126, %dma_start3A_138] : memref<40x128xi32, #tpu.memory_space<vmem>> -> memref<1x128xi32, #tpu.memory_space<vmem>>
        %dma_start3A_140 = tpu.memref_squeeze %dma_start3A_139 : memref<1x128xi32, #tpu.memory_space<vmem>> -> memref<128xi32, #tpu.memory_space<vmem>>
        %dma_start3A_141 = arith.constant 0 : i32
        %dma_start3A_142 = arith.constant 0 : i32
        %dma_start3A_143 = tpu.memref_slice %arg2[%dma_start3A_141, %dma_start3A_142] : memref<10000x128xf32, #tpu.memory_space<hbm>> -> memref<10000x128xf32, #tpu.memory_space<hbm>>
        tpu.enqueue_indirect_dma source(%dma_start3A_143 : memref<10000x128xf32, #tpu.memory_space<hbm>>) target(%arg10 : memref<128x128xf32, #tpu.memory_space<vmem>>) offsets(%dma_start3A_140 : memref<128xi32, #tpu.memory_space<vmem>>) semaphore(%arg13 : memref<!tpu.dma_semaphore, #tpu.memory_space<semaphore_mem>>)
      } else {
      }
    }
    %scan3A_69 = arith.constant 20 : i32
    %dma_wait3A_70 = arith.constant 38 : i32
    %dma_wait3A_71 = arith.constant 0 : i32
    %dma_wait3A_72 = tpu.memref_slice %arg8[%dma_wait3A_70, %dma_wait3A_71] : memref<40x128xi32, #tpu.memory_space<vmem>> -> memref<1x128xi32, #tpu.memory_space<vmem>>
    %dma_wait3A_73 = tpu.memref_squeeze %dma_wait3A_72 : memref<1x128xi32, #tpu.memory_space<vmem>> -> memref<128xi32, #tpu.memory_space<vmem>>
    %dma_wait3A_74 = arith.constant 0 : i32
    %dma_wait3A_75 = arith.constant 0 : i32
    %dma_wait3A_76 = tpu.memref_slice %arg11[%dma_wait3A_74, %dma_wait3A_75] : memref<10112x128xf32, #tpu.memory_space<vmem_shared>> -> memref<10112x128xf32, #tpu.memory_space<vmem_shared>>
    tpu.wait_indirect_dma semaphore(%arg14 : memref<!tpu.dma_semaphore, #tpu.memory_space<semaphore_mem>>) src(%arg9 : memref<128x128xf32, #tpu.memory_space<vmem>>) dst(%dma_wait3A_76 : memref<10112x128xf32, #tpu.memory_space<vmem_shared>>)
    %dma_wait3A_77 = arith.constant 39 : i32
    %dma_wait3A_78 = arith.constant 0 : i32
    %dma_wait3A_79 = tpu.memref_slice %arg8[%dma_wait3A_77, %dma_wait3A_78] : memref<40x128xi32, #tpu.memory_space<vmem>> -> memref<1x128xi32, #tpu.memory_space<vmem>>
    %dma_wait3A_80 = tpu.memref_squeeze %dma_wait3A_79 : memref<1x128xi32, #tpu.memory_space<vmem>> -> memref<128xi32, #tpu.memory_space<vmem>>
    %dma_wait3A_81 = arith.constant 0 : i32
    %dma_wait3A_82 = arith.constant 0 : i32
    %dma_wait3A_83 = tpu.memref_slice %arg11[%dma_wait3A_81, %dma_wait3A_82] : memref<10112x128xf32, #tpu.memory_space<vmem_shared>> -> memref<10112x128xf32, #tpu.memory_space<vmem_shared>>
    tpu.wait_indirect_dma semaphore(%arg15 : memref<!tpu.dma_semaphore, #tpu.memory_space<semaphore_mem>>) src(%arg10 : memref<128x128xf32, #tpu.memory_space<vmem>>) dst(%dma_wait3A_83 : memref<10112x128xf32, #tpu.memory_space<vmem_shared>>)
    %barrier3A_84 = arith.constant 0 : index
    tpu.barrier barrier_id(%barrier3A_84)
    %mul3A_85 = arith.constant 10112 : i32
    %mul3A_86 = arith.muli %arg0, %mul3A_85 : i32
    %add3A_87 = arith.addi %mul3A_86, %mul3A_2 : i32
    "tpu.region"() ({
      %run_scoped3A = tpu.sem_alloc : memref<!tpu.dma_semaphore, #tpu.memory_space<semaphore_mem>>
      %dma_start3A_88 = arith.constant 0 : i32
      %dma_start3A_89 = tpu.memref_slice %arg6[%add3A_87, %dma_start3A_88] : memref<20224x128xf32, #tpu.memory_space<hbm>> -> memref<632x128xf32, #tpu.memory_space<hbm>>
      %dma_start3A_90 = arith.constant 0 : i32
      %dma_start3A_91 = tpu.memref_slice %arg11[%mul3A_2, %dma_start3A_90] : memref<10112x128xf32, #tpu.memory_space<vmem_shared>> -> memref<632x128xf32, #tpu.memory_space<vmem_shared>>
      tpu.enqueue_dma source(%dma_start3A_91 : memref<632x128xf32, #tpu.memory_space<vmem_shared>>) target(%dma_start3A_89 : memref<632x128xf32, #tpu.memory_space<hbm>>) target_semaphore(%run_scoped3A : memref<!tpu.dma_semaphore, #tpu.memory_space<semaphore_mem>>)
      %dma_wait3A_92 = arith.constant 0 : i32
      %dma_wait3A_93 = tpu.memref_slice %arg6[%add3A_87, %dma_wait3A_92] : memref<20224x128xf32, #tpu.memory_space<hbm>> -> memref<632x128xf32, #tpu.memory_space<hbm>>
      %dma_wait3A_94 = arith.constant 0 : i32
      %dma_wait3A_95 = tpu.memref_slice %arg11[%mul3A_2, %dma_wait3A_94] : memref<10112x128xf32, #tpu.memory_space<vmem_shared>> -> memref<632x128xf32, #tpu.memory_space<vmem_shared>>
      tpu.wait_dma2 semaphore(%run_scoped3A : memref<!tpu.dma_semaphore, #tpu.memory_space<semaphore_mem>>) src(%dma_wait3A_95 : memref<632x128xf32, #tpu.memory_space<vmem_shared>>) dst(%dma_wait3A_93 : memref<632x128xf32, #tpu.memory_space<hbm>>)
      tpu.yield
    }) : () -> ()
    return
  }
}

module attributes {stable_mosaic.version = 14 : i64} {
  func.func @_tc_in_body(%arg0: i32, %arg1: memref<512x128xf32, #tpu.memory_space<vmem>>, %arg2: memref<128x128xf32, #tpu.memory_space<vmem>>, %arg3: memref<1x128xf32, #tpu.memory_space<vmem>>, %arg4: memref<128x128xf32, #tpu.memory_space<vmem>>, %arg5: memref<1x128xf32, #tpu.memory_space<vmem>>, %arg6: memref<512x128xf32, #tpu.memory_space<vmem>>, %arg7: memref<512x128xf32, #tpu.memory_space<vmem>>, %arg8: memref<512x128xf32, #tpu.memory_space<vmem>>) attributes {dimension_semantics = [#tpu.dimension_semantics<arbitrary>], iteration_bounds = array<i64: 20>, scalar_prefetch = 0 : i64, scratch_operands = 0 : i64, tpu.core_type = #tpu.core_type<tc>, window_params = [{transform_indices = @transform_0, window_bounds = array<i64: 512, 128>}, {pipeline_mode = #tpu.pipeline_mode<synchronous>, transform_indices = @transform_1, window_bounds = array<i64: 128, 128>}, {pipeline_mode = #tpu.pipeline_mode<synchronous>, transform_indices = @transform_2, window_bounds = array<i64: 1, 128>}, {pipeline_mode = #tpu.pipeline_mode<synchronous>, transform_indices = @transform_3, window_bounds = array<i64: 128, 128>}, {pipeline_mode = #tpu.pipeline_mode<synchronous>, transform_indices = @transform_4, window_bounds = array<i64: 1, 128>}, {transform_indices = @transform_5, window_bounds = array<i64: 512, 128>}, {transform_indices = @transform_6, window_bounds = array<i64: 512, 128>}, {transform_indices = @transform_7, window_bounds = array<i64: 512, 128>}]} {
    %get3A = arith.constant 0 : index
    %get3A_0 = arith.constant 0 : index
    %get3A_1 = vector.load %arg1[%get3A, %get3A_0] : memref<512x128xf32, #tpu.memory_space<vmem>>, vector<512x128xf32>
    %get3A_2 = arith.constant 0 : index
    %get3A_3 = arith.constant 0 : index
    %get3A_4 = vector.load %arg2[%get3A_2, %get3A_3] : memref<128x128xf32, #tpu.memory_space<vmem>>, vector<128x128xf32>
    %dot_general3A = arith.constant dense<0.000000e+00> : vector<512x128xf32>
    %dot_general3A_5 = tpu.matmul %get3A_1, %get3A_4, %dot_general3A {dimension_numbers = #tpu.dot_dimension_numbers<[1], [1], [0], [0], [0, 0, 1, 0], [], []>, transpose_lhs_hint = false} : vector<512x128xf32>, vector<128x128xf32>, vector<512x128xf32> -> vector<512x128xf32>
    %get3A_6 = arith.constant 0 : index
    %get3A_7 = arith.constant 0 : index
    %get3A_8 = vector.load %arg3[%get3A_6, %get3A_7] : memref<1x128xf32, #tpu.memory_space<vmem>>, vector<1x128xf32>
    %add3A = vector.broadcast %get3A_8 : vector<1x128xf32> to vector<512x128xf32>
    %add3A_9 = arith.addf %dot_general3A_5, %add3A : vector<512x128xf32>
    %max3A = arith.constant 0.000000e+00 : f32
    %max3A_10 = vector.broadcast %max3A : f32 to vector<512x128xf32>
    %max3A_11 = arith.maximumf %add3A_9, %max3A_10 : vector<512x128xf32>
    %get3A_12 = arith.constant 0 : index
    %get3A_13 = arith.constant 0 : index
    %get3A_14 = vector.load %arg4[%get3A_12, %get3A_13] : memref<128x128xf32, #tpu.memory_space<vmem>>, vector<128x128xf32>
    %dot_general3A_15 = arith.constant dense<0.000000e+00> : vector<512x128xf32>
    %dot_general3A_16 = tpu.matmul %max3A_11, %get3A_14, %dot_general3A_15 {dimension_numbers = #tpu.dot_dimension_numbers<[1], [1], [0], [0], [0, 0, 1, 0], [], []>, transpose_lhs_hint = false} : vector<512x128xf32>, vector<128x128xf32>, vector<512x128xf32> -> vector<512x128xf32>
    %get3A_17 = arith.constant 0 : index
    %get3A_18 = arith.constant 0 : index
    %get3A_19 = vector.load %arg5[%get3A_17, %get3A_18] : memref<1x128xf32, #tpu.memory_space<vmem>>, vector<1x128xf32>
    %add3A_20 = vector.broadcast %get3A_19 : vector<1x128xf32> to vector<512x128xf32>
    %add3A_21 = arith.addf %dot_general3A_16, %add3A_20 : vector<512x128xf32>
    %bitcast_convert_type3A = tpu.bitcast %add3A_21 : vector<512x128xf32> -> vector<512x128xi32>
    %lt3A = arith.constant 0 : i32
    %lt3A_22 = vector.broadcast %lt3A : i32 to vector<512x128xi32>
    %lt3A_23 = arith.cmpi slt, %bitcast_convert_type3A, %lt3A_22 : vector<512x128xi32>
    %xor3A = arith.constant 2147483647 : i32
    %xor3A_24 = vector.broadcast %xor3A : i32 to vector<512x128xi32>
    %xor3A_25 = arith.xori %bitcast_convert_type3A, %xor3A_24 : vector<512x128xi32>
    %select_n3A = arith.select %lt3A_23, %xor3A_25, %bitcast_convert_type3A : vector<512x128xi1>, vector<512x128xi32>
    %broadcast_in_dim3A = arith.constant 0 : i32
    %broadcast_in_dim3A_26 = vector.broadcast %broadcast_in_dim3A : i32 to vector<512x1xi32>
    %or3A = arith.constant -2147483648 : i32
    %or3A_27 = vector.broadcast %or3A : i32 to vector<512x1xi32>
    %or3A_28 = arith.ori %broadcast_in_dim3A_26, %or3A_27 : vector<512x1xi32>
    %xor3A_29 = arith.constant -2147483648 : i32
    %xor3A_30 = vector.broadcast %xor3A_29 : i32 to vector<512x1xi32>
    %xor3A_31 = arith.xori %or3A_28, %xor3A_30 : vector<512x1xi32>
    %ge3A = vector.broadcast %xor3A_31 : vector<512x1xi32> to vector<512x128xi32>
    %ge3A_32 = arith.cmpi sge, %select_n3A, %ge3A : vector<512x128xi32>
    %jit3A = arith.constant 1.000000e+00 : f32
    %jit3A_33 = arith.constant 0.000000e+00 : f32
    %broadcast_in_dim3A_34 = vector.broadcast %jit3A : f32 to vector<512x128xf32>
    %broadcast_in_dim3A_35 = vector.broadcast %jit3A_33 : f32 to vector<512x128xf32>
    %select_n3A_36 = arith.select %ge3A_32, %broadcast_in_dim3A_34, %broadcast_in_dim3A_35 : vector<512x128xi1>, vector<512x128xf32>
    %reduce_sum3A = arith.constant dense<0.000000e+00> : vector<512xf32>
    %reduce_sum3A_37 = vector.multi_reduction <add>, %select_n3A_36, %reduce_sum3A [1] : vector<512x128xf32> to vector<512xf32>
    %broadcast_in_dim3A_38 = vector.shape_cast %reduce_sum3A_37 : vector<512xf32> to vector<512x1xf32>
    %ge3A_39 = arith.constant 3.200000e+01 : f32
    %ge3A_40 = vector.broadcast %ge3A_39 : f32 to vector<512x1xf32>
    %ge3A_41 = arith.cmpf oge, %broadcast_in_dim3A_38, %ge3A_40 : vector<512x1xf32>
    %select_n3A_42 = arith.select %ge3A_41, %or3A_28, %broadcast_in_dim3A_26 : vector<512x1xi1>, vector<512x1xi32>
    %or3A_43 = arith.constant 1073741824 : i32
    %or3A_44 = vector.broadcast %or3A_43 : i32 to vector<512x1xi32>
    %or3A_45 = arith.ori %select_n3A_42, %or3A_44 : vector<512x1xi32>
    %xor3A_46 = arith.constant -2147483648 : i32
    %xor3A_47 = vector.broadcast %xor3A_46 : i32 to vector<512x1xi32>
    %xor3A_48 = arith.xori %or3A_45, %xor3A_47 : vector<512x1xi32>
    %ge3A_49 = vector.broadcast %xor3A_48 : vector<512x1xi32> to vector<512x128xi32>
    %ge3A_50 = arith.cmpi sge, %select_n3A, %ge3A_49 : vector<512x128xi32>
    %jit3A_51 = arith.constant 1.000000e+00 : f32
    %jit3A_52 = arith.constant 0.000000e+00 : f32
    %broadcast_in_dim3A_53 = vector.broadcast %jit3A_51 : f32 to vector<512x128xf32>
    %broadcast_in_dim3A_54 = vector.broadcast %jit3A_52 : f32 to vector<512x128xf32>
    %select_n3A_55 = arith.select %ge3A_50, %broadcast_in_dim3A_53, %broadcast_in_dim3A_54 : vector<512x128xi1>, vector<512x128xf32>
    %reduce_sum3A_56 = arith.constant dense<0.000000e+00> : vector<512xf32>
    %reduce_sum3A_57 = vector.multi_reduction <add>, %select_n3A_55, %reduce_sum3A_56 [1] : vector<512x128xf32> to vector<512xf32>
    %broadcast_in_dim3A_58 = vector.shape_cast %reduce_sum3A_57 : vector<512xf32> to vector<512x1xf32>
    %ge3A_59 = arith.constant 3.200000e+01 : f32
    %ge3A_60 = vector.broadcast %ge3A_59 : f32 to vector<512x1xf32>
    %ge3A_61 = arith.cmpf oge, %broadcast_in_dim3A_58, %ge3A_60 : vector<512x1xf32>
    %select_n3A_62 = arith.select %ge3A_61, %or3A_45, %select_n3A_42 : vector<512x1xi1>, vector<512x1xi32>
    %or3A_63 = arith.constant 536870912 : i32
    %or3A_64 = vector.broadcast %or3A_63 : i32 to vector<512x1xi32>
    %or3A_65 = arith.ori %select_n3A_62, %or3A_64 : vector<512x1xi32>
    %xor3A_66 = arith.constant -2147483648 : i32
    %xor3A_67 = vector.broadcast %xor3A_66 : i32 to vector<512x1xi32>
    %xor3A_68 = arith.xori %or3A_65, %xor3A_67 : vector<512x1xi32>
    %ge3A_69 = vector.broadcast %xor3A_68 : vector<512x1xi32> to vector<512x128xi32>
    %ge3A_70 = arith.cmpi sge, %select_n3A, %ge3A_69 : vector<512x128xi32>
    %jit3A_71 = arith.constant 1.000000e+00 : f32
    %jit3A_72 = arith.constant 0.000000e+00 : f32
    %broadcast_in_dim3A_73 = vector.broadcast %jit3A_71 : f32 to vector<512x128xf32>
    %broadcast_in_dim3A_74 = vector.broadcast %jit3A_72 : f32 to vector<512x128xf32>
    %select_n3A_75 = arith.select %ge3A_70, %broadcast_in_dim3A_73, %broadcast_in_dim3A_74 : vector<512x128xi1>, vector<512x128xf32>
    %reduce_sum3A_76 = arith.constant dense<0.000000e+00> : vector<512xf32>
    %reduce_sum3A_77 = vector.multi_reduction <add>, %select_n3A_75, %reduce_sum3A_76 [1] : vector<512x128xf32> to vector<512xf32>
    %broadcast_in_dim3A_78 = vector.shape_cast %reduce_sum3A_77 : vector<512xf32> to vector<512x1xf32>
    %ge3A_79 = arith.constant 3.200000e+01 : f32
    %ge3A_80 = vector.broadcast %ge3A_79 : f32 to vector<512x1xf32>
    %ge3A_81 = arith.cmpf oge, %broadcast_in_dim3A_78, %ge3A_80 : vector<512x1xf32>
    %select_n3A_82 = arith.select %ge3A_81, %or3A_65, %select_n3A_62 : vector<512x1xi1>, vector<512x1xi32>
    %or3A_83 = arith.constant 268435456 : i32
    %or3A_84 = vector.broadcast %or3A_83 : i32 to vector<512x1xi32>
    %or3A_85 = arith.ori %select_n3A_82, %or3A_84 : vector<512x1xi32>
    %xor3A_86 = arith.constant -2147483648 : i32
    %xor3A_87 = vector.broadcast %xor3A_86 : i32 to vector<512x1xi32>
    %xor3A_88 = arith.xori %or3A_85, %xor3A_87 : vector<512x1xi32>
    %ge3A_89 = vector.broadcast %xor3A_88 : vector<512x1xi32> to vector<512x128xi32>
    %ge3A_90 = arith.cmpi sge, %select_n3A, %ge3A_89 : vector<512x128xi32>
    %jit3A_91 = arith.constant 1.000000e+00 : f32
    %jit3A_92 = arith.constant 0.000000e+00 : f32
    %broadcast_in_dim3A_93 = vector.broadcast %jit3A_91 : f32 to vector<512x128xf32>
    %broadcast_in_dim3A_94 = vector.broadcast %jit3A_92 : f32 to vector<512x128xf32>
    %select_n3A_95 = arith.select %ge3A_90, %broadcast_in_dim3A_93, %broadcast_in_dim3A_94 : vector<512x128xi1>, vector<512x128xf32>
    %reduce_sum3A_96 = arith.constant dense<0.000000e+00> : vector<512xf32>
    %reduce_sum3A_97 = vector.multi_reduction <add>, %select_n3A_95, %reduce_sum3A_96 [1] : vector<512x128xf32> to vector<512xf32>
    %broadcast_in_dim3A_98 = vector.shape_cast %reduce_sum3A_97 : vector<512xf32> to vector<512x1xf32>
    %ge3A_99 = arith.constant 3.200000e+01 : f32
    %ge3A_100 = vector.broadcast %ge3A_99 : f32 to vector<512x1xf32>
    %ge3A_101 = arith.cmpf oge, %broadcast_in_dim3A_98, %ge3A_100 : vector<512x1xf32>
    %select_n3A_102 = arith.select %ge3A_101, %or3A_85, %select_n3A_82 : vector<512x1xi1>, vector<512x1xi32>
    %or3A_103 = arith.constant 134217728 : i32
    %or3A_104 = vector.broadcast %or3A_103 : i32 to vector<512x1xi32>
    %or3A_105 = arith.ori %select_n3A_102, %or3A_104 : vector<512x1xi32>
    %xor3A_106 = arith.constant -2147483648 : i32
    %xor3A_107 = vector.broadcast %xor3A_106 : i32 to vector<512x1xi32>
    %xor3A_108 = arith.xori %or3A_105, %xor3A_107 : vector<512x1xi32>
    %ge3A_109 = vector.broadcast %xor3A_108 : vector<512x1xi32> to vector<512x128xi32>
    %ge3A_110 = arith.cmpi sge, %select_n3A, %ge3A_109 : vector<512x128xi32>
    %jit3A_111 = arith.constant 1.000000e+00 : f32
    %jit3A_112 = arith.constant 0.000000e+00 : f32
    %broadcast_in_dim3A_113 = vector.broadcast %jit3A_111 : f32 to vector<512x128xf32>
    %broadcast_in_dim3A_114 = vector.broadcast %jit3A_112 : f32 to vector<512x128xf32>
    %select_n3A_115 = arith.select %ge3A_110, %broadcast_in_dim3A_113, %broadcast_in_dim3A_114 : vector<512x128xi1>, vector<512x128xf32>
    %reduce_sum3A_116 = arith.constant dense<0.000000e+00> : vector<512xf32>
    %reduce_sum3A_117 = vector.multi_reduction <add>, %select_n3A_115, %reduce_sum3A_116 [1] : vector<512x128xf32> to vector<512xf32>
    %broadcast_in_dim3A_118 = vector.shape_cast %reduce_sum3A_117 : vector<512xf32> to vector<512x1xf32>
    %ge3A_119 = arith.constant 3.200000e+01 : f32
    %ge3A_120 = vector.broadcast %ge3A_119 : f32 to vector<512x1xf32>
    %ge3A_121 = arith.cmpf oge, %broadcast_in_dim3A_118, %ge3A_120 : vector<512x1xf32>
    %select_n3A_122 = arith.select %ge3A_121, %or3A_105, %select_n3A_102 : vector<512x1xi1>, vector<512x1xi32>
    %or3A_123 = arith.constant 67108864 : i32
    %or3A_124 = vector.broadcast %or3A_123 : i32 to vector<512x1xi32>
    %or3A_125 = arith.ori %select_n3A_122, %or3A_124 : vector<512x1xi32>
    %xor3A_126 = arith.constant -2147483648 : i32
    %xor3A_127 = vector.broadcast %xor3A_126 : i32 to vector<512x1xi32>
    %xor3A_128 = arith.xori %or3A_125, %xor3A_127 : vector<512x1xi32>
    %ge3A_129 = vector.broadcast %xor3A_128 : vector<512x1xi32> to vector<512x128xi32>
    %ge3A_130 = arith.cmpi sge, %select_n3A, %ge3A_129 : vector<512x128xi32>
    %jit3A_131 = arith.constant 1.000000e+00 : f32
    %jit3A_132 = arith.constant 0.000000e+00 : f32
    %broadcast_in_dim3A_133 = vector.broadcast %jit3A_131 : f32 to vector<512x128xf32>
    %broadcast_in_dim3A_134 = vector.broadcast %jit3A_132 : f32 to vector<512x128xf32>
    %select_n3A_135 = arith.select %ge3A_130, %broadcast_in_dim3A_133, %broadcast_in_dim3A_134 : vector<512x128xi1>, vector<512x128xf32>
    %reduce_sum3A_136 = arith.constant dense<0.000000e+00> : vector<512xf32>
    %reduce_sum3A_137 = vector.multi_reduction <add>, %select_n3A_135, %reduce_sum3A_136 [1] : vector<512x128xf32> to vector<512xf32>
    %broadcast_in_dim3A_138 = vector.shape_cast %reduce_sum3A_137 : vector<512xf32> to vector<512x1xf32>
    %ge3A_139 = arith.constant 3.200000e+01 : f32
    %ge3A_140 = vector.broadcast %ge3A_139 : f32 to vector<512x1xf32>
    %ge3A_141 = arith.cmpf oge, %broadcast_in_dim3A_138, %ge3A_140 : vector<512x1xf32>
    %select_n3A_142 = arith.select %ge3A_141, %or3A_125, %select_n3A_122 : vector<512x1xi1>, vector<512x1xi32>
    %or3A_143 = arith.constant 33554432 : i32
    %or3A_144 = vector.broadcast %or3A_143 : i32 to vector<512x1xi32>
    %or3A_145 = arith.ori %select_n3A_142, %or3A_144 : vector<512x1xi32>
    %xor3A_146 = arith.constant -2147483648 : i32
    %xor3A_147 = vector.broadcast %xor3A_146 : i32 to vector<512x1xi32>
    %xor3A_148 = arith.xori %or3A_145, %xor3A_147 : vector<512x1xi32>
    %ge3A_149 = vector.broadcast %xor3A_148 : vector<512x1xi32> to vector<512x128xi32>
    %ge3A_150 = arith.cmpi sge, %select_n3A, %ge3A_149 : vector<512x128xi32>
    %jit3A_151 = arith.constant 1.000000e+00 : f32
    %jit3A_152 = arith.constant 0.000000e+00 : f32
    %broadcast_in_dim3A_153 = vector.broadcast %jit3A_151 : f32 to vector<512x128xf32>
    %broadcast_in_dim3A_154 = vector.broadcast %jit3A_152 : f32 to vector<512x128xf32>
    %select_n3A_155 = arith.select %ge3A_150, %broadcast_in_dim3A_153, %broadcast_in_dim3A_154 : vector<512x128xi1>, vector<512x128xf32>
    %reduce_sum3A_156 = arith.constant dense<0.000000e+00> : vector<512xf32>
    %reduce_sum3A_157 = vector.multi_reduction <add>, %select_n3A_155, %reduce_sum3A_156 [1] : vector<512x128xf32> to vector<512xf32>
    %broadcast_in_dim3A_158 = vector.shape_cast %reduce_sum3A_157 : vector<512xf32> to vector<512x1xf32>
    %ge3A_159 = arith.constant 3.200000e+01 : f32
    %ge3A_160 = vector.broadcast %ge3A_159 : f32 to vector<512x1xf32>
    %ge3A_161 = arith.cmpf oge, %broadcast_in_dim3A_158, %ge3A_160 : vector<512x1xf32>
    %select_n3A_162 = arith.select %ge3A_161, %or3A_145, %select_n3A_142 : vector<512x1xi1>, vector<512x1xi32>
    %or3A_163 = arith.constant 16777216 : i32
    %or3A_164 = vector.broadcast %or3A_163 : i32 to vector<512x1xi32>
    %or3A_165 = arith.ori %select_n3A_162, %or3A_164 : vector<512x1xi32>
    %xor3A_166 = arith.constant -2147483648 : i32
    %xor3A_167 = vector.broadcast %xor3A_166 : i32 to vector<512x1xi32>
    %xor3A_168 = arith.xori %or3A_165, %xor3A_167 : vector<512x1xi32>
    %ge3A_169 = vector.broadcast %xor3A_168 : vector<512x1xi32> to vector<512x128xi32>
    %ge3A_170 = arith.cmpi sge, %select_n3A, %ge3A_169 : vector<512x128xi32>
    %jit3A_171 = arith.constant 1.000000e+00 : f32
    %jit3A_172 = arith.constant 0.000000e+00 : f32
    %broadcast_in_dim3A_173 = vector.broadcast %jit3A_171 : f32 to vector<512x128xf32>
    %broadcast_in_dim3A_174 = vector.broadcast %jit3A_172 : f32 to vector<512x128xf32>
    %select_n3A_175 = arith.select %ge3A_170, %broadcast_in_dim3A_173, %broadcast_in_dim3A_174 : vector<512x128xi1>, vector<512x128xf32>
    %reduce_sum3A_176 = arith.constant dense<0.000000e+00> : vector<512xf32>
    %reduce_sum3A_177 = vector.multi_reduction <add>, %select_n3A_175, %reduce_sum3A_176 [1] : vector<512x128xf32> to vector<512xf32>
    %broadcast_in_dim3A_178 = vector.shape_cast %reduce_sum3A_177 : vector<512xf32> to vector<512x1xf32>
    %ge3A_179 = arith.constant 3.200000e+01 : f32
    %ge3A_180 = vector.broadcast %ge3A_179 : f32 to vector<512x1xf32>
    %ge3A_181 = arith.cmpf oge, %broadcast_in_dim3A_178, %ge3A_180 : vector<512x1xf32>
    %select_n3A_182 = arith.select %ge3A_181, %or3A_165, %select_n3A_162 : vector<512x1xi1>, vector<512x1xi32>
    %or3A_183 = arith.constant 8388608 : i32
    %or3A_184 = vector.broadcast %or3A_183 : i32 to vector<512x1xi32>
    %or3A_185 = arith.ori %select_n3A_182, %or3A_184 : vector<512x1xi32>
    %xor3A_186 = arith.constant -2147483648 : i32
    %xor3A_187 = vector.broadcast %xor3A_186 : i32 to vector<512x1xi32>
    %xor3A_188 = arith.xori %or3A_185, %xor3A_187 : vector<512x1xi32>
    %ge3A_189 = vector.broadcast %xor3A_188 : vector<512x1xi32> to vector<512x128xi32>
    %ge3A_190 = arith.cmpi sge, %select_n3A, %ge3A_189 : vector<512x128xi32>
    %jit3A_191 = arith.constant 1.000000e+00 : f32
    %jit3A_192 = arith.constant 0.000000e+00 : f32
    %broadcast_in_dim3A_193 = vector.broadcast %jit3A_191 : f32 to vector<512x128xf32>
    %broadcast_in_dim3A_194 = vector.broadcast %jit3A_192 : f32 to vector<512x128xf32>
    %select_n3A_195 = arith.select %ge3A_190, %broadcast_in_dim3A_193, %broadcast_in_dim3A_194 : vector<512x128xi1>, vector<512x128xf32>
    %reduce_sum3A_196 = arith.constant dense<0.000000e+00> : vector<512xf32>
    %reduce_sum3A_197 = vector.multi_reduction <add>, %select_n3A_195, %reduce_sum3A_196 [1] : vector<512x128xf32> to vector<512xf32>
    %broadcast_in_dim3A_198 = vector.shape_cast %reduce_sum3A_197 : vector<512xf32> to vector<512x1xf32>
    %ge3A_199 = arith.constant 3.200000e+01 : f32
    %ge3A_200 = vector.broadcast %ge3A_199 : f32 to vector<512x1xf32>
    %ge3A_201 = arith.cmpf oge, %broadcast_in_dim3A_198, %ge3A_200 : vector<512x1xf32>
    %select_n3A_202 = arith.select %ge3A_201, %or3A_185, %select_n3A_182 : vector<512x1xi1>, vector<512x1xi32>
    %or3A_203 = arith.constant 4194304 : i32
    %or3A_204 = vector.broadcast %or3A_203 : i32 to vector<512x1xi32>
    %or3A_205 = arith.ori %select_n3A_202, %or3A_204 : vector<512x1xi32>
    %xor3A_206 = arith.constant -2147483648 : i32
    %xor3A_207 = vector.broadcast %xor3A_206 : i32 to vector<512x1xi32>
    %xor3A_208 = arith.xori %or3A_205, %xor3A_207 : vector<512x1xi32>
    %ge3A_209 = vector.broadcast %xor3A_208 : vector<512x1xi32> to vector<512x128xi32>
    %ge3A_210 = arith.cmpi sge, %select_n3A, %ge3A_209 : vector<512x128xi32>
    %jit3A_211 = arith.constant 1.000000e+00 : f32
    %jit3A_212 = arith.constant 0.000000e+00 : f32
    %broadcast_in_dim3A_213 = vector.broadcast %jit3A_211 : f32 to vector<512x128xf32>
    %broadcast_in_dim3A_214 = vector.broadcast %jit3A_212 : f32 to vector<512x128xf32>
    %select_n3A_215 = arith.select %ge3A_210, %broadcast_in_dim3A_213, %broadcast_in_dim3A_214 : vector<512x128xi1>, vector<512x128xf32>
    %reduce_sum3A_216 = arith.constant dense<0.000000e+00> : vector<512xf32>
    %reduce_sum3A_217 = vector.multi_reduction <add>, %select_n3A_215, %reduce_sum3A_216 [1] : vector<512x128xf32> to vector<512xf32>
    %broadcast_in_dim3A_218 = vector.shape_cast %reduce_sum3A_217 : vector<512xf32> to vector<512x1xf32>
    %ge3A_219 = arith.constant 3.200000e+01 : f32
    %ge3A_220 = vector.broadcast %ge3A_219 : f32 to vector<512x1xf32>
    %ge3A_221 = arith.cmpf oge, %broadcast_in_dim3A_218, %ge3A_220 : vector<512x1xf32>
    %select_n3A_222 = arith.select %ge3A_221, %or3A_205, %select_n3A_202 : vector<512x1xi1>, vector<512x1xi32>
    %or3A_223 = arith.constant 2097152 : i32
    %or3A_224 = vector.broadcast %or3A_223 : i32 to vector<512x1xi32>
    %or3A_225 = arith.ori %select_n3A_222, %or3A_224 : vector<512x1xi32>
    %xor3A_226 = arith.constant -2147483648 : i32
    %xor3A_227 = vector.broadcast %xor3A_226 : i32 to vector<512x1xi32>
    %xor3A_228 = arith.xori %or3A_225, %xor3A_227 : vector<512x1xi32>
    %ge3A_229 = vector.broadcast %xor3A_228 : vector<512x1xi32> to vector<512x128xi32>
    %ge3A_230 = arith.cmpi sge, %select_n3A, %ge3A_229 : vector<512x128xi32>
    %jit3A_231 = arith.constant 1.000000e+00 : f32
    %jit3A_232 = arith.constant 0.000000e+00 : f32
    %broadcast_in_dim3A_233 = vector.broadcast %jit3A_231 : f32 to vector<512x128xf32>
    %broadcast_in_dim3A_234 = vector.broadcast %jit3A_232 : f32 to vector<512x128xf32>
    %select_n3A_235 = arith.select %ge3A_230, %broadcast_in_dim3A_233, %broadcast_in_dim3A_234 : vector<512x128xi1>, vector<512x128xf32>
    %reduce_sum3A_236 = arith.constant dense<0.000000e+00> : vector<512xf32>
    %reduce_sum3A_237 = vector.multi_reduction <add>, %select_n3A_235, %reduce_sum3A_236 [1] : vector<512x128xf32> to vector<512xf32>
    %broadcast_in_dim3A_238 = vector.shape_cast %reduce_sum3A_237 : vector<512xf32> to vector<512x1xf32>
    %ge3A_239 = arith.constant 3.200000e+01 : f32
    %ge3A_240 = vector.broadcast %ge3A_239 : f32 to vector<512x1xf32>
    %ge3A_241 = arith.cmpf oge, %broadcast_in_dim3A_238, %ge3A_240 : vector<512x1xf32>
    %select_n3A_242 = arith.select %ge3A_241, %or3A_225, %select_n3A_222 : vector<512x1xi1>, vector<512x1xi32>
    %or3A_243 = arith.constant 1048576 : i32
    %or3A_244 = vector.broadcast %or3A_243 : i32 to vector<512x1xi32>
    %or3A_245 = arith.ori %select_n3A_242, %or3A_244 : vector<512x1xi32>
    %xor3A_246 = arith.constant -2147483648 : i32
    %xor3A_247 = vector.broadcast %xor3A_246 : i32 to vector<512x1xi32>
    %xor3A_248 = arith.xori %or3A_245, %xor3A_247 : vector<512x1xi32>
    %ge3A_249 = vector.broadcast %xor3A_248 : vector<512x1xi32> to vector<512x128xi32>
    %ge3A_250 = arith.cmpi sge, %select_n3A, %ge3A_249 : vector<512x128xi32>
    %jit3A_251 = arith.constant 1.000000e+00 : f32
    %jit3A_252 = arith.constant 0.000000e+00 : f32
    %broadcast_in_dim3A_253 = vector.broadcast %jit3A_251 : f32 to vector<512x128xf32>
    %broadcast_in_dim3A_254 = vector.broadcast %jit3A_252 : f32 to vector<512x128xf32>
    %select_n3A_255 = arith.select %ge3A_250, %broadcast_in_dim3A_253, %broadcast_in_dim3A_254 : vector<512x128xi1>, vector<512x128xf32>
    %reduce_sum3A_256 = arith.constant dense<0.000000e+00> : vector<512xf32>
    %reduce_sum3A_257 = vector.multi_reduction <add>, %select_n3A_255, %reduce_sum3A_256 [1] : vector<512x128xf32> to vector<512xf32>
    %broadcast_in_dim3A_258 = vector.shape_cast %reduce_sum3A_257 : vector<512xf32> to vector<512x1xf32>
    %ge3A_259 = arith.constant 3.200000e+01 : f32
    %ge3A_260 = vector.broadcast %ge3A_259 : f32 to vector<512x1xf32>
    %ge3A_261 = arith.cmpf oge, %broadcast_in_dim3A_258, %ge3A_260 : vector<512x1xf32>
    %select_n3A_262 = arith.select %ge3A_261, %or3A_245, %select_n3A_242 : vector<512x1xi1>, vector<512x1xi32>
    %or3A_263 = arith.constant 524288 : i32
    %or3A_264 = vector.broadcast %or3A_263 : i32 to vector<512x1xi32>
    %or3A_265 = arith.ori %select_n3A_262, %or3A_264 : vector<512x1xi32>
    %xor3A_266 = arith.constant -2147483648 : i32
    %xor3A_267 = vector.broadcast %xor3A_266 : i32 to vector<512x1xi32>
    %xor3A_268 = arith.xori %or3A_265, %xor3A_267 : vector<512x1xi32>
    %ge3A_269 = vector.broadcast %xor3A_268 : vector<512x1xi32> to vector<512x128xi32>
    %ge3A_270 = arith.cmpi sge, %select_n3A, %ge3A_269 : vector<512x128xi32>
    %jit3A_271 = arith.constant 1.000000e+00 : f32
    %jit3A_272 = arith.constant 0.000000e+00 : f32
    %broadcast_in_dim3A_273 = vector.broadcast %jit3A_271 : f32 to vector<512x128xf32>
    %broadcast_in_dim3A_274 = vector.broadcast %jit3A_272 : f32 to vector<512x128xf32>
    %select_n3A_275 = arith.select %ge3A_270, %broadcast_in_dim3A_273, %broadcast_in_dim3A_274 : vector<512x128xi1>, vector<512x128xf32>
    %reduce_sum3A_276 = arith.constant dense<0.000000e+00> : vector<512xf32>
    %reduce_sum3A_277 = vector.multi_reduction <add>, %select_n3A_275, %reduce_sum3A_276 [1] : vector<512x128xf32> to vector<512xf32>
    %broadcast_in_dim3A_278 = vector.shape_cast %reduce_sum3A_277 : vector<512xf32> to vector<512x1xf32>
    %ge3A_279 = arith.constant 3.200000e+01 : f32
    %ge3A_280 = vector.broadcast %ge3A_279 : f32 to vector<512x1xf32>
    %ge3A_281 = arith.cmpf oge, %broadcast_in_dim3A_278, %ge3A_280 : vector<512x1xf32>
    %select_n3A_282 = arith.select %ge3A_281, %or3A_265, %select_n3A_262 : vector<512x1xi1>, vector<512x1xi32>
    %or3A_283 = arith.constant 262144 : i32
    %or3A_284 = vector.broadcast %or3A_283 : i32 to vector<512x1xi32>
    %or3A_285 = arith.ori %select_n3A_282, %or3A_284 : vector<512x1xi32>
    %xor3A_286 = arith.constant -2147483648 : i32
    %xor3A_287 = vector.broadcast %xor3A_286 : i32 to vector<512x1xi32>
    %xor3A_288 = arith.xori %or3A_285, %xor3A_287 : vector<512x1xi32>
    %ge3A_289 = vector.broadcast %xor3A_288 : vector<512x1xi32> to vector<512x128xi32>
    %ge3A_290 = arith.cmpi sge, %select_n3A, %ge3A_289 : vector<512x128xi32>
    %jit3A_291 = arith.constant 1.000000e+00 : f32
    %jit3A_292 = arith.constant 0.000000e+00 : f32
    %broadcast_in_dim3A_293 = vector.broadcast %jit3A_291 : f32 to vector<512x128xf32>
    %broadcast_in_dim3A_294 = vector.broadcast %jit3A_292 : f32 to vector<512x128xf32>
    %select_n3A_295 = arith.select %ge3A_290, %broadcast_in_dim3A_293, %broadcast_in_dim3A_294 : vector<512x128xi1>, vector<512x128xf32>
    %reduce_sum3A_296 = arith.constant dense<0.000000e+00> : vector<512xf32>
    %reduce_sum3A_297 = vector.multi_reduction <add>, %select_n3A_295, %reduce_sum3A_296 [1] : vector<512x128xf32> to vector<512xf32>
    %broadcast_in_dim3A_298 = vector.shape_cast %reduce_sum3A_297 : vector<512xf32> to vector<512x1xf32>
    %ge3A_299 = arith.constant 3.200000e+01 : f32
    %ge3A_300 = vector.broadcast %ge3A_299 : f32 to vector<512x1xf32>
    %ge3A_301 = arith.cmpf oge, %broadcast_in_dim3A_298, %ge3A_300 : vector<512x1xf32>
    %select_n3A_302 = arith.select %ge3A_301, %or3A_285, %select_n3A_282 : vector<512x1xi1>, vector<512x1xi32>
    %or3A_303 = arith.constant 131072 : i32
    %or3A_304 = vector.broadcast %or3A_303 : i32 to vector<512x1xi32>
    %or3A_305 = arith.ori %select_n3A_302, %or3A_304 : vector<512x1xi32>
    %xor3A_306 = arith.constant -2147483648 : i32
    %xor3A_307 = vector.broadcast %xor3A_306 : i32 to vector<512x1xi32>
    %xor3A_308 = arith.xori %or3A_305, %xor3A_307 : vector<512x1xi32>
    %ge3A_309 = vector.broadcast %xor3A_308 : vector<512x1xi32> to vector<512x128xi32>
    %ge3A_310 = arith.cmpi sge, %select_n3A, %ge3A_309 : vector<512x128xi32>
    %jit3A_311 = arith.constant 1.000000e+00 : f32
    %jit3A_312 = arith.constant 0.000000e+00 : f32
    %broadcast_in_dim3A_313 = vector.broadcast %jit3A_311 : f32 to vector<512x128xf32>
    %broadcast_in_dim3A_314 = vector.broadcast %jit3A_312 : f32 to vector<512x128xf32>
    %select_n3A_315 = arith.select %ge3A_310, %broadcast_in_dim3A_313, %broadcast_in_dim3A_314 : vector<512x128xi1>, vector<512x128xf32>
    %reduce_sum3A_316 = arith.constant dense<0.000000e+00> : vector<512xf32>
    %reduce_sum3A_317 = vector.multi_reduction <add>, %select_n3A_315, %reduce_sum3A_316 [1] : vector<512x128xf32> to vector<512xf32>
    %broadcast_in_dim3A_318 = vector.shape_cast %reduce_sum3A_317 : vector<512xf32> to vector<512x1xf32>
    %ge3A_319 = arith.constant 3.200000e+01 : f32
    %ge3A_320 = vector.broadcast %ge3A_319 : f32 to vector<512x1xf32>
    %ge3A_321 = arith.cmpf oge, %broadcast_in_dim3A_318, %ge3A_320 : vector<512x1xf32>
    %select_n3A_322 = arith.select %ge3A_321, %or3A_305, %select_n3A_302 : vector<512x1xi1>, vector<512x1xi32>
    %or3A_323 = arith.constant 65536 : i32
    %or3A_324 = vector.broadcast %or3A_323 : i32 to vector<512x1xi32>
    %or3A_325 = arith.ori %select_n3A_322, %or3A_324 : vector<512x1xi32>
    %xor3A_326 = arith.constant -2147483648 : i32
    %xor3A_327 = vector.broadcast %xor3A_326 : i32 to vector<512x1xi32>
    %xor3A_328 = arith.xori %or3A_325, %xor3A_327 : vector<512x1xi32>
    %ge3A_329 = vector.broadcast %xor3A_328 : vector<512x1xi32> to vector<512x128xi32>
    %ge3A_330 = arith.cmpi sge, %select_n3A, %ge3A_329 : vector<512x128xi32>
    %jit3A_331 = arith.constant 1.000000e+00 : f32
    %jit3A_332 = arith.constant 0.000000e+00 : f32
    %broadcast_in_dim3A_333 = vector.broadcast %jit3A_331 : f32 to vector<512x128xf32>
    %broadcast_in_dim3A_334 = vector.broadcast %jit3A_332 : f32 to vector<512x128xf32>
    %select_n3A_335 = arith.select %ge3A_330, %broadcast_in_dim3A_333, %broadcast_in_dim3A_334 : vector<512x128xi1>, vector<512x128xf32>
    %reduce_sum3A_336 = arith.constant dense<0.000000e+00> : vector<512xf32>
    %reduce_sum3A_337 = vector.multi_reduction <add>, %select_n3A_335, %reduce_sum3A_336 [1] : vector<512x128xf32> to vector<512xf32>
    %broadcast_in_dim3A_338 = vector.shape_cast %reduce_sum3A_337 : vector<512xf32> to vector<512x1xf32>
    %ge3A_339 = arith.constant 3.200000e+01 : f32
    %ge3A_340 = vector.broadcast %ge3A_339 : f32 to vector<512x1xf32>
    %ge3A_341 = arith.cmpf oge, %broadcast_in_dim3A_338, %ge3A_340 : vector<512x1xf32>
    %select_n3A_342 = arith.select %ge3A_341, %or3A_325, %select_n3A_322 : vector<512x1xi1>, vector<512x1xi32>
    %or3A_343 = arith.constant 32768 : i32
    %or3A_344 = vector.broadcast %or3A_343 : i32 to vector<512x1xi32>
    %or3A_345 = arith.ori %select_n3A_342, %or3A_344 : vector<512x1xi32>
    %xor3A_346 = arith.constant -2147483648 : i32
    %xor3A_347 = vector.broadcast %xor3A_346 : i32 to vector<512x1xi32>
    %xor3A_348 = arith.xori %or3A_345, %xor3A_347 : vector<512x1xi32>
    %ge3A_349 = vector.broadcast %xor3A_348 : vector<512x1xi32> to vector<512x128xi32>
    %ge3A_350 = arith.cmpi sge, %select_n3A, %ge3A_349 : vector<512x128xi32>
    %jit3A_351 = arith.constant 1.000000e+00 : f32
    %jit3A_352 = arith.constant 0.000000e+00 : f32
    %broadcast_in_dim3A_353 = vector.broadcast %jit3A_351 : f32 to vector<512x128xf32>
    %broadcast_in_dim3A_354 = vector.broadcast %jit3A_352 : f32 to vector<512x128xf32>
    %select_n3A_355 = arith.select %ge3A_350, %broadcast_in_dim3A_353, %broadcast_in_dim3A_354 : vector<512x128xi1>, vector<512x128xf32>
    %reduce_sum3A_356 = arith.constant dense<0.000000e+00> : vector<512xf32>
    %reduce_sum3A_357 = vector.multi_reduction <add>, %select_n3A_355, %reduce_sum3A_356 [1] : vector<512x128xf32> to vector<512xf32>
    %broadcast_in_dim3A_358 = vector.shape_cast %reduce_sum3A_357 : vector<512xf32> to vector<512x1xf32>
    %ge3A_359 = arith.constant 3.200000e+01 : f32
    %ge3A_360 = vector.broadcast %ge3A_359 : f32 to vector<512x1xf32>
    %ge3A_361 = arith.cmpf oge, %broadcast_in_dim3A_358, %ge3A_360 : vector<512x1xf32>
    %select_n3A_362 = arith.select %ge3A_361, %or3A_345, %select_n3A_342 : vector<512x1xi1>, vector<512x1xi32>
    %or3A_363 = arith.constant 16384 : i32
    %or3A_364 = vector.broadcast %or3A_363 : i32 to vector<512x1xi32>
    %or3A_365 = arith.ori %select_n3A_362, %or3A_364 : vector<512x1xi32>
    %xor3A_366 = arith.constant -2147483648 : i32
    %xor3A_367 = vector.broadcast %xor3A_366 : i32 to vector<512x1xi32>
    %xor3A_368 = arith.xori %or3A_365, %xor3A_367 : vector<512x1xi32>
    %ge3A_369 = vector.broadcast %xor3A_368 : vector<512x1xi32> to vector<512x128xi32>
    %ge3A_370 = arith.cmpi sge, %select_n3A, %ge3A_369 : vector<512x128xi32>
    %jit3A_371 = arith.constant 1.000000e+00 : f32
    %jit3A_372 = arith.constant 0.000000e+00 : f32
    %broadcast_in_dim3A_373 = vector.broadcast %jit3A_371 : f32 to vector<512x128xf32>
    %broadcast_in_dim3A_374 = vector.broadcast %jit3A_372 : f32 to vector<512x128xf32>
    %select_n3A_375 = arith.select %ge3A_370, %broadcast_in_dim3A_373, %broadcast_in_dim3A_374 : vector<512x128xi1>, vector<512x128xf32>
    %reduce_sum3A_376 = arith.constant dense<0.000000e+00> : vector<512xf32>
    %reduce_sum3A_377 = vector.multi_reduction <add>, %select_n3A_375, %reduce_sum3A_376 [1] : vector<512x128xf32> to vector<512xf32>
    %broadcast_in_dim3A_378 = vector.shape_cast %reduce_sum3A_377 : vector<512xf32> to vector<512x1xf32>
    %ge3A_379 = arith.constant 3.200000e+01 : f32
    %ge3A_380 = vector.broadcast %ge3A_379 : f32 to vector<512x1xf32>
    %ge3A_381 = arith.cmpf oge, %broadcast_in_dim3A_378, %ge3A_380 : vector<512x1xf32>
    %select_n3A_382 = arith.select %ge3A_381, %or3A_365, %select_n3A_362 : vector<512x1xi1>, vector<512x1xi32>
    %or3A_383 = arith.constant 8192 : i32
    %or3A_384 = vector.broadcast %or3A_383 : i32 to vector<512x1xi32>
    %or3A_385 = arith.ori %select_n3A_382, %or3A_384 : vector<512x1xi32>
    %xor3A_386 = arith.constant -2147483648 : i32
    %xor3A_387 = vector.broadcast %xor3A_386 : i32 to vector<512x1xi32>
    %xor3A_388 = arith.xori %or3A_385, %xor3A_387 : vector<512x1xi32>
    %ge3A_389 = vector.broadcast %xor3A_388 : vector<512x1xi32> to vector<512x128xi32>
    %ge3A_390 = arith.cmpi sge, %select_n3A, %ge3A_389 : vector<512x128xi32>
    %jit3A_391 = arith.constant 1.000000e+00 : f32
    %jit3A_392 = arith.constant 0.000000e+00 : f32
    %broadcast_in_dim3A_393 = vector.broadcast %jit3A_391 : f32 to vector<512x128xf32>
    %broadcast_in_dim3A_394 = vector.broadcast %jit3A_392 : f32 to vector<512x128xf32>
    %select_n3A_395 = arith.select %ge3A_390, %broadcast_in_dim3A_393, %broadcast_in_dim3A_394 : vector<512x128xi1>, vector<512x128xf32>
    %reduce_sum3A_396 = arith.constant dense<0.000000e+00> : vector<512xf32>
    %reduce_sum3A_397 = vector.multi_reduction <add>, %select_n3A_395, %reduce_sum3A_396 [1] : vector<512x128xf32> to vector<512xf32>
    %broadcast_in_dim3A_398 = vector.shape_cast %reduce_sum3A_397 : vector<512xf32> to vector<512x1xf32>
    %ge3A_399 = arith.constant 3.200000e+01 : f32
    %ge3A_400 = vector.broadcast %ge3A_399 : f32 to vector<512x1xf32>
    %ge3A_401 = arith.cmpf oge, %broadcast_in_dim3A_398, %ge3A_400 : vector<512x1xf32>
    %select_n3A_402 = arith.select %ge3A_401, %or3A_385, %select_n3A_382 : vector<512x1xi1>, vector<512x1xi32>
    %or3A_403 = arith.constant 4096 : i32
    %or3A_404 = vector.broadcast %or3A_403 : i32 to vector<512x1xi32>
    %or3A_405 = arith.ori %select_n3A_402, %or3A_404 : vector<512x1xi32>
    %xor3A_406 = arith.constant -2147483648 : i32
    %xor3A_407 = vector.broadcast %xor3A_406 : i32 to vector<512x1xi32>
    %xor3A_408 = arith.xori %or3A_405, %xor3A_407 : vector<512x1xi32>
    %ge3A_409 = vector.broadcast %xor3A_408 : vector<512x1xi32> to vector<512x128xi32>
    %ge3A_410 = arith.cmpi sge, %select_n3A, %ge3A_409 : vector<512x128xi32>
    %jit3A_411 = arith.constant 1.000000e+00 : f32
    %jit3A_412 = arith.constant 0.000000e+00 : f32
    %broadcast_in_dim3A_413 = vector.broadcast %jit3A_411 : f32 to vector<512x128xf32>
    %broadcast_in_dim3A_414 = vector.broadcast %jit3A_412 : f32 to vector<512x128xf32>
    %select_n3A_415 = arith.select %ge3A_410, %broadcast_in_dim3A_413, %broadcast_in_dim3A_414 : vector<512x128xi1>, vector<512x128xf32>
    %reduce_sum3A_416 = arith.constant dense<0.000000e+00> : vector<512xf32>
    %reduce_sum3A_417 = vector.multi_reduction <add>, %select_n3A_415, %reduce_sum3A_416 [1] : vector<512x128xf32> to vector<512xf32>
    %broadcast_in_dim3A_418 = vector.shape_cast %reduce_sum3A_417 : vector<512xf32> to vector<512x1xf32>
    %ge3A_419 = arith.constant 3.200000e+01 : f32
    %ge3A_420 = vector.broadcast %ge3A_419 : f32 to vector<512x1xf32>
    %ge3A_421 = arith.cmpf oge, %broadcast_in_dim3A_418, %ge3A_420 : vector<512x1xf32>
    %select_n3A_422 = arith.select %ge3A_421, %or3A_405, %select_n3A_402 : vector<512x1xi1>, vector<512x1xi32>
    %or3A_423 = arith.constant 2048 : i32
    %or3A_424 = vector.broadcast %or3A_423 : i32 to vector<512x1xi32>
    %or3A_425 = arith.ori %select_n3A_422, %or3A_424 : vector<512x1xi32>
    %xor3A_426 = arith.constant -2147483648 : i32
    %xor3A_427 = vector.broadcast %xor3A_426 : i32 to vector<512x1xi32>
    %xor3A_428 = arith.xori %or3A_425, %xor3A_427 : vector<512x1xi32>
    %ge3A_429 = vector.broadcast %xor3A_428 : vector<512x1xi32> to vector<512x128xi32>
    %ge3A_430 = arith.cmpi sge, %select_n3A, %ge3A_429 : vector<512x128xi32>
    %jit3A_431 = arith.constant 1.000000e+00 : f32
    %jit3A_432 = arith.constant 0.000000e+00 : f32
    %broadcast_in_dim3A_433 = vector.broadcast %jit3A_431 : f32 to vector<512x128xf32>
    %broadcast_in_dim3A_434 = vector.broadcast %jit3A_432 : f32 to vector<512x128xf32>
    %select_n3A_435 = arith.select %ge3A_430, %broadcast_in_dim3A_433, %broadcast_in_dim3A_434 : vector<512x128xi1>, vector<512x128xf32>
    %reduce_sum3A_436 = arith.constant dense<0.000000e+00> : vector<512xf32>
    %reduce_sum3A_437 = vector.multi_reduction <add>, %select_n3A_435, %reduce_sum3A_436 [1] : vector<512x128xf32> to vector<512xf32>
    %broadcast_in_dim3A_438 = vector.shape_cast %reduce_sum3A_437 : vector<512xf32> to vector<512x1xf32>
    %ge3A_439 = arith.constant 3.200000e+01 : f32
    %ge3A_440 = vector.broadcast %ge3A_439 : f32 to vector<512x1xf32>
    %ge3A_441 = arith.cmpf oge, %broadcast_in_dim3A_438, %ge3A_440 : vector<512x1xf32>
    %select_n3A_442 = arith.select %ge3A_441, %or3A_425, %select_n3A_422 : vector<512x1xi1>, vector<512x1xi32>
    %or3A_443 = arith.constant 1024 : i32
    %or3A_444 = vector.broadcast %or3A_443 : i32 to vector<512x1xi32>
    %or3A_445 = arith.ori %select_n3A_442, %or3A_444 : vector<512x1xi32>
    %xor3A_446 = arith.constant -2147483648 : i32
    %xor3A_447 = vector.broadcast %xor3A_446 : i32 to vector<512x1xi32>
    %xor3A_448 = arith.xori %or3A_445, %xor3A_447 : vector<512x1xi32>
    %ge3A_449 = vector.broadcast %xor3A_448 : vector<512x1xi32> to vector<512x128xi32>
    %ge3A_450 = arith.cmpi sge, %select_n3A, %ge3A_449 : vector<512x128xi32>
    %jit3A_451 = arith.constant 1.000000e+00 : f32
    %jit3A_452 = arith.constant 0.000000e+00 : f32
    %broadcast_in_dim3A_453 = vector.broadcast %jit3A_451 : f32 to vector<512x128xf32>
    %broadcast_in_dim3A_454 = vector.broadcast %jit3A_452 : f32 to vector<512x128xf32>
    %select_n3A_455 = arith.select %ge3A_450, %broadcast_in_dim3A_453, %broadcast_in_dim3A_454 : vector<512x128xi1>, vector<512x128xf32>
    %reduce_sum3A_456 = arith.constant dense<0.000000e+00> : vector<512xf32>
    %reduce_sum3A_457 = vector.multi_reduction <add>, %select_n3A_455, %reduce_sum3A_456 [1] : vector<512x128xf32> to vector<512xf32>
    %broadcast_in_dim3A_458 = vector.shape_cast %reduce_sum3A_457 : vector<512xf32> to vector<512x1xf32>
    %ge3A_459 = arith.constant 3.200000e+01 : f32
    %ge3A_460 = vector.broadcast %ge3A_459 : f32 to vector<512x1xf32>
    %ge3A_461 = arith.cmpf oge, %broadcast_in_dim3A_458, %ge3A_460 : vector<512x1xf32>
    %select_n3A_462 = arith.select %ge3A_461, %or3A_445, %select_n3A_442 : vector<512x1xi1>, vector<512x1xi32>
    %or3A_463 = arith.constant 512 : i32
    %or3A_464 = vector.broadcast %or3A_463 : i32 to vector<512x1xi32>
    %or3A_465 = arith.ori %select_n3A_462, %or3A_464 : vector<512x1xi32>
    %xor3A_466 = arith.constant -2147483648 : i32
    %xor3A_467 = vector.broadcast %xor3A_466 : i32 to vector<512x1xi32>
    %xor3A_468 = arith.xori %or3A_465, %xor3A_467 : vector<512x1xi32>
    %ge3A_469 = vector.broadcast %xor3A_468 : vector<512x1xi32> to vector<512x128xi32>
    %ge3A_470 = arith.cmpi sge, %select_n3A, %ge3A_469 : vector<512x128xi32>
    %jit3A_471 = arith.constant 1.000000e+00 : f32
    %jit3A_472 = arith.constant 0.000000e+00 : f32
    %broadcast_in_dim3A_473 = vector.broadcast %jit3A_471 : f32 to vector<512x128xf32>
    %broadcast_in_dim3A_474 = vector.broadcast %jit3A_472 : f32 to vector<512x128xf32>
    %select_n3A_475 = arith.select %ge3A_470, %broadcast_in_dim3A_473, %broadcast_in_dim3A_474 : vector<512x128xi1>, vector<512x128xf32>
    %reduce_sum3A_476 = arith.constant dense<0.000000e+00> : vector<512xf32>
    %reduce_sum3A_477 = vector.multi_reduction <add>, %select_n3A_475, %reduce_sum3A_476 [1] : vector<512x128xf32> to vector<512xf32>
    %broadcast_in_dim3A_478 = vector.shape_cast %reduce_sum3A_477 : vector<512xf32> to vector<512x1xf32>
    %ge3A_479 = arith.constant 3.200000e+01 : f32
    %ge3A_480 = vector.broadcast %ge3A_479 : f32 to vector<512x1xf32>
    %ge3A_481 = arith.cmpf oge, %broadcast_in_dim3A_478, %ge3A_480 : vector<512x1xf32>
    %select_n3A_482 = arith.select %ge3A_481, %or3A_465, %select_n3A_462 : vector<512x1xi1>, vector<512x1xi32>
    %or3A_483 = arith.constant 256 : i32
    %or3A_484 = vector.broadcast %or3A_483 : i32 to vector<512x1xi32>
    %or3A_485 = arith.ori %select_n3A_482, %or3A_484 : vector<512x1xi32>
    %xor3A_486 = arith.constant -2147483648 : i32
    %xor3A_487 = vector.broadcast %xor3A_486 : i32 to vector<512x1xi32>
    %xor3A_488 = arith.xori %or3A_485, %xor3A_487 : vector<512x1xi32>
    %ge3A_489 = vector.broadcast %xor3A_488 : vector<512x1xi32> to vector<512x128xi32>
    %ge3A_490 = arith.cmpi sge, %select_n3A, %ge3A_489 : vector<512x128xi32>
    %jit3A_491 = arith.constant 1.000000e+00 : f32
    %jit3A_492 = arith.constant 0.000000e+00 : f32
    %broadcast_in_dim3A_493 = vector.broadcast %jit3A_491 : f32 to vector<512x128xf32>
    %broadcast_in_dim3A_494 = vector.broadcast %jit3A_492 : f32 to vector<512x128xf32>
    %select_n3A_495 = arith.select %ge3A_490, %broadcast_in_dim3A_493, %broadcast_in_dim3A_494 : vector<512x128xi1>, vector<512x128xf32>
    %reduce_sum3A_496 = arith.constant dense<0.000000e+00> : vector<512xf32>
    %reduce_sum3A_497 = vector.multi_reduction <add>, %select_n3A_495, %reduce_sum3A_496 [1] : vector<512x128xf32> to vector<512xf32>
    %broadcast_in_dim3A_498 = vector.shape_cast %reduce_sum3A_497 : vector<512xf32> to vector<512x1xf32>
    %ge3A_499 = arith.constant 3.200000e+01 : f32
    %ge3A_500 = vector.broadcast %ge3A_499 : f32 to vector<512x1xf32>
    %ge3A_501 = arith.cmpf oge, %broadcast_in_dim3A_498, %ge3A_500 : vector<512x1xf32>
    %select_n3A_502 = arith.select %ge3A_501, %or3A_485, %select_n3A_482 : vector<512x1xi1>, vector<512x1xi32>
    %or3A_503 = arith.constant 128 : i32
    %or3A_504 = vector.broadcast %or3A_503 : i32 to vector<512x1xi32>
    %or3A_505 = arith.ori %select_n3A_502, %or3A_504 : vector<512x1xi32>
    %xor3A_506 = arith.constant -2147483648 : i32
    %xor3A_507 = vector.broadcast %xor3A_506 : i32 to vector<512x1xi32>
    %xor3A_508 = arith.xori %or3A_505, %xor3A_507 : vector<512x1xi32>
    %ge3A_509 = vector.broadcast %xor3A_508 : vector<512x1xi32> to vector<512x128xi32>
    %ge3A_510 = arith.cmpi sge, %select_n3A, %ge3A_509 : vector<512x128xi32>
    %jit3A_511 = arith.constant 1.000000e+00 : f32
    %jit3A_512 = arith.constant 0.000000e+00 : f32
    %broadcast_in_dim3A_513 = vector.broadcast %jit3A_511 : f32 to vector<512x128xf32>
    %broadcast_in_dim3A_514 = vector.broadcast %jit3A_512 : f32 to vector<512x128xf32>
    %select_n3A_515 = arith.select %ge3A_510, %broadcast_in_dim3A_513, %broadcast_in_dim3A_514 : vector<512x128xi1>, vector<512x128xf32>
    %reduce_sum3A_516 = arith.constant dense<0.000000e+00> : vector<512xf32>
    %reduce_sum3A_517 = vector.multi_reduction <add>, %select_n3A_515, %reduce_sum3A_516 [1] : vector<512x128xf32> to vector<512xf32>
    %broadcast_in_dim3A_518 = vector.shape_cast %reduce_sum3A_517 : vector<512xf32> to vector<512x1xf32>
    %ge3A_519 = arith.constant 3.200000e+01 : f32
    %ge3A_520 = vector.broadcast %ge3A_519 : f32 to vector<512x1xf32>
    %ge3A_521 = arith.cmpf oge, %broadcast_in_dim3A_518, %ge3A_520 : vector<512x1xf32>
    %select_n3A_522 = arith.select %ge3A_521, %or3A_505, %select_n3A_502 : vector<512x1xi1>, vector<512x1xi32>
    %or3A_523 = arith.constant 64 : i32
    %or3A_524 = vector.broadcast %or3A_523 : i32 to vector<512x1xi32>
    %or3A_525 = arith.ori %select_n3A_522, %or3A_524 : vector<512x1xi32>
    %xor3A_526 = arith.constant -2147483648 : i32
    %xor3A_527 = vector.broadcast %xor3A_526 : i32 to vector<512x1xi32>
    %xor3A_528 = arith.xori %or3A_525, %xor3A_527 : vector<512x1xi32>
    %ge3A_529 = vector.broadcast %xor3A_528 : vector<512x1xi32> to vector<512x128xi32>
    %ge3A_530 = arith.cmpi sge, %select_n3A, %ge3A_529 : vector<512x128xi32>
    %jit3A_531 = arith.constant 1.000000e+00 : f32
    %jit3A_532 = arith.constant 0.000000e+00 : f32
    %broadcast_in_dim3A_533 = vector.broadcast %jit3A_531 : f32 to vector<512x128xf32>
    %broadcast_in_dim3A_534 = vector.broadcast %jit3A_532 : f32 to vector<512x128xf32>
    %select_n3A_535 = arith.select %ge3A_530, %broadcast_in_dim3A_533, %broadcast_in_dim3A_534 : vector<512x128xi1>, vector<512x128xf32>
    %reduce_sum3A_536 = arith.constant dense<0.000000e+00> : vector<512xf32>
    %reduce_sum3A_537 = vector.multi_reduction <add>, %select_n3A_535, %reduce_sum3A_536 [1] : vector<512x128xf32> to vector<512xf32>
    %broadcast_in_dim3A_538 = vector.shape_cast %reduce_sum3A_537 : vector<512xf32> to vector<512x1xf32>
    %ge3A_539 = arith.constant 3.200000e+01 : f32
    %ge3A_540 = vector.broadcast %ge3A_539 : f32 to vector<512x1xf32>
    %ge3A_541 = arith.cmpf oge, %broadcast_in_dim3A_538, %ge3A_540 : vector<512x1xf32>
    %select_n3A_542 = arith.select %ge3A_541, %or3A_525, %select_n3A_522 : vector<512x1xi1>, vector<512x1xi32>
    %or3A_543 = arith.constant 32 : i32
    %or3A_544 = vector.broadcast %or3A_543 : i32 to vector<512x1xi32>
    %or3A_545 = arith.ori %select_n3A_542, %or3A_544 : vector<512x1xi32>
    %xor3A_546 = arith.constant -2147483648 : i32
    %xor3A_547 = vector.broadcast %xor3A_546 : i32 to vector<512x1xi32>
    %xor3A_548 = arith.xori %or3A_545, %xor3A_547 : vector<512x1xi32>
    %ge3A_549 = vector.broadcast %xor3A_548 : vector<512x1xi32> to vector<512x128xi32>
    %ge3A_550 = arith.cmpi sge, %select_n3A, %ge3A_549 : vector<512x128xi32>
    %jit3A_551 = arith.constant 1.000000e+00 : f32
    %jit3A_552 = arith.constant 0.000000e+00 : f32
    %broadcast_in_dim3A_553 = vector.broadcast %jit3A_551 : f32 to vector<512x128xf32>
    %broadcast_in_dim3A_554 = vector.broadcast %jit3A_552 : f32 to vector<512x128xf32>
    %select_n3A_555 = arith.select %ge3A_550, %broadcast_in_dim3A_553, %broadcast_in_dim3A_554 : vector<512x128xi1>, vector<512x128xf32>
    %reduce_sum3A_556 = arith.constant dense<0.000000e+00> : vector<512xf32>
    %reduce_sum3A_557 = vector.multi_reduction <add>, %select_n3A_555, %reduce_sum3A_556 [1] : vector<512x128xf32> to vector<512xf32>
    %broadcast_in_dim3A_558 = vector.shape_cast %reduce_sum3A_557 : vector<512xf32> to vector<512x1xf32>
    %ge3A_559 = arith.constant 3.200000e+01 : f32
    %ge3A_560 = vector.broadcast %ge3A_559 : f32 to vector<512x1xf32>
    %ge3A_561 = arith.cmpf oge, %broadcast_in_dim3A_558, %ge3A_560 : vector<512x1xf32>
    %select_n3A_562 = arith.select %ge3A_561, %or3A_545, %select_n3A_542 : vector<512x1xi1>, vector<512x1xi32>
    %or3A_563 = arith.constant 16 : i32
    %or3A_564 = vector.broadcast %or3A_563 : i32 to vector<512x1xi32>
    %or3A_565 = arith.ori %select_n3A_562, %or3A_564 : vector<512x1xi32>
    %xor3A_566 = arith.constant -2147483648 : i32
    %xor3A_567 = vector.broadcast %xor3A_566 : i32 to vector<512x1xi32>
    %xor3A_568 = arith.xori %or3A_565, %xor3A_567 : vector<512x1xi32>
    %ge3A_569 = vector.broadcast %xor3A_568 : vector<512x1xi32> to vector<512x128xi32>
    %ge3A_570 = arith.cmpi sge, %select_n3A, %ge3A_569 : vector<512x128xi32>
    %jit3A_571 = arith.constant 1.000000e+00 : f32
    %jit3A_572 = arith.constant 0.000000e+00 : f32
    %broadcast_in_dim3A_573 = vector.broadcast %jit3A_571 : f32 to vector<512x128xf32>
    %broadcast_in_dim3A_574 = vector.broadcast %jit3A_572 : f32 to vector<512x128xf32>
    %select_n3A_575 = arith.select %ge3A_570, %broadcast_in_dim3A_573, %broadcast_in_dim3A_574 : vector<512x128xi1>, vector<512x128xf32>
    %reduce_sum3A_576 = arith.constant dense<0.000000e+00> : vector<512xf32>
    %reduce_sum3A_577 = vector.multi_reduction <add>, %select_n3A_575, %reduce_sum3A_576 [1] : vector<512x128xf32> to vector<512xf32>
    %broadcast_in_dim3A_578 = vector.shape_cast %reduce_sum3A_577 : vector<512xf32> to vector<512x1xf32>
    %ge3A_579 = arith.constant 3.200000e+01 : f32
    %ge3A_580 = vector.broadcast %ge3A_579 : f32 to vector<512x1xf32>
    %ge3A_581 = arith.cmpf oge, %broadcast_in_dim3A_578, %ge3A_580 : vector<512x1xf32>
    %select_n3A_582 = arith.select %ge3A_581, %or3A_565, %select_n3A_562 : vector<512x1xi1>, vector<512x1xi32>
    %or3A_583 = arith.constant 8 : i32
    %or3A_584 = vector.broadcast %or3A_583 : i32 to vector<512x1xi32>
    %or3A_585 = arith.ori %select_n3A_582, %or3A_584 : vector<512x1xi32>
    %xor3A_586 = arith.constant -2147483648 : i32
    %xor3A_587 = vector.broadcast %xor3A_586 : i32 to vector<512x1xi32>
    %xor3A_588 = arith.xori %or3A_585, %xor3A_587 : vector<512x1xi32>
    %ge3A_589 = vector.broadcast %xor3A_588 : vector<512x1xi32> to vector<512x128xi32>
    %ge3A_590 = arith.cmpi sge, %select_n3A, %ge3A_589 : vector<512x128xi32>
    %jit3A_591 = arith.constant 1.000000e+00 : f32
    %jit3A_592 = arith.constant 0.000000e+00 : f32
    %broadcast_in_dim3A_593 = vector.broadcast %jit3A_591 : f32 to vector<512x128xf32>
    %broadcast_in_dim3A_594 = vector.broadcast %jit3A_592 : f32 to vector<512x128xf32>
    %select_n3A_595 = arith.select %ge3A_590, %broadcast_in_dim3A_593, %broadcast_in_dim3A_594 : vector<512x128xi1>, vector<512x128xf32>
    %reduce_sum3A_596 = arith.constant dense<0.000000e+00> : vector<512xf32>
    %reduce_sum3A_597 = vector.multi_reduction <add>, %select_n3A_595, %reduce_sum3A_596 [1] : vector<512x128xf32> to vector<512xf32>
    %broadcast_in_dim3A_598 = vector.shape_cast %reduce_sum3A_597 : vector<512xf32> to vector<512x1xf32>
    %ge3A_599 = arith.constant 3.200000e+01 : f32
    %ge3A_600 = vector.broadcast %ge3A_599 : f32 to vector<512x1xf32>
    %ge3A_601 = arith.cmpf oge, %broadcast_in_dim3A_598, %ge3A_600 : vector<512x1xf32>
    %select_n3A_602 = arith.select %ge3A_601, %or3A_585, %select_n3A_582 : vector<512x1xi1>, vector<512x1xi32>
    %or3A_603 = arith.constant 4 : i32
    %or3A_604 = vector.broadcast %or3A_603 : i32 to vector<512x1xi32>
    %or3A_605 = arith.ori %select_n3A_602, %or3A_604 : vector<512x1xi32>
    %xor3A_606 = arith.constant -2147483648 : i32
    %xor3A_607 = vector.broadcast %xor3A_606 : i32 to vector<512x1xi32>
    %xor3A_608 = arith.xori %or3A_605, %xor3A_607 : vector<512x1xi32>
    %ge3A_609 = vector.broadcast %xor3A_608 : vector<512x1xi32> to vector<512x128xi32>
    %ge3A_610 = arith.cmpi sge, %select_n3A, %ge3A_609 : vector<512x128xi32>
    %jit3A_611 = arith.constant 1.000000e+00 : f32
    %jit3A_612 = arith.constant 0.000000e+00 : f32
    %broadcast_in_dim3A_613 = vector.broadcast %jit3A_611 : f32 to vector<512x128xf32>
    %broadcast_in_dim3A_614 = vector.broadcast %jit3A_612 : f32 to vector<512x128xf32>
    %select_n3A_615 = arith.select %ge3A_610, %broadcast_in_dim3A_613, %broadcast_in_dim3A_614 : vector<512x128xi1>, vector<512x128xf32>
    %reduce_sum3A_616 = arith.constant dense<0.000000e+00> : vector<512xf32>
    %reduce_sum3A_617 = vector.multi_reduction <add>, %select_n3A_615, %reduce_sum3A_616 [1] : vector<512x128xf32> to vector<512xf32>
    %broadcast_in_dim3A_618 = vector.shape_cast %reduce_sum3A_617 : vector<512xf32> to vector<512x1xf32>
    %ge3A_619 = arith.constant 3.200000e+01 : f32
    %ge3A_620 = vector.broadcast %ge3A_619 : f32 to vector<512x1xf32>
    %ge3A_621 = arith.cmpf oge, %broadcast_in_dim3A_618, %ge3A_620 : vector<512x1xf32>
    %select_n3A_622 = arith.select %ge3A_621, %or3A_605, %select_n3A_602 : vector<512x1xi1>, vector<512x1xi32>
    %or3A_623 = arith.constant 2 : i32
    %or3A_624 = vector.broadcast %or3A_623 : i32 to vector<512x1xi32>
    %or3A_625 = arith.ori %select_n3A_622, %or3A_624 : vector<512x1xi32>
    %xor3A_626 = arith.constant -2147483648 : i32
    %xor3A_627 = vector.broadcast %xor3A_626 : i32 to vector<512x1xi32>
    %xor3A_628 = arith.xori %or3A_625, %xor3A_627 : vector<512x1xi32>
    %ge3A_629 = vector.broadcast %xor3A_628 : vector<512x1xi32> to vector<512x128xi32>
    %ge3A_630 = arith.cmpi sge, %select_n3A, %ge3A_629 : vector<512x128xi32>
    %jit3A_631 = arith.constant 1.000000e+00 : f32
    %jit3A_632 = arith.constant 0.000000e+00 : f32
    %broadcast_in_dim3A_633 = vector.broadcast %jit3A_631 : f32 to vector<512x128xf32>
    %broadcast_in_dim3A_634 = vector.broadcast %jit3A_632 : f32 to vector<512x128xf32>
    %select_n3A_635 = arith.select %ge3A_630, %broadcast_in_dim3A_633, %broadcast_in_dim3A_634 : vector<512x128xi1>, vector<512x128xf32>
    %reduce_sum3A_636 = arith.constant dense<0.000000e+00> : vector<512xf32>
    %reduce_sum3A_637 = vector.multi_reduction <add>, %select_n3A_635, %reduce_sum3A_636 [1] : vector<512x128xf32> to vector<512xf32>
    %broadcast_in_dim3A_638 = vector.shape_cast %reduce_sum3A_637 : vector<512xf32> to vector<512x1xf32>
    %ge3A_639 = arith.constant 3.200000e+01 : f32
    %ge3A_640 = vector.broadcast %ge3A_639 : f32 to vector<512x1xf32>
    %ge3A_641 = arith.cmpf oge, %broadcast_in_dim3A_638, %ge3A_640 : vector<512x1xf32>
    %select_n3A_642 = arith.select %ge3A_641, %or3A_625, %select_n3A_622 : vector<512x1xi1>, vector<512x1xi32>
    %or3A_643 = arith.constant 1 : i32
    %or3A_644 = vector.broadcast %or3A_643 : i32 to vector<512x1xi32>
    %or3A_645 = arith.ori %select_n3A_642, %or3A_644 : vector<512x1xi32>
    %xor3A_646 = arith.constant -2147483648 : i32
    %xor3A_647 = vector.broadcast %xor3A_646 : i32 to vector<512x1xi32>
    %xor3A_648 = arith.xori %or3A_645, %xor3A_647 : vector<512x1xi32>
    %ge3A_649 = vector.broadcast %xor3A_648 : vector<512x1xi32> to vector<512x128xi32>
    %ge3A_650 = arith.cmpi sge, %select_n3A, %ge3A_649 : vector<512x128xi32>
    %jit3A_651 = arith.constant 1.000000e+00 : f32
    %jit3A_652 = arith.constant 0.000000e+00 : f32
    %broadcast_in_dim3A_653 = vector.broadcast %jit3A_651 : f32 to vector<512x128xf32>
    %broadcast_in_dim3A_654 = vector.broadcast %jit3A_652 : f32 to vector<512x128xf32>
    %select_n3A_655 = arith.select %ge3A_650, %broadcast_in_dim3A_653, %broadcast_in_dim3A_654 : vector<512x128xi1>, vector<512x128xf32>
    %reduce_sum3A_656 = arith.constant dense<0.000000e+00> : vector<512xf32>
    %reduce_sum3A_657 = vector.multi_reduction <add>, %select_n3A_655, %reduce_sum3A_656 [1] : vector<512x128xf32> to vector<512xf32>
    %broadcast_in_dim3A_658 = vector.shape_cast %reduce_sum3A_657 : vector<512xf32> to vector<512x1xf32>
    %ge3A_659 = arith.constant 3.200000e+01 : f32
    %ge3A_660 = vector.broadcast %ge3A_659 : f32 to vector<512x1xf32>
    %ge3A_661 = arith.cmpf oge, %broadcast_in_dim3A_658, %ge3A_660 : vector<512x1xf32>
    %select_n3A_662 = arith.select %ge3A_661, %or3A_645, %select_n3A_642 : vector<512x1xi1>, vector<512x1xi32>
    %xor3A_663 = arith.constant -2147483648 : i32
    %xor3A_664 = vector.broadcast %xor3A_663 : i32 to vector<512x1xi32>
    %xor3A_665 = arith.xori %select_n3A_662, %xor3A_664 : vector<512x1xi32>
    %ge3A_666 = vector.broadcast %xor3A_665 : vector<512x1xi32> to vector<512x128xi32>
    %ge3A_667 = arith.cmpi sge, %select_n3A, %ge3A_666 : vector<512x128xi32>
    %broadcast_in_dim3A_668 = arith.constant 0.000000e+00 : f32
    %broadcast_in_dim3A_669 = vector.broadcast %broadcast_in_dim3A_668 : f32 to vector<512x128xf32>
    %select_n3A_670 = arith.select %ge3A_667, %add3A_21, %broadcast_in_dim3A_669 : vector<512x128xi1>, vector<512x128xf32>
    %get3A_671 = arith.constant 0 : index
    %get3A_672 = arith.constant 0 : index
    %get3A_673 = vector.load %arg6[%get3A_671, %get3A_672] : memref<512x128xf32, #tpu.memory_space<vmem>>, vector<512x128xf32>
    %get3A_674 = arith.constant 0 : index
    %get3A_675 = arith.constant 0 : index
    %get3A_676 = vector.load %arg7[%get3A_674, %get3A_675] : memref<512x128xf32, #tpu.memory_space<vmem>>, vector<512x128xf32>
    %slice3A = vector.extract_strided_slice %get3A_673 {offsets = [0, 0], sizes = [512, 1], strides = [1, 1]} : vector<512x128xf32> to vector<512x1xf32>
    %slice3A_677 = vector.extract_strided_slice %get3A_676 {offsets = [0, 0], sizes = [512, 1], strides = [1, 1]} : vector<512x128xf32> to vector<512x1xf32>
    %add3A_678 = arith.addf %slice3A, %slice3A_677 : vector<512x1xf32>
    %max3A_679 = arith.constant 1.000000e+00 : f32
    %max3A_680 = vector.broadcast %max3A_679 : f32 to vector<512x1xf32>
    %max3A_681 = arith.maximumf %add3A_678, %max3A_680 : vector<512x1xf32>
    %rsqrt3A = math.rsqrt %max3A_681 : vector<512x1xf32>
    %mul3A = vector.broadcast %rsqrt3A : vector<512x1xf32> to vector<512x128xf32>
    %mul3A_682 = arith.mulf %select_n3A_670, %mul3A : vector<512x128xf32>
    %swap3A = arith.constant 0 : index
    %swap3A_683 = arith.constant 0 : index
    %swap3A_684 = vector.load %arg8[%swap3A, %swap3A_683] : memref<512x128xf32, #tpu.memory_space<vmem>>, vector<512x128xf32>
    tpu.vector_store %arg8[%swap3A, %swap3A_683], %mul3A_682 {strides = array<i32>} : memref<512x128xf32, #tpu.memory_space<vmem>>, vector<512x128xf32>,
    return
  }
  func.func @transform_0(%arg0: i32) -> (i32, i32) {
    %c0_i32 = arith.constant 0 : i32
    %c0_i32_0 = arith.constant 0 : i32
    return %arg0, %c0_i32 : i32, i32
  }
  func.func @transform_1(%arg0: i32) -> (i32, i32) {
    %c0_i32 = arith.constant 0 : i32
    %c0_i32_0 = arith.constant 0 : i32
    %c0_i32_1 = arith.constant 0 : i32
    return %c0_i32, %c0_i32_0 : i32, i32
  }
  func.func @transform_2(%arg0: i32) -> (i32, i32) {
    %c0_i32 = arith.constant 0 : i32
    %c0_i32_0 = arith.constant 0 : i32
    %c0_i32_1 = arith.constant 0 : i32
    return %c0_i32, %c0_i32_0 : i32, i32
  }
  func.func @transform_3(%arg0: i32) -> (i32, i32) {
    %c0_i32 = arith.constant 0 : i32
    %c0_i32_0 = arith.constant 0 : i32
    %c0_i32_1 = arith.constant 0 : i32
    return %c0_i32, %c0_i32_0 : i32, i32
  }
  func.func @transform_4(%arg0: i32) -> (i32, i32) {
    %c0_i32 = arith.constant 0 : i32
    %c0_i32_0 = arith.constant 0 : i32
    %c0_i32_1 = arith.constant 0 : i32
    return %c0_i32, %c0_i32_0 : i32, i32
  }
  func.func @transform_5(%arg0: i32) -> (i32, i32) {
    %c0_i32 = arith.constant 0 : i32
    %c0_i32_0 = arith.constant 0 : i32
    return %arg0, %c0_i32 : i32, i32
  }
  func.func @transform_6(%arg0: i32) -> (i32, i32) {
    %c0_i32 = arith.constant 0 : i32
    %c0_i32_0 = arith.constant 0 : i32
    return %arg0, %c0_i32 : i32, i32
  }
  func.func @transform_7(%arg0: i32) -> (i32, i32) {
    %c0_i32 = arith.constant 0 : i32
    %c0_i32_0 = arith.constant 0 : i32
    return %arg0, %c0_i32 : i32, i32
  }
}

module attributes {stable_mosaic.version = 14 : i64} {
  func.func @_tc_mid_body(%arg0: i32, %arg1: memref<512x128xf32, #tpu.memory_space<vmem>>, %arg2: memref<512x128xf32, #tpu.memory_space<vmem>>, %arg3: memref<512x128xf32, #tpu.memory_space<vmem>>, %arg4: memref<512x128xf32, #tpu.memory_space<vmem>>, %arg5: memref<128x128xf32, #tpu.memory_space<vmem>>, %arg6: memref<1x128xf32, #tpu.memory_space<vmem>>, %arg7: memref<128x128xf32, #tpu.memory_space<vmem>>, %arg8: memref<1x128xf32, #tpu.memory_space<vmem>>, %arg9: memref<512x128xf32, #tpu.memory_space<vmem>>) attributes {dimension_semantics = [#tpu.dimension_semantics<arbitrary>], iteration_bounds = array<i64: 20>, scalar_prefetch = 0 : i64, scratch_operands = 0 : i64, tpu.core_type = #tpu.core_type<tc>, window_params = [{transform_indices = @transform_0, window_bounds = array<i64: 512, 128>}, {transform_indices = @transform_1, window_bounds = array<i64: 512, 128>}, {transform_indices = @transform_2, window_bounds = array<i64: 512, 128>}, {transform_indices = @transform_3, window_bounds = array<i64: 512, 128>}, {pipeline_mode = #tpu.pipeline_mode<synchronous>, transform_indices = @transform_4, window_bounds = array<i64: 128, 128>}, {pipeline_mode = #tpu.pipeline_mode<synchronous>, transform_indices = @transform_5, window_bounds = array<i64: 1, 128>}, {pipeline_mode = #tpu.pipeline_mode<synchronous>, transform_indices = @transform_6, window_bounds = array<i64: 128, 128>}, {pipeline_mode = #tpu.pipeline_mode<synchronous>, transform_indices = @transform_7, window_bounds = array<i64: 1, 128>}, {transform_indices = @transform_8, window_bounds = array<i64: 512, 128>}]} {
    %get3A = arith.constant 0 : index
    %get3A_0 = arith.constant 0 : index
    %get3A_1 = vector.load %arg3[%get3A, %get3A_0] : memref<512x128xf32, #tpu.memory_space<vmem>>, vector<512x128xf32>
    %get3A_2 = arith.constant 0 : index
    %get3A_3 = arith.constant 0 : index
    %get3A_4 = vector.load %arg4[%get3A_2, %get3A_3] : memref<512x128xf32, #tpu.memory_space<vmem>>, vector<512x128xf32>
    %slice3A = vector.extract_strided_slice %get3A_1 {offsets = [0, 0], sizes = [512, 1], strides = [1, 1]} : vector<512x128xf32> to vector<512x1xf32>
    %slice3A_5 = vector.extract_strided_slice %get3A_4 {offsets = [0, 0], sizes = [512, 1], strides = [1, 1]} : vector<512x128xf32> to vector<512x1xf32>
    %add3A = arith.addf %slice3A, %slice3A_5 : vector<512x1xf32>
    %max3A = arith.constant 1.000000e+00 : f32
    %max3A_6 = vector.broadcast %max3A : f32 to vector<512x1xf32>
    %max3A_7 = arith.maximumf %add3A, %max3A_6 : vector<512x1xf32>
    %rsqrt3A = math.rsqrt %max3A_7 : vector<512x1xf32>
    %get3A_8 = arith.constant 0 : index
    %get3A_9 = arith.constant 0 : index
    %get3A_10 = vector.load %arg1[%get3A_8, %get3A_9] : memref<512x128xf32, #tpu.memory_space<vmem>>, vector<512x128xf32>
    %get3A_11 = arith.constant 0 : index
    %get3A_12 = arith.constant 0 : index
    %get3A_13 = vector.load %arg2[%get3A_11, %get3A_12] : memref<512x128xf32, #tpu.memory_space<vmem>>, vector<512x128xf32>
    %add3A_14 = arith.addf %get3A_10, %get3A_13 : vector<512x128xf32>
    %mul3A = vector.broadcast %rsqrt3A : vector<512x1xf32> to vector<512x128xf32>
    %mul3A_15 = arith.mulf %add3A_14, %mul3A : vector<512x128xf32>
    %get3A_16 = arith.constant 0 : index
    %get3A_17 = arith.constant 0 : index
    %get3A_18 = vector.load %arg5[%get3A_16, %get3A_17] : memref<128x128xf32, #tpu.memory_space<vmem>>, vector<128x128xf32>
    %dot_general3A = arith.constant dense<0.000000e+00> : vector<512x128xf32>
    %dot_general3A_19 = tpu.matmul %mul3A_15, %get3A_18, %dot_general3A {dimension_numbers = #tpu.dot_dimension_numbers<[1], [1], [0], [0], [0, 0, 1, 0], [], []>, transpose_lhs_hint = false} : vector<512x128xf32>, vector<128x128xf32>, vector<512x128xf32> -> vector<512x128xf32>
    %get3A_20 = arith.constant 0 : index
    %get3A_21 = arith.constant 0 : index
    %get3A_22 = vector.load %arg6[%get3A_20, %get3A_21] : memref<1x128xf32, #tpu.memory_space<vmem>>, vector<1x128xf32>
    %add3A_23 = vector.broadcast %get3A_22 : vector<1x128xf32> to vector<512x128xf32>
    %add3A_24 = arith.addf %dot_general3A_19, %add3A_23 : vector<512x128xf32>
    %get3A_25 = arith.constant 0 : index
    %get3A_26 = arith.constant 0 : index
    %get3A_27 = vector.load %arg7[%get3A_25, %get3A_26] : memref<128x128xf32, #tpu.memory_space<vmem>>, vector<128x128xf32>
    %dot_general3A_28 = arith.constant dense<0.000000e+00> : vector<512x128xf32>
    %dot_general3A_29 = tpu.matmul %add3A_24, %get3A_27, %dot_general3A_28 {dimension_numbers = #tpu.dot_dimension_numbers<[1], [1], [0], [0], [0, 0, 1, 0], [], []>, transpose_lhs_hint = false} : vector<512x128xf32>, vector<128x128xf32>, vector<512x128xf32> -> vector<512x128xf32>
    %get3A_30 = arith.constant 0 : index
    %get3A_31 = arith.constant 0 : index
    %get3A_32 = vector.load %arg8[%get3A_30, %get3A_31] : memref<1x128xf32, #tpu.memory_space<vmem>>, vector<1x128xf32>
    %add3A_33 = vector.broadcast %get3A_32 : vector<1x128xf32> to vector<512x128xf32>
    %add3A_34 = arith.addf %dot_general3A_29, %add3A_33 : vector<512x128xf32>
    %bitcast_convert_type3A = tpu.bitcast %add3A_34 : vector<512x128xf32> -> vector<512x128xi32>
    %lt3A = arith.constant 0 : i32
    %lt3A_35 = vector.broadcast %lt3A : i32 to vector<512x128xi32>
    %lt3A_36 = arith.cmpi slt, %bitcast_convert_type3A, %lt3A_35 : vector<512x128xi32>
    %xor3A = arith.constant 2147483647 : i32
    %xor3A_37 = vector.broadcast %xor3A : i32 to vector<512x128xi32>
    %xor3A_38 = arith.xori %bitcast_convert_type3A, %xor3A_37 : vector<512x128xi32>
    %select_n3A = arith.select %lt3A_36, %xor3A_38, %bitcast_convert_type3A : vector<512x128xi1>, vector<512x128xi32>
    %broadcast_in_dim3A = arith.constant 0 : i32
    %broadcast_in_dim3A_39 = vector.broadcast %broadcast_in_dim3A : i32 to vector<512x1xi32>
    %or3A = arith.constant -2147483648 : i32
    %or3A_40 = vector.broadcast %or3A : i32 to vector<512x1xi32>
    %or3A_41 = arith.ori %broadcast_in_dim3A_39, %or3A_40 : vector<512x1xi32>
    %xor3A_42 = arith.constant -2147483648 : i32
    %xor3A_43 = vector.broadcast %xor3A_42 : i32 to vector<512x1xi32>
    %xor3A_44 = arith.xori %or3A_41, %xor3A_43 : vector<512x1xi32>
    %ge3A = vector.broadcast %xor3A_44 : vector<512x1xi32> to vector<512x128xi32>
    %ge3A_45 = arith.cmpi sge, %select_n3A, %ge3A : vector<512x128xi32>
    %jit3A = arith.constant 1.000000e+00 : f32
    %jit3A_46 = arith.constant 0.000000e+00 : f32
    %broadcast_in_dim3A_47 = vector.broadcast %jit3A : f32 to vector<512x128xf32>
    %broadcast_in_dim3A_48 = vector.broadcast %jit3A_46 : f32 to vector<512x128xf32>
    %select_n3A_49 = arith.select %ge3A_45, %broadcast_in_dim3A_47, %broadcast_in_dim3A_48 : vector<512x128xi1>, vector<512x128xf32>
    %reduce_sum3A = arith.constant dense<0.000000e+00> : vector<512xf32>
    %reduce_sum3A_50 = vector.multi_reduction <add>, %select_n3A_49, %reduce_sum3A [1] : vector<512x128xf32> to vector<512xf32>
    %broadcast_in_dim3A_51 = vector.shape_cast %reduce_sum3A_50 : vector<512xf32> to vector<512x1xf32>
    %ge3A_52 = arith.constant 3.200000e+01 : f32
    %ge3A_53 = vector.broadcast %ge3A_52 : f32 to vector<512x1xf32>
    %ge3A_54 = arith.cmpf oge, %broadcast_in_dim3A_51, %ge3A_53 : vector<512x1xf32>
    %select_n3A_55 = arith.select %ge3A_54, %or3A_41, %broadcast_in_dim3A_39 : vector<512x1xi1>, vector<512x1xi32>
    %or3A_56 = arith.constant 1073741824 : i32
    %or3A_57 = vector.broadcast %or3A_56 : i32 to vector<512x1xi32>
    %or3A_58 = arith.ori %select_n3A_55, %or3A_57 : vector<512x1xi32>
    %xor3A_59 = arith.constant -2147483648 : i32
    %xor3A_60 = vector.broadcast %xor3A_59 : i32 to vector<512x1xi32>
    %xor3A_61 = arith.xori %or3A_58, %xor3A_60 : vector<512x1xi32>
    %ge3A_62 = vector.broadcast %xor3A_61 : vector<512x1xi32> to vector<512x128xi32>
    %ge3A_63 = arith.cmpi sge, %select_n3A, %ge3A_62 : vector<512x128xi32>
    %jit3A_64 = arith.constant 1.000000e+00 : f32
    %jit3A_65 = arith.constant 0.000000e+00 : f32
    %broadcast_in_dim3A_66 = vector.broadcast %jit3A_64 : f32 to vector<512x128xf32>
    %broadcast_in_dim3A_67 = vector.broadcast %jit3A_65 : f32 to vector<512x128xf32>
    %select_n3A_68 = arith.select %ge3A_63, %broadcast_in_dim3A_66, %broadcast_in_dim3A_67 : vector<512x128xi1>, vector<512x128xf32>
    %reduce_sum3A_69 = arith.constant dense<0.000000e+00> : vector<512xf32>
    %reduce_sum3A_70 = vector.multi_reduction <add>, %select_n3A_68, %reduce_sum3A_69 [1] : vector<512x128xf32> to vector<512xf32>
    %broadcast_in_dim3A_71 = vector.shape_cast %reduce_sum3A_70 : vector<512xf32> to vector<512x1xf32>
    %ge3A_72 = arith.constant 3.200000e+01 : f32
    %ge3A_73 = vector.broadcast %ge3A_72 : f32 to vector<512x1xf32>
    %ge3A_74 = arith.cmpf oge, %broadcast_in_dim3A_71, %ge3A_73 : vector<512x1xf32>
    %select_n3A_75 = arith.select %ge3A_74, %or3A_58, %select_n3A_55 : vector<512x1xi1>, vector<512x1xi32>
    %or3A_76 = arith.constant 536870912 : i32
    %or3A_77 = vector.broadcast %or3A_76 : i32 to vector<512x1xi32>
    %or3A_78 = arith.ori %select_n3A_75, %or3A_77 : vector<512x1xi32>
    %xor3A_79 = arith.constant -2147483648 : i32
    %xor3A_80 = vector.broadcast %xor3A_79 : i32 to vector<512x1xi32>
    %xor3A_81 = arith.xori %or3A_78, %xor3A_80 : vector<512x1xi32>
    %ge3A_82 = vector.broadcast %xor3A_81 : vector<512x1xi32> to vector<512x128xi32>
    %ge3A_83 = arith.cmpi sge, %select_n3A, %ge3A_82 : vector<512x128xi32>
    %jit3A_84 = arith.constant 1.000000e+00 : f32
    %jit3A_85 = arith.constant 0.000000e+00 : f32
    %broadcast_in_dim3A_86 = vector.broadcast %jit3A_84 : f32 to vector<512x128xf32>
    %broadcast_in_dim3A_87 = vector.broadcast %jit3A_85 : f32 to vector<512x128xf32>
    %select_n3A_88 = arith.select %ge3A_83, %broadcast_in_dim3A_86, %broadcast_in_dim3A_87 : vector<512x128xi1>, vector<512x128xf32>
    %reduce_sum3A_89 = arith.constant dense<0.000000e+00> : vector<512xf32>
    %reduce_sum3A_90 = vector.multi_reduction <add>, %select_n3A_88, %reduce_sum3A_89 [1] : vector<512x128xf32> to vector<512xf32>
    %broadcast_in_dim3A_91 = vector.shape_cast %reduce_sum3A_90 : vector<512xf32> to vector<512x1xf32>
    %ge3A_92 = arith.constant 3.200000e+01 : f32
    %ge3A_93 = vector.broadcast %ge3A_92 : f32 to vector<512x1xf32>
    %ge3A_94 = arith.cmpf oge, %broadcast_in_dim3A_91, %ge3A_93 : vector<512x1xf32>
    %select_n3A_95 = arith.select %ge3A_94, %or3A_78, %select_n3A_75 : vector<512x1xi1>, vector<512x1xi32>
    %or3A_96 = arith.constant 268435456 : i32
    %or3A_97 = vector.broadcast %or3A_96 : i32 to vector<512x1xi32>
    %or3A_98 = arith.ori %select_n3A_95, %or3A_97 : vector<512x1xi32>
    %xor3A_99 = arith.constant -2147483648 : i32
    %xor3A_100 = vector.broadcast %xor3A_99 : i32 to vector<512x1xi32>
    %xor3A_101 = arith.xori %or3A_98, %xor3A_100 : vector<512x1xi32>
    %ge3A_102 = vector.broadcast %xor3A_101 : vector<512x1xi32> to vector<512x128xi32>
    %ge3A_103 = arith.cmpi sge, %select_n3A, %ge3A_102 : vector<512x128xi32>
    %jit3A_104 = arith.constant 1.000000e+00 : f32
    %jit3A_105 = arith.constant 0.000000e+00 : f32
    %broadcast_in_dim3A_106 = vector.broadcast %jit3A_104 : f32 to vector<512x128xf32>
    %broadcast_in_dim3A_107 = vector.broadcast %jit3A_105 : f32 to vector<512x128xf32>
    %select_n3A_108 = arith.select %ge3A_103, %broadcast_in_dim3A_106, %broadcast_in_dim3A_107 : vector<512x128xi1>, vector<512x128xf32>
    %reduce_sum3A_109 = arith.constant dense<0.000000e+00> : vector<512xf32>
    %reduce_sum3A_110 = vector.multi_reduction <add>, %select_n3A_108, %reduce_sum3A_109 [1] : vector<512x128xf32> to vector<512xf32>
    %broadcast_in_dim3A_111 = vector.shape_cast %reduce_sum3A_110 : vector<512xf32> to vector<512x1xf32>
    %ge3A_112 = arith.constant 3.200000e+01 : f32
    %ge3A_113 = vector.broadcast %ge3A_112 : f32 to vector<512x1xf32>
    %ge3A_114 = arith.cmpf oge, %broadcast_in_dim3A_111, %ge3A_113 : vector<512x1xf32>
    %select_n3A_115 = arith.select %ge3A_114, %or3A_98, %select_n3A_95 : vector<512x1xi1>, vector<512x1xi32>
    %or3A_116 = arith.constant 134217728 : i32
    %or3A_117 = vector.broadcast %or3A_116 : i32 to vector<512x1xi32>
    %or3A_118 = arith.ori %select_n3A_115, %or3A_117 : vector<512x1xi32>
    %xor3A_119 = arith.constant -2147483648 : i32
    %xor3A_120 = vector.broadcast %xor3A_119 : i32 to vector<512x1xi32>
    %xor3A_121 = arith.xori %or3A_118, %xor3A_120 : vector<512x1xi32>
    %ge3A_122 = vector.broadcast %xor3A_121 : vector<512x1xi32> to vector<512x128xi32>
    %ge3A_123 = arith.cmpi sge, %select_n3A, %ge3A_122 : vector<512x128xi32>
    %jit3A_124 = arith.constant 1.000000e+00 : f32
    %jit3A_125 = arith.constant 0.000000e+00 : f32
    %broadcast_in_dim3A_126 = vector.broadcast %jit3A_124 : f32 to vector<512x128xf32>
    %broadcast_in_dim3A_127 = vector.broadcast %jit3A_125 : f32 to vector<512x128xf32>
    %select_n3A_128 = arith.select %ge3A_123, %broadcast_in_dim3A_126, %broadcast_in_dim3A_127 : vector<512x128xi1>, vector<512x128xf32>
    %reduce_sum3A_129 = arith.constant dense<0.000000e+00> : vector<512xf32>
    %reduce_sum3A_130 = vector.multi_reduction <add>, %select_n3A_128, %reduce_sum3A_129 [1] : vector<512x128xf32> to vector<512xf32>
    %broadcast_in_dim3A_131 = vector.shape_cast %reduce_sum3A_130 : vector<512xf32> to vector<512x1xf32>
    %ge3A_132 = arith.constant 3.200000e+01 : f32
    %ge3A_133 = vector.broadcast %ge3A_132 : f32 to vector<512x1xf32>
    %ge3A_134 = arith.cmpf oge, %broadcast_in_dim3A_131, %ge3A_133 : vector<512x1xf32>
    %select_n3A_135 = arith.select %ge3A_134, %or3A_118, %select_n3A_115 : vector<512x1xi1>, vector<512x1xi32>
    %or3A_136 = arith.constant 67108864 : i32
    %or3A_137 = vector.broadcast %or3A_136 : i32 to vector<512x1xi32>
    %or3A_138 = arith.ori %select_n3A_135, %or3A_137 : vector<512x1xi32>
    %xor3A_139 = arith.constant -2147483648 : i32
    %xor3A_140 = vector.broadcast %xor3A_139 : i32 to vector<512x1xi32>
    %xor3A_141 = arith.xori %or3A_138, %xor3A_140 : vector<512x1xi32>
    %ge3A_142 = vector.broadcast %xor3A_141 : vector<512x1xi32> to vector<512x128xi32>
    %ge3A_143 = arith.cmpi sge, %select_n3A, %ge3A_142 : vector<512x128xi32>
    %jit3A_144 = arith.constant 1.000000e+00 : f32
    %jit3A_145 = arith.constant 0.000000e+00 : f32
    %broadcast_in_dim3A_146 = vector.broadcast %jit3A_144 : f32 to vector<512x128xf32>
    %broadcast_in_dim3A_147 = vector.broadcast %jit3A_145 : f32 to vector<512x128xf32>
    %select_n3A_148 = arith.select %ge3A_143, %broadcast_in_dim3A_146, %broadcast_in_dim3A_147 : vector<512x128xi1>, vector<512x128xf32>
    %reduce_sum3A_149 = arith.constant dense<0.000000e+00> : vector<512xf32>
    %reduce_sum3A_150 = vector.multi_reduction <add>, %select_n3A_148, %reduce_sum3A_149 [1] : vector<512x128xf32> to vector<512xf32>
    %broadcast_in_dim3A_151 = vector.shape_cast %reduce_sum3A_150 : vector<512xf32> to vector<512x1xf32>
    %ge3A_152 = arith.constant 3.200000e+01 : f32
    %ge3A_153 = vector.broadcast %ge3A_152 : f32 to vector<512x1xf32>
    %ge3A_154 = arith.cmpf oge, %broadcast_in_dim3A_151, %ge3A_153 : vector<512x1xf32>
    %select_n3A_155 = arith.select %ge3A_154, %or3A_138, %select_n3A_135 : vector<512x1xi1>, vector<512x1xi32>
    %or3A_156 = arith.constant 33554432 : i32
    %or3A_157 = vector.broadcast %or3A_156 : i32 to vector<512x1xi32>
    %or3A_158 = arith.ori %select_n3A_155, %or3A_157 : vector<512x1xi32>
    %xor3A_159 = arith.constant -2147483648 : i32
    %xor3A_160 = vector.broadcast %xor3A_159 : i32 to vector<512x1xi32>
    %xor3A_161 = arith.xori %or3A_158, %xor3A_160 : vector<512x1xi32>
    %ge3A_162 = vector.broadcast %xor3A_161 : vector<512x1xi32> to vector<512x128xi32>
    %ge3A_163 = arith.cmpi sge, %select_n3A, %ge3A_162 : vector<512x128xi32>
    %jit3A_164 = arith.constant 1.000000e+00 : f32
    %jit3A_165 = arith.constant 0.000000e+00 : f32
    %broadcast_in_dim3A_166 = vector.broadcast %jit3A_164 : f32 to vector<512x128xf32>
    %broadcast_in_dim3A_167 = vector.broadcast %jit3A_165 : f32 to vector<512x128xf32>
    %select_n3A_168 = arith.select %ge3A_163, %broadcast_in_dim3A_166, %broadcast_in_dim3A_167 : vector<512x128xi1>, vector<512x128xf32>
    %reduce_sum3A_169 = arith.constant dense<0.000000e+00> : vector<512xf32>
    %reduce_sum3A_170 = vector.multi_reduction <add>, %select_n3A_168, %reduce_sum3A_169 [1] : vector<512x128xf32> to vector<512xf32>
    %broadcast_in_dim3A_171 = vector.shape_cast %reduce_sum3A_170 : vector<512xf32> to vector<512x1xf32>
    %ge3A_172 = arith.constant 3.200000e+01 : f32
    %ge3A_173 = vector.broadcast %ge3A_172 : f32 to vector<512x1xf32>
    %ge3A_174 = arith.cmpf oge, %broadcast_in_dim3A_171, %ge3A_173 : vector<512x1xf32>
    %select_n3A_175 = arith.select %ge3A_174, %or3A_158, %select_n3A_155 : vector<512x1xi1>, vector<512x1xi32>
    %or3A_176 = arith.constant 16777216 : i32
    %or3A_177 = vector.broadcast %or3A_176 : i32 to vector<512x1xi32>
    %or3A_178 = arith.ori %select_n3A_175, %or3A_177 : vector<512x1xi32>
    %xor3A_179 = arith.constant -2147483648 : i32
    %xor3A_180 = vector.broadcast %xor3A_179 : i32 to vector<512x1xi32>
    %xor3A_181 = arith.xori %or3A_178, %xor3A_180 : vector<512x1xi32>
    %ge3A_182 = vector.broadcast %xor3A_181 : vector<512x1xi32> to vector<512x128xi32>
    %ge3A_183 = arith.cmpi sge, %select_n3A, %ge3A_182 : vector<512x128xi32>
    %jit3A_184 = arith.constant 1.000000e+00 : f32
    %jit3A_185 = arith.constant 0.000000e+00 : f32
    %broadcast_in_dim3A_186 = vector.broadcast %jit3A_184 : f32 to vector<512x128xf32>
    %broadcast_in_dim3A_187 = vector.broadcast %jit3A_185 : f32 to vector<512x128xf32>
    %select_n3A_188 = arith.select %ge3A_183, %broadcast_in_dim3A_186, %broadcast_in_dim3A_187 : vector<512x128xi1>, vector<512x128xf32>
    %reduce_sum3A_189 = arith.constant dense<0.000000e+00> : vector<512xf32>
    %reduce_sum3A_190 = vector.multi_reduction <add>, %select_n3A_188, %reduce_sum3A_189 [1] : vector<512x128xf32> to vector<512xf32>
    %broadcast_in_dim3A_191 = vector.shape_cast %reduce_sum3A_190 : vector<512xf32> to vector<512x1xf32>
    %ge3A_192 = arith.constant 3.200000e+01 : f32
    %ge3A_193 = vector.broadcast %ge3A_192 : f32 to vector<512x1xf32>
    %ge3A_194 = arith.cmpf oge, %broadcast_in_dim3A_191, %ge3A_193 : vector<512x1xf32>
    %select_n3A_195 = arith.select %ge3A_194, %or3A_178, %select_n3A_175 : vector<512x1xi1>, vector<512x1xi32>
    %or3A_196 = arith.constant 8388608 : i32
    %or3A_197 = vector.broadcast %or3A_196 : i32 to vector<512x1xi32>
    %or3A_198 = arith.ori %select_n3A_195, %or3A_197 : vector<512x1xi32>
    %xor3A_199 = arith.constant -2147483648 : i32
    %xor3A_200 = vector.broadcast %xor3A_199 : i32 to vector<512x1xi32>
    %xor3A_201 = arith.xori %or3A_198, %xor3A_200 : vector<512x1xi32>
    %ge3A_202 = vector.broadcast %xor3A_201 : vector<512x1xi32> to vector<512x128xi32>
    %ge3A_203 = arith.cmpi sge, %select_n3A, %ge3A_202 : vector<512x128xi32>
    %jit3A_204 = arith.constant 1.000000e+00 : f32
    %jit3A_205 = arith.constant 0.000000e+00 : f32
    %broadcast_in_dim3A_206 = vector.broadcast %jit3A_204 : f32 to vector<512x128xf32>
    %broadcast_in_dim3A_207 = vector.broadcast %jit3A_205 : f32 to vector<512x128xf32>
    %select_n3A_208 = arith.select %ge3A_203, %broadcast_in_dim3A_206, %broadcast_in_dim3A_207 : vector<512x128xi1>, vector<512x128xf32>
    %reduce_sum3A_209 = arith.constant dense<0.000000e+00> : vector<512xf32>
    %reduce_sum3A_210 = vector.multi_reduction <add>, %select_n3A_208, %reduce_sum3A_209 [1] : vector<512x128xf32> to vector<512xf32>
    %broadcast_in_dim3A_211 = vector.shape_cast %reduce_sum3A_210 : vector<512xf32> to vector<512x1xf32>
    %ge3A_212 = arith.constant 3.200000e+01 : f32
    %ge3A_213 = vector.broadcast %ge3A_212 : f32 to vector<512x1xf32>
    %ge3A_214 = arith.cmpf oge, %broadcast_in_dim3A_211, %ge3A_213 : vector<512x1xf32>
    %select_n3A_215 = arith.select %ge3A_214, %or3A_198, %select_n3A_195 : vector<512x1xi1>, vector<512x1xi32>
    %or3A_216 = arith.constant 4194304 : i32
    %or3A_217 = vector.broadcast %or3A_216 : i32 to vector<512x1xi32>
    %or3A_218 = arith.ori %select_n3A_215, %or3A_217 : vector<512x1xi32>
    %xor3A_219 = arith.constant -2147483648 : i32
    %xor3A_220 = vector.broadcast %xor3A_219 : i32 to vector<512x1xi32>
    %xor3A_221 = arith.xori %or3A_218, %xor3A_220 : vector<512x1xi32>
    %ge3A_222 = vector.broadcast %xor3A_221 : vector<512x1xi32> to vector<512x128xi32>
    %ge3A_223 = arith.cmpi sge, %select_n3A, %ge3A_222 : vector<512x128xi32>
    %jit3A_224 = arith.constant 1.000000e+00 : f32
    %jit3A_225 = arith.constant 0.000000e+00 : f32
    %broadcast_in_dim3A_226 = vector.broadcast %jit3A_224 : f32 to vector<512x128xf32>
    %broadcast_in_dim3A_227 = vector.broadcast %jit3A_225 : f32 to vector<512x128xf32>
    %select_n3A_228 = arith.select %ge3A_223, %broadcast_in_dim3A_226, %broadcast_in_dim3A_227 : vector<512x128xi1>, vector<512x128xf32>
    %reduce_sum3A_229 = arith.constant dense<0.000000e+00> : vector<512xf32>
    %reduce_sum3A_230 = vector.multi_reduction <add>, %select_n3A_228, %reduce_sum3A_229 [1] : vector<512x128xf32> to vector<512xf32>
    %broadcast_in_dim3A_231 = vector.shape_cast %reduce_sum3A_230 : vector<512xf32> to vector<512x1xf32>
    %ge3A_232 = arith.constant 3.200000e+01 : f32
    %ge3A_233 = vector.broadcast %ge3A_232 : f32 to vector<512x1xf32>
    %ge3A_234 = arith.cmpf oge, %broadcast_in_dim3A_231, %ge3A_233 : vector<512x1xf32>
    %select_n3A_235 = arith.select %ge3A_234, %or3A_218, %select_n3A_215 : vector<512x1xi1>, vector<512x1xi32>
    %or3A_236 = arith.constant 2097152 : i32
    %or3A_237 = vector.broadcast %or3A_236 : i32 to vector<512x1xi32>
    %or3A_238 = arith.ori %select_n3A_235, %or3A_237 : vector<512x1xi32>
    %xor3A_239 = arith.constant -2147483648 : i32
    %xor3A_240 = vector.broadcast %xor3A_239 : i32 to vector<512x1xi32>
    %xor3A_241 = arith.xori %or3A_238, %xor3A_240 : vector<512x1xi32>
    %ge3A_242 = vector.broadcast %xor3A_241 : vector<512x1xi32> to vector<512x128xi32>
    %ge3A_243 = arith.cmpi sge, %select_n3A, %ge3A_242 : vector<512x128xi32>
    %jit3A_244 = arith.constant 1.000000e+00 : f32
    %jit3A_245 = arith.constant 0.000000e+00 : f32
    %broadcast_in_dim3A_246 = vector.broadcast %jit3A_244 : f32 to vector<512x128xf32>
    %broadcast_in_dim3A_247 = vector.broadcast %jit3A_245 : f32 to vector<512x128xf32>
    %select_n3A_248 = arith.select %ge3A_243, %broadcast_in_dim3A_246, %broadcast_in_dim3A_247 : vector<512x128xi1>, vector<512x128xf32>
    %reduce_sum3A_249 = arith.constant dense<0.000000e+00> : vector<512xf32>
    %reduce_sum3A_250 = vector.multi_reduction <add>, %select_n3A_248, %reduce_sum3A_249 [1] : vector<512x128xf32> to vector<512xf32>
    %broadcast_in_dim3A_251 = vector.shape_cast %reduce_sum3A_250 : vector<512xf32> to vector<512x1xf32>
    %ge3A_252 = arith.constant 3.200000e+01 : f32
    %ge3A_253 = vector.broadcast %ge3A_252 : f32 to vector<512x1xf32>
    %ge3A_254 = arith.cmpf oge, %broadcast_in_dim3A_251, %ge3A_253 : vector<512x1xf32>
    %select_n3A_255 = arith.select %ge3A_254, %or3A_238, %select_n3A_235 : vector<512x1xi1>, vector<512x1xi32>
    %or3A_256 = arith.constant 1048576 : i32
    %or3A_257 = vector.broadcast %or3A_256 : i32 to vector<512x1xi32>
    %or3A_258 = arith.ori %select_n3A_255, %or3A_257 : vector<512x1xi32>
    %xor3A_259 = arith.constant -2147483648 : i32
    %xor3A_260 = vector.broadcast %xor3A_259 : i32 to vector<512x1xi32>
    %xor3A_261 = arith.xori %or3A_258, %xor3A_260 : vector<512x1xi32>
    %ge3A_262 = vector.broadcast %xor3A_261 : vector<512x1xi32> to vector<512x128xi32>
    %ge3A_263 = arith.cmpi sge, %select_n3A, %ge3A_262 : vector<512x128xi32>
    %jit3A_264 = arith.constant 1.000000e+00 : f32
    %jit3A_265 = arith.constant 0.000000e+00 : f32
    %broadcast_in_dim3A_266 = vector.broadcast %jit3A_264 : f32 to vector<512x128xf32>
    %broadcast_in_dim3A_267 = vector.broadcast %jit3A_265 : f32 to vector<512x128xf32>
    %select_n3A_268 = arith.select %ge3A_263, %broadcast_in_dim3A_266, %broadcast_in_dim3A_267 : vector<512x128xi1>, vector<512x128xf32>
    %reduce_sum3A_269 = arith.constant dense<0.000000e+00> : vector<512xf32>
    %reduce_sum3A_270 = vector.multi_reduction <add>, %select_n3A_268, %reduce_sum3A_269 [1] : vector<512x128xf32> to vector<512xf32>
    %broadcast_in_dim3A_271 = vector.shape_cast %reduce_sum3A_270 : vector<512xf32> to vector<512x1xf32>
    %ge3A_272 = arith.constant 3.200000e+01 : f32
    %ge3A_273 = vector.broadcast %ge3A_272 : f32 to vector<512x1xf32>
    %ge3A_274 = arith.cmpf oge, %broadcast_in_dim3A_271, %ge3A_273 : vector<512x1xf32>
    %select_n3A_275 = arith.select %ge3A_274, %or3A_258, %select_n3A_255 : vector<512x1xi1>, vector<512x1xi32>
    %or3A_276 = arith.constant 524288 : i32
    %or3A_277 = vector.broadcast %or3A_276 : i32 to vector<512x1xi32>
    %or3A_278 = arith.ori %select_n3A_275, %or3A_277 : vector<512x1xi32>
    %xor3A_279 = arith.constant -2147483648 : i32
    %xor3A_280 = vector.broadcast %xor3A_279 : i32 to vector<512x1xi32>
    %xor3A_281 = arith.xori %or3A_278, %xor3A_280 : vector<512x1xi32>
    %ge3A_282 = vector.broadcast %xor3A_281 : vector<512x1xi32> to vector<512x128xi32>
    %ge3A_283 = arith.cmpi sge, %select_n3A, %ge3A_282 : vector<512x128xi32>
    %jit3A_284 = arith.constant 1.000000e+00 : f32
    %jit3A_285 = arith.constant 0.000000e+00 : f32
    %broadcast_in_dim3A_286 = vector.broadcast %jit3A_284 : f32 to vector<512x128xf32>
    %broadcast_in_dim3A_287 = vector.broadcast %jit3A_285 : f32 to vector<512x128xf32>
    %select_n3A_288 = arith.select %ge3A_283, %broadcast_in_dim3A_286, %broadcast_in_dim3A_287 : vector<512x128xi1>, vector<512x128xf32>
    %reduce_sum3A_289 = arith.constant dense<0.000000e+00> : vector<512xf32>
    %reduce_sum3A_290 = vector.multi_reduction <add>, %select_n3A_288, %reduce_sum3A_289 [1] : vector<512x128xf32> to vector<512xf32>
    %broadcast_in_dim3A_291 = vector.shape_cast %reduce_sum3A_290 : vector<512xf32> to vector<512x1xf32>
    %ge3A_292 = arith.constant 3.200000e+01 : f32
    %ge3A_293 = vector.broadcast %ge3A_292 : f32 to vector<512x1xf32>
    %ge3A_294 = arith.cmpf oge, %broadcast_in_dim3A_291, %ge3A_293 : vector<512x1xf32>
    %select_n3A_295 = arith.select %ge3A_294, %or3A_278, %select_n3A_275 : vector<512x1xi1>, vector<512x1xi32>
    %or3A_296 = arith.constant 262144 : i32
    %or3A_297 = vector.broadcast %or3A_296 : i32 to vector<512x1xi32>
    %or3A_298 = arith.ori %select_n3A_295, %or3A_297 : vector<512x1xi32>
    %xor3A_299 = arith.constant -2147483648 : i32
    %xor3A_300 = vector.broadcast %xor3A_299 : i32 to vector<512x1xi32>
    %xor3A_301 = arith.xori %or3A_298, %xor3A_300 : vector<512x1xi32>
    %ge3A_302 = vector.broadcast %xor3A_301 : vector<512x1xi32> to vector<512x128xi32>
    %ge3A_303 = arith.cmpi sge, %select_n3A, %ge3A_302 : vector<512x128xi32>
    %jit3A_304 = arith.constant 1.000000e+00 : f32
    %jit3A_305 = arith.constant 0.000000e+00 : f32
    %broadcast_in_dim3A_306 = vector.broadcast %jit3A_304 : f32 to vector<512x128xf32>
    %broadcast_in_dim3A_307 = vector.broadcast %jit3A_305 : f32 to vector<512x128xf32>
    %select_n3A_308 = arith.select %ge3A_303, %broadcast_in_dim3A_306, %broadcast_in_dim3A_307 : vector<512x128xi1>, vector<512x128xf32>
    %reduce_sum3A_309 = arith.constant dense<0.000000e+00> : vector<512xf32>
    %reduce_sum3A_310 = vector.multi_reduction <add>, %select_n3A_308, %reduce_sum3A_309 [1] : vector<512x128xf32> to vector<512xf32>
    %broadcast_in_dim3A_311 = vector.shape_cast %reduce_sum3A_310 : vector<512xf32> to vector<512x1xf32>
    %ge3A_312 = arith.constant 3.200000e+01 : f32
    %ge3A_313 = vector.broadcast %ge3A_312 : f32 to vector<512x1xf32>
    %ge3A_314 = arith.cmpf oge, %broadcast_in_dim3A_311, %ge3A_313 : vector<512x1xf32>
    %select_n3A_315 = arith.select %ge3A_314, %or3A_298, %select_n3A_295 : vector<512x1xi1>, vector<512x1xi32>
    %or3A_316 = arith.constant 131072 : i32
    %or3A_317 = vector.broadcast %or3A_316 : i32 to vector<512x1xi32>
    %or3A_318 = arith.ori %select_n3A_315, %or3A_317 : vector<512x1xi32>
    %xor3A_319 = arith.constant -2147483648 : i32
    %xor3A_320 = vector.broadcast %xor3A_319 : i32 to vector<512x1xi32>
    %xor3A_321 = arith.xori %or3A_318, %xor3A_320 : vector<512x1xi32>
    %ge3A_322 = vector.broadcast %xor3A_321 : vector<512x1xi32> to vector<512x128xi32>
    %ge3A_323 = arith.cmpi sge, %select_n3A, %ge3A_322 : vector<512x128xi32>
    %jit3A_324 = arith.constant 1.000000e+00 : f32
    %jit3A_325 = arith.constant 0.000000e+00 : f32
    %broadcast_in_dim3A_326 = vector.broadcast %jit3A_324 : f32 to vector<512x128xf32>
    %broadcast_in_dim3A_327 = vector.broadcast %jit3A_325 : f32 to vector<512x128xf32>
    %select_n3A_328 = arith.select %ge3A_323, %broadcast_in_dim3A_326, %broadcast_in_dim3A_327 : vector<512x128xi1>, vector<512x128xf32>
    %reduce_sum3A_329 = arith.constant dense<0.000000e+00> : vector<512xf32>
    %reduce_sum3A_330 = vector.multi_reduction <add>, %select_n3A_328, %reduce_sum3A_329 [1] : vector<512x128xf32> to vector<512xf32>
    %broadcast_in_dim3A_331 = vector.shape_cast %reduce_sum3A_330 : vector<512xf32> to vector<512x1xf32>
    %ge3A_332 = arith.constant 3.200000e+01 : f32
    %ge3A_333 = vector.broadcast %ge3A_332 : f32 to vector<512x1xf32>
    %ge3A_334 = arith.cmpf oge, %broadcast_in_dim3A_331, %ge3A_333 : vector<512x1xf32>
    %select_n3A_335 = arith.select %ge3A_334, %or3A_318, %select_n3A_315 : vector<512x1xi1>, vector<512x1xi32>
    %or3A_336 = arith.constant 65536 : i32
    %or3A_337 = vector.broadcast %or3A_336 : i32 to vector<512x1xi32>
    %or3A_338 = arith.ori %select_n3A_335, %or3A_337 : vector<512x1xi32>
    %xor3A_339 = arith.constant -2147483648 : i32
    %xor3A_340 = vector.broadcast %xor3A_339 : i32 to vector<512x1xi32>
    %xor3A_341 = arith.xori %or3A_338, %xor3A_340 : vector<512x1xi32>
    %ge3A_342 = vector.broadcast %xor3A_341 : vector<512x1xi32> to vector<512x128xi32>
    %ge3A_343 = arith.cmpi sge, %select_n3A, %ge3A_342 : vector<512x128xi32>
    %jit3A_344 = arith.constant 1.000000e+00 : f32
    %jit3A_345 = arith.constant 0.000000e+00 : f32
    %broadcast_in_dim3A_346 = vector.broadcast %jit3A_344 : f32 to vector<512x128xf32>
    %broadcast_in_dim3A_347 = vector.broadcast %jit3A_345 : f32 to vector<512x128xf32>
    %select_n3A_348 = arith.select %ge3A_343, %broadcast_in_dim3A_346, %broadcast_in_dim3A_347 : vector<512x128xi1>, vector<512x128xf32>
    %reduce_sum3A_349 = arith.constant dense<0.000000e+00> : vector<512xf32>
    %reduce_sum3A_350 = vector.multi_reduction <add>, %select_n3A_348, %reduce_sum3A_349 [1] : vector<512x128xf32> to vector<512xf32>
    %broadcast_in_dim3A_351 = vector.shape_cast %reduce_sum3A_350 : vector<512xf32> to vector<512x1xf32>
    %ge3A_352 = arith.constant 3.200000e+01 : f32
    %ge3A_353 = vector.broadcast %ge3A_352 : f32 to vector<512x1xf32>
    %ge3A_354 = arith.cmpf oge, %broadcast_in_dim3A_351, %ge3A_353 : vector<512x1xf32>
    %select_n3A_355 = arith.select %ge3A_354, %or3A_338, %select_n3A_335 : vector<512x1xi1>, vector<512x1xi32>
    %or3A_356 = arith.constant 32768 : i32
    %or3A_357 = vector.broadcast %or3A_356 : i32 to vector<512x1xi32>
    %or3A_358 = arith.ori %select_n3A_355, %or3A_357 : vector<512x1xi32>
    %xor3A_359 = arith.constant -2147483648 : i32
    %xor3A_360 = vector.broadcast %xor3A_359 : i32 to vector<512x1xi32>
    %xor3A_361 = arith.xori %or3A_358, %xor3A_360 : vector<512x1xi32>
    %ge3A_362 = vector.broadcast %xor3A_361 : vector<512x1xi32> to vector<512x128xi32>
    %ge3A_363 = arith.cmpi sge, %select_n3A, %ge3A_362 : vector<512x128xi32>
    %jit3A_364 = arith.constant 1.000000e+00 : f32
    %jit3A_365 = arith.constant 0.000000e+00 : f32
    %broadcast_in_dim3A_366 = vector.broadcast %jit3A_364 : f32 to vector<512x128xf32>
    %broadcast_in_dim3A_367 = vector.broadcast %jit3A_365 : f32 to vector<512x128xf32>
    %select_n3A_368 = arith.select %ge3A_363, %broadcast_in_dim3A_366, %broadcast_in_dim3A_367 : vector<512x128xi1>, vector<512x128xf32>
    %reduce_sum3A_369 = arith.constant dense<0.000000e+00> : vector<512xf32>
    %reduce_sum3A_370 = vector.multi_reduction <add>, %select_n3A_368, %reduce_sum3A_369 [1] : vector<512x128xf32> to vector<512xf32>
    %broadcast_in_dim3A_371 = vector.shape_cast %reduce_sum3A_370 : vector<512xf32> to vector<512x1xf32>
    %ge3A_372 = arith.constant 3.200000e+01 : f32
    %ge3A_373 = vector.broadcast %ge3A_372 : f32 to vector<512x1xf32>
    %ge3A_374 = arith.cmpf oge, %broadcast_in_dim3A_371, %ge3A_373 : vector<512x1xf32>
    %select_n3A_375 = arith.select %ge3A_374, %or3A_358, %select_n3A_355 : vector<512x1xi1>, vector<512x1xi32>
    %or3A_376 = arith.constant 16384 : i32
    %or3A_377 = vector.broadcast %or3A_376 : i32 to vector<512x1xi32>
    %or3A_378 = arith.ori %select_n3A_375, %or3A_377 : vector<512x1xi32>
    %xor3A_379 = arith.constant -2147483648 : i32
    %xor3A_380 = vector.broadcast %xor3A_379 : i32 to vector<512x1xi32>
    %xor3A_381 = arith.xori %or3A_378, %xor3A_380 : vector<512x1xi32>
    %ge3A_382 = vector.broadcast %xor3A_381 : vector<512x1xi32> to vector<512x128xi32>
    %ge3A_383 = arith.cmpi sge, %select_n3A, %ge3A_382 : vector<512x128xi32>
    %jit3A_384 = arith.constant 1.000000e+00 : f32
    %jit3A_385 = arith.constant 0.000000e+00 : f32
    %broadcast_in_dim3A_386 = vector.broadcast %jit3A_384 : f32 to vector<512x128xf32>
    %broadcast_in_dim3A_387 = vector.broadcast %jit3A_385 : f32 to vector<512x128xf32>
    %select_n3A_388 = arith.select %ge3A_383, %broadcast_in_dim3A_386, %broadcast_in_dim3A_387 : vector<512x128xi1>, vector<512x128xf32>
    %reduce_sum3A_389 = arith.constant dense<0.000000e+00> : vector<512xf32>
    %reduce_sum3A_390 = vector.multi_reduction <add>, %select_n3A_388, %reduce_sum3A_389 [1] : vector<512x128xf32> to vector<512xf32>
    %broadcast_in_dim3A_391 = vector.shape_cast %reduce_sum3A_390 : vector<512xf32> to vector<512x1xf32>
    %ge3A_392 = arith.constant 3.200000e+01 : f32
    %ge3A_393 = vector.broadcast %ge3A_392 : f32 to vector<512x1xf32>
    %ge3A_394 = arith.cmpf oge, %broadcast_in_dim3A_391, %ge3A_393 : vector<512x1xf32>
    %select_n3A_395 = arith.select %ge3A_394, %or3A_378, %select_n3A_375 : vector<512x1xi1>, vector<512x1xi32>
    %or3A_396 = arith.constant 8192 : i32
    %or3A_397 = vector.broadcast %or3A_396 : i32 to vector<512x1xi32>
    %or3A_398 = arith.ori %select_n3A_395, %or3A_397 : vector<512x1xi32>
    %xor3A_399 = arith.constant -2147483648 : i32
    %xor3A_400 = vector.broadcast %xor3A_399 : i32 to vector<512x1xi32>
    %xor3A_401 = arith.xori %or3A_398, %xor3A_400 : vector<512x1xi32>
    %ge3A_402 = vector.broadcast %xor3A_401 : vector<512x1xi32> to vector<512x128xi32>
    %ge3A_403 = arith.cmpi sge, %select_n3A, %ge3A_402 : vector<512x128xi32>
    %jit3A_404 = arith.constant 1.000000e+00 : f32
    %jit3A_405 = arith.constant 0.000000e+00 : f32
    %broadcast_in_dim3A_406 = vector.broadcast %jit3A_404 : f32 to vector<512x128xf32>
    %broadcast_in_dim3A_407 = vector.broadcast %jit3A_405 : f32 to vector<512x128xf32>
    %select_n3A_408 = arith.select %ge3A_403, %broadcast_in_dim3A_406, %broadcast_in_dim3A_407 : vector<512x128xi1>, vector<512x128xf32>
    %reduce_sum3A_409 = arith.constant dense<0.000000e+00> : vector<512xf32>
    %reduce_sum3A_410 = vector.multi_reduction <add>, %select_n3A_408, %reduce_sum3A_409 [1] : vector<512x128xf32> to vector<512xf32>
    %broadcast_in_dim3A_411 = vector.shape_cast %reduce_sum3A_410 : vector<512xf32> to vector<512x1xf32>
    %ge3A_412 = arith.constant 3.200000e+01 : f32
    %ge3A_413 = vector.broadcast %ge3A_412 : f32 to vector<512x1xf32>
    %ge3A_414 = arith.cmpf oge, %broadcast_in_dim3A_411, %ge3A_413 : vector<512x1xf32>
    %select_n3A_415 = arith.select %ge3A_414, %or3A_398, %select_n3A_395 : vector<512x1xi1>, vector<512x1xi32>
    %or3A_416 = arith.constant 4096 : i32
    %or3A_417 = vector.broadcast %or3A_416 : i32 to vector<512x1xi32>
    %or3A_418 = arith.ori %select_n3A_415, %or3A_417 : vector<512x1xi32>
    %xor3A_419 = arith.constant -2147483648 : i32
    %xor3A_420 = vector.broadcast %xor3A_419 : i32 to vector<512x1xi32>
    %xor3A_421 = arith.xori %or3A_418, %xor3A_420 : vector<512x1xi32>
    %ge3A_422 = vector.broadcast %xor3A_421 : vector<512x1xi32> to vector<512x128xi32>
    %ge3A_423 = arith.cmpi sge, %select_n3A, %ge3A_422 : vector<512x128xi32>
    %jit3A_424 = arith.constant 1.000000e+00 : f32
    %jit3A_425 = arith.constant 0.000000e+00 : f32
    %broadcast_in_dim3A_426 = vector.broadcast %jit3A_424 : f32 to vector<512x128xf32>
    %broadcast_in_dim3A_427 = vector.broadcast %jit3A_425 : f32 to vector<512x128xf32>
    %select_n3A_428 = arith.select %ge3A_423, %broadcast_in_dim3A_426, %broadcast_in_dim3A_427 : vector<512x128xi1>, vector<512x128xf32>
    %reduce_sum3A_429 = arith.constant dense<0.000000e+00> : vector<512xf32>
    %reduce_sum3A_430 = vector.multi_reduction <add>, %select_n3A_428, %reduce_sum3A_429 [1] : vector<512x128xf32> to vector<512xf32>
    %broadcast_in_dim3A_431 = vector.shape_cast %reduce_sum3A_430 : vector<512xf32> to vector<512x1xf32>
    %ge3A_432 = arith.constant 3.200000e+01 : f32
    %ge3A_433 = vector.broadcast %ge3A_432 : f32 to vector<512x1xf32>
    %ge3A_434 = arith.cmpf oge, %broadcast_in_dim3A_431, %ge3A_433 : vector<512x1xf32>
    %select_n3A_435 = arith.select %ge3A_434, %or3A_418, %select_n3A_415 : vector<512x1xi1>, vector<512x1xi32>
    %or3A_436 = arith.constant 2048 : i32
    %or3A_437 = vector.broadcast %or3A_436 : i32 to vector<512x1xi32>
    %or3A_438 = arith.ori %select_n3A_435, %or3A_437 : vector<512x1xi32>
    %xor3A_439 = arith.constant -2147483648 : i32
    %xor3A_440 = vector.broadcast %xor3A_439 : i32 to vector<512x1xi32>
    %xor3A_441 = arith.xori %or3A_438, %xor3A_440 : vector<512x1xi32>
    %ge3A_442 = vector.broadcast %xor3A_441 : vector<512x1xi32> to vector<512x128xi32>
    %ge3A_443 = arith.cmpi sge, %select_n3A, %ge3A_442 : vector<512x128xi32>
    %jit3A_444 = arith.constant 1.000000e+00 : f32
    %jit3A_445 = arith.constant 0.000000e+00 : f32
    %broadcast_in_dim3A_446 = vector.broadcast %jit3A_444 : f32 to vector<512x128xf32>
    %broadcast_in_dim3A_447 = vector.broadcast %jit3A_445 : f32 to vector<512x128xf32>
    %select_n3A_448 = arith.select %ge3A_443, %broadcast_in_dim3A_446, %broadcast_in_dim3A_447 : vector<512x128xi1>, vector<512x128xf32>
    %reduce_sum3A_449 = arith.constant dense<0.000000e+00> : vector<512xf32>
    %reduce_sum3A_450 = vector.multi_reduction <add>, %select_n3A_448, %reduce_sum3A_449 [1] : vector<512x128xf32> to vector<512xf32>
    %broadcast_in_dim3A_451 = vector.shape_cast %reduce_sum3A_450 : vector<512xf32> to vector<512x1xf32>
    %ge3A_452 = arith.constant 3.200000e+01 : f32
    %ge3A_453 = vector.broadcast %ge3A_452 : f32 to vector<512x1xf32>
    %ge3A_454 = arith.cmpf oge, %broadcast_in_dim3A_451, %ge3A_453 : vector<512x1xf32>
    %select_n3A_455 = arith.select %ge3A_454, %or3A_438, %select_n3A_435 : vector<512x1xi1>, vector<512x1xi32>
    %or3A_456 = arith.constant 1024 : i32
    %or3A_457 = vector.broadcast %or3A_456 : i32 to vector<512x1xi32>
    %or3A_458 = arith.ori %select_n3A_455, %or3A_457 : vector<512x1xi32>
    %xor3A_459 = arith.constant -2147483648 : i32
    %xor3A_460 = vector.broadcast %xor3A_459 : i32 to vector<512x1xi32>
    %xor3A_461 = arith.xori %or3A_458, %xor3A_460 : vector<512x1xi32>
    %ge3A_462 = vector.broadcast %xor3A_461 : vector<512x1xi32> to vector<512x128xi32>
    %ge3A_463 = arith.cmpi sge, %select_n3A, %ge3A_462 : vector<512x128xi32>
    %jit3A_464 = arith.constant 1.000000e+00 : f32
    %jit3A_465 = arith.constant 0.000000e+00 : f32
    %broadcast_in_dim3A_466 = vector.broadcast %jit3A_464 : f32 to vector<512x128xf32>
    %broadcast_in_dim3A_467 = vector.broadcast %jit3A_465 : f32 to vector<512x128xf32>
    %select_n3A_468 = arith.select %ge3A_463, %broadcast_in_dim3A_466, %broadcast_in_dim3A_467 : vector<512x128xi1>, vector<512x128xf32>
    %reduce_sum3A_469 = arith.constant dense<0.000000e+00> : vector<512xf32>
    %reduce_sum3A_470 = vector.multi_reduction <add>, %select_n3A_468, %reduce_sum3A_469 [1] : vector<512x128xf32> to vector<512xf32>
    %broadcast_in_dim3A_471 = vector.shape_cast %reduce_sum3A_470 : vector<512xf32> to vector<512x1xf32>
    %ge3A_472 = arith.constant 3.200000e+01 : f32
    %ge3A_473 = vector.broadcast %ge3A_472 : f32 to vector<512x1xf32>
    %ge3A_474 = arith.cmpf oge, %broadcast_in_dim3A_471, %ge3A_473 : vector<512x1xf32>
    %select_n3A_475 = arith.select %ge3A_474, %or3A_458, %select_n3A_455 : vector<512x1xi1>, vector<512x1xi32>
    %or3A_476 = arith.constant 512 : i32
    %or3A_477 = vector.broadcast %or3A_476 : i32 to vector<512x1xi32>
    %or3A_478 = arith.ori %select_n3A_475, %or3A_477 : vector<512x1xi32>
    %xor3A_479 = arith.constant -2147483648 : i32
    %xor3A_480 = vector.broadcast %xor3A_479 : i32 to vector<512x1xi32>
    %xor3A_481 = arith.xori %or3A_478, %xor3A_480 : vector<512x1xi32>
    %ge3A_482 = vector.broadcast %xor3A_481 : vector<512x1xi32> to vector<512x128xi32>
    %ge3A_483 = arith.cmpi sge, %select_n3A, %ge3A_482 : vector<512x128xi32>
    %jit3A_484 = arith.constant 1.000000e+00 : f32
    %jit3A_485 = arith.constant 0.000000e+00 : f32
    %broadcast_in_dim3A_486 = vector.broadcast %jit3A_484 : f32 to vector<512x128xf32>
    %broadcast_in_dim3A_487 = vector.broadcast %jit3A_485 : f32 to vector<512x128xf32>
    %select_n3A_488 = arith.select %ge3A_483, %broadcast_in_dim3A_486, %broadcast_in_dim3A_487 : vector<512x128xi1>, vector<512x128xf32>
    %reduce_sum3A_489 = arith.constant dense<0.000000e+00> : vector<512xf32>
    %reduce_sum3A_490 = vector.multi_reduction <add>, %select_n3A_488, %reduce_sum3A_489 [1] : vector<512x128xf32> to vector<512xf32>
    %broadcast_in_dim3A_491 = vector.shape_cast %reduce_sum3A_490 : vector<512xf32> to vector<512x1xf32>
    %ge3A_492 = arith.constant 3.200000e+01 : f32
    %ge3A_493 = vector.broadcast %ge3A_492 : f32 to vector<512x1xf32>
    %ge3A_494 = arith.cmpf oge, %broadcast_in_dim3A_491, %ge3A_493 : vector<512x1xf32>
    %select_n3A_495 = arith.select %ge3A_494, %or3A_478, %select_n3A_475 : vector<512x1xi1>, vector<512x1xi32>
    %or3A_496 = arith.constant 256 : i32
    %or3A_497 = vector.broadcast %or3A_496 : i32 to vector<512x1xi32>
    %or3A_498 = arith.ori %select_n3A_495, %or3A_497 : vector<512x1xi32>
    %xor3A_499 = arith.constant -2147483648 : i32
    %xor3A_500 = vector.broadcast %xor3A_499 : i32 to vector<512x1xi32>
    %xor3A_501 = arith.xori %or3A_498, %xor3A_500 : vector<512x1xi32>
    %ge3A_502 = vector.broadcast %xor3A_501 : vector<512x1xi32> to vector<512x128xi32>
    %ge3A_503 = arith.cmpi sge, %select_n3A, %ge3A_502 : vector<512x128xi32>
    %jit3A_504 = arith.constant 1.000000e+00 : f32
    %jit3A_505 = arith.constant 0.000000e+00 : f32
    %broadcast_in_dim3A_506 = vector.broadcast %jit3A_504 : f32 to vector<512x128xf32>
    %broadcast_in_dim3A_507 = vector.broadcast %jit3A_505 : f32 to vector<512x128xf32>
    %select_n3A_508 = arith.select %ge3A_503, %broadcast_in_dim3A_506, %broadcast_in_dim3A_507 : vector<512x128xi1>, vector<512x128xf32>
    %reduce_sum3A_509 = arith.constant dense<0.000000e+00> : vector<512xf32>
    %reduce_sum3A_510 = vector.multi_reduction <add>, %select_n3A_508, %reduce_sum3A_509 [1] : vector<512x128xf32> to vector<512xf32>
    %broadcast_in_dim3A_511 = vector.shape_cast %reduce_sum3A_510 : vector<512xf32> to vector<512x1xf32>
    %ge3A_512 = arith.constant 3.200000e+01 : f32
    %ge3A_513 = vector.broadcast %ge3A_512 : f32 to vector<512x1xf32>
    %ge3A_514 = arith.cmpf oge, %broadcast_in_dim3A_511, %ge3A_513 : vector<512x1xf32>
    %select_n3A_515 = arith.select %ge3A_514, %or3A_498, %select_n3A_495 : vector<512x1xi1>, vector<512x1xi32>
    %or3A_516 = arith.constant 128 : i32
    %or3A_517 = vector.broadcast %or3A_516 : i32 to vector<512x1xi32>
    %or3A_518 = arith.ori %select_n3A_515, %or3A_517 : vector<512x1xi32>
    %xor3A_519 = arith.constant -2147483648 : i32
    %xor3A_520 = vector.broadcast %xor3A_519 : i32 to vector<512x1xi32>
    %xor3A_521 = arith.xori %or3A_518, %xor3A_520 : vector<512x1xi32>
    %ge3A_522 = vector.broadcast %xor3A_521 : vector<512x1xi32> to vector<512x128xi32>
    %ge3A_523 = arith.cmpi sge, %select_n3A, %ge3A_522 : vector<512x128xi32>
    %jit3A_524 = arith.constant 1.000000e+00 : f32
    %jit3A_525 = arith.constant 0.000000e+00 : f32
    %broadcast_in_dim3A_526 = vector.broadcast %jit3A_524 : f32 to vector<512x128xf32>
    %broadcast_in_dim3A_527 = vector.broadcast %jit3A_525 : f32 to vector<512x128xf32>
    %select_n3A_528 = arith.select %ge3A_523, %broadcast_in_dim3A_526, %broadcast_in_dim3A_527 : vector<512x128xi1>, vector<512x128xf32>
    %reduce_sum3A_529 = arith.constant dense<0.000000e+00> : vector<512xf32>
    %reduce_sum3A_530 = vector.multi_reduction <add>, %select_n3A_528, %reduce_sum3A_529 [1] : vector<512x128xf32> to vector<512xf32>
    %broadcast_in_dim3A_531 = vector.shape_cast %reduce_sum3A_530 : vector<512xf32> to vector<512x1xf32>
    %ge3A_532 = arith.constant 3.200000e+01 : f32
    %ge3A_533 = vector.broadcast %ge3A_532 : f32 to vector<512x1xf32>
    %ge3A_534 = arith.cmpf oge, %broadcast_in_dim3A_531, %ge3A_533 : vector<512x1xf32>
    %select_n3A_535 = arith.select %ge3A_534, %or3A_518, %select_n3A_515 : vector<512x1xi1>, vector<512x1xi32>
    %or3A_536 = arith.constant 64 : i32
    %or3A_537 = vector.broadcast %or3A_536 : i32 to vector<512x1xi32>
    %or3A_538 = arith.ori %select_n3A_535, %or3A_537 : vector<512x1xi32>
    %xor3A_539 = arith.constant -2147483648 : i32
    %xor3A_540 = vector.broadcast %xor3A_539 : i32 to vector<512x1xi32>
    %xor3A_541 = arith.xori %or3A_538, %xor3A_540 : vector<512x1xi32>
    %ge3A_542 = vector.broadcast %xor3A_541 : vector<512x1xi32> to vector<512x128xi32>
    %ge3A_543 = arith.cmpi sge, %select_n3A, %ge3A_542 : vector<512x128xi32>
    %jit3A_544 = arith.constant 1.000000e+00 : f32
    %jit3A_545 = arith.constant 0.000000e+00 : f32
    %broadcast_in_dim3A_546 = vector.broadcast %jit3A_544 : f32 to vector<512x128xf32>
    %broadcast_in_dim3A_547 = vector.broadcast %jit3A_545 : f32 to vector<512x128xf32>
    %select_n3A_548 = arith.select %ge3A_543, %broadcast_in_dim3A_546, %broadcast_in_dim3A_547 : vector<512x128xi1>, vector<512x128xf32>
    %reduce_sum3A_549 = arith.constant dense<0.000000e+00> : vector<512xf32>
    %reduce_sum3A_550 = vector.multi_reduction <add>, %select_n3A_548, %reduce_sum3A_549 [1] : vector<512x128xf32> to vector<512xf32>
    %broadcast_in_dim3A_551 = vector.shape_cast %reduce_sum3A_550 : vector<512xf32> to vector<512x1xf32>
    %ge3A_552 = arith.constant 3.200000e+01 : f32
    %ge3A_553 = vector.broadcast %ge3A_552 : f32 to vector<512x1xf32>
    %ge3A_554 = arith.cmpf oge, %broadcast_in_dim3A_551, %ge3A_553 : vector<512x1xf32>
    %select_n3A_555 = arith.select %ge3A_554, %or3A_538, %select_n3A_535 : vector<512x1xi1>, vector<512x1xi32>
    %or3A_556 = arith.constant 32 : i32
    %or3A_557 = vector.broadcast %or3A_556 : i32 to vector<512x1xi32>
    %or3A_558 = arith.ori %select_n3A_555, %or3A_557 : vector<512x1xi32>
    %xor3A_559 = arith.constant -2147483648 : i32
    %xor3A_560 = vector.broadcast %xor3A_559 : i32 to vector<512x1xi32>
    %xor3A_561 = arith.xori %or3A_558, %xor3A_560 : vector<512x1xi32>
    %ge3A_562 = vector.broadcast %xor3A_561 : vector<512x1xi32> to vector<512x128xi32>
    %ge3A_563 = arith.cmpi sge, %select_n3A, %ge3A_562 : vector<512x128xi32>
    %jit3A_564 = arith.constant 1.000000e+00 : f32
    %jit3A_565 = arith.constant 0.000000e+00 : f32
    %broadcast_in_dim3A_566 = vector.broadcast %jit3A_564 : f32 to vector<512x128xf32>
    %broadcast_in_dim3A_567 = vector.broadcast %jit3A_565 : f32 to vector<512x128xf32>
    %select_n3A_568 = arith.select %ge3A_563, %broadcast_in_dim3A_566, %broadcast_in_dim3A_567 : vector<512x128xi1>, vector<512x128xf32>
    %reduce_sum3A_569 = arith.constant dense<0.000000e+00> : vector<512xf32>
    %reduce_sum3A_570 = vector.multi_reduction <add>, %select_n3A_568, %reduce_sum3A_569 [1] : vector<512x128xf32> to vector<512xf32>
    %broadcast_in_dim3A_571 = vector.shape_cast %reduce_sum3A_570 : vector<512xf32> to vector<512x1xf32>
    %ge3A_572 = arith.constant 3.200000e+01 : f32
    %ge3A_573 = vector.broadcast %ge3A_572 : f32 to vector<512x1xf32>
    %ge3A_574 = arith.cmpf oge, %broadcast_in_dim3A_571, %ge3A_573 : vector<512x1xf32>
    %select_n3A_575 = arith.select %ge3A_574, %or3A_558, %select_n3A_555 : vector<512x1xi1>, vector<512x1xi32>
    %or3A_576 = arith.constant 16 : i32
    %or3A_577 = vector.broadcast %or3A_576 : i32 to vector<512x1xi32>
    %or3A_578 = arith.ori %select_n3A_575, %or3A_577 : vector<512x1xi32>
    %xor3A_579 = arith.constant -2147483648 : i32
    %xor3A_580 = vector.broadcast %xor3A_579 : i32 to vector<512x1xi32>
    %xor3A_581 = arith.xori %or3A_578, %xor3A_580 : vector<512x1xi32>
    %ge3A_582 = vector.broadcast %xor3A_581 : vector<512x1xi32> to vector<512x128xi32>
    %ge3A_583 = arith.cmpi sge, %select_n3A, %ge3A_582 : vector<512x128xi32>
    %jit3A_584 = arith.constant 1.000000e+00 : f32
    %jit3A_585 = arith.constant 0.000000e+00 : f32
    %broadcast_in_dim3A_586 = vector.broadcast %jit3A_584 : f32 to vector<512x128xf32>
    %broadcast_in_dim3A_587 = vector.broadcast %jit3A_585 : f32 to vector<512x128xf32>
    %select_n3A_588 = arith.select %ge3A_583, %broadcast_in_dim3A_586, %broadcast_in_dim3A_587 : vector<512x128xi1>, vector<512x128xf32>
    %reduce_sum3A_589 = arith.constant dense<0.000000e+00> : vector<512xf32>
    %reduce_sum3A_590 = vector.multi_reduction <add>, %select_n3A_588, %reduce_sum3A_589 [1] : vector<512x128xf32> to vector<512xf32>
    %broadcast_in_dim3A_591 = vector.shape_cast %reduce_sum3A_590 : vector<512xf32> to vector<512x1xf32>
    %ge3A_592 = arith.constant 3.200000e+01 : f32
    %ge3A_593 = vector.broadcast %ge3A_592 : f32 to vector<512x1xf32>
    %ge3A_594 = arith.cmpf oge, %broadcast_in_dim3A_591, %ge3A_593 : vector<512x1xf32>
    %select_n3A_595 = arith.select %ge3A_594, %or3A_578, %select_n3A_575 : vector<512x1xi1>, vector<512x1xi32>
    %or3A_596 = arith.constant 8 : i32
    %or3A_597 = vector.broadcast %or3A_596 : i32 to vector<512x1xi32>
    %or3A_598 = arith.ori %select_n3A_595, %or3A_597 : vector<512x1xi32>
    %xor3A_599 = arith.constant -2147483648 : i32
    %xor3A_600 = vector.broadcast %xor3A_599 : i32 to vector<512x1xi32>
    %xor3A_601 = arith.xori %or3A_598, %xor3A_600 : vector<512x1xi32>
    %ge3A_602 = vector.broadcast %xor3A_601 : vector<512x1xi32> to vector<512x128xi32>
    %ge3A_603 = arith.cmpi sge, %select_n3A, %ge3A_602 : vector<512x128xi32>
    %jit3A_604 = arith.constant 1.000000e+00 : f32
    %jit3A_605 = arith.constant 0.000000e+00 : f32
    %broadcast_in_dim3A_606 = vector.broadcast %jit3A_604 : f32 to vector<512x128xf32>
    %broadcast_in_dim3A_607 = vector.broadcast %jit3A_605 : f32 to vector<512x128xf32>
    %select_n3A_608 = arith.select %ge3A_603, %broadcast_in_dim3A_606, %broadcast_in_dim3A_607 : vector<512x128xi1>, vector<512x128xf32>
    %reduce_sum3A_609 = arith.constant dense<0.000000e+00> : vector<512xf32>
    %reduce_sum3A_610 = vector.multi_reduction <add>, %select_n3A_608, %reduce_sum3A_609 [1] : vector<512x128xf32> to vector<512xf32>
    %broadcast_in_dim3A_611 = vector.shape_cast %reduce_sum3A_610 : vector<512xf32> to vector<512x1xf32>
    %ge3A_612 = arith.constant 3.200000e+01 : f32
    %ge3A_613 = vector.broadcast %ge3A_612 : f32 to vector<512x1xf32>
    %ge3A_614 = arith.cmpf oge, %broadcast_in_dim3A_611, %ge3A_613 : vector<512x1xf32>
    %select_n3A_615 = arith.select %ge3A_614, %or3A_598, %select_n3A_595 : vector<512x1xi1>, vector<512x1xi32>
    %or3A_616 = arith.constant 4 : i32
    %or3A_617 = vector.broadcast %or3A_616 : i32 to vector<512x1xi32>
    %or3A_618 = arith.ori %select_n3A_615, %or3A_617 : vector<512x1xi32>
    %xor3A_619 = arith.constant -2147483648 : i32
    %xor3A_620 = vector.broadcast %xor3A_619 : i32 to vector<512x1xi32>
    %xor3A_621 = arith.xori %or3A_618, %xor3A_620 : vector<512x1xi32>
    %ge3A_622 = vector.broadcast %xor3A_621 : vector<512x1xi32> to vector<512x128xi32>
    %ge3A_623 = arith.cmpi sge, %select_n3A, %ge3A_622 : vector<512x128xi32>
    %jit3A_624 = arith.constant 1.000000e+00 : f32
    %jit3A_625 = arith.constant 0.000000e+00 : f32
    %broadcast_in_dim3A_626 = vector.broadcast %jit3A_624 : f32 to vector<512x128xf32>
    %broadcast_in_dim3A_627 = vector.broadcast %jit3A_625 : f32 to vector<512x128xf32>
    %select_n3A_628 = arith.select %ge3A_623, %broadcast_in_dim3A_626, %broadcast_in_dim3A_627 : vector<512x128xi1>, vector<512x128xf32>
    %reduce_sum3A_629 = arith.constant dense<0.000000e+00> : vector<512xf32>
    %reduce_sum3A_630 = vector.multi_reduction <add>, %select_n3A_628, %reduce_sum3A_629 [1] : vector<512x128xf32> to vector<512xf32>
    %broadcast_in_dim3A_631 = vector.shape_cast %reduce_sum3A_630 : vector<512xf32> to vector<512x1xf32>
    %ge3A_632 = arith.constant 3.200000e+01 : f32
    %ge3A_633 = vector.broadcast %ge3A_632 : f32 to vector<512x1xf32>
    %ge3A_634 = arith.cmpf oge, %broadcast_in_dim3A_631, %ge3A_633 : vector<512x1xf32>
    %select_n3A_635 = arith.select %ge3A_634, %or3A_618, %select_n3A_615 : vector<512x1xi1>, vector<512x1xi32>
    %or3A_636 = arith.constant 2 : i32
    %or3A_637 = vector.broadcast %or3A_636 : i32 to vector<512x1xi32>
    %or3A_638 = arith.ori %select_n3A_635, %or3A_637 : vector<512x1xi32>
    %xor3A_639 = arith.constant -2147483648 : i32
    %xor3A_640 = vector.broadcast %xor3A_639 : i32 to vector<512x1xi32>
    %xor3A_641 = arith.xori %or3A_638, %xor3A_640 : vector<512x1xi32>
    %ge3A_642 = vector.broadcast %xor3A_641 : vector<512x1xi32> to vector<512x128xi32>
    %ge3A_643 = arith.cmpi sge, %select_n3A, %ge3A_642 : vector<512x128xi32>
    %jit3A_644 = arith.constant 1.000000e+00 : f32
    %jit3A_645 = arith.constant 0.000000e+00 : f32
    %broadcast_in_dim3A_646 = vector.broadcast %jit3A_644 : f32 to vector<512x128xf32>
    %broadcast_in_dim3A_647 = vector.broadcast %jit3A_645 : f32 to vector<512x128xf32>
    %select_n3A_648 = arith.select %ge3A_643, %broadcast_in_dim3A_646, %broadcast_in_dim3A_647 : vector<512x128xi1>, vector<512x128xf32>
    %reduce_sum3A_649 = arith.constant dense<0.000000e+00> : vector<512xf32>
    %reduce_sum3A_650 = vector.multi_reduction <add>, %select_n3A_648, %reduce_sum3A_649 [1] : vector<512x128xf32> to vector<512xf32>
    %broadcast_in_dim3A_651 = vector.shape_cast %reduce_sum3A_650 : vector<512xf32> to vector<512x1xf32>
    %ge3A_652 = arith.constant 3.200000e+01 : f32
    %ge3A_653 = vector.broadcast %ge3A_652 : f32 to vector<512x1xf32>
    %ge3A_654 = arith.cmpf oge, %broadcast_in_dim3A_651, %ge3A_653 : vector<512x1xf32>
    %select_n3A_655 = arith.select %ge3A_654, %or3A_638, %select_n3A_635 : vector<512x1xi1>, vector<512x1xi32>
    %or3A_656 = arith.constant 1 : i32
    %or3A_657 = vector.broadcast %or3A_656 : i32 to vector<512x1xi32>
    %or3A_658 = arith.ori %select_n3A_655, %or3A_657 : vector<512x1xi32>
    %xor3A_659 = arith.constant -2147483648 : i32
    %xor3A_660 = vector.broadcast %xor3A_659 : i32 to vector<512x1xi32>
    %xor3A_661 = arith.xori %or3A_658, %xor3A_660 : vector<512x1xi32>
    %ge3A_662 = vector.broadcast %xor3A_661 : vector<512x1xi32> to vector<512x128xi32>
    %ge3A_663 = arith.cmpi sge, %select_n3A, %ge3A_662 : vector<512x128xi32>
    %jit3A_664 = arith.constant 1.000000e+00 : f32
    %jit3A_665 = arith.constant 0.000000e+00 : f32
    %broadcast_in_dim3A_666 = vector.broadcast %jit3A_664 : f32 to vector<512x128xf32>
    %broadcast_in_dim3A_667 = vector.broadcast %jit3A_665 : f32 to vector<512x128xf32>
    %select_n3A_668 = arith.select %ge3A_663, %broadcast_in_dim3A_666, %broadcast_in_dim3A_667 : vector<512x128xi1>, vector<512x128xf32>
    %reduce_sum3A_669 = arith.constant dense<0.000000e+00> : vector<512xf32>
    %reduce_sum3A_670 = vector.multi_reduction <add>, %select_n3A_668, %reduce_sum3A_669 [1] : vector<512x128xf32> to vector<512xf32>
    %broadcast_in_dim3A_671 = vector.shape_cast %reduce_sum3A_670 : vector<512xf32> to vector<512x1xf32>
    %ge3A_672 = arith.constant 3.200000e+01 : f32
    %ge3A_673 = vector.broadcast %ge3A_672 : f32 to vector<512x1xf32>
    %ge3A_674 = arith.cmpf oge, %broadcast_in_dim3A_671, %ge3A_673 : vector<512x1xf32>
    %select_n3A_675 = arith.select %ge3A_674, %or3A_658, %select_n3A_655 : vector<512x1xi1>, vector<512x1xi32>
    %xor3A_676 = arith.constant -2147483648 : i32
    %xor3A_677 = vector.broadcast %xor3A_676 : i32 to vector<512x1xi32>
    %xor3A_678 = arith.xori %select_n3A_675, %xor3A_677 : vector<512x1xi32>
    %ge3A_679 = vector.broadcast %xor3A_678 : vector<512x1xi32> to vector<512x128xi32>
    %ge3A_680 = arith.cmpi sge, %select_n3A, %ge3A_679 : vector<512x128xi32>
    %broadcast_in_dim3A_681 = arith.constant 0.000000e+00 : f32
    %broadcast_in_dim3A_682 = vector.broadcast %broadcast_in_dim3A_681 : f32 to vector<512x128xf32>
    %select_n3A_683 = arith.select %ge3A_680, %add3A_34, %broadcast_in_dim3A_682 : vector<512x128xi1>, vector<512x128xf32>
    %mul3A_684 = vector.broadcast %rsqrt3A : vector<512x1xf32> to vector<512x128xf32>
    %mul3A_685 = arith.mulf %select_n3A_683, %mul3A_684 : vector<512x128xf32>
    %swap3A = arith.constant 0 : index
    %swap3A_686 = arith.constant 0 : index
    %swap3A_687 = vector.load %arg9[%swap3A, %swap3A_686] : memref<512x128xf32, #tpu.memory_space<vmem>>, vector<512x128xf32>
    tpu.vector_store %arg9[%swap3A, %swap3A_686], %mul3A_685 {strides = array<i32>} : memref<512x128xf32, #tpu.memory_space<vmem>>, vector<512x128xf32>,
    return
  }
  func.func @transform_0(%arg0: i32) -> (i32, i32) {
    %c0_i32 = arith.constant 0 : i32
    %c0_i32_0 = arith.constant 0 : i32
    return %arg0, %c0_i32 : i32, i32
  }
  func.func @transform_1(%arg0: i32) -> (i32, i32) {
    %c0_i32 = arith.constant 0 : i32
    %c0_i32_0 = arith.constant 0 : i32
    return %arg0, %c0_i32 : i32, i32
  }
  func.func @transform_2(%arg0: i32) -> (i32, i32) {
    %c0_i32 = arith.constant 0 : i32
    %c0_i32_0 = arith.constant 0 : i32
    return %arg0, %c0_i32 : i32, i32
  }
  func.func @transform_3(%arg0: i32) -> (i32, i32) {
    %c0_i32 = arith.constant 0 : i32
    %c0_i32_0 = arith.constant 0 : i32
    return %arg0, %c0_i32 : i32, i32
  }
  func.func @transform_4(%arg0: i32) -> (i32, i32) {
    %c0_i32 = arith.constant 0 : i32
    %c0_i32_0 = arith.constant 0 : i32
    %c0_i32_1 = arith.constant 0 : i32
    return %c0_i32, %c0_i32_0 : i32, i32
  }
  func.func @transform_5(%arg0: i32) -> (i32, i32) {
    %c0_i32 = arith.constant 0 : i32
    %c0_i32_0 = arith.constant 0 : i32
    %c0_i32_1 = arith.constant 0 : i32
    return %c0_i32, %c0_i32_0 : i32, i32
  }
  func.func @transform_6(%arg0: i32) -> (i32, i32) {
    %c0_i32 = arith.constant 0 : i32
    %c0_i32_0 = arith.constant 0 : i32
    %c0_i32_1 = arith.constant 0 : i32
    return %c0_i32, %c0_i32_0 : i32, i32
  }
  func.func @transform_7(%arg0: i32) -> (i32, i32) {
    %c0_i32 = arith.constant 0 : i32
    %c0_i32_0 = arith.constant 0 : i32
    %c0_i32_1 = arith.constant 0 : i32
    return %c0_i32, %c0_i32_0 : i32, i32
  }
  func.func @transform_8(%arg0: i32) -> (i32, i32) {
    %c0_i32 = arith.constant 0 : i32
    %c0_i32_0 = arith.constant 0 : i32
    return %arg0, %c0_i32 : i32, i32
  }
}

module attributes {stable_mosaic.version = 14 : i64} {
  func.func @_tc_out_body(%arg0: i32, %arg1: memref<512x128xf32, #tpu.memory_space<vmem>>, %arg2: memref<512x128xf32, #tpu.memory_space<vmem>>, %arg3: memref<512x128xf32, #tpu.memory_space<vmem>>, %arg4: memref<512x128xf32, #tpu.memory_space<vmem>>, %arg5: memref<128x128xf32, #tpu.memory_space<vmem>>, %arg6: memref<1x128xf32, #tpu.memory_space<vmem>>, %arg7: memref<128x128xf32, #tpu.memory_space<vmem>>, %arg8: memref<1x128xf32, #tpu.memory_space<vmem>>, %arg9: memref<512x128xf32, #tpu.memory_space<vmem>>) attributes {dimension_semantics = [#tpu.dimension_semantics<arbitrary>], iteration_bounds = array<i64: 20>, scalar_prefetch = 0 : i64, scratch_operands = 0 : i64, tpu.core_type = #tpu.core_type<tc>, window_params = [{transform_indices = @transform_0, window_bounds = array<i64: 512, 128>}, {transform_indices = @transform_1, window_bounds = array<i64: 512, 128>}, {transform_indices = @transform_2, window_bounds = array<i64: 512, 128>}, {transform_indices = @transform_3, window_bounds = array<i64: 512, 128>}, {pipeline_mode = #tpu.pipeline_mode<synchronous>, transform_indices = @transform_4, window_bounds = array<i64: 128, 128>}, {pipeline_mode = #tpu.pipeline_mode<synchronous>, transform_indices = @transform_5, window_bounds = array<i64: 1, 128>}, {pipeline_mode = #tpu.pipeline_mode<synchronous>, transform_indices = @transform_6, window_bounds = array<i64: 128, 128>}, {pipeline_mode = #tpu.pipeline_mode<synchronous>, transform_indices = @transform_7, window_bounds = array<i64: 1, 128>}, {transform_indices = @transform_8, window_bounds = array<i64: 512, 128>}]} {
    %get3A = arith.constant 0 : index
    %get3A_0 = arith.constant 0 : index
    %get3A_1 = vector.load %arg3[%get3A, %get3A_0] : memref<512x128xf32, #tpu.memory_space<vmem>>, vector<512x128xf32>
    %get3A_2 = arith.constant 0 : index
    %get3A_3 = arith.constant 0 : index
    %get3A_4 = vector.load %arg4[%get3A_2, %get3A_3] : memref<512x128xf32, #tpu.memory_space<vmem>>, vector<512x128xf32>
    %slice3A = vector.extract_strided_slice %get3A_1 {offsets = [0, 0], sizes = [512, 1], strides = [1, 1]} : vector<512x128xf32> to vector<512x1xf32>
    %slice3A_5 = vector.extract_strided_slice %get3A_4 {offsets = [0, 0], sizes = [512, 1], strides = [1, 1]} : vector<512x128xf32> to vector<512x1xf32>
    %add3A = arith.addf %slice3A, %slice3A_5 : vector<512x1xf32>
    %max3A = arith.constant 1.000000e+00 : f32
    %max3A_6 = vector.broadcast %max3A : f32 to vector<512x1xf32>
    %max3A_7 = arith.maximumf %add3A, %max3A_6 : vector<512x1xf32>
    %rsqrt3A = math.rsqrt %max3A_7 : vector<512x1xf32>
    %get3A_8 = arith.constant 0 : index
    %get3A_9 = arith.constant 0 : index
    %get3A_10 = vector.load %arg1[%get3A_8, %get3A_9] : memref<512x128xf32, #tpu.memory_space<vmem>>, vector<512x128xf32>
    %get3A_11 = arith.constant 0 : index
    %get3A_12 = arith.constant 0 : index
    %get3A_13 = vector.load %arg2[%get3A_11, %get3A_12] : memref<512x128xf32, #tpu.memory_space<vmem>>, vector<512x128xf32>
    %add3A_14 = arith.addf %get3A_10, %get3A_13 : vector<512x128xf32>
    %mul3A = vector.broadcast %rsqrt3A : vector<512x1xf32> to vector<512x128xf32>
    %mul3A_15 = arith.mulf %add3A_14, %mul3A : vector<512x128xf32>
    %get3A_16 = arith.constant 0 : index
    %get3A_17 = arith.constant 0 : index
    %get3A_18 = vector.load %arg5[%get3A_16, %get3A_17] : memref<128x128xf32, #tpu.memory_space<vmem>>, vector<128x128xf32>
    %dot_general3A = arith.constant dense<0.000000e+00> : vector<512x128xf32>
    %dot_general3A_19 = tpu.matmul %mul3A_15, %get3A_18, %dot_general3A {dimension_numbers = #tpu.dot_dimension_numbers<[1], [1], [0], [0], [0, 0, 1, 0], [], []>, transpose_lhs_hint = false} : vector<512x128xf32>, vector<128x128xf32>, vector<512x128xf32> -> vector<512x128xf32>
    %get3A_20 = arith.constant 0 : index
    %get3A_21 = arith.constant 0 : index
    %get3A_22 = vector.load %arg6[%get3A_20, %get3A_21] : memref<1x128xf32, #tpu.memory_space<vmem>>, vector<1x128xf32>
    %add3A_23 = vector.broadcast %get3A_22 : vector<1x128xf32> to vector<512x128xf32>
    %add3A_24 = arith.addf %dot_general3A_19, %add3A_23 : vector<512x128xf32>
    %get3A_25 = arith.constant 0 : index
    %get3A_26 = arith.constant 0 : index
    %get3A_27 = vector.load %arg7[%get3A_25, %get3A_26] : memref<128x128xf32, #tpu.memory_space<vmem>>, vector<128x128xf32>
    %dot_general3A_28 = arith.constant dense<0.000000e+00> : vector<512x128xf32>
    %dot_general3A_29 = tpu.matmul %add3A_24, %get3A_27, %dot_general3A_28 {dimension_numbers = #tpu.dot_dimension_numbers<[1], [1], [0], [0], [0, 0, 1, 0], [], []>, transpose_lhs_hint = false} : vector<512x128xf32>, vector<128x128xf32>, vector<512x128xf32> -> vector<512x128xf32>
    %get3A_30 = arith.constant 0 : index
    %get3A_31 = arith.constant 0 : index
    %get3A_32 = vector.load %arg8[%get3A_30, %get3A_31] : memref<1x128xf32, #tpu.memory_space<vmem>>, vector<1x128xf32>
    %add3A_33 = vector.broadcast %get3A_32 : vector<1x128xf32> to vector<512x128xf32>
    %add3A_34 = arith.addf %dot_general3A_29, %add3A_33 : vector<512x128xf32>
    %swap3A = arith.constant 0 : index
    %swap3A_35 = arith.constant 0 : index
    %swap3A_36 = vector.load %arg9[%swap3A, %swap3A_35] : memref<512x128xf32, #tpu.memory_space<vmem>>, vector<512x128xf32>
    tpu.vector_store %arg9[%swap3A, %swap3A_35], %add3A_34 {strides = array<i32>} : memref<512x128xf32, #tpu.memory_space<vmem>>, vector<512x128xf32>,
    return
  }
  func.func @transform_0(%arg0: i32) -> (i32, i32) {
    %c0_i32 = arith.constant 0 : i32
    %c0_i32_0 = arith.constant 0 : i32
    return %arg0, %c0_i32 : i32, i32
  }
  func.func @transform_1(%arg0: i32) -> (i32, i32) {
    %c0_i32 = arith.constant 0 : i32
    %c0_i32_0 = arith.constant 0 : i32
    return %arg0, %c0_i32 : i32, i32
  }
  func.func @transform_2(%arg0: i32) -> (i32, i32) {
    %c0_i32 = arith.constant 0 : i32
    %c0_i32_0 = arith.constant 0 : i32
    return %arg0, %c0_i32 : i32, i32
  }
  func.func @transform_3(%arg0: i32) -> (i32, i32) {
    %c0_i32 = arith.constant 0 : i32
    %c0_i32_0 = arith.constant 0 : i32
    return %arg0, %c0_i32 : i32, i32
  }
  func.func @transform_4(%arg0: i32) -> (i32, i32) {
    %c0_i32 = arith.constant 0 : i32
    %c0_i32_0 = arith.constant 0 : i32
    %c0_i32_1 = arith.constant 0 : i32
    return %c0_i32, %c0_i32_0 : i32, i32
  }
  func.func @transform_5(%arg0: i32) -> (i32, i32) {
    %c0_i32 = arith.constant 0 : i32
    %c0_i32_0 = arith.constant 0 : i32
    %c0_i32_1 = arith.constant 0 : i32
    return %c0_i32, %c0_i32_0 : i32, i32
  }
  func.func @transform_6(%arg0: i32) -> (i32, i32) {
    %c0_i32 = arith.constant 0 : i32
    %c0_i32_0 = arith.constant 0 : i32
    %c0_i32_1 = arith.constant 0 : i32
    return %c0_i32, %c0_i32_0 : i32, i32
  }
  func.func @transform_7(%arg0: i32) -> (i32, i32) {
    %c0_i32 = arith.constant 0 : i32
    %c0_i32_0 = arith.constant 0 : i32
    %c0_i32_1 = arith.constant 0 : i32
    return %c0_i32, %c0_i32_0 : i32, i32
  }
  func.func @transform_8(%arg0: i32) -> (i32, i32) {
    %c0_i32 = arith.constant 0 : i32
    %c0_i32_0 = arith.constant 0 : i32
    return %arg0, %c0_i32 : i32, i32
  }
}

</mosaic_0001>

<sc_bundles>
// kernel: kernel.10.cloned.1.call-start
scs
__scs_entry_jumppad:
0x0: {  	(pc) =	sbr.rel $0x88, $3  }
0x1: {  	(tag) =	ssettag $0x0;
	lr =	simm.s32 $0x1  }
0x2: {  	[smem:$0x3F97] =	sst lr;
	_ =	strace $0xD0000000  }
0x3: {  	_ = 	snop  }
0x4: {  	_ = 	snop  }
0x5: {  	_ = 	snop  }
0x6: {  	_ = 	snop  }
0x7: {  	_ = 	snop  }
__scs_overlays_trampoline_lowered:
0x8: {  	[smem:$0x3FA6] =	sst s0  }
0x9: {  	[smem:$0x3FA7] =	sst s1  }
0xa: {  	[smem:$0x3FA8] =	sst s2  }
0xb: {  	[smem:$0x3FA9] =	sst s3  }
0xc: {  	[smem:$0x3FAA] =	sst s4  }
0xd: {  	[smem:$0x3FAB] =	sst s5  }
0xe: {  	[smem:$0x3FAC] =	sst s6  }
0xf: {  	[smem:$0x3FAD] =	sst s7  }
0x10: {  	[smem:$0x3FAE] =	sst s8  }
0x11: {  	[smem:$0x3FAF] =	sst s9;
	s0 =	simm.s32 @!p0 $0x0  }
0x12: {  	s1 =	sld [smem:$0x3F95];
	s0 =	simm.s32 @p0 $0x1  }
0x13: {  	[smem:$0x3FB0] =	sst s0;
	s0 =	simm.s32 @!p1 $0x0  }
0x14: {  	s2 =	sld [smem:$0x3F94];
	s0 =	simm.s32 @p1 $0x1  }
0x15: {  	[smem:$0x3FB1] =	sst s0;
	s0 =	simm.s32 @!p2 $0x0  }
0x16: {  	s3 =	sld [smem:$0x3FDB];
	s0 =	simm.s32 @p2 $0x1  }
0x17: {  	s4 =	simm.s32 $0x1BF5;
	[smem:$0x3FB3] =	sst s0  }
0x18: {  	s0 =	sld [smem:$0x3F96];
	_ =	swait.ge [sflag:s4], $0x0  }
0x19: {  	s7 =	sld [smem:$0x3F97]  }
0x1a: {  	s8 =	sadd.s32 $0xFFFFE003, lr  }
0x1b: {  	s9 =	sadd.s32 $0xFFFFFEF7, lr;
	s5 =	simm.s32 $0xFFFFFFFF;
	p2 =	slt.u32 s8, $0xFFFFF086  }
0x1c: {  	p1 =	slt.u32 s9, $0xF7A;
	s5 =	simm.s32 @!p2 $0x0  }
0x1d: {  	s5 =	simm.s32 @p1 $0x1;
	p0 =	seq.s32 s7, s2  }
0x1e: {  	s7 =	smul.u32 @!p0 $0xF7A, s2;
	p2 =	seq.s32 @!p0 s5, $0x0  }
0x1f: {  	s9 =	smul.u32 $0xF7A, s1;
	s8 =	simm.s32 @!p0 $0x1BF5;
	p2 =	por !p2, p0  }
0x20: {  	[sflag:s8] =	ssyncset.s32 @!p0 $0xFFFFF086;
	s6 =	sadd.s32 @!p0 s3, s7;
	s7 =	simm.s32 @!p0 $0x108  }
0x21: {  	s3 =	sadd.s32 s3, s9;
	s6 =	sadd.s32 @!p0 $0x88, s6;
	s7 =	simm.s32 @p2 $0x1082  }
0x22: {  	[simem:s7], [sflag:s8] =	dma.local @!p0 [hbm:s6], $0xF7A  }
0x23: {  	s9 =	sor.u32 $0xD0000000, s2;
	s6 =	simm.s32 $0x108;
	_ =	swait.ge @!p0 [sflag:s8], $0x0  }
0x24: {  	s3 =	sadd.s32 $0x88, s3;
	s6 =	simm.s32 @!p1 $0x1082;
	[sflag:s4] =	ssyncset.s32 $0xFFFFF086  }
0x25: {  	[simem:s6], [sflag:s4] =	dma.local [hbm:s3], $0xF7A  }
0x26: {  	[smem:$0x3F97] =	sst s1;
	(tag) =	ssettag s2;
	_ =	strace s9  }
0x27: {  	s1 =	sld [smem:$0x3FA7]  }
0x28: {  	s2 =	sld [smem:$0x3FA8]  }
0x29: {  	s4 =	sld [smem:$0x3FAA]  }
0x2a: {  	p0 =	seq.s32 s5, $0x0;
	s5 =	sld [smem:$0x3FAB]  }
0x2b: {  	s6 =	sld [smem:$0x3FAC]  }
0x2c: {  	s7 =	sld [smem:$0x3FAD]  }
0x2d: {  	s3 =	simm.s32 $0x108;
	s8 =	sld [smem:$0x3FAE]  }
0x2e: {  	s3 =	simm.s32 @!p0 $0x1082;
	s9 =	sld [smem:$0x3FAF]  }
0x2f: {  	lr =	sadd.s32 s0, s3;
	s0 =	sld [smem:$0x3FA6]  }
0x30: {  	s3 =	sld [smem:$0x3FA9]  }
0x31: {  	[smem:$0x3FB2] =	sst s10  }
0x32: {  	s10 =	sld [smem:$0x3FB0];
	_ =	sdelay $0x3  }
0x33: {  	p0 =	seq.s32 s10, $0x1;
	s10 =	sld [smem:$0x3FB2];
	_ =	sdelay $0x3  }
0x34: {  	[smem:$0x3FB2] =	sst s10  }
0x35: {  	s10 =	sld [smem:$0x3FB1];
	_ =	sdelay $0x3  }
0x36: {  	p1 =	seq.s32 s10, $0x1;
	s10 =	sld [smem:$0x3FB2];
	_ =	sdelay $0x3  }
0x37: {  	[smem:$0x3FB2] =	sst s10  }
0x38: {  	s10 =	sld [smem:$0x3FB3]  }
0x39: {  	_ = 	snop;
	(pc) =	sbr.ind lr, $3  }
0x3a: {  	_ = 	snop  }
0x3b: {  	_ = 	snop  }
0x3c: {  	p2 =	seq.s32 s10, $0x1;
	s10 =	sld [smem:$0x3FB2]  }
0x3d: {  	_ =	shalt  }
0x3e: {  	_ =	shalt  }
0x3f: {  	_ =	shalt  }
0x40: {  	_ =	shalt  }
0x41: {  	_ =	shalt  }
0x42: {  	_ =	shalt  }
0x43: {  	_ =	shalt  }
0x44: {  	_ =	shalt  }
0x45: {  	_ =	shalt  }
0x46: {  	_ =	shalt  }
0x47: {  	_ =	shalt  }
0x48: {  	_ =	shalt  }
0x49: {  	_ =	shalt  }
0x4a: {  	_ =	shalt  }
0x4b: {  	_ =	shalt  }
0x4c: {  	_ =	shalt  }
0x4d: {  	_ =	shalt  }
0x4e: {  	_ =	shalt  }
0x4f: {  	_ =	shalt  }
0x50: {  	_ =	shalt  }
0x51: {  	_ =	shalt  }
0x52: {  	_ =	shalt  }
0x53: {  	_ =	shalt  }
0x54: {  	_ =	shalt  }
0x55: {  	_ =	shalt  }
0x56: {  	_ =	shalt  }
0x57: {  	_ =	shalt  }
0x58: {  	_ =	shalt  }
0x59: {  	_ =	shalt  }
0x5a: {  	_ =	shalt  }
0x5b: {  	_ =	shalt  }
0x5c: {  	_ =	shalt  }
0x5d: {  	_ =	shalt  }
0x5e: {  	_ =	shalt  }
0x5f: {  	_ =	shalt  }
0x60: {  	_ =	shalt  }
0x61: {  	_ =	shalt  }
0x62: {  	_ =	shalt  }
0x63: {  	_ =	shalt  }
0x64: {  	_ =	shalt  }
0x65: {  	_ =	shalt  }
0x66: {  	_ =	shalt  }
0x67: {  	_ =	shalt  }
0x68: {  	_ =	shalt  }
0x69: {  	_ =	shalt  }
0x6a: {  	_ =	shalt  }
0x6b: {  	_ =	shalt  }
0x6c: {  	_ =	shalt  }
0x6d: {  	_ =	shalt  }
0x6e: {  	_ =	shalt  }
0x6f: {  	_ =	shalt  }
0x70: {  	_ =	shalt  }
0x71: {  	_ =	shalt  }
0x72: {  	_ =	shalt  }
0x73: {  	_ =	shalt  }
0x74: {  	_ =	shalt  }
0x75: {  	_ =	shalt  }
0x76: {  	_ =	shalt  }
0x77: {  	_ =	shalt  }
0x78: {  	_ =	shalt  }
0x79: {  	_ =	shalt  }
0x7a: {  	_ =	shalt  }
0x7b: {  	_ =	shalt  }
0x7c: {  	_ =	shalt  }
0x7d: {  	_ =	shalt  }
0x7e: {  	_ =	shalt  }
0x7f: {  	_ =	shalt  }
0x80: {  	_ =	shalt  }
0x81: {  	_ =	shalt  }
0x82: {  	_ =	shalt  }
0x83: {  	_ =	shalt  }
0x84: {  	_ =	shalt  }
0x85: {  	_ =	shalt  }
0x86: {  	_ =	shalt  }
0x87: {  	_ =	shalt  }
.Lfunc_end0:
.L_simem_size_0:
called_computation_lowered:
.L_overlay_start_0:
0x88: {  	s2 =	sld [smem:$0x3FD9]  }
0x89: {  	s3 =	sld [smem:$0x3FFE];
	_ =	sdelay $0x1  }
0x8a: {  	s1 =	srdreg.scid  }
0x8b: {  	s0 =	sand.u32 $0x1, s1  }
0x8c: {  	s17 =	sshll.u32 s0, $0xA;
	s2 =	sadd.s32 s3, s2  }
0x8d: {  	s2 =	sadd.s32 s2, s17  }
0x8e: {  	[smem:$0x3FBE] =	sst s2  }
0x8f: {  	_ = 	snop  }
0x90: {  	s2 =	sld [smem:$0x3FD0];
	(tm) =	ssettm $0x1  }
0x91: {  	s18 =	sld [smem:$0x3FFB];
	_ =	sdelay $0x3  }
0x92: {  	_ =	strace s18  }
0x93: {  	s3 =	sld [smem:$0x3FFC];
	_ =	sdelay $0x3  }
0x94: {  	_ =	strace s3  }
0x95: {  	s3 =	sld [smem:$0x3FFD];
	_ =	sdelay $0x3  }
0x96: {  	_ =	strace s3  }
0x97: {  	_ =	strace $0x8FFFFFFF  }
0x98: {  	s19 =	sld [smem:$0x3FDB];
	_ =	sdelay $0x1  }
0x99: {  	s4 =	simm.s32 $_scs_section_size  }
0x9a: {  	s5 =	simm.s32 $_size__tile_overlayer_lowered;
	s6 =	simm.s32 $_tile_overlayer_lowered  }
0x9b: {  	s22 =	simm.s32 $0x1BFF;
	s21 =	sshll.u32 s6, $0x1;
	s3 =	sadd.s32 s4, s19  }
0x9c: {  	s7 =	simm.s32 $0x0;
	s20 =	sshll.u32 s5, $0x1;
	s5 =	sadd.s32 s21, s3  }
0x9d: {  	[timem:s7], [sflag:s22] =	dma.local [hbm:s5], s20  }
0x9e: {  	_ =	swait.ge [sflag:s22], s20  }
0x9f: {  	s4 =	ssub.s32 $0x0, s20;
	[sflag:s22] =	ssyncset.done $0x0  }
0xa0: {  	[sflag:s22] =	ssyncadd.s32 s4;
	_ =	sdelay $0x1  }
0xa1: {  	s23 =	simm.s32 $0x1B8B  }
0xa2: {  	_ =	swait.ge [sflag:s23], $0x1  }
0xa3: {  	[sflag:s23] =	ssyncset.done $0x0  }
0xa4: {  	s25 =	simm.s32 $0x1B8E;
	s24 =	sld [smem:$0x3FFE];
	[sflag:s23] =	ssyncadd.s32 $0xFFFFFFFF  }
0xa5: {  	s26 =	simm.s32 $execute0_lowered;
	[smem:$0x3FD2] =	sst s25  }
0xa6: {  	s5 =	sshll.u32 s26, $0x1;
	_ =	strace $0x80000046;
	[dreg:$0x1] =	wrdreg $0xFFFFFFFF  }
0xa7: {  	s28 =	simm.s32 $_size_execute0_lowered;
	s3 =	sadd.s32 s3, s5;
	[dreg:$0x0] =	wrdreg $0x0  }
0xa8: {  	s5 =	sshll.u32 s28, $0x1;
	[dreg:$0x2] =	wrdreg s3  }
0xa9: {  	[dreg:$0x3] =	wrdreg s5  }
0xaa: {  	[dreg:$0x4] =	wrdreg $0xC0  }
0xab: {  	_ =	task [dreg:s7], $0x5FFFF  }
0xac: {  	[dreg:$0x1] =	wrdreg $0xFFFFFFFF  }
0xad: {  	[dreg:$0x0] =	wrdreg $0x60  }
0xae: {  	[dreg:$0x2] =	wrdreg s24  }
0xaf: {  	[dreg:$0x3] =	wrdreg s2  }
0xb0: {  	[dreg:$0x4] =	wrdreg $0x68000  }
0xb1: {  	[dreg:$0x5] =	wrdreg $0x9  }
0xb2: {  	_ =	task.clear_ibuf [dreg:s7], $0x6FFFF;
	_ =	strace $0x90000046  }
0xb3: {  	s29 =	simm.s32 $0x9;
	_ =	strace $0x80000048  }
0xb4: {  	_ =	swait.ge [sflag:s29], $0x1  }
0xb5: {  	[sflag:s29] =	ssyncadd.s32 $0xFFFFFFFF  }
0xb6: {  	_ =	strace $0x90000048  }
0xb7: {  	_ =	sfence  }
0xb8: {  	s30 =	sld [smem:$0x0];
	_ =	sdelay $0x2  }
0xb9: {  	s31 =	sshll.u32 s1, $0xD;
	s1 =	sshrl.u32 s1, $0x2  }
0xba: {  	s3 =	sand.u32 $0x4000, s31;
	s1 =	sadd.s32 s1, s30  }
0xbb: {  	s0 =	sor.u32 s3, s0;
	s1 =	sshll.u32 s1, $0x11  }
0xbc: {  	s0 =	sor.u32 s1, s0  }
0xbd: {  	s0 =	sadd.s32 $0x8F2B, s0  }
0xbe: {  	[sflag:s0] =	ssyncadd.remote.s32 $0x1  }
0xbf: {  	_ =	sfence.sel $0xFFFF  }
0xc0: {  	[dreg:$0x0] =	wrdreg $0xFFFFFFFF;
	(pc) =	sbr.abs _section_cstart, $3  }
0xc1: {  	[dreg:$0x1] =	wrdreg $0xFFFFFFFF  }
0xc2: {  	_ =	task.clear_ibuf [dreg:s7], $0x2FFFF;
	_ =	strace $0x9FFFFFFF  }
0xc3: {  	(tm) =	ssettm $0x7FFFFFFF  }
tec
execute0_lowered:
.L_overlay_start_1:
0x0: {  	(tag) =	ssettag $0x1  }
0x1: {  	s5 =	rddreg [dreg:$0x0]  }
0x2: {  	s0 =	srdreg.scid;
	s2 =	rddreg [dreg:$0x1]  }
0x3: {  	s3 =	rddreg [dreg:$0x2];
	s4 =	simm.s32 $0x0;
	s12 =	simm.s32 $0x2800  }
0x4: {  	s13 =	simm.s32 $0x80;
	s6 =	sand.u32 $0x1, s0;
	s0 =	stileid.u32  }
0x5: {  	s14 =	simm.s32 $0x0;
	[smem:$0x7FF] =	sst s4;
	s8 =	smul.u32 $0x2780, s0  }
0x6: {  	s1 =	sshll.u32 s6, $0x4;
	s9 =	smul.u32 $0x27800, s6;
	s6 =	ssub.s32 $0x2, s6  }
0x7: {  	s10 =	smul.u32 $0x4F000, s0;
	s31 =	sshll.u32 s0, $0x6;
	s7 =	sor.u32 s0, s1  }
0x8: {  	s1 =	rddreg [dreg:$0x3];
	_ =	strace $0x80000047;
	s29 =	sshrl.u32 s6, $0x1  }
0x9: {  	s7 =	smul.u32 $0x500, s7;
	s11 =	sadd.s32 s8, s5;
	s8 =	sadd.s32 s8, s9  }
0xa: {  	s9 =	ssub.s32 s6, s29;
	s30 =	sshrl.u32 s10, $0x2;
	s6 =	sor.u32 $0x1C01, s31  }
0xb: {  	s8 =	sadd.s32 s8, s5;
	s10 =	sadd.s32 s30, s3;
	s9 =	smax.u32 s9, $0x1  }
0xc: {  	s7 =	sadd.s32 s7, s5;
	s5 =	sadd.s32 $0x17E00, s11;
	s8 =	sadd.s32 $0x3F600, s8  }
0xd: {  	s10 =	sshrl.u32 s10, $0x3;
	s11 =	simm.s32 $0x1;
	s7 =	sadd.s32 $0xDE00, s7  }
.LBB2_1:
0xe: {  	[spmem:s10], [sflag:s6] =	dma.local [hbm:s5], $0x2780  }
0xf: {  	_ =	swait.ge [sflag:s11], $0x2780  }
0x10: {  	[sflag:s11] =	ssyncset.done $0x0  }
0x11: {  	[sflag:s11] =	ssyncadd.s32 $0xFFFFD880  }
0x12: {  	[tilespmem:s4], [sflag:$0x1] =	stream.linear.gather [hbm4b:s7+s4], $0x2800, $0x38;
	[tilespmem:$0x1A400] =	vst v63  }
0x13: {  	_ =	swait.ge [sflag:s11], $0x2800  }
0x14: {  	[sflag:s11] =	ssyncset.done $0x0  }
0x15: {  	[sflag:s11] =	ssyncadd.s32 $0xFFFFD800  }
0x16: {  	[tilespmem:s12], [sflag:$0x1] =	stream.linear.gather [hbm4b:s2+s4], $0x4000, $0x38;
	[tilespmem:$0x1A400] =	vst v63  }
0x17: {  	_ =	swait.ge [sflag:s11], $0x4000  }
0x18: {  	[sflag:s11] =	ssyncset.done $0x0  }
0x19: {  	[sflag:s11] =	ssyncadd.s32 $0xFFFFC000  }
0x1a: {  	s15 =	simm.s32 $0x0;
	[bflag:$0x0] =	sbarrier.arrive $0xFFFF  }
0x1b: {  	[spmem:s3] =	stream.indirect.scatter.add.f32 [tilespmem:s12], [sflag:$0x1], $0x80, s15, s13, $0xb8;
	[tilespmem:$0x1A400] =	vst v63  }
0x1c: {  	_ =	swait.ge [sflag:s11], $0x4000  }
0x1d: {  	s15 =	simm.s32 $0x200;
	[sflag:s11] =	ssyncset.done $0x0  }
.LBB2_2:
0x1e: {  	s16 =	sshra.s32 s15, $0x2;
	[sflag:s11] =	ssyncadd.s32 $0xFFFFC000;
	p0 =	sne.s32 s15, $0x9E00  }
0x1f: {  	[spmem:s3] =	stream.indirect.scatter.add.f32 [tilespmem:s12], [sflag:$0x1], $0x80, s16, s13, $0xb8;
	[tilespmem:$0x1A400] =	vst v63  }
.Ltmp0:
0x20: {  	_ = 	snop;
	(pc) =	sbr.rel @p0 .LBB2_2-.Ltmp0, $4  }
0x21: {  	_ = 	snop  }
0x22: {  	s15 =	sadd.s32 $0x200, s15  }
0x23: {  	_ =	swait.ge [sflag:s11], $0x4000  }
0x24: {  	[sflag:s11] =	ssyncset.done $0x0  }
0x25: {  	s14 =	sadd.s32 $0x1, s14  }
0x26: {  	[sflag:s11] =	ssyncadd.s32 $0xFFFFC000;
	p0 =	sne.s32 s14, s9  }
.Ltmp1:
0x27: {  	[bflag:$0x0] =	sbarrier.arrive $0xFFFF;
	(pc) =	sbr.rel @p0 .LBB2_1-.Ltmp1, $4  }
0x28: {  	[hbm:s8], [sflag:s6] =	dma.local [spmem:s10], $0x2780  }
0x29: {  	_ =	swait.ge [sflag:s11], $0x2780  }
0x2a: {  	[sflag:s11] =	ssyncset.done $0x0  }
0x2b: {  	[sflag:s11] =	ssyncadd.s32 $0xFFFFD880  }
0x2c: {  	_ =	sfence.sel $0x180000  }
0x2d: {  	[bflag:$0x0] =	sbarrier.arrive $0xFFFF  }
0x2e: {  	p0 =	sne.s32 s0, $0x0;
	_ =	strace $0x90000047  }
0x2f: {  	s0 =	sadd.s32 @!p0 $0x100000, s1;
	[bflag:$0x2] =	sbarrier.arrive $0xFFFF  }
0x30: {  	[sflag:s0] =	ssyncadd.tile.s32 @!p0 $0x1;
	_ =	shalt  }
.Lfunc_end2:
_tile_overlayer_lowered:
.L_overlay_start_2:
0x31: {  	(tag) =	ssettag $0x2  }
0x32: {  	s0 =	rddreg [dreg:$0x0];
	s2 =	stileid.u32  }
0x33: {  	s1 =	rddreg [dreg:$0x1];
	p0 =	sne.s32 s2, $0x0  }
0x34: {  	s3 =	rddreg [dreg:$0x2];
	[bflag:$0x3] =	sbarrier.arrive $0xFFFF;
	s2 =	simm.s32 @!p0 $0x1C01  }
0x35: {  	[timem:s3], [sflag:s2] =	dma.local @!p0 [hbm:s0], s1  }
0x36: {  	s0 =	simm.s32 @!p0 $0x1  }
0x37: {  	_ =	swait.ge @!p0 [sflag:s0], s1  }
0x38: {  	s1 =	ssub.s32 @!p0 $0x0, s1;
	[sflag:s0] =	ssyncset.done @!p0 $0x0  }
0x39: {  	[sflag:s0] =	ssyncadd.s32 @!p0 s1  }
0x3a: {  	[bflag:$0x3] =	sbarrier.arrive $0xFFFF  }
0x3b: {  	_ =	shalt  }

// kernel: kernel.13.cloned.1.call-start
scs
__scs_entry_jumppad:
0x0: {  	(pc) =	sbr.rel $0x88, $3  }
0x1: {  	(tag) =	ssettag $0x0;
	lr =	simm.s32 $0x1  }
0x2: {  	[smem:$0x3F97] =	sst lr;
	_ =	strace $0xD0000000  }
0x3: {  	_ = 	snop  }
0x4: {  	_ = 	snop  }
0x5: {  	_ = 	snop  }
0x6: {  	_ = 	snop  }
0x7: {  	_ = 	snop  }
__scs_overlays_trampoline_lowered:
0x8: {  	[smem:$0x3FA6] =	sst s0  }
0x9: {  	[smem:$0x3FA7] =	sst s1  }
0xa: {  	[smem:$0x3FA8] =	sst s2  }
0xb: {  	[smem:$0x3FA9] =	sst s3  }
0xc: {  	[smem:$0x3FAA] =	sst s4  }
0xd: {  	[smem:$0x3FAB] =	sst s5  }
0xe: {  	[smem:$0x3FAC] =	sst s6  }
0xf: {  	[smem:$0x3FAD] =	sst s7  }
0x10: {  	[smem:$0x3FAE] =	sst s8  }
0x11: {  	[smem:$0x3FAF] =	sst s9;
	s0 =	simm.s32 @!p0 $0x0  }
0x12: {  	s1 =	sld [smem:$0x3F95];
	s0 =	simm.s32 @p0 $0x1  }
0x13: {  	[smem:$0x3FB0] =	sst s0;
	s0 =	simm.s32 @!p1 $0x0  }
0x14: {  	s2 =	sld [smem:$0x3F94];
	s0 =	simm.s32 @p1 $0x1  }
0x15: {  	[smem:$0x3FB1] =	sst s0;
	s0 =	simm.s32 @!p2 $0x0  }
0x16: {  	s3 =	sld [smem:$0x3FDB];
	s0 =	simm.s32 @p2 $0x1  }
0x17: {  	s4 =	simm.s32 $0x1BF5;
	[smem:$0x3FB3] =	sst s0  }
0x18: {  	s0 =	sld [smem:$0x3F96];
	_ =	swait.ge [sflag:s4], $0x0  }
0x19: {  	s7 =	sld [smem:$0x3F97]  }
0x1a: {  	s8 =	sadd.s32 $0xFFFFE003, lr  }
0x1b: {  	s9 =	sadd.s32 $0xFFFFFEF7, lr;
	s5 =	simm.s32 $0xFFFFFFFF;
	p2 =	slt.u32 s8, $0xFFFFF086  }
0x1c: {  	p1 =	slt.u32 s9, $0xF7A;
	s5 =	simm.s32 @!p2 $0x0  }
0x1d: {  	s5 =	simm.s32 @p1 $0x1;
	p0 =	seq.s32 s7, s2  }
0x1e: {  	s7 =	smul.u32 @!p0 $0xF7A, s2;
	p2 =	seq.s32 @!p0 s5, $0x0  }
0x1f: {  	s9 =	smul.u32 $0xF7A, s1;
	s8 =	simm.s32 @!p0 $0x1BF5;
	p2 =	por !p2, p0  }
0x20: {  	[sflag:s8] =	ssyncset.s32 @!p0 $0xFFFFF086;
	s6 =	sadd.s32 @!p0 s3, s7;
	s7 =	simm.s32 @!p0 $0x108  }
0x21: {  	s3 =	sadd.s32 s3, s9;
	s6 =	sadd.s32 @!p0 $0x88, s6;
	s7 =	simm.s32 @p2 $0x1082  }
0x22: {  	[simem:s7], [sflag:s8] =	dma.local @!p0 [hbm:s6], $0xF7A  }
0x23: {  	s9 =	sor.u32 $0xD0000000, s2;
	s6 =	simm.s32 $0x108;
	_ =	swait.ge @!p0 [sflag:s8], $0x0  }
0x24: {  	s3 =	sadd.s32 $0x88, s3;
	s6 =	simm.s32 @!p1 $0x1082;
	[sflag:s4] =	ssyncset.s32 $0xFFFFF086  }
0x25: {  	[simem:s6], [sflag:s4] =	dma.local [hbm:s3], $0xF7A  }
0x26: {  	[smem:$0x3F97] =	sst s1;
	(tag) =	ssettag s2;
	_ =	strace s9  }
0x27: {  	s1 =	sld [smem:$0x3FA7]  }
0x28: {  	s2 =	sld [smem:$0x3FA8]  }
0x29: {  	s4 =	sld [smem:$0x3FAA]  }
0x2a: {  	p0 =	seq.s32 s5, $0x0;
	s5 =	sld [smem:$0x3FAB]  }
0x2b: {  	s6 =	sld [smem:$0x3FAC]  }
0x2c: {  	s7 =	sld [smem:$0x3FAD]  }
0x2d: {  	s3 =	simm.s32 $0x108;
	s8 =	sld [smem:$0x3FAE]  }
0x2e: {  	s3 =	simm.s32 @!p0 $0x1082;
	s9 =	sld [smem:$0x3FAF]  }
0x2f: {  	lr =	sadd.s32 s0, s3;
	s0 =	sld [smem:$0x3FA6]  }
0x30: {  	s3 =	sld [smem:$0x3FA9]  }
0x31: {  	[smem:$0x3FB2] =	sst s10  }
0x32: {  	s10 =	sld [smem:$0x3FB0];
	_ =	sdelay $0x3  }
0x33: {  	p0 =	seq.s32 s10, $0x1;
	s10 =	sld [smem:$0x3FB2];
	_ =	sdelay $0x3  }
0x34: {  	[smem:$0x3FB2] =	sst s10  }
0x35: {  	s10 =	sld [smem:$0x3FB1];
	_ =	sdelay $0x3  }
0x36: {  	p1 =	seq.s32 s10, $0x1;
	s10 =	sld [smem:$0x3FB2];
	_ =	sdelay $0x3  }
0x37: {  	[smem:$0x3FB2] =	sst s10  }
0x38: {  	s10 =	sld [smem:$0x3FB3]  }
0x39: {  	_ = 	snop;
	(pc) =	sbr.ind lr, $3  }
0x3a: {  	_ = 	snop  }
0x3b: {  	_ = 	snop  }
0x3c: {  	p2 =	seq.s32 s10, $0x1;
	s10 =	sld [smem:$0x3FB2]  }
0x3d: {  	_ =	shalt  }
0x3e: {  	_ =	shalt  }
0x3f: {  	_ =	shalt  }
0x40: {  	_ =	shalt  }
0x41: {  	_ =	shalt  }
0x42: {  	_ =	shalt  }
0x43: {  	_ =	shalt  }
0x44: {  	_ =	shalt  }
0x45: {  	_ =	shalt  }
0x46: {  	_ =	shalt  }
0x47: {  	_ =	shalt  }
0x48: {  	_ =	shalt  }
0x49: {  	_ =	shalt  }
0x4a: {  	_ =	shalt  }
0x4b: {  	_ =	shalt  }
0x4c: {  	_ =	shalt  }
0x4d: {  	_ =	shalt  }
0x4e: {  	_ =	shalt  }
0x4f: {  	_ =	shalt  }
0x50: {  	_ =	shalt  }
0x51: {  	_ =	shalt  }
0x52: {  	_ =	shalt  }
0x53: {  	_ =	shalt  }
0x54: {  	_ =	shalt  }
0x55: {  	_ =	shalt  }
0x56: {  	_ =	shalt  }
0x57: {  	_ =	shalt  }
0x58: {  	_ =	shalt  }
0x59: {  	_ =	shalt  }
0x5a: {  	_ =	shalt  }
0x5b: {  	_ =	shalt  }
0x5c: {  	_ =	shalt  }
0x5d: {  	_ =	shalt  }
0x5e: {  	_ =	shalt  }
0x5f: {  	_ =	shalt  }
0x60: {  	_ =	shalt  }
0x61: {  	_ =	shalt  }
0x62: {  	_ =	shalt  }
0x63: {  	_ =	shalt  }
0x64: {  	_ =	shalt  }
0x65: {  	_ =	shalt  }
0x66: {  	_ =	shalt  }
0x67: {  	_ =	shalt  }
0x68: {  	_ =	shalt  }
0x69: {  	_ =	shalt  }
0x6a: {  	_ =	shalt  }
0x6b: {  	_ =	shalt  }
0x6c: {  	_ =	shalt  }
0x6d: {  	_ =	shalt  }
0x6e: {  	_ =	shalt  }
0x6f: {  	_ =	shalt  }
0x70: {  	_ =	shalt  }
0x71: {  	_ =	shalt  }
0x72: {  	_ =	shalt  }
0x73: {  	_ =	shalt  }
0x74: {  	_ =	shalt  }
0x75: {  	_ =	shalt  }
0x76: {  	_ =	shalt  }
0x77: {  	_ =	shalt  }
0x78: {  	_ =	shalt  }
0x79: {  	_ =	shalt  }
0x7a: {  	_ =	shalt  }
0x7b: {  	_ =	shalt  }
0x7c: {  	_ =	shalt  }
0x7d: {  	_ =	shalt  }
0x7e: {  	_ =	shalt  }
0x7f: {  	_ =	shalt  }
0x80: {  	_ =	shalt  }
0x81: {  	_ =	shalt  }
0x82: {  	_ =	shalt  }
0x83: {  	_ =	shalt  }
0x84: {  	_ =	shalt  }
0x85: {  	_ =	shalt  }
0x86: {  	_ =	shalt  }
0x87: {  	_ =	shalt  }
.Lfunc_end0:
.L_simem_size_0:
called_computation.1_lowered:
.L_overlay_start_0:
0x88: {  	s2 =	sld [smem:$0x3FD9]  }
0x89: {  	s3 =	sld [smem:$0x3FFE];
	_ =	sdelay $0x1  }
0x8a: {  	s1 =	srdreg.scid  }
0x8b: {  	s0 =	sand.u32 $0x1, s1  }
0x8c: {  	s17 =	sshll.u32 s0, $0xA;
	s2 =	sadd.s32 s3, s2  }
0x8d: {  	s2 =	sadd.s32 s2, s17  }
0x8e: {  	[smem:$0x3FBE] =	sst s2  }
0x8f: {  	_ = 	snop  }
0x90: {  	s2 =	sld [smem:$0x3FD0];
	(tm) =	ssettm $0x1  }
0x91: {  	s18 =	sld [smem:$0x3FFB];
	_ =	sdelay $0x3  }
0x92: {  	_ =	strace s18  }
0x93: {  	s3 =	sld [smem:$0x3FFC];
	_ =	sdelay $0x3  }
0x94: {  	_ =	strace s3  }
0x95: {  	s3 =	sld [smem:$0x3FFD];
	_ =	sdelay $0x3  }
0x96: {  	_ =	strace s3  }
0x97: {  	_ =	strace $0x8FFFFFFF  }
0x98: {  	s19 =	sld [smem:$0x3FDB];
	_ =	sdelay $0x1  }
0x99: {  	s4 =	simm.s32 $_scs_section_size  }
0x9a: {  	s5 =	simm.s32 $_size__tile_overlayer_lowered;
	s6 =	simm.s32 $_tile_overlayer_lowered  }
0x9b: {  	s22 =	simm.s32 $0x1BFF;
	s21 =	sshll.u32 s6, $0x1;
	s3 =	sadd.s32 s4, s19  }
0x9c: {  	s7 =	simm.s32 $0x0;
	s20 =	sshll.u32 s5, $0x1;
	s5 =	sadd.s32 s21, s3  }
0x9d: {  	[timem:s7], [sflag:s22] =	dma.local [hbm:s5], s20  }
0x9e: {  	_ =	swait.ge [sflag:s22], s20  }
0x9f: {  	s4 =	ssub.s32 $0x0, s20;
	[sflag:s22] =	ssyncset.done $0x0  }
0xa0: {  	[sflag:s22] =	ssyncadd.s32 s4;
	_ =	sdelay $0x1  }
0xa1: {  	s23 =	simm.s32 $0x1B8B  }
0xa2: {  	_ =	swait.ge [sflag:s23], $0x1  }
0xa3: {  	[sflag:s23] =	ssyncset.done $0x0  }
0xa4: {  	s25 =	simm.s32 $0x1B8E;
	s24 =	sld [smem:$0x3FFE];
	[sflag:s23] =	ssyncadd.s32 $0xFFFFFFFF  }
0xa5: {  	s26 =	simm.s32 $execute0_lowered;
	[smem:$0x3FD2] =	sst s25  }
0xa6: {  	s5 =	sshll.u32 s26, $0x1;
	_ =	strace $0x80000049;
	[dreg:$0x1] =	wrdreg $0xFFFFFFFF  }
0xa7: {  	s28 =	simm.s32 $_size_execute0_lowered;
	s3 =	sadd.s32 s3, s5;
	[dreg:$0x0] =	wrdreg $0x0  }
0xa8: {  	s5 =	sshll.u32 s28, $0x1;
	[dreg:$0x2] =	wrdreg s3  }
0xa9: {  	[dreg:$0x3] =	wrdreg s5  }
0xaa: {  	[dreg:$0x4] =	wrdreg $0xC0  }
0xab: {  	_ =	task [dreg:s7], $0x5FFFF  }
0xac: {  	[dreg:$0x1] =	wrdreg $0xFFFFFFFF  }
0xad: {  	[dreg:$0x0] =	wrdreg $0x60  }
0xae: {  	[dreg:$0x2] =	wrdreg s2  }
0xaf: {  	[dreg:$0x3] =	wrdreg s24  }
0xb0: {  	[dreg:$0x4] =	wrdreg $0xA8000  }
0xb1: {  	[dreg:$0x5] =	wrdreg $0x9  }
0xb2: {  	_ =	task.clear_ibuf [dreg:s7], $0x6FFFF;
	_ =	strace $0x90000049  }
0xb3: {  	s29 =	simm.s32 $0x9;
	_ =	strace $0x8000004B  }
0xb4: {  	_ =	swait.ge [sflag:s29], $0x1  }
0xb5: {  	[sflag:s29] =	ssyncadd.s32 $0xFFFFFFFF  }
0xb6: {  	_ =	strace $0x9000004B  }
0xb7: {  	_ =	sfence  }
0xb8: {  	s30 =	sld [smem:$0x0];
	_ =	sdelay $0x2  }
0xb9: {  	s31 =	sshll.u32 s1, $0xD;
	s1 =	sshrl.u32 s1, $0x2  }
0xba: {  	s3 =	sand.u32 $0x4000, s31;
	s1 =	sadd.s32 s1, s30  }
0xbb: {  	s0 =	sor.u32 s3, s0;
	s1 =	sshll.u32 s1, $0x11  }
0xbc: {  	s0 =	sor.u32 s1, s0  }
0xbd: {  	s0 =	sadd.s32 $0x8F2B, s0  }
0xbe: {  	[sflag:s0] =	ssyncadd.remote.s32 $0x1  }
0xbf: {  	_ =	sfence.sel $0xFFFF  }
0xc0: {  	[dreg:$0x0] =	wrdreg $0xFFFFFFFF;
	(pc) =	sbr.abs _section_cstart, $3  }
0xc1: {  	[dreg:$0x1] =	wrdreg $0xFFFFFFFF  }
0xc2: {  	_ =	task.clear_ibuf [dreg:s7], $0x2FFFF;
	_ =	strace $0x9FFFFFFF  }
0xc3: {  	(tm) =	ssettm $0x7FFFFFFF  }
tec
execute0_lowered:
.L_overlay_start_1:
0x0: {  	(tag) =	ssettag $0x1  }
0x1: {  	s1 =	rddreg [dreg:$0x0]  }
0x2: {  	s5 =	rddreg [dreg:$0x1]  }
0x3: {  	s3 =	rddreg [dreg:$0x2]  }
0x4: {  	s0 =	rddreg [dreg:$0x3];
	s4 =	simm.s32 $0x0;
	s2 =	stileid.u32  }
0x5: {  	s6 =	srdreg.scid;
	s16 =	simm.s32 $0x80;
	s17 =	simm.s32 $0x2800  }
0x6: {  	s18 =	simm.s32 $0x6800;
	s19 =	simm.s32 $0x1;
	s20 =	simm.s32 $0x3  }
0x7: {  	s21 =	simm.s32 $0x2;
	[smem:$0x7FF] =	sst s4;
	s7 =	smul.u32 $0x2780, s2  }
0x8: {  	s6 =	sand.u32 $0x1, s6;
	s9 =	sadd.s32 $0x3E00, s5;
	s10 =	sadd.s32 $0xDE00, s5  }
0x9: {  	s12 =	smul.u32 $0x4F000, s2;
	s30 =	sshll.u32 s2, $0x6;
	_ =	strace $0x8000004A  }
0xa: {  	s8 =	smul.u32 $0x27800, s6;
	s22 =	sshll.u32 s6, $0x4;
	s23 =	ssub.s32 $0x2, s6  }
0xb: {  	s6 =	sor.u32 $0x1C05, s30;
	s11 =	sadd.s32 s7, s5;
	s24 =	sor.u32 s2, s22  }
0xc: {  	s25 =	sshrl.u32 s23, $0x1;
	s26 =	sshrl.u32 s12, $0x2;
	s22 =	simm.s32 $0x4  }
0xd: {  	s7 =	sadd.s32 s7, s8;
	s28 =	smul.u32 $0x2800, s24;
	s14 =	ssub.s32 s23, s25  }
0xe: {  	s15 =	sadd.s32 s26, s3;
	s29 =	smul.u32 $0x500, s24;
	s23 =	simm.s32 $0x2700  }
0xf: {  	s24 =	simm.s32 $0x2780;
	s25 =	simm.s32 $0x0;
	s13 =	sadd.s32 s7, s5  }
0x10: {  	s5 =	sadd.s32 $0x17E00, s11;
	s12 =	smax.u32 s14, $0x1;
	s31 =	sshrl.u32 s28, $0x3  }
0x11: {  	s14 =	simm.s32 $0x5;
	s7 =	sadd.s32 s9, s29;
	s11 =	sadd.s32 $0x280, s31  }
0x12: {  	s8 =	sadd.s32 s10, s29;
	s9 =	sadd.s32 s9, s11;
	s10 =	sadd.s32 s10, s11  }
0x13: {  	s11 =	sadd.s32 $0x66E00, s13;
	s13 =	sshrl.u32 s15, $0x3;
	s15 =	simm.s32 $0x1400  }
.LBB2_1:
0x14: {  	[spmem:s13], [sflag:s6] =	dma.local [hbm:s5], $0x2780  }
0x15: {  	_ =	swait.ge [sflag:s14], $0x2780  }
0x16: {  	[sflag:s14] =	ssyncset.done $0x0  }
0x17: {  	[sflag:s14] =	ssyncadd.s32 $0xFFFFD880  }
0x18: {  	[bflag:$0x0] =	sbarrier.arrive $0xFFFF  }
0x19: {  	[tilespmem:s4], [sflag:$0x5] =	stream.linear.gather [hbm4b:s7+s4], $0x1400, $0x38;
	[tilespmem:$0x1E400] =	vst v63  }
0x1a: {  	_ =	swait.ge [sflag:s14], $0x1400  }
0x1b: {  	[sflag:s14] =	ssyncset.done $0x0  }
0x1c: {  	[sflag:s14] =	ssyncadd.s32 $0xFFFFEC00  }
0x1d: {  	[tilespmem:s15], [sflag:$0x5] =	stream.linear.gather [hbm4b:s8+s4], $0x1400, $0x38;
	[tilespmem:$0x1E400] =	vst v63  }
0x1e: {  	_ =	swait.ge [sflag:s14], $0x1400  }
0x1f: {  	[sflag:s14] =	ssyncset.done $0x0  }
0x20: {  	[sflag:s14] =	ssyncadd.s32 $0xFFFFEC00  }
0x21: {  	[tilespmem:s17], [sflag:$0x1] =	stream.indirect.gather [hbm4b:s1+s16], $0x80, s4, s16, $0xb8;
	[tilespmem:$0x1E400] =	vst v63  }
0x22: {  	_ = 	snop  }
0x23: {  	[tilespmem:s18], [sflag:$0x2] =	stream.indirect.gather [hbm4b:s1+s16], $0x80, s16, s16, $0xb8;
	[tilespmem:$0x1E400] =	vst v63  }
0x24: {  	_ =	swait.ge [sflag:s19], $0x4000  }
0x25: {  	[sflag:s19] =	ssyncset.done $0x0  }
0x26: {  	s26 =	simm.s32 $0x1400;
	[sflag:s19] =	ssyncadd.s32 $0xFFFFC000  }
0x27: {  	[spmem:s3] =	stream.indirect.scatter.add.f32 [tilespmem:s17], [sflag:$0x3], $0x80, s26, s16, $0xb8;
	[tilespmem:$0x1E400] =	vst v63  }
0x28: {  	_ =	swait.ge [sflag:s20], $0x4000  }
0x29: {  	[sflag:s20] =	ssyncset.done $0x0  }
0x2a: {  	s30 =	simm.s32 $0x100;
	[sflag:s20] =	ssyncadd.s32 $0xFFFFC000  }
0x2b: {  	[tilespmem:s17], [sflag:$0x1] =	stream.indirect.gather [hbm4b:s1+s16], $0x80, s30, s16, $0xb8;
	[tilespmem:$0x1E400] =	vst v63  }
0x2c: {  	_ =	swait.ge [sflag:s21], $0x4000  }
0x2d: {  	[sflag:s21] =	ssyncset.done $0x0  }
0x2e: {  	s31 =	simm.s32 $0x1480;
	[sflag:s21] =	ssyncadd.s32 $0xFFFFC000  }
0x2f: {  	[spmem:s3] =	stream.indirect.scatter.add.f32 [tilespmem:s18], [sflag:$0x4], $0x80, s31, s16, $0xb8;
	[tilespmem:$0x1E400] =	vst v63  }
0x30: {  	_ =	swait.ge [sflag:s22], $0x4000  }
0x31: {  	[sflag:s22] =	ssyncset.done $0x0  }
0x32: {  	s28 =	simm.s32 $0x180;
	s26 =	simm.s32 $0x400;
	[sflag:s22] =	ssyncadd.s32 $0xFFFFC000  }
.LBB2_2:
0x33: {  	[tilespmem:s18], [sflag:$0x2] =	stream.indirect.gather [hbm4b:s1+s16], $0x80, s28, s16, $0xb8;
	[tilespmem:$0x1E400] =	vst v63  }
0x34: {  	s28 =	smov.u32 s26  }
0x35: {  	p0 =	sne.s32 s26, $0x4800;
	s26 =	sadd.s32 $0x400, s26;
	_ =	swait.ge [sflag:s19], $0x4000  }
0x36: {  	s28 =	sshra.s32 s28, $0x2;
	[sflag:s19] =	ssyncset.done $0x0  }
0x37: {  	s29 =	sadd.s32 $0x1400, s28;
	[sflag:s19] =	ssyncadd.s32 $0xFFFFC000  }
0x38: {  	[spmem:s3] =	stream.indirect.scatter.add.f32 [tilespmem:s17], [sflag:$0x3], $0x80, s29, s16, $0xb8;
	[tilespmem:$0x1E400] =	vst v63  }
0x39: {  	_ =	swait.ge [sflag:s20], $0x4000  }
0x3a: {  	[sflag:s20] =	ssyncset.done $0x0  }
0x3b: {  	s29 =	sadd.s32 $0x100, s28;
	[sflag:s20] =	ssyncadd.s32 $0xFFFFC000  }
0x3c: {  	[tilespmem:s17], [sflag:$0x1] =	stream.indirect.gather [hbm4b:s1+s16], $0x80, s29, s16, $0xb8;
	[tilespmem:$0x1E400] =	vst v63  }
0x3d: {  	_ =	swait.ge [sflag:s21], $0x4000  }
0x3e: {  	[sflag:s21] =	ssyncset.done $0x0  }
.Ltmp0:
0x3f: {  	s29 =	sadd.s32 $0x1480, s28;
	[sflag:s21] =	ssyncadd.s32 $0xFFFFC000;
	(pc) =	sbr.rel @p0 .LBB2_2-.Ltmp0, $4  }
0x40: {  	[spmem:s3] =	stream.indirect.scatter.add.f32 [tilespmem:s18], [sflag:$0x4], $0x80, s29, s16, $0xb8;
	[tilespmem:$0x1E400] =	vst v63  }
0x41: {  	_ =	swait.ge [sflag:s22], $0x4000  }
0x42: {  	[sflag:s22] =	ssyncset.done $0x0  }
0x43: {  	s28 =	sadd.s32 $0x180, s28;
	[sflag:s22] =	ssyncadd.s32 $0xFFFFC000  }
0x44: {  	[tilespmem:s18], [sflag:$0x2] =	stream.indirect.gather [hbm4b:s1+s16], $0x80, s28, s16, $0xb8;
	[tilespmem:$0x1E400] =	vst v63  }
0x45: {  	_ =	swait.ge [sflag:s19], $0x4000  }
0x46: {  	[sflag:s19] =	ssyncset.done $0x0  }
0x47: {  	[sflag:s19] =	ssyncadd.s32 $0xFFFFC000  }
0x48: {  	[spmem:s3] =	stream.indirect.scatter.add.f32 [tilespmem:s17], [sflag:$0x3], $0x80, s23, s16, $0xb8;
	[tilespmem:$0x1E400] =	vst v63  }
0x49: {  	_ =	swait.ge [sflag:s21], $0x4000  }
0x4a: {  	[sflag:s21] =	ssyncset.done $0x0  }
0x4b: {  	[sflag:s21] =	ssyncadd.s32 $0xFFFFC000  }
0x4c: {  	[spmem:s3] =	stream.indirect.scatter.add.f32 [tilespmem:s18], [sflag:$0x4], $0x80, s24, s16, $0xb8;
	[tilespmem:$0x1E400] =	vst v63  }
0x4d: {  	_ =	swait.ge [sflag:s20], $0x4000  }
0x4e: {  	[sflag:s20] =	ssyncset.done $0x0  }
0x4f: {  	[sflag:s20] =	ssyncadd.s32 $0xFFFFC000  }
0x50: {  	_ =	swait.ge [sflag:s22], $0x4000  }
0x51: {  	[sflag:s22] =	ssyncset.done $0x0  }
0x52: {  	s26 =	simm.s32 $0x0;
	[sflag:s22] =	ssyncadd.s32 $0xFFFFC000  }
0x53: {  	[tilespmem:s26], [sflag:$0x5] =	stream.linear.gather [hbm4b:s9+s26], $0x1400, $0x38;
	[tilespmem:$0x1E400] =	vst v63  }
0x54: {  	_ =	swait.ge [sflag:s14], $0x1400  }
0x55: {  	[sflag:s14] =	ssyncset.done $0x0  }
0x56: {  	[sflag:s14] =	ssyncadd.s32 $0xFFFFEC00  }
0x57: {  	[tilespmem:s15], [sflag:$0x5] =	stream.linear.gather [hbm4b:s10+s26], $0x1400, $0x38;
	[tilespmem:$0x1E400] =	vst v63  }
0x58: {  	_ =	swait.ge [sflag:s14], $0x1400  }
0x59: {  	[sflag:s14] =	ssyncset.done $0x0  }
0x5a: {  	[sflag:s14] =	ssyncadd.s32 $0xFFFFEC00  }
0x5b: {  	[tilespmem:s17], [sflag:$0x1] =	stream.indirect.gather [hbm4b:s1+s16], $0x80, s26, s16, $0xb8;
	[tilespmem:$0x1E400] =	vst v63  }
0x5c: {  	_ = 	snop  }
0x5d: {  	[tilespmem:s18], [sflag:$0x2] =	stream.indirect.gather [hbm4b:s1+s16], $0x80, s16, s16, $0xb8;
	[tilespmem:$0x1E400] =	vst v63  }
0x5e: {  	_ =	swait.ge [sflag:s19], $0x4000  }
0x5f: {  	[sflag:s19] =	ssyncset.done $0x0  }
0x60: {  	s29 =	simm.s32 $0x1400;
	[sflag:s19] =	ssyncadd.s32 $0xFFFFC000  }
0x61: {  	[spmem:s3] =	stream.indirect.scatter.add.f32 [tilespmem:s17], [sflag:$0x3], $0x80, s29, s16, $0xb8;
	[tilespmem:$0x1E400] =	vst v63  }
0x62: {  	_ =	swait.ge [sflag:s20], $0x4000  }
0x63: {  	[sflag:s20] =	ssyncset.done $0x0  }
0x64: {  	s30 =	simm.s32 $0x100;
	[sflag:s20] =	ssyncadd.s32 $0xFFFFC000  }
0x65: {  	[tilespmem:s17], [sflag:$0x1] =	stream.indirect.gather [hbm4b:s1+s16], $0x80, s30, s16, $0xb8;
	[tilespmem:$0x1E400] =	vst v63  }
0x66: {  	_ =	swait.ge [sflag:s21], $0x4000  }
0x67: {  	[sflag:s21] =	ssyncset.done $0x0  }
0x68: {  	s31 =	simm.s32 $0x1480;
	[sflag:s21] =	ssyncadd.s32 $0xFFFFC000  }
0x69: {  	[spmem:s3] =	stream.indirect.scatter.add.f32 [tilespmem:s18], [sflag:$0x4], $0x80, s31, s16, $0xb8;
	[tilespmem:$0x1E400] =	vst v63  }
0x6a: {  	_ =	swait.ge [sflag:s22], $0x4000  }
0x6b: {  	[sflag:s22] =	ssyncset.done $0x0  }
0x6c: {  	s28 =	simm.s32 $0x180;
	s26 =	simm.s32 $0x400;
	[sflag:s22] =	ssyncadd.s32 $0xFFFFC000  }
.LBB2_4:
0x6d: {  	[tilespmem:s18], [sflag:$0x2] =	stream.indirect.gather [hbm4b:s1+s16], $0x80, s28, s16, $0xb8;
	[tilespmem:$0x1E400] =	vst v63  }
0x6e: {  	s28 =	smov.u32 s26  }
0x6f: {  	p0 =	sne.s32 s26, $0x4800;
	s26 =	sadd.s32 $0x400, s26;
	_ =	swait.ge [sflag:s19], $0x4000  }
0x70: {  	s28 =	sshra.s32 s28, $0x2;
	[sflag:s19] =	ssyncset.done $0x0  }
0x71: {  	s29 =	sadd.s32 $0x1400, s28;
	[sflag:s19] =	ssyncadd.s32 $0xFFFFC000  }
0x72: {  	[spmem:s3] =	stream.indirect.scatter.add.f32 [tilespmem:s17], [sflag:$0x3], $0x80, s29, s16, $0xb8;
	[tilespmem:$0x1E400] =	vst v63  }
0x73: {  	_ =	swait.ge [sflag:s20], $0x4000  }
0x74: {  	[sflag:s20] =	ssyncset.done $0x0  }
0x75: {  	s29 =	sadd.s32 $0x100, s28;
	[sflag:s20] =	ssyncadd.s32 $0xFFFFC000  }
0x76: {  	[tilespmem:s17], [sflag:$0x1] =	stream.indirect.gather [hbm4b:s1+s16], $0x80, s29, s16, $0xb8;
	[tilespmem:$0x1E400] =	vst v63  }
0x77: {  	_ =	swait.ge [sflag:s21], $0x4000  }
0x78: {  	[sflag:s21] =	ssyncset.done $0x0  }
.Ltmp1:
0x79: {  	s29 =	sadd.s32 $0x1480, s28;
	[sflag:s21] =	ssyncadd.s32 $0xFFFFC000;
	(pc) =	sbr.rel @p0 .LBB2_4-.Ltmp1, $4  }
0x7a: {  	[spmem:s3] =	stream.indirect.scatter.add.f32 [tilespmem:s18], [sflag:$0x4], $0x80, s29, s16, $0xb8;
	[tilespmem:$0x1E400] =	vst v63  }
0x7b: {  	_ =	swait.ge [sflag:s22], $0x4000  }
0x7c: {  	[sflag:s22] =	ssyncset.done $0x0  }
0x7d: {  	s28 =	sadd.s32 $0x180, s28;
	[sflag:s22] =	ssyncadd.s32 $0xFFFFC000  }
0x7e: {  	[tilespmem:s18], [sflag:$0x2] =	stream.indirect.gather [hbm4b:s1+s16], $0x80, s28, s16, $0xb8;
	[tilespmem:$0x1E400] =	vst v63  }
0x7f: {  	_ =	swait.ge [sflag:s19], $0x4000  }
0x80: {  	[sflag:s19] =	ssyncset.done $0x0  }
0x81: {  	[sflag:s19] =	ssyncadd.s32 $0xFFFFC000  }
0x82: {  	[spmem:s3] =	stream.indirect.scatter.add.f32 [tilespmem:s17], [sflag:$0x3], $0x80, s23, s16, $0xb8;
	[tilespmem:$0x1E400] =	vst v63  }
0x83: {  	_ =	swait.ge [sflag:s21], $0x4000  }
0x84: {  	[sflag:s21] =	ssyncset.done $0x0  }
0x85: {  	[sflag:s21] =	ssyncadd.s32 $0xFFFFC000  }
0x86: {  	[spmem:s3] =	stream.indirect.scatter.add.f32 [tilespmem:s18], [sflag:$0x4], $0x80, s24, s16, $0xb8;
	[tilespmem:$0x1E400] =	vst v63  }
0x87: {  	_ =	swait.ge [sflag:s20], $0x4000  }
0x88: {  	[sflag:s20] =	ssyncset.done $0x0  }
0x89: {  	[sflag:s20] =	ssyncadd.s32 $0xFFFFC000  }
0x8a: {  	_ =	swait.ge [sflag:s22], $0x4000  }
0x8b: {  	s25 =	sadd.s32 $0x1, s25;
	[sflag:s22] =	ssyncset.done $0x0  }
0x8c: {  	p0 =	sne.s32 s25, s12;
	[sflag:s22] =	ssyncadd.s32 $0xFFFFC000  }
.Ltmp2:
0x8d: {  	[bflag:$0x0] =	sbarrier.arrive $0xFFFF;
	(pc) =	sbr.rel @p0 .LBB2_1-.Ltmp2, $4  }
0x8e: {  	[hbm:s11], [sflag:s6] =	dma.local [spmem:s13], $0x2780  }
0x8f: {  	_ =	swait.ge [sflag:s14], $0x2780  }
0x90: {  	[sflag:s14] =	ssyncset.done $0x0  }
0x91: {  	[sflag:s14] =	ssyncadd.s32 $0xFFFFD880  }
0x92: {  	_ =	sfence.sel $0x180000  }
0x93: {  	[bflag:$0x0] =	sbarrier.arrive $0xFFFF  }
0x94: {  	p0 =	sne.s32 s2, $0x0;
	_ =	strace $0x9000004A  }
0x95: {  	s0 =	sadd.s32 @!p0 $0x100000, s0;
	[bflag:$0x2] =	sbarrier.arrive $0xFFFF  }
0x96: {  	[sflag:s0] =	ssyncadd.tile.s32 @!p0 $0x1;
	_ =	shalt  }
.Lfunc_end2:
_tile_overlayer_lowered:
.L_overlay_start_2:
0x97: {  	(tag) =	ssettag $0x2  }
0x98: {  	s0 =	rddreg [dreg:$0x0];
	s2 =	stileid.u32  }
0x99: {  	s1 =	rddreg [dreg:$0x1];
	p0 =	sne.s32 s2, $0x0  }
0x9a: {  	s3 =	rddreg [dreg:$0x2];
	[bflag:$0x3] =	sbarrier.arrive $0xFFFF;
	s2 =	simm.s32 @!p0 $0x1C05  }
0x9b: {  	[timem:s3], [sflag:s2] =	dma.local @!p0 [hbm:s0], s1  }
0x9c: {  	s0 =	simm.s32 @!p0 $0x5  }
0x9d: {  	_ =	swait.ge @!p0 [sflag:s0], s1  }
0x9e: {  	s1 =	ssub.s32 @!p0 $0x0, s1;
	[sflag:s0] =	ssyncset.done @!p0 $0x0  }
0x9f: {  	[sflag:s0] =	ssyncadd.s32 @!p0 s1  }
0xa0: {  	[bflag:$0x3] =	sbarrier.arrive $0xFFFF  }
0xa1: {  	_ =	shalt  }

// kernel: kernel.16.cloned.1.call-start
scs
__scs_entry_jumppad:
0x0: {  	(pc) =	sbr.rel $0x88, $3  }
0x1: {  	(tag) =	ssettag $0x0;
	lr =	simm.s32 $0x1  }
0x2: {  	[smem:$0x3F97] =	sst lr;
	_ =	strace $0xD0000000  }
0x3: {  	_ = 	snop  }
0x4: {  	_ = 	snop  }
0x5: {  	_ = 	snop  }
0x6: {  	_ = 	snop  }
0x7: {  	_ = 	snop  }
__scs_overlays_trampoline_lowered:
0x8: {  	[smem:$0x3FA6] =	sst s0  }
0x9: {  	[smem:$0x3FA7] =	sst s1  }
0xa: {  	[smem:$0x3FA8] =	sst s2  }
0xb: {  	[smem:$0x3FA9] =	sst s3  }
0xc: {  	[smem:$0x3FAA] =	sst s4  }
0xd: {  	[smem:$0x3FAB] =	sst s5  }
0xe: {  	[smem:$0x3FAC] =	sst s6  }
0xf: {  	[smem:$0x3FAD] =	sst s7  }
0x10: {  	[smem:$0x3FAE] =	sst s8  }
0x11: {  	[smem:$0x3FAF] =	sst s9;
	s0 =	simm.s32 @!p0 $0x0  }
0x12: {  	s1 =	sld [smem:$0x3F95];
	s0 =	simm.s32 @p0 $0x1  }
0x13: {  	[smem:$0x3FB0] =	sst s0;
	s0 =	simm.s32 @!p1 $0x0  }
0x14: {  	s2 =	sld [smem:$0x3F94];
	s0 =	simm.s32 @p1 $0x1  }
0x15: {  	[smem:$0x3FB1] =	sst s0;
	s0 =	simm.s32 @!p2 $0x0  }
0x16: {  	s3 =	sld [smem:$0x3FDB];
	s0 =	simm.s32 @p2 $0x1  }
0x17: {  	s4 =	simm.s32 $0x1BF5;
	[smem:$0x3FB3] =	sst s0  }
0x18: {  	s0 =	sld [smem:$0x3F96];
	_ =	swait.ge [sflag:s4], $0x0  }
0x19: {  	s7 =	sld [smem:$0x3F97]  }
0x1a: {  	s8 =	sadd.s32 $0xFFFFE003, lr  }
0x1b: {  	s9 =	sadd.s32 $0xFFFFFEF7, lr;
	s5 =	simm.s32 $0xFFFFFFFF;
	p2 =	slt.u32 s8, $0xFFFFF086  }
0x1c: {  	p1 =	slt.u32 s9, $0xF7A;
	s5 =	simm.s32 @!p2 $0x0  }
0x1d: {  	s5 =	simm.s32 @p1 $0x1;
	p0 =	seq.s32 s7, s2  }
0x1e: {  	s7 =	smul.u32 @!p0 $0xF7A, s2;
	p2 =	seq.s32 @!p0 s5, $0x0  }
0x1f: {  	s9 =	smul.u32 $0xF7A, s1;
	s8 =	simm.s32 @!p0 $0x1BF5;
	p2 =	por !p2, p0  }
0x20: {  	[sflag:s8] =	ssyncset.s32 @!p0 $0xFFFFF086;
	s6 =	sadd.s32 @!p0 s3, s7;
	s7 =	simm.s32 @!p0 $0x108  }
0x21: {  	s3 =	sadd.s32 s3, s9;
	s6 =	sadd.s32 @!p0 $0x88, s6;
	s7 =	simm.s32 @p2 $0x1082  }
0x22: {  	[simem:s7], [sflag:s8] =	dma.local @!p0 [hbm:s6], $0xF7A  }
0x23: {  	s9 =	sor.u32 $0xD0000000, s2;
	s6 =	simm.s32 $0x108;
	_ =	swait.ge @!p0 [sflag:s8], $0x0  }
0x24: {  	s3 =	sadd.s32 $0x88, s3;
	s6 =	simm.s32 @!p1 $0x1082;
	[sflag:s4] =	ssyncset.s32 $0xFFFFF086  }
0x25: {  	[simem:s6], [sflag:s4] =	dma.local [hbm:s3], $0xF7A  }
0x26: {  	[smem:$0x3F97] =	sst s1;
	(tag) =	ssettag s2;
	_ =	strace s9  }
0x27: {  	s1 =	sld [smem:$0x3FA7]  }
0x28: {  	s2 =	sld [smem:$0x3FA8]  }
0x29: {  	s4 =	sld [smem:$0x3FAA]  }
0x2a: {  	p0 =	seq.s32 s5, $0x0;
	s5 =	sld [smem:$0x3FAB]  }
0x2b: {  	s6 =	sld [smem:$0x3FAC]  }
0x2c: {  	s7 =	sld [smem:$0x3FAD]  }
0x2d: {  	s3 =	simm.s32 $0x108;
	s8 =	sld [smem:$0x3FAE]  }
0x2e: {  	s3 =	simm.s32 @!p0 $0x1082;
	s9 =	sld [smem:$0x3FAF]  }
0x2f: {  	lr =	sadd.s32 s0, s3;
	s0 =	sld [smem:$0x3FA6]  }
0x30: {  	s3 =	sld [smem:$0x3FA9]  }
0x31: {  	[smem:$0x3FB2] =	sst s10  }
0x32: {  	s10 =	sld [smem:$0x3FB0];
	_ =	sdelay $0x3  }
0x33: {  	p0 =	seq.s32 s10, $0x1;
	s10 =	sld [smem:$0x3FB2];
	_ =	sdelay $0x3  }
0x34: {  	[smem:$0x3FB2] =	sst s10  }
0x35: {  	s10 =	sld [smem:$0x3FB1];
	_ =	sdelay $0x3  }
0x36: {  	p1 =	seq.s32 s10, $0x1;
	s10 =	sld [smem:$0x3FB2];
	_ =	sdelay $0x3  }
0x37: {  	[smem:$0x3FB2] =	sst s10  }
0x38: {  	s10 =	sld [smem:$0x3FB3]  }
0x39: {  	_ = 	snop;
	(pc) =	sbr.ind lr, $3  }
0x3a: {  	_ = 	snop  }
0x3b: {  	_ = 	snop  }
0x3c: {  	p2 =	seq.s32 s10, $0x1;
	s10 =	sld [smem:$0x3FB2]  }
0x3d: {  	_ =	shalt  }
0x3e: {  	_ =	shalt  }
0x3f: {  	_ =	shalt  }
0x40: {  	_ =	shalt  }
0x41: {  	_ =	shalt  }
0x42: {  	_ =	shalt  }
0x43: {  	_ =	shalt  }
0x44: {  	_ =	shalt  }
0x45: {  	_ =	shalt  }
0x46: {  	_ =	shalt  }
0x47: {  	_ =	shalt  }
0x48: {  	_ =	shalt  }
0x49: {  	_ =	shalt  }
0x4a: {  	_ =	shalt  }
0x4b: {  	_ =	shalt  }
0x4c: {  	_ =	shalt  }
0x4d: {  	_ =	shalt  }
0x4e: {  	_ =	shalt  }
0x4f: {  	_ =	shalt  }
0x50: {  	_ =	shalt  }
0x51: {  	_ =	shalt  }
0x52: {  	_ =	shalt  }
0x53: {  	_ =	shalt  }
0x54: {  	_ =	shalt  }
0x55: {  	_ =	shalt  }
0x56: {  	_ =	shalt  }
0x57: {  	_ =	shalt  }
0x58: {  	_ =	shalt  }
0x59: {  	_ =	shalt  }
0x5a: {  	_ =	shalt  }
0x5b: {  	_ =	shalt  }
0x5c: {  	_ =	shalt  }
0x5d: {  	_ =	shalt  }
0x5e: {  	_ =	shalt  }
0x5f: {  	_ =	shalt  }
0x60: {  	_ =	shalt  }
0x61: {  	_ =	shalt  }
0x62: {  	_ =	shalt  }
0x63: {  	_ =	shalt  }
0x64: {  	_ =	shalt  }
0x65: {  	_ =	shalt  }
0x66: {  	_ =	shalt  }
0x67: {  	_ =	shalt  }
0x68: {  	_ =	shalt  }
0x69: {  	_ =	shalt  }
0x6a: {  	_ =	shalt  }
0x6b: {  	_ =	shalt  }
0x6c: {  	_ =	shalt  }
0x6d: {  	_ =	shalt  }
0x6e: {  	_ =	shalt  }
0x6f: {  	_ =	shalt  }
0x70: {  	_ =	shalt  }
0x71: {  	_ =	shalt  }
0x72: {  	_ =	shalt  }
0x73: {  	_ =	shalt  }
0x74: {  	_ =	shalt  }
0x75: {  	_ =	shalt  }
0x76: {  	_ =	shalt  }
0x77: {  	_ =	shalt  }
0x78: {  	_ =	shalt  }
0x79: {  	_ =	shalt  }
0x7a: {  	_ =	shalt  }
0x7b: {  	_ =	shalt  }
0x7c: {  	_ =	shalt  }
0x7d: {  	_ =	shalt  }
0x7e: {  	_ =	shalt  }
0x7f: {  	_ =	shalt  }
0x80: {  	_ =	shalt  }
0x81: {  	_ =	shalt  }
0x82: {  	_ =	shalt  }
0x83: {  	_ =	shalt  }
0x84: {  	_ =	shalt  }
0x85: {  	_ =	shalt  }
0x86: {  	_ =	shalt  }
0x87: {  	_ =	shalt  }
.Lfunc_end0:
.L_simem_size_0:
called_computation.2_lowered:
.L_overlay_start_0:
0x88: {  	s2 =	sld [smem:$0x3FD9]  }
0x89: {  	s3 =	sld [smem:$0x3FFE];
	_ =	sdelay $0x1  }
0x8a: {  	s1 =	srdreg.scid  }
0x8b: {  	s0 =	sand.u32 $0x1, s1  }
0x8c: {  	s17 =	sshll.u32 s0, $0xA;
	s2 =	sadd.s32 s3, s2  }
0x8d: {  	s2 =	sadd.s32 s2, s17  }
0x8e: {  	[smem:$0x3FBE] =	sst s2  }
0x8f: {  	_ = 	snop  }
0x90: {  	s2 =	sld [smem:$0x3FD0];
	(tm) =	ssettm $0x1  }
0x91: {  	s18 =	sld [smem:$0x3FFB];
	_ =	sdelay $0x3  }
0x92: {  	_ =	strace s18  }
0x93: {  	s3 =	sld [smem:$0x3FFC];
	_ =	sdelay $0x3  }
0x94: {  	_ =	strace s3  }
0x95: {  	s3 =	sld [smem:$0x3FFD];
	_ =	sdelay $0x3  }
0x96: {  	_ =	strace s3  }
0x97: {  	_ =	strace $0x8FFFFFFF  }
0x98: {  	s19 =	sld [smem:$0x3FDB];
	_ =	sdelay $0x1  }
0x99: {  	s4 =	simm.s32 $_scs_section_size  }
0x9a: {  	s5 =	simm.s32 $_size__tile_overlayer_lowered;
	s6 =	simm.s32 $_tile_overlayer_lowered  }
0x9b: {  	s22 =	simm.s32 $0x1BFF;
	s21 =	sshll.u32 s6, $0x1;
	s3 =	sadd.s32 s4, s19  }
0x9c: {  	s7 =	simm.s32 $0x0;
	s20 =	sshll.u32 s5, $0x1;
	s5 =	sadd.s32 s21, s3  }
0x9d: {  	[timem:s7], [sflag:s22] =	dma.local [hbm:s5], s20  }
0x9e: {  	_ =	swait.ge [sflag:s22], s20  }
0x9f: {  	s4 =	ssub.s32 $0x0, s20;
	[sflag:s22] =	ssyncset.done $0x0  }
0xa0: {  	[sflag:s22] =	ssyncadd.s32 s4;
	_ =	sdelay $0x1  }
0xa1: {  	s23 =	simm.s32 $0x1B8B  }
0xa2: {  	_ =	swait.ge [sflag:s23], $0x1  }
0xa3: {  	[sflag:s23] =	ssyncset.done $0x0  }
0xa4: {  	s25 =	simm.s32 $0x1B8E;
	s24 =	sld [smem:$0x3FFE];
	[sflag:s23] =	ssyncadd.s32 $0xFFFFFFFF  }
0xa5: {  	s26 =	simm.s32 $execute0_lowered;
	[smem:$0x3FD2] =	sst s25  }
0xa6: {  	s5 =	sshll.u32 s26, $0x1;
	_ =	strace $0x8000004C;
	[dreg:$0x1] =	wrdreg $0xFFFFFFFF  }
0xa7: {  	s28 =	simm.s32 $_size_execute0_lowered;
	s3 =	sadd.s32 s3, s5;
	[dreg:$0x0] =	wrdreg $0x0  }
0xa8: {  	s5 =	sshll.u32 s28, $0x1;
	[dreg:$0x2] =	wrdreg s3  }
0xa9: {  	[dreg:$0x3] =	wrdreg s5  }
0xaa: {  	[dreg:$0x4] =	wrdreg $0xC0  }
0xab: {  	_ =	task [dreg:s7], $0x5FFFF  }
0xac: {  	[dreg:$0x1] =	wrdreg $0xFFFFFFFF  }
0xad: {  	[dreg:$0x0] =	wrdreg $0x60  }
0xae: {  	[dreg:$0x2] =	wrdreg s2  }
0xaf: {  	[dreg:$0x3] =	wrdreg s24  }
0xb0: {  	[dreg:$0x4] =	wrdreg $0xA8000  }
0xb1: {  	[dreg:$0x5] =	wrdreg $0x9  }
0xb2: {  	_ =	task.clear_ibuf [dreg:s7], $0x6FFFF;
	_ =	strace $0x9000004C  }
0xb3: {  	s29 =	simm.s32 $0x9;
	_ =	strace $0x8000004E  }
0xb4: {  	_ =	swait.ge [sflag:s29], $0x1  }
0xb5: {  	[sflag:s29] =	ssyncadd.s32 $0xFFFFFFFF  }
0xb6: {  	_ =	strace $0x9000004E  }
0xb7: {  	_ =	sfence  }
0xb8: {  	s30 =	sld [smem:$0x0];
	_ =	sdelay $0x2  }
0xb9: {  	s31 =	sshll.u32 s1, $0xD;
	s1 =	sshrl.u32 s1, $0x2  }
0xba: {  	s3 =	sand.u32 $0x4000, s31;
	s1 =	sadd.s32 s1, s30  }
0xbb: {  	s0 =	sor.u32 s3, s0;
	s1 =	sshll.u32 s1, $0x11  }
0xbc: {  	s0 =	sor.u32 s1, s0  }
0xbd: {  	s0 =	sadd.s32 $0x8F2B, s0  }
0xbe: {  	[sflag:s0] =	ssyncadd.remote.s32 $0x1  }
0xbf: {  	_ =	sfence.sel $0xFFFF  }
0xc0: {  	[dreg:$0x0] =	wrdreg $0xFFFFFFFF;
	(pc) =	sbr.abs _section_cstart, $3  }
0xc1: {  	[dreg:$0x1] =	wrdreg $0xFFFFFFFF  }
0xc2: {  	_ =	task.clear_ibuf [dreg:s7], $0x2FFFF;
	_ =	strace $0x9FFFFFFF  }
0xc3: {  	(tm) =	ssettm $0x7FFFFFFF  }
tec
execute0_lowered:
.L_overlay_start_1:
0x0: {  	(tag) =	ssettag $0x1  }
0x1: {  	s1 =	rddreg [dreg:$0x0]  }
0x2: {  	s5 =	rddreg [dreg:$0x1]  }
0x3: {  	s3 =	rddreg [dreg:$0x2]  }
0x4: {  	s0 =	rddreg [dreg:$0x3];
	s4 =	simm.s32 $0x0;
	s2 =	stileid.u32  }
0x5: {  	s6 =	srdreg.scid;
	s16 =	simm.s32 $0x80;
	s17 =	simm.s32 $0x2800  }
0x6: {  	s18 =	simm.s32 $0x6800;
	s19 =	simm.s32 $0x1;
	s20 =	simm.s32 $0x3  }
0x7: {  	s21 =	simm.s32 $0x2;
	[smem:$0x7FF] =	sst s4;
	s7 =	smul.u32 $0x2780, s2  }
0x8: {  	s6 =	sand.u32 $0x1, s6;
	s9 =	sadd.s32 $0x3E00, s5;
	s10 =	sadd.s32 $0xDE00, s5  }
0x9: {  	s12 =	smul.u32 $0x4F000, s2;
	s30 =	sshll.u32 s2, $0x6;
	_ =	strace $0x8000004D  }
0xa: {  	s8 =	smul.u32 $0x27800, s6;
	s22 =	sshll.u32 s6, $0x4;
	s23 =	ssub.s32 $0x2, s6  }
0xb: {  	s6 =	sor.u32 $0x1C05, s30;
	s11 =	sadd.s32 s7, s5;
	s24 =	sor.u32 s2, s22  }
0xc: {  	s25 =	sshrl.u32 s23, $0x1;
	s26 =	sshrl.u32 s12, $0x2;
	s22 =	simm.s32 $0x4  }
0xd: {  	s7 =	sadd.s32 s7, s8;
	s28 =	smul.u32 $0x2800, s24;
	s14 =	ssub.s32 s23, s25  }
0xe: {  	s15 =	sadd.s32 s26, s3;
	s29 =	smul.u32 $0x500, s24;
	s23 =	simm.s32 $0x2700  }
0xf: {  	s24 =	simm.s32 $0x2780;
	s25 =	simm.s32 $0x0;
	s13 =	sadd.s32 s7, s5  }
0x10: {  	s5 =	sadd.s32 $0x17E00, s11;
	s12 =	smax.u32 s14, $0x1;
	s31 =	sshrl.u32 s28, $0x3  }
0x11: {  	s14 =	simm.s32 $0x5;
	s7 =	sadd.s32 s9, s29;
	s11 =	sadd.s32 $0x280, s31  }
0x12: {  	s8 =	sadd.s32 s10, s29;
	s9 =	sadd.s32 s9, s11;
	s10 =	sadd.s32 s10, s11  }
0x13: {  	s11 =	sadd.s32 $0x66E00, s13;
	s13 =	sshrl.u32 s15, $0x3;
	s15 =	simm.s32 $0x1400  }
.LBB2_1:
0x14: {  	[spmem:s13], [sflag:s6] =	dma.local [hbm:s5], $0x2780  }
0x15: {  	_ =	swait.ge [sflag:s14], $0x2780  }
0x16: {  	[sflag:s14] =	ssyncset.done $0x0  }
0x17: {  	[sflag:s14] =	ssyncadd.s32 $0xFFFFD880  }
0x18: {  	[bflag:$0x0] =	sbarrier.arrive $0xFFFF  }
0x19: {  	[tilespmem:s4], [sflag:$0x5] =	stream.linear.gather [hbm4b:s7+s4], $0x1400, $0x38;
	[tilespmem:$0x1E400] =	vst v63  }
0x1a: {  	_ =	swait.ge [sflag:s14], $0x1400  }
0x1b: {  	[sflag:s14] =	ssyncset.done $0x0  }
0x1c: {  	[sflag:s14] =	ssyncadd.s32 $0xFFFFEC00  }
0x1d: {  	[tilespmem:s15], [sflag:$0x5] =	stream.linear.gather [hbm4b:s8+s4], $0x1400, $0x38;
	[tilespmem:$0x1E400] =	vst v63  }
0x1e: {  	_ =	swait.ge [sflag:s14], $0x1400  }
0x1f: {  	[sflag:s14] =	ssyncset.done $0x0  }
0x20: {  	[sflag:s14] =	ssyncadd.s32 $0xFFFFEC00  }
0x21: {  	[tilespmem:s17], [sflag:$0x1] =	stream.indirect.gather [hbm4b:s1+s16], $0x80, s4, s16, $0xb8;
	[tilespmem:$0x1E400] =	vst v63  }
0x22: {  	_ = 	snop  }
0x23: {  	[tilespmem:s18], [sflag:$0x2] =	stream.indirect.gather [hbm4b:s1+s16], $0x80, s16, s16, $0xb8;
	[tilespmem:$0x1E400] =	vst v63  }
0x24: {  	_ =	swait.ge [sflag:s19], $0x4000  }
0x25: {  	[sflag:s19] =	ssyncset.done $0x0  }
0x26: {  	s26 =	simm.s32 $0x1400;
	[sflag:s19] =	ssyncadd.s32 $0xFFFFC000  }
0x27: {  	[spmem:s3] =	stream.indirect.scatter.add.f32 [tilespmem:s17], [sflag:$0x3], $0x80, s26, s16, $0xb8;
	[tilespmem:$0x1E400] =	vst v63  }
0x28: {  	_ =	swait.ge [sflag:s20], $0x4000  }
0x29: {  	[sflag:s20] =	ssyncset.done $0x0  }
0x2a: {  	s30 =	simm.s32 $0x100;
	[sflag:s20] =	ssyncadd.s32 $0xFFFFC000  }
0x2b: {  	[tilespmem:s17], [sflag:$0x1] =	stream.indirect.gather [hbm4b:s1+s16], $0x80, s30, s16, $0xb8;
	[tilespmem:$0x1E400] =	vst v63  }
0x2c: {  	_ =	swait.ge [sflag:s21], $0x4000  }
0x2d: {  	[sflag:s21] =	ssyncset.done $0x0  }
0x2e: {  	s31 =	simm.s32 $0x1480;
	[sflag:s21] =	ssyncadd.s32 $0xFFFFC000  }
0x2f: {  	[spmem:s3] =	stream.indirect.scatter.add.f32 [tilespmem:s18], [sflag:$0x4], $0x80, s31, s16, $0xb8;
	[tilespmem:$0x1E400] =	vst v63  }
0x30: {  	_ =	swait.ge [sflag:s22], $0x4000  }
0x31: {  	[sflag:s22] =	ssyncset.done $0x0  }
0x32: {  	s28 =	simm.s32 $0x180;
	s26 =	simm.s32 $0x400;
	[sflag:s22] =	ssyncadd.s32 $0xFFFFC000  }
.LBB2_2:
0x33: {  	[tilespmem:s18], [sflag:$0x2] =	stream.indirect.gather [hbm4b:s1+s16], $0x80, s28, s16, $0xb8;
	[tilespmem:$0x1E400] =	vst v63  }
0x34: {  	s28 =	smov.u32 s26  }
0x35: {  	p0 =	sne.s32 s26, $0x4800;
	s26 =	sadd.s32 $0x400, s26;
	_ =	swait.ge [sflag:s19], $0x4000  }
0x36: {  	s28 =	sshra.s32 s28, $0x2;
	[sflag:s19] =	ssyncset.done $0x0  }
0x37: {  	s29 =	sadd.s32 $0x1400, s28;
	[sflag:s19] =	ssyncadd.s32 $0xFFFFC000  }
0x38: {  	[spmem:s3] =	stream.indirect.scatter.add.f32 [tilespmem:s17], [sflag:$0x3], $0x80, s29, s16, $0xb8;
	[tilespmem:$0x1E400] =	vst v63  }
0x39: {  	_ =	swait.ge [sflag:s20], $0x4000  }
0x3a: {  	[sflag:s20] =	ssyncset.done $0x0  }
0x3b: {  	s29 =	sadd.s32 $0x100, s28;
	[sflag:s20] =	ssyncadd.s32 $0xFFFFC000  }
0x3c: {  	[tilespmem:s17], [sflag:$0x1] =	stream.indirect.gather [hbm4b:s1+s16], $0x80, s29, s16, $0xb8;
	[tilespmem:$0x1E400] =	vst v63  }
0x3d: {  	_ =	swait.ge [sflag:s21], $0x4000  }
0x3e: {  	[sflag:s21] =	ssyncset.done $0x0  }
.Ltmp0:
0x3f: {  	s29 =	sadd.s32 $0x1480, s28;
	[sflag:s21] =	ssyncadd.s32 $0xFFFFC000;
	(pc) =	sbr.rel @p0 .LBB2_2-.Ltmp0, $4  }
0x40: {  	[spmem:s3] =	stream.indirect.scatter.add.f32 [tilespmem:s18], [sflag:$0x4], $0x80, s29, s16, $0xb8;
	[tilespmem:$0x1E400] =	vst v63  }
0x41: {  	_ =	swait.ge [sflag:s22], $0x4000  }
0x42: {  	[sflag:s22] =	ssyncset.done $0x0  }
0x43: {  	s28 =	sadd.s32 $0x180, s28;
	[sflag:s22] =	ssyncadd.s32 $0xFFFFC000  }
0x44: {  	[tilespmem:s18], [sflag:$0x2] =	stream.indirect.gather [hbm4b:s1+s16], $0x80, s28, s16, $0xb8;
	[tilespmem:$0x1E400] =	vst v63  }
0x45: {  	_ =	swait.ge [sflag:s19], $0x4000  }
0x46: {  	[sflag:s19] =	ssyncset.done $0x0  }
0x47: {  	[sflag:s19] =	ssyncadd.s32 $0xFFFFC000  }
0x48: {  	[spmem:s3] =	stream.indirect.scatter.add.f32 [tilespmem:s17], [sflag:$0x3], $0x80, s23, s16, $0xb8;
	[tilespmem:$0x1E400] =	vst v63  }
0x49: {  	_ =	swait.ge [sflag:s21], $0x4000  }
0x4a: {  	[sflag:s21] =	ssyncset.done $0x0  }
0x4b: {  	[sflag:s21] =	ssyncadd.s32 $0xFFFFC000  }
0x4c: {  	[spmem:s3] =	stream.indirect.scatter.add.f32 [tilespmem:s18], [sflag:$0x4], $0x80, s24, s16, $0xb8;
	[tilespmem:$0x1E400] =	vst v63  }
0x4d: {  	_ =	swait.ge [sflag:s20], $0x4000  }
0x4e: {  	[sflag:s20] =	ssyncset.done $0x0  }
0x4f: {  	[sflag:s20] =	ssyncadd.s32 $0xFFFFC000  }
0x50: {  	_ =	swait.ge [sflag:s22], $0x4000  }
0x51: {  	[sflag:s22] =	ssyncset.done $0x0  }
0x52: {  	s26 =	simm.s32 $0x0;
	[sflag:s22] =	ssyncadd.s32 $0xFFFFC000  }
0x53: {  	[tilespmem:s26], [sflag:$0x5] =	stream.linear.gather [hbm4b:s9+s26], $0x1400, $0x38;
	[tilespmem:$0x1E400] =	vst v63  }
0x54: {  	_ =	swait.ge [sflag:s14], $0x1400  }
0x55: {  	[sflag:s14] =	ssyncset.done $0x0  }
0x56: {  	[sflag:s14] =	ssyncadd.s32 $0xFFFFEC00  }
0x57: {  	[tilespmem:s15], [sflag:$0x5] =	stream.linear.gather [hbm4b:s10+s26], $0x1400, $0x38;
	[tilespmem:$0x1E400] =	vst v63  }
0x58: {  	_ =	swait.ge [sflag:s14], $0x1400  }
0x59: {  	[sflag:s14] =	ssyncset.done $0x0  }
0x5a: {  	[sflag:s14] =	ssyncadd.s32 $0xFFFFEC00  }
0x5b: {  	[tilespmem:s17], [sflag:$0x1] =	stream.indirect.gather [hbm4b:s1+s16], $0x80, s26, s16, $0xb8;
	[tilespmem:$0x1E400] =	vst v63  }
0x5c: {  	_ = 	snop  }
0x5d: {  	[tilespmem:s18], [sflag:$0x2] =	stream.indirect.gather [hbm4b:s1+s16], $0x80, s16, s16, $0xb8;
	[tilespmem:$0x1E400] =	vst v63  }
0x5e: {  	_ =	swait.ge [sflag:s19], $0x4000  }
0x5f: {  	[sflag:s19] =	ssyncset.done $0x0  }
0x60: {  	s29 =	simm.s32 $0x1400;
	[sflag:s19] =	ssyncadd.s32 $0xFFFFC000  }
0x61: {  	[spmem:s3] =	stream.indirect.scatter.add.f32 [tilespmem:s17], [sflag:$0x3], $0x80, s29, s16, $0xb8;
	[tilespmem:$0x1E400] =	vst v63  }
0x62: {  	_ =	swait.ge [sflag:s20], $0x4000  }
0x63: {  	[sflag:s20] =	ssyncset.done $0x0  }
0x64: {  	s30 =	simm.s32 $0x100;
	[sflag:s20] =	ssyncadd.s32 $0xFFFFC000  }
0x65: {  	[tilespmem:s17], [sflag:$0x1] =	stream.indirect.gather [hbm4b:s1+s16], $0x80, s30, s16, $0xb8;
	[tilespmem:$0x1E400] =	vst v63  }
0x66: {  	_ =	swait.ge [sflag:s21], $0x4000  }
0x67: {  	[sflag:s21] =	ssyncset.done $0x0  }
0x68: {  	s31 =	simm.s32 $0x1480;
	[sflag:s21] =	ssyncadd.s32 $0xFFFFC000  }
0x69: {  	[spmem:s3] =	stream.indirect.scatter.add.f32 [tilespmem:s18], [sflag:$0x4], $0x80, s31, s16, $0xb8;
	[tilespmem:$0x1E400] =	vst v63  }
0x6a: {  	_ =	swait.ge [sflag:s22], $0x4000  }
0x6b: {  	[sflag:s22] =	ssyncset.done $0x0  }
0x6c: {  	s28 =	simm.s32 $0x180;
	s26 =	simm.s32 $0x400;
	[sflag:s22] =	ssyncadd.s32 $0xFFFFC000  }
.LBB2_4:
0x6d: {  	[tilespmem:s18], [sflag:$0x2] =	stream.indirect.gather [hbm4b:s1+s16], $0x80, s28, s16, $0xb8;
	[tilespmem:$0x1E400] =	vst v63  }
0x6e: {  	s28 =	smov.u32 s26  }
0x6f: {  	p0 =	sne.s32 s26, $0x4800;
	s26 =	sadd.s32 $0x400, s26;
	_ =	swait.ge [sflag:s19], $0x4000  }
0x70: {  	s28 =	sshra.s32 s28, $0x2;
	[sflag:s19] =	ssyncset.done $0x0  }
0x71: {  	s29 =	sadd.s32 $0x1400, s28;
	[sflag:s19] =	ssyncadd.s32 $0xFFFFC000  }
0x72: {  	[spmem:s3] =	stream.indirect.scatter.add.f32 [tilespmem:s17], [sflag:$0x3], $0x80, s29, s16, $0xb8;
	[tilespmem:$0x1E400] =	vst v63  }
0x73: {  	_ =	swait.ge [sflag:s20], $0x4000  }
0x74: {  	[sflag:s20] =	ssyncset.done $0x0  }
0x75: {  	s29 =	sadd.s32 $0x100, s28;
	[sflag:s20] =	ssyncadd.s32 $0xFFFFC000  }
0x76: {  	[tilespmem:s17], [sflag:$0x1] =	stream.indirect.gather [hbm4b:s1+s16], $0x80, s29, s16, $0xb8;
	[tilespmem:$0x1E400] =	vst v63  }
0x77: {  	_ =	swait.ge [sflag:s21], $0x4000  }
0x78: {  	[sflag:s21] =	ssyncset.done $0x0  }
.Ltmp1:
0x79: {  	s29 =	sadd.s32 $0x1480, s28;
	[sflag:s21] =	ssyncadd.s32 $0xFFFFC000;
	(pc) =	sbr.rel @p0 .LBB2_4-.Ltmp1, $4  }
0x7a: {  	[spmem:s3] =	stream.indirect.scatter.add.f32 [tilespmem:s18], [sflag:$0x4], $0x80, s29, s16, $0xb8;
	[tilespmem:$0x1E400] =	vst v63  }
0x7b: {  	_ =	swait.ge [sflag:s22], $0x4000  }
0x7c: {  	[sflag:s22] =	ssyncset.done $0x0  }
0x7d: {  	s28 =	sadd.s32 $0x180, s28;
	[sflag:s22] =	ssyncadd.s32 $0xFFFFC000  }
0x7e: {  	[tilespmem:s18], [sflag:$0x2] =	stream.indirect.gather [hbm4b:s1+s16], $0x80, s28, s16, $0xb8;
	[tilespmem:$0x1E400] =	vst v63  }
0x7f: {  	_ =	swait.ge [sflag:s19], $0x4000  }
0x80: {  	[sflag:s19] =	ssyncset.done $0x0  }
0x81: {  	[sflag:s19] =	ssyncadd.s32 $0xFFFFC000  }
0x82: {  	[spmem:s3] =	stream.indirect.scatter.add.f32 [tilespmem:s17], [sflag:$0x3], $0x80, s23, s16, $0xb8;
	[tilespmem:$0x1E400] =	vst v63  }
0x83: {  	_ =	swait.ge [sflag:s21], $0x4000  }
0x84: {  	[sflag:s21] =	ssyncset.done $0x0  }
0x85: {  	[sflag:s21] =	ssyncadd.s32 $0xFFFFC000  }
0x86: {  	[spmem:s3] =	stream.indirect.scatter.add.f32 [tilespmem:s18], [sflag:$0x4], $0x80, s24, s16, $0xb8;
	[tilespmem:$0x1E400] =	vst v63  }
0x87: {  	_ =	swait.ge [sflag:s20], $0x4000  }
0x88: {  	[sflag:s20] =	ssyncset.done $0x0  }
0x89: {  	[sflag:s20] =	ssyncadd.s32 $0xFFFFC000  }
0x8a: {  	_ =	swait.ge [sflag:s22], $0x4000  }
0x8b: {  	s25 =	sadd.s32 $0x1, s25;
	[sflag:s22] =	ssyncset.done $0x0  }
0x8c: {  	p0 =	sne.s32 s25, s12;
	[sflag:s22] =	ssyncadd.s32 $0xFFFFC000  }
.Ltmp2:
0x8d: {  	[bflag:$0x0] =	sbarrier.arrive $0xFFFF;
	(pc) =	sbr.rel @p0 .LBB2_1-.Ltmp2, $4  }
0x8e: {  	[hbm:s11], [sflag:s6] =	dma.local [spmem:s13], $0x2780  }
0x8f: {  	_ =	swait.ge [sflag:s14], $0x2780  }
0x90: {  	[sflag:s14] =	ssyncset.done $0x0  }
0x91: {  	[sflag:s14] =	ssyncadd.s32 $0xFFFFD880  }
0x92: {  	_ =	sfence.sel $0x180000  }
0x93: {  	[bflag:$0x0] =	sbarrier.arrive $0xFFFF  }
0x94: {  	p0 =	sne.s32 s2, $0x0;
	_ =	strace $0x9000004D  }
0x95: {  	s0 =	sadd.s32 @!p0 $0x100000, s0;
	[bflag:$0x2] =	sbarrier.arrive $0xFFFF  }
0x96: {  	[sflag:s0] =	ssyncadd.tile.s32 @!p0 $0x1;
	_ =	shalt  }
.Lfunc_end2:
_tile_overlayer_lowered:
.L_overlay_start_2:
0x97: {  	(tag) =	ssettag $0x2  }
0x98: {  	s0 =	rddreg [dreg:$0x0];
	s2 =	stileid.u32  }
0x99: {  	s1 =	rddreg [dreg:$0x1];
	p0 =	sne.s32 s2, $0x0  }
0x9a: {  	s3 =	rddreg [dreg:$0x2];
	[bflag:$0x3] =	sbarrier.arrive $0xFFFF;
	s2 =	simm.s32 @!p0 $0x1C05  }
0x9b: {  	[timem:s3], [sflag:s2] =	dma.local @!p0 [hbm:s0], s1  }
0x9c: {  	s0 =	simm.s32 @!p0 $0x5  }
0x9d: {  	_ =	swait.ge @!p0 [sflag:s0], s1  }
0x9e: {  	s1 =	ssub.s32 @!p0 $0x0, s1;
	[sflag:s0] =	ssyncset.done @!p0 $0x0  }
0x9f: {  	[sflag:s0] =	ssyncadd.s32 @!p0 s1  }
0xa0: {  	[bflag:$0x3] =	sbarrier.arrive $0xFFFF  }
0xa1: {  	_ =	shalt  }

// kernel: kernel.19.cloned.1.call-start
scs
__scs_entry_jumppad:
0x0: {  	(pc) =	sbr.rel $0x88, $3  }
0x1: {  	(tag) =	ssettag $0x0;
	lr =	simm.s32 $0x1  }
0x2: {  	[smem:$0x3F97] =	sst lr;
	_ =	strace $0xD0000000  }
0x3: {  	_ = 	snop  }
0x4: {  	_ = 	snop  }
0x5: {  	_ = 	snop  }
0x6: {  	_ = 	snop  }
0x7: {  	_ = 	snop  }
__scs_overlays_trampoline_lowered:
0x8: {  	[smem:$0x3FA6] =	sst s0  }
0x9: {  	[smem:$0x3FA7] =	sst s1  }
0xa: {  	[smem:$0x3FA8] =	sst s2  }
0xb: {  	[smem:$0x3FA9] =	sst s3  }
0xc: {  	[smem:$0x3FAA] =	sst s4  }
0xd: {  	[smem:$0x3FAB] =	sst s5  }
0xe: {  	[smem:$0x3FAC] =	sst s6  }
0xf: {  	[smem:$0x3FAD] =	sst s7  }
0x10: {  	[smem:$0x3FAE] =	sst s8  }
0x11: {  	[smem:$0x3FAF] =	sst s9;
	s0 =	simm.s32 @!p0 $0x0  }
0x12: {  	s1 =	sld [smem:$0x3F95];
	s0 =	simm.s32 @p0 $0x1  }
0x13: {  	[smem:$0x3FB0] =	sst s0;
	s0 =	simm.s32 @!p1 $0x0  }
0x14: {  	s2 =	sld [smem:$0x3F94];
	s0 =	simm.s32 @p1 $0x1  }
0x15: {  	[smem:$0x3FB1] =	sst s0;
	s0 =	simm.s32 @!p2 $0x0  }
0x16: {  	s3 =	sld [smem:$0x3FDB];
	s0 =	simm.s32 @p2 $0x1  }
0x17: {  	s4 =	simm.s32 $0x1BF5;
	[smem:$0x3FB3] =	sst s0  }
0x18: {  	s0 =	sld [smem:$0x3F96];
	_ =	swait.ge [sflag:s4], $0x0  }
0x19: {  	s7 =	sld [smem:$0x3F97]  }
0x1a: {  	s8 =	sadd.s32 $0xFFFFE003, lr  }
0x1b: {  	s9 =	sadd.s32 $0xFFFFFEF7, lr;
	s5 =	simm.s32 $0xFFFFFFFF;
	p2 =	slt.u32 s8, $0xFFFFF086  }
0x1c: {  	p1 =	slt.u32 s9, $0xF7A;
	s5 =	simm.s32 @!p2 $0x0  }
0x1d: {  	s5 =	simm.s32 @p1 $0x1;
	p0 =	seq.s32 s7, s2  }
0x1e: {  	s7 =	smul.u32 @!p0 $0xF7A, s2;
	p2 =	seq.s32 @!p0 s5, $0x0  }
0x1f: {  	s9 =	smul.u32 $0xF7A, s1;
	s8 =	simm.s32 @!p0 $0x1BF5;
	p2 =	por !p2, p0  }
0x20: {  	[sflag:s8] =	ssyncset.s32 @!p0 $0xFFFFF086;
	s6 =	sadd.s32 @!p0 s3, s7;
	s7 =	simm.s32 @!p0 $0x108  }
0x21: {  	s3 =	sadd.s32 s3, s9;
	s6 =	sadd.s32 @!p0 $0x88, s6;
	s7 =	simm.s32 @p2 $0x1082  }
0x22: {  	[simem:s7], [sflag:s8] =	dma.local @!p0 [hbm:s6], $0xF7A  }
0x23: {  	s9 =	sor.u32 $0xD0000000, s2;
	s6 =	simm.s32 $0x108;
	_ =	swait.ge @!p0 [sflag:s8], $0x0  }
0x24: {  	s3 =	sadd.s32 $0x88, s3;
	s6 =	simm.s32 @!p1 $0x1082;
	[sflag:s4] =	ssyncset.s32 $0xFFFFF086  }
0x25: {  	[simem:s6], [sflag:s4] =	dma.local [hbm:s3], $0xF7A  }
0x26: {  	[smem:$0x3F97] =	sst s1;
	(tag) =	ssettag s2;
	_ =	strace s9  }
0x27: {  	s1 =	sld [smem:$0x3FA7]  }
0x28: {  	s2 =	sld [smem:$0x3FA8]  }
0x29: {  	s4 =	sld [smem:$0x3FAA]  }
0x2a: {  	p0 =	seq.s32 s5, $0x0;
	s5 =	sld [smem:$0x3FAB]  }
0x2b: {  	s6 =	sld [smem:$0x3FAC]  }
0x2c: {  	s7 =	sld [smem:$0x3FAD]  }
0x2d: {  	s3 =	simm.s32 $0x108;
	s8 =	sld [smem:$0x3FAE]  }
0x2e: {  	s3 =	simm.s32 @!p0 $0x1082;
	s9 =	sld [smem:$0x3FAF]  }
0x2f: {  	lr =	sadd.s32 s0, s3;
	s0 =	sld [smem:$0x3FA6]  }
0x30: {  	s3 =	sld [smem:$0x3FA9]  }
0x31: {  	[smem:$0x3FB2] =	sst s10  }
0x32: {  	s10 =	sld [smem:$0x3FB0];
	_ =	sdelay $0x3  }
0x33: {  	p0 =	seq.s32 s10, $0x1;
	s10 =	sld [smem:$0x3FB2];
	_ =	sdelay $0x3  }
0x34: {  	[smem:$0x3FB2] =	sst s10  }
0x35: {  	s10 =	sld [smem:$0x3FB1];
	_ =	sdelay $0x3  }
0x36: {  	p1 =	seq.s32 s10, $0x1;
	s10 =	sld [smem:$0x3FB2];
	_ =	sdelay $0x3  }
0x37: {  	[smem:$0x3FB2] =	sst s10  }
0x38: {  	s10 =	sld [smem:$0x3FB3]  }
0x39: {  	_ = 	snop;
	(pc) =	sbr.ind lr, $3  }
0x3a: {  	_ = 	snop  }
0x3b: {  	_ = 	snop  }
0x3c: {  	p2 =	seq.s32 s10, $0x1;
	s10 =	sld [smem:$0x3FB2]  }
0x3d: {  	_ =	shalt  }
0x3e: {  	_ =	shalt  }
0x3f: {  	_ =	shalt  }
0x40: {  	_ =	shalt  }
0x41: {  	_ =	shalt  }
0x42: {  	_ =	shalt  }
0x43: {  	_ =	shalt  }
0x44: {  	_ =	shalt  }
0x45: {  	_ =	shalt  }
0x46: {  	_ =	shalt  }
0x47: {  	_ =	shalt  }
0x48: {  	_ =	shalt  }
0x49: {  	_ =	shalt  }
0x4a: {  	_ =	shalt  }
0x4b: {  	_ =	shalt  }
0x4c: {  	_ =	shalt  }
0x4d: {  	_ =	shalt  }
0x4e: {  	_ =	shalt  }
0x4f: {  	_ =	shalt  }
0x50: {  	_ =	shalt  }
0x51: {  	_ =	shalt  }
0x52: {  	_ =	shalt  }
0x53: {  	_ =	shalt  }
0x54: {  	_ =	shalt  }
0x55: {  	_ =	shalt  }
0x56: {  	_ =	shalt  }
0x57: {  	_ =	shalt  }
0x58: {  	_ =	shalt  }
0x59: {  	_ =	shalt  }
0x5a: {  	_ =	shalt  }
0x5b: {  	_ =	shalt  }
0x5c: {  	_ =	shalt  }
0x5d: {  	_ =	shalt  }
0x5e: {  	_ =	shalt  }
0x5f: {  	_ =	shalt  }
0x60: {  	_ =	shalt  }
0x61: {  	_ =	shalt  }
0x62: {  	_ =	shalt  }
0x63: {  	_ =	shalt  }
0x64: {  	_ =	shalt  }
0x65: {  	_ =	shalt  }
0x66: {  	_ =	shalt  }
0x67: {  	_ =	shalt  }
0x68: {  	_ =	shalt  }
0x69: {  	_ =	shalt  }
0x6a: {  	_ =	shalt  }
0x6b: {  	_ =	shalt  }
0x6c: {  	_ =	shalt  }
0x6d: {  	_ =	shalt  }
0x6e: {  	_ =	shalt  }
0x6f: {  	_ =	shalt  }
0x70: {  	_ =	shalt  }
0x71: {  	_ =	shalt  }
0x72: {  	_ =	shalt  }
0x73: {  	_ =	shalt  }
0x74: {  	_ =	shalt  }
0x75: {  	_ =	shalt  }
0x76: {  	_ =	shalt  }
0x77: {  	_ =	shalt  }
0x78: {  	_ =	shalt  }
0x79: {  	_ =	shalt  }
0x7a: {  	_ =	shalt  }
0x7b: {  	_ =	shalt  }
0x7c: {  	_ =	shalt  }
0x7d: {  	_ =	shalt  }
0x7e: {  	_ =	shalt  }
0x7f: {  	_ =	shalt  }
0x80: {  	_ =	shalt  }
0x81: {  	_ =	shalt  }
0x82: {  	_ =	shalt  }
0x83: {  	_ =	shalt  }
0x84: {  	_ =	shalt  }
0x85: {  	_ =	shalt  }
0x86: {  	_ =	shalt  }
0x87: {  	_ =	shalt  }
.Lfunc_end0:
.L_simem_size_0:
called_computation.3_lowered:
.L_overlay_start_0:
0x88: {  	s2 =	sld [smem:$0x3FD9]  }
0x89: {  	s3 =	sld [smem:$0x3FFE];
	_ =	sdelay $0x1  }
0x8a: {  	s1 =	srdreg.scid  }
0x8b: {  	s0 =	sand.u32 $0x1, s1  }
0x8c: {  	s17 =	sshll.u32 s0, $0xA;
	s2 =	sadd.s32 s3, s2  }
0x8d: {  	s2 =	sadd.s32 s2, s17  }
0x8e: {  	[smem:$0x3FBE] =	sst s2  }
0x8f: {  	_ = 	snop  }
0x90: {  	s2 =	sld [smem:$0x3FD0];
	(tm) =	ssettm $0x1  }
0x91: {  	s18 =	sld [smem:$0x3FFB];
	_ =	sdelay $0x3  }
0x92: {  	_ =	strace s18  }
0x93: {  	s3 =	sld [smem:$0x3FFC];
	_ =	sdelay $0x3  }
0x94: {  	_ =	strace s3  }
0x95: {  	s3 =	sld [smem:$0x3FFD];
	_ =	sdelay $0x3  }
0x96: {  	_ =	strace s3  }
0x97: {  	_ =	strace $0x8FFFFFFF  }
0x98: {  	s19 =	sld [smem:$0x3FDB];
	_ =	sdelay $0x1  }
0x99: {  	s4 =	simm.s32 $_scs_section_size  }
0x9a: {  	s5 =	simm.s32 $_size__tile_overlayer_lowered;
	s6 =	simm.s32 $_tile_overlayer_lowered  }
0x9b: {  	s22 =	simm.s32 $0x1BFF;
	s21 =	sshll.u32 s6, $0x1;
	s3 =	sadd.s32 s4, s19  }
0x9c: {  	s7 =	simm.s32 $0x0;
	s20 =	sshll.u32 s5, $0x1;
	s5 =	sadd.s32 s21, s3  }
0x9d: {  	[timem:s7], [sflag:s22] =	dma.local [hbm:s5], s20  }
0x9e: {  	_ =	swait.ge [sflag:s22], s20  }
0x9f: {  	s4 =	ssub.s32 $0x0, s20;
	[sflag:s22] =	ssyncset.done $0x0  }
0xa0: {  	[sflag:s22] =	ssyncadd.s32 s4;
	_ =	sdelay $0x1  }
0xa1: {  	s23 =	simm.s32 $0x1B8B  }
0xa2: {  	_ =	swait.ge [sflag:s23], $0x1  }
0xa3: {  	[sflag:s23] =	ssyncset.done $0x0  }
0xa4: {  	s25 =	simm.s32 $0x1B8E;
	s24 =	sld [smem:$0x3FFE];
	[sflag:s23] =	ssyncadd.s32 $0xFFFFFFFF  }
0xa5: {  	s26 =	simm.s32 $execute0_lowered;
	[smem:$0x3FD2] =	sst s25  }
0xa6: {  	s5 =	sshll.u32 s26, $0x1;
	_ =	strace $0x8000004F;
	[dreg:$0x1] =	wrdreg $0xFFFFFFFF  }
0xa7: {  	s28 =	simm.s32 $_size_execute0_lowered;
	s3 =	sadd.s32 s3, s5;
	[dreg:$0x0] =	wrdreg $0x0  }
0xa8: {  	s5 =	sshll.u32 s28, $0x1;
	[dreg:$0x2] =	wrdreg s3  }
0xa9: {  	[dreg:$0x3] =	wrdreg s5  }
0xaa: {  	[dreg:$0x4] =	wrdreg $0xC0  }
0xab: {  	_ =	task [dreg:s7], $0x5FFFF  }
0xac: {  	[dreg:$0x1] =	wrdreg $0xFFFFFFFF  }
0xad: {  	[dreg:$0x0] =	wrdreg $0x60  }
0xae: {  	[dreg:$0x2] =	wrdreg s2  }
0xaf: {  	[dreg:$0x3] =	wrdreg s24  }
0xb0: {  	[dreg:$0x4] =	wrdreg $0xA8000  }
0xb1: {  	[dreg:$0x5] =	wrdreg $0x9  }
0xb2: {  	_ =	task.clear_ibuf [dreg:s7], $0x6FFFF;
	_ =	strace $0x9000004F  }
0xb3: {  	s29 =	simm.s32 $0x9;
	_ =	strace $0x80000051  }
0xb4: {  	_ =	swait.ge [sflag:s29], $0x1  }
0xb5: {  	[sflag:s29] =	ssyncadd.s32 $0xFFFFFFFF  }
0xb6: {  	_ =	strace $0x90000051  }
0xb7: {  	_ =	sfence  }
0xb8: {  	s30 =	sld [smem:$0x0];
	_ =	sdelay $0x2  }
0xb9: {  	s31 =	sshll.u32 s1, $0xD;
	s1 =	sshrl.u32 s1, $0x2  }
0xba: {  	s3 =	sand.u32 $0x4000, s31;
	s1 =	sadd.s32 s1, s30  }
0xbb: {  	s0 =	sor.u32 s3, s0;
	s1 =	sshll.u32 s1, $0x11  }
0xbc: {  	s0 =	sor.u32 s1, s0  }
0xbd: {  	s0 =	sadd.s32 $0x8F2B, s0  }
0xbe: {  	[sflag:s0] =	ssyncadd.remote.s32 $0x1  }
0xbf: {  	_ =	sfence.sel $0xFFFF  }
0xc0: {  	[dreg:$0x0] =	wrdreg $0xFFFFFFFF;
	(pc) =	sbr.abs _section_cstart, $3  }
0xc1: {  	[dreg:$0x1] =	wrdreg $0xFFFFFFFF  }
0xc2: {  	_ =	task.clear_ibuf [dreg:s7], $0x2FFFF;
	_ =	strace $0x9FFFFFFF  }
0xc3: {  	(tm) =	ssettm $0x7FFFFFFF  }
tec
execute0_lowered:
.L_overlay_start_1:
0x0: {  	(tag) =	ssettag $0x1  }
0x1: {  	s1 =	rddreg [dreg:$0x0]  }
0x2: {  	s5 =	rddreg [dreg:$0x1]  }
0x3: {  	s3 =	rddreg [dreg:$0x2]  }
0x4: {  	s0 =	rddreg [dreg:$0x3];
	s4 =	simm.s32 $0x0;
	s2 =	stileid.u32  }
0x5: {  	s6 =	srdreg.scid;
	s16 =	simm.s32 $0x80;
	s17 =	simm.s32 $0x2800  }
0x6: {  	s18 =	simm.s32 $0x6800;
	s19 =	simm.s32 $0x1;
	s20 =	simm.s32 $0x3  }
0x7: {  	s21 =	simm.s32 $0x2;
	[smem:$0x7FF] =	sst s4;
	s7 =	smul.u32 $0x2780, s2  }
0x8: {  	s6 =	sand.u32 $0x1, s6;
	s9 =	sadd.s32 $0x3E00, s5;
	s10 =	sadd.s32 $0xDE00, s5  }
0x9: {  	s12 =	smul.u32 $0x4F000, s2;
	s30 =	sshll.u32 s2, $0x6;
	_ =	strace $0x80000050  }
0xa: {  	s8 =	smul.u32 $0x27800, s6;
	s22 =	sshll.u32 s6, $0x4;
	s23 =	ssub.s32 $0x2, s6  }
0xb: {  	s6 =	sor.u32 $0x1C05, s30;
	s11 =	sadd.s32 s7, s5;
	s24 =	sor.u32 s2, s22  }
0xc: {  	s25 =	sshrl.u32 s23, $0x1;
	s26 =	sshrl.u32 s12, $0x2;
	s22 =	simm.s32 $0x4  }
0xd: {  	s7 =	sadd.s32 s7, s8;
	s28 =	smul.u32 $0x2800, s24;
	s14 =	ssub.s32 s23, s25  }
0xe: {  	s15 =	sadd.s32 s26, s3;
	s29 =	smul.u32 $0x500, s24;
	s23 =	simm.s32 $0x2700  }
0xf: {  	s24 =	simm.s32 $0x2780;
	s25 =	simm.s32 $0x0;
	s13 =	sadd.s32 s7, s5  }
0x10: {  	s5 =	sadd.s32 $0x17E00, s11;
	s12 =	smax.u32 s14, $0x1;
	s31 =	sshrl.u32 s28, $0x3  }
0x11: {  	s14 =	simm.s32 $0x5;
	s7 =	sadd.s32 s9, s29;
	s11 =	sadd.s32 $0x280, s31  }
0x12: {  	s8 =	sadd.s32 s10, s29;
	s9 =	sadd.s32 s9, s11;
	s10 =	sadd.s32 s10, s11  }
0x13: {  	s11 =	sadd.s32 $0x66E00, s13;
	s13 =	sshrl.u32 s15, $0x3;
	s15 =	simm.s32 $0x1400  }
.LBB2_1:
0x14: {  	[spmem:s13], [sflag:s6] =	dma.local [hbm:s5], $0x2780  }
0x15: {  	_ =	swait.ge [sflag:s14], $0x2780  }
0x16: {  	[sflag:s14] =	ssyncset.done $0x0  }
0x17: {  	[sflag:s14] =	ssyncadd.s32 $0xFFFFD880  }
0x18: {  	[bflag:$0x0] =	sbarrier.arrive $0xFFFF  }
0x19: {  	[tilespmem:s4], [sflag:$0x5] =	stream.linear.gather [hbm4b:s7+s4], $0x1400, $0x38;
	[tilespmem:$0x1E400] =	vst v63  }
0x1a: {  	_ =	swait.ge [sflag:s14], $0x1400  }
0x1b: {  	[sflag:s14] =	ssyncset.done $0x0  }
0x1c: {  	[sflag:s14] =	ssyncadd.s32 $0xFFFFEC00  }
0x1d: {  	[tilespmem:s15], [sflag:$0x5] =	stream.linear.gather [hbm4b:s8+s4], $0x1400, $0x38;
	[tilespmem:$0x1E400] =	vst v63  }
0x1e: {  	_ =	swait.ge [sflag:s14], $0x1400  }
0x1f: {  	[sflag:s14] =	ssyncset.done $0x0  }
0x20: {  	[sflag:s14] =	ssyncadd.s32 $0xFFFFEC00  }
0x21: {  	[tilespmem:s17], [sflag:$0x1] =	stream.indirect.gather [hbm4b:s1+s16], $0x80, s4, s16, $0xb8;
	[tilespmem:$0x1E400] =	vst v63  }
0x22: {  	_ = 	snop  }
0x23: {  	[tilespmem:s18], [sflag:$0x2] =	stream.indirect.gather [hbm4b:s1+s16], $0x80, s16, s16, $0xb8;
	[tilespmem:$0x1E400] =	vst v63  }
0x24: {  	_ =	swait.ge [sflag:s19], $0x4000  }
0x25: {  	[sflag:s19] =	ssyncset.done $0x0  }
0x26: {  	s26 =	simm.s32 $0x1400;
	[sflag:s19] =	ssyncadd.s32 $0xFFFFC000  }
0x27: {  	[spmem:s3] =	stream.indirect.scatter.add.f32 [tilespmem:s17], [sflag:$0x3], $0x80, s26, s16, $0xb8;
	[tilespmem:$0x1E400] =	vst v63  }
0x28: {  	_ =	swait.ge [sflag:s20], $0x4000  }
0x29: {  	[sflag:s20] =	ssyncset.done $0x0  }
0x2a: {  	s30 =	simm.s32 $0x100;
	[sflag:s20] =	ssyncadd.s32 $0xFFFFC000  }
0x2b: {  	[tilespmem:s17], [sflag:$0x1] =	stream.indirect.gather [hbm4b:s1+s16], $0x80, s30, s16, $0xb8;
	[tilespmem:$0x1E400] =	vst v63  }
0x2c: {  	_ =	swait.ge [sflag:s21], $0x4000  }
0x2d: {  	[sflag:s21] =	ssyncset.done $0x0  }
0x2e: {  	s31 =	simm.s32 $0x1480;
	[sflag:s21] =	ssyncadd.s32 $0xFFFFC000  }
0x2f: {  	[spmem:s3] =	stream.indirect.scatter.add.f32 [tilespmem:s18], [sflag:$0x4], $0x80, s31, s16, $0xb8;
	[tilespmem:$0x1E400] =	vst v63  }
0x30: {  	_ =	swait.ge [sflag:s22], $0x4000  }
0x31: {  	[sflag:s22] =	ssyncset.done $0x0  }
0x32: {  	s28 =	simm.s32 $0x180;
	s26 =	simm.s32 $0x400;
	[sflag:s22] =	ssyncadd.s32 $0xFFFFC000  }
.LBB2_2:
0x33: {  	[tilespmem:s18], [sflag:$0x2] =	stream.indirect.gather [hbm4b:s1+s16], $0x80, s28, s16, $0xb8;
	[tilespmem:$0x1E400] =	vst v63  }
0x34: {  	s28 =	smov.u32 s26  }
0x35: {  	p0 =	sne.s32 s26, $0x4800;
	s26 =	sadd.s32 $0x400, s26;
	_ =	swait.ge [sflag:s19], $0x4000  }
0x36: {  	s28 =	sshra.s32 s28, $0x2;
	[sflag:s19] =	ssyncset.done $0x0  }
0x37: {  	s29 =	sadd.s32 $0x1400, s28;
	[sflag:s19] =	ssyncadd.s32 $0xFFFFC000  }
0x38: {  	[spmem:s3] =	stream.indirect.scatter.add.f32 [tilespmem:s17], [sflag:$0x3], $0x80, s29, s16, $0xb8;
	[tilespmem:$0x1E400] =	vst v63  }
0x39: {  	_ =	swait.ge [sflag:s20], $0x4000  }
0x3a: {  	[sflag:s20] =	ssyncset.done $0x0  }
0x3b: {  	s29 =	sadd.s32 $0x100, s28;
	[sflag:s20] =	ssyncadd.s32 $0xFFFFC000  }
0x3c: {  	[tilespmem:s17], [sflag:$0x1] =	stream.indirect.gather [hbm4b:s1+s16], $0x80, s29, s16, $0xb8;
	[tilespmem:$0x1E400] =	vst v63  }
0x3d: {  	_ =	swait.ge [sflag:s21], $0x4000  }
0x3e: {  	[sflag:s21] =	ssyncset.done $0x0  }
.Ltmp0:
0x3f: {  	s29 =	sadd.s32 $0x1480, s28;
	[sflag:s21] =	ssyncadd.s32 $0xFFFFC000;
	(pc) =	sbr.rel @p0 .LBB2_2-.Ltmp0, $4  }
0x40: {  	[spmem:s3] =	stream.indirect.scatter.add.f32 [tilespmem:s18], [sflag:$0x4], $0x80, s29, s16, $0xb8;
	[tilespmem:$0x1E400] =	vst v63  }
0x41: {  	_ =	swait.ge [sflag:s22], $0x4000  }
0x42: {  	[sflag:s22] =	ssyncset.done $0x0  }
0x43: {  	s28 =	sadd.s32 $0x180, s28;
	[sflag:s22] =	ssyncadd.s32 $0xFFFFC000  }
0x44: {  	[tilespmem:s18], [sflag:$0x2] =	stream.indirect.gather [hbm4b:s1+s16], $0x80, s28, s16, $0xb8;
	[tilespmem:$0x1E400] =	vst v63  }
0x45: {  	_ =	swait.ge [sflag:s19], $0x4000  }
0x46: {  	[sflag:s19] =	ssyncset.done $0x0  }
0x47: {  	[sflag:s19] =	ssyncadd.s32 $0xFFFFC000  }
0x48: {  	[spmem:s3] =	stream.indirect.scatter.add.f32 [tilespmem:s17], [sflag:$0x3], $0x80, s23, s16, $0xb8;
	[tilespmem:$0x1E400] =	vst v63  }
0x49: {  	_ =	swait.ge [sflag:s21], $0x4000  }
0x4a: {  	[sflag:s21] =	ssyncset.done $0x0  }
0x4b: {  	[sflag:s21] =	ssyncadd.s32 $0xFFFFC000  }
0x4c: {  	[spmem:s3] =	stream.indirect.scatter.add.f32 [tilespmem:s18], [sflag:$0x4], $0x80, s24, s16, $0xb8;
	[tilespmem:$0x1E400] =	vst v63  }
0x4d: {  	_ =	swait.ge [sflag:s20], $0x4000  }
0x4e: {  	[sflag:s20] =	ssyncset.done $0x0  }
0x4f: {  	[sflag:s20] =	ssyncadd.s32 $0xFFFFC000  }
0x50: {  	_ =	swait.ge [sflag:s22], $0x4000  }
0x51: {  	[sflag:s22] =	ssyncset.done $0x0  }
0x52: {  	s26 =	simm.s32 $0x0;
	[sflag:s22] =	ssyncadd.s32 $0xFFFFC000  }
0x53: {  	[tilespmem:s26], [sflag:$0x5] =	stream.linear.gather [hbm4b:s9+s26], $0x1400, $0x38;
	[tilespmem:$0x1E400] =	vst v63  }
0x54: {  	_ =	swait.ge [sflag:s14], $0x1400  }
0x55: {  	[sflag:s14] =	ssyncset.done $0x0  }
0x56: {  	[sflag:s14] =	ssyncadd.s32 $0xFFFFEC00  }
0x57: {  	[tilespmem:s15], [sflag:$0x5] =	stream.linear.gather [hbm4b:s10+s26], $0x1400, $0x38;
	[tilespmem:$0x1E400] =	vst v63  }
0x58: {  	_ =	swait.ge [sflag:s14], $0x1400  }
0x59: {  	[sflag:s14] =	ssyncset.done $0x0  }
0x5a: {  	[sflag:s14] =	ssyncadd.s32 $0xFFFFEC00  }
0x5b: {  	[tilespmem:s17], [sflag:$0x1] =	stream.indirect.gather [hbm4b:s1+s16], $0x80, s26, s16, $0xb8;
	[tilespmem:$0x1E400] =	vst v63  }
0x5c: {  	_ = 	snop  }
0x5d: {  	[tilespmem:s18], [sflag:$0x2] =	stream.indirect.gather [hbm4b:s1+s16], $0x80, s16, s16, $0xb8;
	[tilespmem:$0x1E400] =	vst v63  }
0x5e: {  	_ =	swait.ge [sflag:s19], $0x4000  }
0x5f: {  	[sflag:s19] =	ssyncset.done $0x0  }
0x60: {  	s29 =	simm.s32 $0x1400;
	[sflag:s19] =	ssyncadd.s32 $0xFFFFC000  }
0x61: {  	[spmem:s3] =	stream.indirect.scatter.add.f32 [tilespmem:s17], [sflag:$0x3], $0x80, s29, s16, $0xb8;
	[tilespmem:$0x1E400] =	vst v63  }
0x62: {  	_ =	swait.ge [sflag:s20], $0x4000  }
0x63: {  	[sflag:s20] =	ssyncset.done $0x0  }
0x64: {  	s30 =	simm.s32 $0x100;
	[sflag:s20] =	ssyncadd.s32 $0xFFFFC000  }
0x65: {  	[tilespmem:s17], [sflag:$0x1] =	stream.indirect.gather [hbm4b:s1+s16], $0x80, s30, s16, $0xb8;
	[tilespmem:$0x1E400] =	vst v63  }
0x66: {  	_ =	swait.ge [sflag:s21], $0x4000  }
0x67: {  	[sflag:s21] =	ssyncset.done $0x0  }
0x68: {  	s31 =	simm.s32 $0x1480;
	[sflag:s21] =	ssyncadd.s32 $0xFFFFC000  }
0x69: {  	[spmem:s3] =	stream.indirect.scatter.add.f32 [tilespmem:s18], [sflag:$0x4], $0x80, s31, s16, $0xb8;
	[tilespmem:$0x1E400] =	vst v63  }
0x6a: {  	_ =	swait.ge [sflag:s22], $0x4000  }
0x6b: {  	[sflag:s22] =	ssyncset.done $0x0  }
0x6c: {  	s28 =	simm.s32 $0x180;
	s26 =	simm.s32 $0x400;
	[sflag:s22] =	ssyncadd.s32 $0xFFFFC000  }
.LBB2_4:
0x6d: {  	[tilespmem:s18], [sflag:$0x2] =	stream.indirect.gather [hbm4b:s1+s16], $0x80, s28, s16, $0xb8;
	[tilespmem:$0x1E400] =	vst v63  }
0x6e: {  	s28 =	smov.u32 s26  }
0x6f: {  	p0 =	sne.s32 s26, $0x4800;
	s26 =	sadd.s32 $0x400, s26;
	_ =	swait.ge [sflag:s19], $0x4000  }
0x70: {  	s28 =	sshra.s32 s28, $0x2;
	[sflag:s19] =	ssyncset.done $0x0  }
0x71: {  	s29 =	sadd.s32 $0x1400, s28;
	[sflag:s19] =	ssyncadd.s32 $0xFFFFC000  }
0x72: {  	[spmem:s3] =	stream.indirect.scatter.add.f32 [tilespmem:s17], [sflag:$0x3], $0x80, s29, s16, $0xb8;
	[tilespmem:$0x1E400] =	vst v63  }
0x73: {  	_ =	swait.ge [sflag:s20], $0x4000  }
0x74: {  	[sflag:s20] =	ssyncset.done $0x0  }
0x75: {  	s29 =	sadd.s32 $0x100, s28;
	[sflag:s20] =	ssyncadd.s32 $0xFFFFC000  }
0x76: {  	[tilespmem:s17], [sflag:$0x1] =	stream.indirect.gather [hbm4b:s1+s16], $0x80, s29, s16, $0xb8;
	[tilespmem:$0x1E400] =	vst v63  }
0x77: {  	_ =	swait.ge [sflag:s21], $0x4000  }
0x78: {  	[sflag:s21] =	ssyncset.done $0x0  }
.Ltmp1:
0x79: {  	s29 =	sadd.s32 $0x1480, s28;
	[sflag:s21] =	ssyncadd.s32 $0xFFFFC000;
	(pc) =	sbr.rel @p0 .LBB2_4-.Ltmp1, $4  }
0x7a: {  	[spmem:s3] =	stream.indirect.scatter.add.f32 [tilespmem:s18], [sflag:$0x4], $0x80, s29, s16, $0xb8;
	[tilespmem:$0x1E400] =	vst v63  }
0x7b: {  	_ =	swait.ge [sflag:s22], $0x4000  }
0x7c: {  	[sflag:s22] =	ssyncset.done $0x0  }
0x7d: {  	s28 =	sadd.s32 $0x180, s28;
	[sflag:s22] =	ssyncadd.s32 $0xFFFFC000  }
0x7e: {  	[tilespmem:s18], [sflag:$0x2] =	stream.indirect.gather [hbm4b:s1+s16], $0x80, s28, s16, $0xb8;
	[tilespmem:$0x1E400] =	vst v63  }
0x7f: {  	_ =	swait.ge [sflag:s19], $0x4000  }
0x80: {  	[sflag:s19] =	ssyncset.done $0x0  }
0x81: {  	[sflag:s19] =	ssyncadd.s32 $0xFFFFC000  }
0x82: {  	[spmem:s3] =	stream.indirect.scatter.add.f32 [tilespmem:s17], [sflag:$0x3], $0x80, s23, s16, $0xb8;
	[tilespmem:$0x1E400] =	vst v63  }
0x83: {  	_ =	swait.ge [sflag:s21], $0x4000  }
0x84: {  	[sflag:s21] =	ssyncset.done $0x0  }
0x85: {  	[sflag:s21] =	ssyncadd.s32 $0xFFFFC000  }
0x86: {  	[spmem:s3] =	stream.indirect.scatter.add.f32 [tilespmem:s18], [sflag:$0x4], $0x80, s24, s16, $0xb8;
	[tilespmem:$0x1E400] =	vst v63  }
0x87: {  	_ =	swait.ge [sflag:s20], $0x4000  }
0x88: {  	[sflag:s20] =	ssyncset.done $0x0  }
0x89: {  	[sflag:s20] =	ssyncadd.s32 $0xFFFFC000  }
0x8a: {  	_ =	swait.ge [sflag:s22], $0x4000  }
0x8b: {  	s25 =	sadd.s32 $0x1, s25;
	[sflag:s22] =	ssyncset.done $0x0  }
0x8c: {  	p0 =	sne.s32 s25, s12;
	[sflag:s22] =	ssyncadd.s32 $0xFFFFC000  }
.Ltmp2:
0x8d: {  	[bflag:$0x0] =	sbarrier.arrive $0xFFFF;
	(pc) =	sbr.rel @p0 .LBB2_1-.Ltmp2, $4  }
0x8e: {  	[hbm:s11], [sflag:s6] =	dma.local [spmem:s13], $0x2780  }
0x8f: {  	_ =	swait.ge [sflag:s14], $0x2780  }
0x90: {  	[sflag:s14] =	ssyncset.done $0x0  }
0x91: {  	[sflag:s14] =	ssyncadd.s32 $0xFFFFD880  }
0x92: {  	_ =	sfence.sel $0x180000  }
0x93: {  	[bflag:$0x0] =	sbarrier.arrive $0xFFFF  }
0x94: {  	p0 =	sne.s32 s2, $0x0;
	_ =	strace $0x90000050  }
0x95: {  	s0 =	sadd.s32 @!p0 $0x100000, s0;
	[bflag:$0x2] =	sbarrier.arrive $0xFFFF  }
0x96: {  	[sflag:s0] =	ssyncadd.tile.s32 @!p0 $0x1;
	_ =	shalt  }
.Lfunc_end2:
_tile_overlayer_lowered:
.L_overlay_start_2:
0x97: {  	(tag) =	ssettag $0x2  }
0x98: {  	s0 =	rddreg [dreg:$0x0];
	s2 =	stileid.u32  }
0x99: {  	s1 =	rddreg [dreg:$0x1];
	p0 =	sne.s32 s2, $0x0  }
0x9a: {  	s3 =	rddreg [dreg:$0x2];
	[bflag:$0x3] =	sbarrier.arrive $0xFFFF;
	s2 =	simm.s32 @!p0 $0x1C05  }
0x9b: {  	[timem:s3], [sflag:s2] =	dma.local @!p0 [hbm:s0], s1  }
0x9c: {  	s0 =	simm.s32 @!p0 $0x5  }
0x9d: {  	_ =	swait.ge @!p0 [sflag:s0], s1  }
0x9e: {  	s1 =	ssub.s32 @!p0 $0x0, s1;
	[sflag:s0] =	ssyncset.done @!p0 $0x0  }
0x9f: {  	[sflag:s0] =	ssyncadd.s32 @!p0 s1  }
0xa0: {  	[bflag:$0x3] =	sbarrier.arrive $0xFFFF  }
0xa1: {  	_ =	shalt  }

</sc_bundles>
